<compile_context>
chip_gen: v7x
topology: tpu7x:2x2x1
jax: 0.10.2.dev20260603
libtpu: 0.0.44.dev20260713+nightly
codegen_flags: <defaults>
</compile_context>

<pallas_src>
import jax
import jax.numpy as jnp
from jax import lax
from jax.experimental import pallas as pl
from jax.experimental.pallas import tpu as pltpu
from jax.experimental.pallas import tpu_sc as plsc

N, C, H, W = 8, 128, 224, 224
P = H * W
TOTAL = N * P
NC, NS = 2, 16
NW = NC * NS
PER_TILE = TOTAL // NW
CHUNK = 64
NCHUNK = PER_TILE // CHUNK
PAIRS = NCHUNK // 2
SUBS = CHUNK // 16
L = 16


def _sc_body(table, xs_hbm, ys_hbm, out_hbm,
             xs_v, ys_v,
             ia0, ib0, ic0, id0, wa0, wb0, wc0, wd0, ba0, bb0, bc0, bd0,
             ia1, ib1, ic1, id1, wa1, wb1, wc1, wd1, ba1, bb1, bc1, bd1,
             ob,
             sa0, sb0, sc0, sd0, sa1, sb1, sc1, sd1, so):
    setA = (ia0, ib0, ic0, id0, wa0, wb0, wc0, wd0, ba0, bb0, bc0, bd0,
            sa0, sb0, sc0, sd0)
    setB = (ia1, ib1, ic1, id1, wa1, wb1, wc1, wd1, ba1, bb1, bc1, bd1,
            sa1, sb1, sc1, sd1)

    wid = lax.axis_index("s") * NC + lax.axis_index("c")
    base_g = wid * PER_TILE
    row_base = (wid // 4) * P

    pltpu.sync_copy(xs_hbm.at[pl.ds(base_g, PER_TILE)], xs_v)
    pltpu.sync_copy(ys_hbm.at[pl.ds(base_g, PER_TILE)], ys_v)

    def fire(chk, S):
        ia, ib, ic, id_, wa_v, wb_v, wc_v, wd_v, ba, bb, bc, bd, \
            sa, sb, sc, sd = S
        off = chk * CHUNK
        for s in range(SUBS):
            xv = xs_v[pl.ds(off + s * L, L)]
            yv = ys_v[pl.ds(off + s * L, L)]
            x = ((xv + 1.0) * W - 1.0) * 0.5
            y = ((yv + 1.0) * H - 1.0) * 0.5
            xi = x.astype(jnp.int32)
            yi = y.astype(jnp.int32)
            x0 = jnp.where(xi.astype(jnp.float32) > x, xi - 1, xi)
            y0 = jnp.where(yi.astype(jnp.float32) > y, yi - 1, yi)
            x0f = x0.astype(jnp.float32)
            y0f = y0.astype(jnp.float32)
            dx1 = (x0f + 1.0) - x
            dx0 = x - x0f
            dy1 = (y0f + 1.0) - y
            dy0 = y - y0f
            one = jnp.float32(1.0)
            zero = jnp.float32(0.0)
            vx0 = jnp.where(x0 >= 0, one, zero)
            vy0 = jnp.where(y0 >= 0, one, zero)
            vx1 = jnp.where(x0 < W - 1, one, zero)
            vy1 = jnp.where(y0 < H - 1, one, zero)
            x0c = jnp.maximum(x0, 0)
            y0c = jnp.maximum(y0, 0)
            x1c = jnp.minimum(x0 + 1, W - 1)
            y1c = jnp.minimum(y0 + 1, H - 1)
            r0 = row_base + y0c * W
            r1 = row_base + y1c * W
            ia[pl.ds(s * L, L)] = r0 + x0c
            ic[pl.ds(s * L, L)] = r0 + x1c
            ib[pl.ds(s * L, L)] = r1 + x0c
            id_[pl.ds(s * L, L)] = r1 + x1c
            wa_v[pl.ds(s * L, L)] = dx1 * dy1 * (vx0 * vy0)
            wb_v[pl.ds(s * L, L)] = dx1 * dy0 * (vx0 * vy1)
            wc_v[pl.ds(s * L, L)] = dx0 * dy1 * (vx1 * vy0)
            wd_v[pl.ds(s * L, L)] = dx0 * dy0 * (vx1 * vy1)
        pltpu.async_copy(table.at[ia], ba, sa)
        pltpu.async_copy(table.at[ib], bb, sb)
        pltpu.async_copy(table.at[ic], bc, sc)
        pltpu.async_copy(table.at[id_], bd, sd)

    def wait_gathers(S):
        ia, ib, ic, id_, _, _, _, _, ba, bb, bc, bd, sa, sb, sc, sd = S
        pltpu.make_async_copy(table.at[ia], ba, sa).wait()
        pltpu.make_async_copy(table.at[ib], bb, sb).wait()
        pltpu.make_async_copy(table.at[ic], bc, sc).wait()
        pltpu.make_async_copy(table.at[id_], bd, sd).wait()

    def combine(S, half):
        _, _, _, _, wa_v, wb_v, wc_v, wd_v, ba, bb, bc, bd, \
            _, _, _, _ = S

        @plsc.parallel_loop(0, CHUNK, unroll=2)
        def p_body(p):
            pv = jnp.full((L,), 0, jnp.int32) + p
            wav = plsc.load_gather(wa_v, [pv])
            wbv = plsc.load_gather(wb_v, [pv])
            wcv = plsc.load_gather(wc_v, [pv])
            wdv = plsc.load_gather(wd_v, [pv])
            q = p + (half * CHUNK)
            for c8 in range(C // L):
                sl = pl.ds(c8 * L, L)
                ob[q, sl] = ((ba[p, sl] * wav + bb[p, sl] * wbv)
                             + (bc[p, sl] * wcv + bd[p, sl] * wdv))

    def out_copy(k):
        return pltpu.make_async_copy(
            ob, out_hbm.at[pl.ds(base_g + k * (2 * CHUNK), 2 * CHUNK)], so)

    fire(0, setA)
    out_copy(0).start()

    def step(k, carry):
        c0 = 2 * k
        fire(c0 + 1, setB)
        wait_gathers(setA)
        out_copy(k).wait()
        combine(setA, 0)
        nxt = jnp.minimum(c0 + 2, NCHUNK - 2)
        fire(nxt, setA)
        wait_gathers(setB)
        combine(setB, 1)
        out_copy(k).start()
        return carry

    lax.fori_loop(0, PAIRS, step, 0)

    out_copy(0).wait()
    wait_gathers(setA)


def _scratch_set():
    return (
        [pltpu.VMEM((CHUNK,), jnp.int32) for _ in range(4)]
        + [pltpu.VMEM((CHUNK,), jnp.float32) for _ in range(4)]
        + [pltpu.VMEM((CHUNK, C), jnp.float32) for _ in range(4)]
    )


_sc_sample = pl.kernel(
    _sc_body,
    out_type=jax.ShapeDtypeStruct((TOTAL, C), jnp.float32),
    mesh=plsc.VectorSubcoreMesh(
        core_axis_name="c", subcore_axis_name="s",
        num_cores=NC, num_subcores=NS),
    compiler_params=pltpu.CompilerParams(needs_layout_passes=False),
    scratch_types=(
        [pltpu.VMEM((PER_TILE,), jnp.float32),
         pltpu.VMEM((PER_TILE,), jnp.float32)]
        + _scratch_set()
        + _scratch_set()
        + [pltpu.VMEM((2 * CHUNK, C), jnp.float32)]
        + [pltpu.SemaphoreType.DMA] * 9
    ),
)


@jax.jit
def kernel(img, points):
    n, c, h, w = img.shape
    table = img.transpose(0, 2, 3, 1).reshape(n * h * w, c)
    xs = points[..., 0].reshape(-1)
    ys = points[..., 1].reshape(-1)
    out_t = _sc_sample(table, xs, ys)
    return out_t.reshape(n, h, w, c).transpose(0, 3, 1, 2)

# --- scband reference (transcript-rebuilt; emitter-appended) ---
"""Pipeline reference for scband-bilinear-grid-sample-2147483648104 (READ-ONLY COPY).

The authoritative reference and input builder live on the scoring server;
editing this copy changes nothing except your own understanding.
"""

import jax, jax.numpy as jnp
import numpy as np


def setup_inputs(seed: int = 0) -> dict:
    key = jax.random.key(seed)
    k1, k2 = jax.random.split(key)
    img = jax.random.normal(k1, (8, 128, 224, 224), dtype=jnp.float32)
    # grid_sample coordinates live in [-1, 1]
    points = jax.random.uniform(k2, (8, 224, 224, 2), dtype=jnp.float32, minval=-1.0, maxval=1.0)
    return {"img": img, "points": points}


def reference(img, points):
    # Faithful port of mmcv-style bilinear_grid_sample (align_corners=False,
    # zero padding via explicit 1-px pad + clamp into the padded canvas).
    n, c, h, w = img.shape
    gn, gh, gw, _ = points.shape
    x = points[..., 0]
    y = points[..., 1]
    # unnormalize (align_corners=False)
    x = ((x + 1.0) * w - 1.0) / 2.0
    y = ((y + 1.0) * h - 1.0) / 2.0
    x = x.reshape(n, -1)
    y = y.reshape(n, -1)
    x0 = jnp.floor(x).astype(jnp.int32)
    y0 = jnp.floor(y).astype(jnp.int32)
    x1 = x0 + 1
    y1 = y0 + 1
    wa = ((x1 - x) * (y1 - y))[:, None, :]
    wb = ((x1 - x) * (y - y0))[:, None, :]
    wc = ((x - x0) * (y1 - y))[:, None, :]
    wd = ((x - x0) * (y - y0))[:, None, :]
    im_padded = jnp.pad(img, ((0, 0), (0, 0), (1, 1), (1, 1)))
    padded_h = h + 2
    padded_w = w + 2
    # shift into padded coords and clamp (out-of-range taps hit the zero border)
    x0c = jnp.clip(x0 + 1, 0, padded_w - 1)
    x1c = jnp.clip(x1 + 1, 0, padded_w - 1)
    y0c = jnp.clip(y0 + 1, 0, padded_h - 1)
    y1c = jnp.clip(y1 + 1, 0, padded_h - 1)
    im_flat = im_padded.reshape(n, c, padded_h * padded_w)

    def gather(ix, iy):
        idx = (ix + iy * padded_w)[:, None, :]
        idx = jnp.broadcast_to(idx, (n, c, idx.shape[-1]))
        return jnp.take_along_axis(im_flat, idx, axis=2)

    Ia = gather(x0c, y0c)
    Ib = gather(x0c, y1c)
    Ic = gather(x1c, y0c)
    Id = gather(x1c, y1c)
    out = Ia * wa + Ib * wb + Ic * wc + Id * wd
    return out.reshape(n, c, gh, gw)

if __name__ == "__main__":
    import jax
    _d = setup_inputs()
    print(jax.jit(kernel)(*tuple(_d.values())))

</pallas_src>

<mosaic_0001>
#map = affine_map<(d0, d1) -> (0, 0)>
#map1 = affine_map<(d0, d1) -> (0)>
module attributes {stable_mosaic.version = 14 : i64} {
  func.func @_sc_body(%arg0: i32, %arg1: i32, %arg2: memref<401408x128xf32, #tpu.memory_space<hbm>>, %arg3: memref<401408xf32, #tpu.memory_space<hbm>>, %arg4: memref<401408xf32, #tpu.memory_space<hbm>>, %arg5: memref<401408x128xf32, #tpu.memory_space<hbm>>, %arg6: memref<12544xf32, #tpu.memory_space<vmem>>, %arg7: memref<12544xf32, #tpu.memory_space<vmem>>, %arg8: memref<64xi32, #tpu.memory_space<vmem>>, %arg9: memref<64xi32, #tpu.memory_space<vmem>>, %arg10: memref<64xi32, #tpu.memory_space<vmem>>, %arg11: memref<64xi32, #tpu.memory_space<vmem>>, %arg12: memref<64xf32, #tpu.memory_space<vmem>>, %arg13: memref<64xf32, #tpu.memory_space<vmem>>, %arg14: memref<64xf32, #tpu.memory_space<vmem>>, %arg15: memref<64xf32, #tpu.memory_space<vmem>>, %arg16: memref<64x128xf32, #tpu.memory_space<vmem>>, %arg17: memref<64x128xf32, #tpu.memory_space<vmem>>, %arg18: memref<64x128xf32, #tpu.memory_space<vmem>>, %arg19: memref<64x128xf32, #tpu.memory_space<vmem>>, %arg20: memref<64xi32, #tpu.memory_space<vmem>>, %arg21: memref<64xi32, #tpu.memory_space<vmem>>, %arg22: memref<64xi32, #tpu.memory_space<vmem>>, %arg23: memref<64xi32, #tpu.memory_space<vmem>>, %arg24: memref<64xf32, #tpu.memory_space<vmem>>, %arg25: memref<64xf32, #tpu.memory_space<vmem>>, %arg26: memref<64xf32, #tpu.memory_space<vmem>>, %arg27: memref<64xf32, #tpu.memory_space<vmem>>, %arg28: memref<64x128xf32, #tpu.memory_space<vmem>>, %arg29: memref<64x128xf32, #tpu.memory_space<vmem>>, %arg30: memref<64x128xf32, #tpu.memory_space<vmem>>, %arg31: memref<64x128xf32, #tpu.memory_space<vmem>>, %arg32: memref<128x128xf32, #tpu.memory_space<vmem>>, %arg33: memref<!tpu.dma_semaphore, #tpu.memory_space<semaphore_mem>>, %arg34: memref<!tpu.dma_semaphore, #tpu.memory_space<semaphore_mem>>, %arg35: memref<!tpu.dma_semaphore, #tpu.memory_space<semaphore_mem>>, %arg36: memref<!tpu.dma_semaphore, #tpu.memory_space<semaphore_mem>>, %arg37: memref<!tpu.dma_semaphore, #tpu.memory_space<semaphore_mem>>, %arg38: memref<!tpu.dma_semaphore, #tpu.memory_space<semaphore_mem>>, %arg39: memref<!tpu.dma_semaphore, #tpu.memory_space<semaphore_mem>>, %arg40: memref<!tpu.dma_semaphore, #tpu.memory_space<semaphore_mem>>, %arg41: memref<!tpu.dma_semaphore, #tpu.memory_space<semaphore_mem>>) attributes {dimension_semantics = [#tpu.dimension_semantics<core_parallel>, #tpu.dimension_semantics<subcore_parallel>], iteration_bounds = array<i64: 2, 16>, scalar_prefetch = 0 : i64, scratch_operands = 36 : i64, tpu.core_type = #tpu.core_type<sc_vector_subcore>, window_params = [{transform_indices = #map}, {transform_indices = #map1}, {transform_indices = #map1}, {transform_indices = #map}]} {
    %mul3A = arith.constant 2 : i32
    %mul3A_0 = arith.muli %arg1, %mul3A : i32
    %add3A = arith.addi %mul3A_0, %arg0 : i32
    %mul3A_1 = arith.constant 12544 : i32
    %mul3A_2 = arith.muli %add3A, %mul3A_1 : i32
    %jit3A = arith.constant 4 : i32
    %div3A = arith.divsi %add3A, %jit3A : i32
    %sign3A = arith.constant 0 : i32
    %sign3A_3 = arith.cmpi sgt, %add3A, %sign3A : i32
    %sign3A_4 = arith.extui %sign3A_3 : i1 to i32
    %sign3A_5 = arith.constant 0 : i32
    %sign3A_6 = arith.cmpi slt, %add3A, %sign3A_5 : i32
    %sign3A_7 = arith.extui %sign3A_6 : i1 to i32
    %sign3A_8 = arith.subi %sign3A_4, %sign3A_7 : i32
    %sign3A_9 = arith.constant 0 : i32
    %sign3A_10 = arith.cmpi sgt, %jit3A, %sign3A_9 : i32
    %sign3A_11 = arith.extui %sign3A_10 : i1 to i32
    %sign3A_12 = arith.constant 0 : i32
    %sign3A_13 = arith.cmpi slt, %jit3A, %sign3A_12 : i32
    %sign3A_14 = arith.extui %sign3A_13 : i1 to i32
    %sign3A_15 = arith.subi %sign3A_11, %sign3A_14 : i32
    %ne3A = arith.cmpi ne, %sign3A_8, %sign3A_15 : i32
    %rem3A = arith.remsi %add3A, %jit3A : i32
    %ne3A_16 = arith.constant 0 : i32
    %ne3A_17 = arith.cmpi ne, %rem3A, %ne3A_16 : i32
    %and3A = arith.andi %ne3A, %ne3A_17 : i1
    %sub3A = arith.constant 1 : i32
    %sub3A_18 = arith.subi %div3A, %sub3A : i32
    %select_n3A = arith.select %and3A, %sub3A_18, %div3A : i32
    %mul3A_19 = arith.constant 50176 : i32
    %mul3A_20 = arith.muli %select_n3A, %mul3A_19 : i32
    "tpu.region"() ({
      %run_scoped3A = tpu.sem_alloc : memref<!tpu.dma_semaphore, #tpu.memory_space<semaphore_mem>>
      %dma_start3A_635 = tpu.memref_slice %arg3[%mul3A_2] : memref<401408xf32, #tpu.memory_space<hbm>> -> memref<12544xf32, #tpu.memory_space<hbm>>
      %dma_start3A_636 = tpu.memref_slice %arg3[%mul3A_2] : memref<401408xf32, #tpu.memory_space<hbm>> -> memref<12544xf32, #tpu.memory_space<hbm>>
      tpu.enqueue_dma source(%dma_start3A_636 : memref<12544xf32, #tpu.memory_space<hbm>>) target(%arg6 : memref<12544xf32, #tpu.memory_space<vmem>>) target_semaphore(%run_scoped3A : memref<!tpu.dma_semaphore, #tpu.memory_space<semaphore_mem>>)
      %dma_wait3A_637 = tpu.memref_slice %arg3[%mul3A_2] : memref<401408xf32, #tpu.memory_space<hbm>> -> memref<12544xf32, #tpu.memory_space<hbm>>
      %dma_wait3A_638 = tpu.memref_slice %arg3[%mul3A_2] : memref<401408xf32, #tpu.memory_space<hbm>> -> memref<12544xf32, #tpu.memory_space<hbm>>
      tpu.wait_dma2 semaphore(%run_scoped3A : memref<!tpu.dma_semaphore, #tpu.memory_space<semaphore_mem>>) src(%dma_wait3A_638 : memref<12544xf32, #tpu.memory_space<hbm>>) dst(%arg6 : memref<12544xf32, #tpu.memory_space<vmem>>)
      tpu.yield
    }) : () -> ()
    "tpu.region"() ({
      %run_scoped3A = tpu.sem_alloc : memref<!tpu.dma_semaphore, #tpu.memory_space<semaphore_mem>>
      %dma_start3A_635 = tpu.memref_slice %arg4[%mul3A_2] : memref<401408xf32, #tpu.memory_space<hbm>> -> memref<12544xf32, #tpu.memory_space<hbm>>
      %dma_start3A_636 = tpu.memref_slice %arg4[%mul3A_2] : memref<401408xf32, #tpu.memory_space<hbm>> -> memref<12544xf32, #tpu.memory_space<hbm>>
      tpu.enqueue_dma source(%dma_start3A_636 : memref<12544xf32, #tpu.memory_space<hbm>>) target(%arg7 : memref<12544xf32, #tpu.memory_space<vmem>>) target_semaphore(%run_scoped3A : memref<!tpu.dma_semaphore, #tpu.memory_space<semaphore_mem>>)
      %dma_wait3A_637 = tpu.memref_slice %arg4[%mul3A_2] : memref<401408xf32, #tpu.memory_space<hbm>> -> memref<12544xf32, #tpu.memory_space<hbm>>
      %dma_wait3A_638 = tpu.memref_slice %arg4[%mul3A_2] : memref<401408xf32, #tpu.memory_space<hbm>> -> memref<12544xf32, #tpu.memory_space<hbm>>
      tpu.wait_dma2 semaphore(%run_scoped3A : memref<!tpu.dma_semaphore, #tpu.memory_space<semaphore_mem>>) src(%dma_wait3A_638 : memref<12544xf32, #tpu.memory_space<hbm>>) dst(%arg7 : memref<12544xf32, #tpu.memory_space<vmem>>)
      tpu.yield
    }) : () -> ()
    %get3A = arith.constant 0 : index
    %get3A_21 = tpu.vector_load %arg6[%get3A] {strides = array<i32>} : memref<12544xf32, #tpu.memory_space<vmem>>, vector<16xf32>,
    %get3A_22 = arith.constant 0 : index
    %get3A_23 = tpu.vector_load %arg7[%get3A_22] {strides = array<i32>} : memref<12544xf32, #tpu.memory_space<vmem>>, vector<16xf32>,
    %add3A_24 = arith.constant 1.000000e+00 : f32
    %add3A_25 = vector.broadcast %add3A_24 : f32 to vector<16xf32>
    %add3A_26 = arith.addf %get3A_21, %add3A_25 : vector<16xf32>
    %mul3A_27 = arith.constant 2.240000e+02 : f32
    %mul3A_28 = vector.broadcast %mul3A_27 : f32 to vector<16xf32>
    %mul3A_29 = arith.mulf %add3A_26, %mul3A_28 : vector<16xf32>
    %sub3A_30 = arith.constant 1.000000e+00 : f32
    %sub3A_31 = vector.broadcast %sub3A_30 : f32 to vector<16xf32>
    %sub3A_32 = arith.subf %mul3A_29, %sub3A_31 : vector<16xf32>
    %mul3A_33 = arith.constant 5.000000e-01 : f32
    %mul3A_34 = vector.broadcast %mul3A_33 : f32 to vector<16xf32>
    %mul3A_35 = arith.mulf %sub3A_32, %mul3A_34 : vector<16xf32>
    %add3A_36 = arith.constant 1.000000e+00 : f32
    %add3A_37 = vector.broadcast %add3A_36 : f32 to vector<16xf32>
    %add3A_38 = arith.addf %get3A_23, %add3A_37 : vector<16xf32>
    %mul3A_39 = arith.constant 2.240000e+02 : f32
    %mul3A_40 = vector.broadcast %mul3A_39 : f32 to vector<16xf32>
    %mul3A_41 = arith.mulf %add3A_38, %mul3A_40 : vector<16xf32>
    %sub3A_42 = arith.constant 1.000000e+00 : f32
    %sub3A_43 = vector.broadcast %sub3A_42 : f32 to vector<16xf32>
    %sub3A_44 = arith.subf %mul3A_41, %sub3A_43 : vector<16xf32>
    %mul3A_45 = arith.constant 5.000000e-01 : f32
    %mul3A_46 = vector.broadcast %mul3A_45 : f32 to vector<16xf32>
    %mul3A_47 = arith.mulf %sub3A_44, %mul3A_46 : vector<16xf32>
    %convert_element_type3A = arith.fptosi %mul3A_35 : vector<16xf32> to vector<16xi32>
    %convert_element_type3A_48 = arith.fptosi %mul3A_47 : vector<16xf32> to vector<16xi32>
    %convert_element_type3A_49 = arith.sitofp %convert_element_type3A : vector<16xi32> to vector<16xf32>
    %gt3A = arith.cmpf ogt, %convert_element_type3A_49, %mul3A_35 : vector<16xf32>
    %sub3A_50 = arith.constant 1 : i32
    %sub3A_51 = vector.broadcast %sub3A_50 : i32 to vector<16xi32>
    %sub3A_52 = arith.subi %convert_element_type3A, %sub3A_51 : vector<16xi32>
    %select_n3A_53 = arith.select %gt3A, %sub3A_52, %convert_element_type3A : vector<16xi1>, vector<16xi32>
    %convert_element_type3A_54 = arith.sitofp %convert_element_type3A_48 : vector<16xi32> to vector<16xf32>
    %gt3A_55 = arith.cmpf ogt, %convert_element_type3A_54, %mul3A_47 : vector<16xf32>
    %sub3A_56 = arith.constant 1 : i32
    %sub3A_57 = vector.broadcast %sub3A_56 : i32 to vector<16xi32>
    %sub3A_58 = arith.subi %convert_element_type3A_48, %sub3A_57 : vector<16xi32>
    %select_n3A_59 = arith.select %gt3A_55, %sub3A_58, %convert_element_type3A_48 : vector<16xi1>, vector<16xi32>
    %convert_element_type3A_60 = arith.sitofp %select_n3A_53 : vector<16xi32> to vector<16xf32>
    %convert_element_type3A_61 = arith.sitofp %select_n3A_59 : vector<16xi32> to vector<16xf32>
    %add3A_62 = arith.constant 1.000000e+00 : f32
    %add3A_63 = vector.broadcast %add3A_62 : f32 to vector<16xf32>
    %add3A_64 = arith.addf %convert_element_type3A_60, %add3A_63 : vector<16xf32>
    %sub3A_65 = arith.subf %add3A_64, %mul3A_35 : vector<16xf32>
    %sub3A_66 = arith.subf %mul3A_35, %convert_element_type3A_60 : vector<16xf32>
    %add3A_67 = arith.constant 1.000000e+00 : f32
    %add3A_68 = vector.broadcast %add3A_67 : f32 to vector<16xf32>
    %add3A_69 = arith.addf %convert_element_type3A_61, %add3A_68 : vector<16xf32>
    %sub3A_70 = arith.subf %add3A_69, %mul3A_47 : vector<16xf32>
    %sub3A_71 = arith.subf %mul3A_47, %convert_element_type3A_61 : vector<16xf32>
    %ge3A = arith.constant 0 : i32
    %ge3A_72 = vector.broadcast %ge3A : i32 to vector<16xi32>
    %ge3A_73 = arith.cmpi sge, %select_n3A_53, %ge3A_72 : vector<16xi32>
    %jit3A_74 = arith.constant 1.000000e+00 : f32
    %jit3A_75 = arith.constant 0.000000e+00 : f32
    %broadcast_in_dim3A = vector.broadcast %jit3A_74 : f32 to vector<16xf32>
    %broadcast_in_dim3A_76 = vector.broadcast %jit3A_75 : f32 to vector<16xf32>
    %select_n3A_77 = arith.select %ge3A_73, %broadcast_in_dim3A, %broadcast_in_dim3A_76 : vector<16xi1>, vector<16xf32>
    %ge3A_78 = arith.constant 0 : i32
    %ge3A_79 = vector.broadcast %ge3A_78 : i32 to vector<16xi32>
    %ge3A_80 = arith.cmpi sge, %select_n3A_59, %ge3A_79 : vector<16xi32>
    %jit3A_81 = arith.constant 1.000000e+00 : f32
    %jit3A_82 = arith.constant 0.000000e+00 : f32
    %broadcast_in_dim3A_83 = vector.broadcast %jit3A_81 : f32 to vector<16xf32>
    %broadcast_in_dim3A_84 = vector.broadcast %jit3A_82 : f32 to vector<16xf32>
    %select_n3A_85 = arith.select %ge3A_80, %broadcast_in_dim3A_83, %broadcast_in_dim3A_84 : vector<16xi1>, vector<16xf32>
    %lt3A = arith.constant 223 : i32
    %lt3A_86 = vector.broadcast %lt3A : i32 to vector<16xi32>
    %lt3A_87 = arith.cmpi slt, %select_n3A_53, %lt3A_86 : vector<16xi32>
    %jit3A_88 = arith.constant 1.000000e+00 : f32
    %jit3A_89 = arith.constant 0.000000e+00 : f32
    %broadcast_in_dim3A_90 = vector.broadcast %jit3A_88 : f32 to vector<16xf32>
    %broadcast_in_dim3A_91 = vector.broadcast %jit3A_89 : f32 to vector<16xf32>
    %select_n3A_92 = arith.select %lt3A_87, %broadcast_in_dim3A_90, %broadcast_in_dim3A_91 : vector<16xi1>, vector<16xf32>
    %lt3A_93 = arith.constant 223 : i32
    %lt3A_94 = vector.broadcast %lt3A_93 : i32 to vector<16xi32>
    %lt3A_95 = arith.cmpi slt, %select_n3A_59, %lt3A_94 : vector<16xi32>
    %jit3A_96 = arith.constant 1.000000e+00 : f32
    %jit3A_97 = arith.constant 0.000000e+00 : f32
    %broadcast_in_dim3A_98 = vector.broadcast %jit3A_96 : f32 to vector<16xf32>
    %broadcast_in_dim3A_99 = vector.broadcast %jit3A_97 : f32 to vector<16xf32>
    %select_n3A_100 = arith.select %lt3A_95, %broadcast_in_dim3A_98, %broadcast_in_dim3A_99 : vector<16xi1>, vector<16xf32>
    %max3A = arith.constant 0 : i32
    %max3A_101 = vector.broadcast %max3A : i32 to vector<16xi32>
    %max3A_102 = arith.maxsi %select_n3A_53, %max3A_101 : vector<16xi32>
    %max3A_103 = arith.constant 0 : i32
    %max3A_104 = vector.broadcast %max3A_103 : i32 to vector<16xi32>
    %max3A_105 = arith.maxsi %select_n3A_59, %max3A_104 : vector<16xi32>
    %add3A_106 = arith.constant 1 : i32
    %add3A_107 = vector.broadcast %add3A_106 : i32 to vector<16xi32>
    %add3A_108 = arith.addi %select_n3A_53, %add3A_107 : vector<16xi32>
    %min3A = arith.constant 223 : i32
    %min3A_109 = vector.broadcast %min3A : i32 to vector<16xi32>
    %min3A_110 = arith.minsi %add3A_108, %min3A_109 : vector<16xi32>
    %add3A_111 = arith.constant 1 : i32
    %add3A_112 = vector.broadcast %add3A_111 : i32 to vector<16xi32>
    %add3A_113 = arith.addi %select_n3A_59, %add3A_112 : vector<16xi32>
    %min3A_114 = arith.constant 223 : i32
    %min3A_115 = vector.broadcast %min3A_114 : i32 to vector<16xi32>
    %min3A_116 = arith.minsi %add3A_113, %min3A_115 : vector<16xi32>
    %mul3A_117 = arith.constant 224 : i32
    %mul3A_118 = vector.broadcast %mul3A_117 : i32 to vector<16xi32>
    %mul3A_119 = arith.muli %max3A_105, %mul3A_118 : vector<16xi32>
    %add3A_120 = vector.broadcast %mul3A_20 : i32 to vector<16xi32>
    %add3A_121 = arith.addi %add3A_120, %mul3A_119 : vector<16xi32>
    %mul3A_122 = arith.constant 224 : i32
    %mul3A_123 = vector.broadcast %mul3A_122 : i32 to vector<16xi32>
    %mul3A_124 = arith.muli %min3A_116, %mul3A_123 : vector<16xi32>
    %add3A_125 = vector.broadcast %mul3A_20 : i32 to vector<16xi32>
    %add3A_126 = arith.addi %add3A_125, %mul3A_124 : vector<16xi32>
    %add3A_127 = arith.addi %add3A_121, %max3A_102 : vector<16xi32>
    %swap3A = arith.constant 0 : index
    %swap3A_128 = tpu.vector_load %arg8[%swap3A] {strides = array<i32>} : memref<64xi32, #tpu.memory_space<vmem>>, vector<16xi32>,
    tpu.vector_store %arg8[%swap3A], %add3A_127 {strides = array<i32>} : memref<64xi32, #tpu.memory_space<vmem>>, vector<16xi32>,
    %add3A_129 = arith.addi %add3A_121, %min3A_110 : vector<16xi32>
    %swap3A_130 = arith.constant 0 : index
    %swap3A_131 = tpu.vector_load %arg10[%swap3A_130] {strides = array<i32>} : memref<64xi32, #tpu.memory_space<vmem>>, vector<16xi32>,
    tpu.vector_store %arg10[%swap3A_130], %add3A_129 {strides = array<i32>} : memref<64xi32, #tpu.memory_space<vmem>>, vector<16xi32>,
    %add3A_132 = arith.addi %add3A_126, %max3A_102 : vector<16xi32>
    %swap3A_133 = arith.constant 0 : index
    %swap3A_134 = tpu.vector_load %arg9[%swap3A_133] {strides = array<i32>} : memref<64xi32, #tpu.memory_space<vmem>>, vector<16xi32>,
    tpu.vector_store %arg9[%swap3A_133], %add3A_132 {strides = array<i32>} : memref<64xi32, #tpu.memory_space<vmem>>, vector<16xi32>,
    %add3A_135 = arith.addi %add3A_126, %min3A_110 : vector<16xi32>
    %swap3A_136 = arith.constant 0 : index
    %swap3A_137 = tpu.vector_load %arg11[%swap3A_136] {strides = array<i32>} : memref<64xi32, #tpu.memory_space<vmem>>, vector<16xi32>,
    tpu.vector_store %arg11[%swap3A_136], %add3A_135 {strides = array<i32>} : memref<64xi32, #tpu.memory_space<vmem>>, vector<16xi32>,
    %mul3A_138 = arith.mulf %sub3A_65, %sub3A_70 : vector<16xf32>
    %mul3A_139 = arith.mulf %select_n3A_77, %select_n3A_85 : vector<16xf32>
    %mul3A_140 = arith.mulf %mul3A_138, %mul3A_139 : vector<16xf32>
    %swap3A_141 = arith.constant 0 : index
    %swap3A_142 = tpu.vector_load %arg12[%swap3A_141] {strides = array<i32>} : memref<64xf32, #tpu.memory_space<vmem>>, vector<16xf32>,
    tpu.vector_store %arg12[%swap3A_141], %mul3A_140 {strides = array<i32>} : memref<64xf32, #tpu.memory_space<vmem>>, vector<16xf32>,
    %mul3A_143 = arith.mulf %sub3A_65, %sub3A_71 : vector<16xf32>
    %mul3A_144 = arith.mulf %select_n3A_77, %select_n3A_100 : vector<16xf32>
    %mul3A_145 = arith.mulf %mul3A_143, %mul3A_144 : vector<16xf32>
    %swap3A_146 = arith.constant 0 : index
    %swap3A_147 = tpu.vector_load %arg13[%swap3A_146] {strides = array<i32>} : memref<64xf32, #tpu.memory_space<vmem>>, vector<16xf32>,
    tpu.vector_store %arg13[%swap3A_146], %mul3A_145 {strides = array<i32>} : memref<64xf32, #tpu.memory_space<vmem>>, vector<16xf32>,
    %mul3A_148 = arith.mulf %sub3A_66, %sub3A_70 : vector<16xf32>
    %mul3A_149 = arith.mulf %select_n3A_92, %select_n3A_85 : vector<16xf32>
    %mul3A_150 = arith.mulf %mul3A_148, %mul3A_149 : vector<16xf32>
    %swap3A_151 = arith.constant 0 : index
    %swap3A_152 = tpu.vector_load %arg14[%swap3A_151] {strides = array<i32>} : memref<64xf32, #tpu.memory_space<vmem>>, vector<16xf32>,
    tpu.vector_store %arg14[%swap3A_151], %mul3A_150 {strides = array<i32>} : memref<64xf32, #tpu.memory_space<vmem>>, vector<16xf32>,
    %mul3A_153 = arith.mulf %sub3A_66, %sub3A_71 : vector<16xf32>
    %mul3A_154 = arith.mulf %select_n3A_92, %select_n3A_100 : vector<16xf32>
    %mul3A_155 = arith.mulf %mul3A_153, %mul3A_154 : vector<16xf32>
    %swap3A_156 = arith.constant 0 : index
    %swap3A_157 = tpu.vector_load %arg15[%swap3A_156] {strides = array<i32>} : memref<64xf32, #tpu.memory_space<vmem>>, vector<16xf32>,
    tpu.vector_store %arg15[%swap3A_156], %mul3A_155 {strides = array<i32>} : memref<64xf32, #tpu.memory_space<vmem>>, vector<16xf32>,
    %get3A_158 = arith.constant 16 : index
    %get3A_159 = tpu.vector_load %arg6[%get3A_158] {strides = array<i32>} : memref<12544xf32, #tpu.memory_space<vmem>>, vector<16xf32>,
    %get3A_160 = arith.constant 16 : index
    %get3A_161 = tpu.vector_load %arg7[%get3A_160] {strides = array<i32>} : memref<12544xf32, #tpu.memory_space<vmem>>, vector<16xf32>,
    %add3A_162 = arith.constant 1.000000e+00 : f32
    %add3A_163 = vector.broadcast %add3A_162 : f32 to vector<16xf32>
    %add3A_164 = arith.addf %get3A_159, %add3A_163 : vector<16xf32>
    %mul3A_165 = arith.constant 2.240000e+02 : f32
    %mul3A_166 = vector.broadcast %mul3A_165 : f32 to vector<16xf32>
    %mul3A_167 = arith.mulf %add3A_164, %mul3A_166 : vector<16xf32>
    %sub3A_168 = arith.constant 1.000000e+00 : f32
    %sub3A_169 = vector.broadcast %sub3A_168 : f32 to vector<16xf32>
    %sub3A_170 = arith.subf %mul3A_167, %sub3A_169 : vector<16xf32>
    %mul3A_171 = arith.constant 5.000000e-01 : f32
    %mul3A_172 = vector.broadcast %mul3A_171 : f32 to vector<16xf32>
    %mul3A_173 = arith.mulf %sub3A_170, %mul3A_172 : vector<16xf32>
    %add3A_174 = arith.constant 1.000000e+00 : f32
    %add3A_175 = vector.broadcast %add3A_174 : f32 to vector<16xf32>
    %add3A_176 = arith.addf %get3A_161, %add3A_175 : vector<16xf32>
    %mul3A_177 = arith.constant 2.240000e+02 : f32
    %mul3A_178 = vector.broadcast %mul3A_177 : f32 to vector<16xf32>
    %mul3A_179 = arith.mulf %add3A_176, %mul3A_178 : vector<16xf32>
    %sub3A_180 = arith.constant 1.000000e+00 : f32
    %sub3A_181 = vector.broadcast %sub3A_180 : f32 to vector<16xf32>
    %sub3A_182 = arith.subf %mul3A_179, %sub3A_181 : vector<16xf32>
    %mul3A_183 = arith.constant 5.000000e-01 : f32
    %mul3A_184 = vector.broadcast %mul3A_183 : f32 to vector<16xf32>
    %mul3A_185 = arith.mulf %sub3A_182, %mul3A_184 : vector<16xf32>
    %convert_element_type3A_186 = arith.fptosi %mul3A_173 : vector<16xf32> to vector<16xi32>
    %convert_element_type3A_187 = arith.fptosi %mul3A_185 : vector<16xf32> to vector<16xi32>
    %convert_element_type3A_188 = arith.sitofp %convert_element_type3A_186 : vector<16xi32> to vector<16xf32>
    %gt3A_189 = arith.cmpf ogt, %convert_element_type3A_188, %mul3A_173 : vector<16xf32>
    %sub3A_190 = arith.constant 1 : i32
    %sub3A_191 = vector.broadcast %sub3A_190 : i32 to vector<16xi32>
    %sub3A_192 = arith.subi %convert_element_type3A_186, %sub3A_191 : vector<16xi32>
    %select_n3A_193 = arith.select %gt3A_189, %sub3A_192, %convert_element_type3A_186 : vector<16xi1>, vector<16xi32>
    %convert_element_type3A_194 = arith.sitofp %convert_element_type3A_187 : vector<16xi32> to vector<16xf32>
    %gt3A_195 = arith.cmpf ogt, %convert_element_type3A_194, %mul3A_185 : vector<16xf32>
    %sub3A_196 = arith.constant 1 : i32
    %sub3A_197 = vector.broadcast %sub3A_196 : i32 to vector<16xi32>
    %sub3A_198 = arith.subi %convert_element_type3A_187, %sub3A_197 : vector<16xi32>
    %select_n3A_199 = arith.select %gt3A_195, %sub3A_198, %convert_element_type3A_187 : vector<16xi1>, vector<16xi32>
    %convert_element_type3A_200 = arith.sitofp %select_n3A_193 : vector<16xi32> to vector<16xf32>
    %convert_element_type3A_201 = arith.sitofp %select_n3A_199 : vector<16xi32> to vector<16xf32>
    %add3A_202 = arith.constant 1.000000e+00 : f32
    %add3A_203 = vector.broadcast %add3A_202 : f32 to vector<16xf32>
    %add3A_204 = arith.addf %convert_element_type3A_200, %add3A_203 : vector<16xf32>
    %sub3A_205 = arith.subf %add3A_204, %mul3A_173 : vector<16xf32>
    %sub3A_206 = arith.subf %mul3A_173, %convert_element_type3A_200 : vector<16xf32>
    %add3A_207 = arith.constant 1.000000e+00 : f32
    %add3A_208 = vector.broadcast %add3A_207 : f32 to vector<16xf32>
    %add3A_209 = arith.addf %convert_element_type3A_201, %add3A_208 : vector<16xf32>
    %sub3A_210 = arith.subf %add3A_209, %mul3A_185 : vector<16xf32>
    %sub3A_211 = arith.subf %mul3A_185, %convert_element_type3A_201 : vector<16xf32>
    %ge3A_212 = arith.constant 0 : i32
    %ge3A_213 = vector.broadcast %ge3A_212 : i32 to vector<16xi32>
    %ge3A_214 = arith.cmpi sge, %select_n3A_193, %ge3A_213 : vector<16xi32>
    %jit3A_215 = arith.constant 1.000000e+00 : f32
    %jit3A_216 = arith.constant 0.000000e+00 : f32
    %broadcast_in_dim3A_217 = vector.broadcast %jit3A_215 : f32 to vector<16xf32>
    %broadcast_in_dim3A_218 = vector.broadcast %jit3A_216 : f32 to vector<16xf32>
    %select_n3A_219 = arith.select %ge3A_214, %broadcast_in_dim3A_217, %broadcast_in_dim3A_218 : vector<16xi1>, vector<16xf32>
    %ge3A_220 = arith.constant 0 : i32
    %ge3A_221 = vector.broadcast %ge3A_220 : i32 to vector<16xi32>
    %ge3A_222 = arith.cmpi sge, %select_n3A_199, %ge3A_221 : vector<16xi32>
    %jit3A_223 = arith.constant 1.000000e+00 : f32
    %jit3A_224 = arith.constant 0.000000e+00 : f32
    %broadcast_in_dim3A_225 = vector.broadcast %jit3A_223 : f32 to vector<16xf32>
    %broadcast_in_dim3A_226 = vector.broadcast %jit3A_224 : f32 to vector<16xf32>
    %select_n3A_227 = arith.select %ge3A_222, %broadcast_in_dim3A_225, %broadcast_in_dim3A_226 : vector<16xi1>, vector<16xf32>
    %lt3A_228 = arith.constant 223 : i32
    %lt3A_229 = vector.broadcast %lt3A_228 : i32 to vector<16xi32>
    %lt3A_230 = arith.cmpi slt, %select_n3A_193, %lt3A_229 : vector<16xi32>
    %jit3A_231 = arith.constant 1.000000e+00 : f32
    %jit3A_232 = arith.constant 0.000000e+00 : f32
    %broadcast_in_dim3A_233 = vector.broadcast %jit3A_231 : f32 to vector<16xf32>
    %broadcast_in_dim3A_234 = vector.broadcast %jit3A_232 : f32 to vector<16xf32>
    %select_n3A_235 = arith.select %lt3A_230, %broadcast_in_dim3A_233, %broadcast_in_dim3A_234 : vector<16xi1>, vector<16xf32>
    %lt3A_236 = arith.constant 223 : i32
    %lt3A_237 = vector.broadcast %lt3A_236 : i32 to vector<16xi32>
    %lt3A_238 = arith.cmpi slt, %select_n3A_199, %lt3A_237 : vector<16xi32>
    %jit3A_239 = arith.constant 1.000000e+00 : f32
    %jit3A_240 = arith.constant 0.000000e+00 : f32
    %broadcast_in_dim3A_241 = vector.broadcast %jit3A_239 : f32 to vector<16xf32>
    %broadcast_in_dim3A_242 = vector.broadcast %jit3A_240 : f32 to vector<16xf32>
    %select_n3A_243 = arith.select %lt3A_238, %broadcast_in_dim3A_241, %broadcast_in_dim3A_242 : vector<16xi1>, vector<16xf32>
    %max3A_244 = arith.constant 0 : i32
    %max3A_245 = vector.broadcast %max3A_244 : i32 to vector<16xi32>
    %max3A_246 = arith.maxsi %select_n3A_193, %max3A_245 : vector<16xi32>
    %max3A_247 = arith.constant 0 : i32
    %max3A_248 = vector.broadcast %max3A_247 : i32 to vector<16xi32>
    %max3A_249 = arith.maxsi %select_n3A_199, %max3A_248 : vector<16xi32>
    %add3A_250 = arith.constant 1 : i32
    %add3A_251 = vector.broadcast %add3A_250 : i32 to vector<16xi32>
    %add3A_252 = arith.addi %select_n3A_193, %add3A_251 : vector<16xi32>
    %min3A_253 = arith.constant 223 : i32
    %min3A_254 = vector.broadcast %min3A_253 : i32 to vector<16xi32>
    %min3A_255 = arith.minsi %add3A_252, %min3A_254 : vector<16xi32>
    %add3A_256 = arith.constant 1 : i32
    %add3A_257 = vector.broadcast %add3A_256 : i32 to vector<16xi32>
    %add3A_258 = arith.addi %select_n3A_199, %add3A_257 : vector<16xi32>
    %min3A_259 = arith.constant 223 : i32
    %min3A_260 = vector.broadcast %min3A_259 : i32 to vector<16xi32>
    %min3A_261 = arith.minsi %add3A_258, %min3A_260 : vector<16xi32>
    %mul3A_262 = arith.constant 224 : i32
    %mul3A_263 = vector.broadcast %mul3A_262 : i32 to vector<16xi32>
    %mul3A_264 = arith.muli %max3A_249, %mul3A_263 : vector<16xi32>
    %add3A_265 = vector.broadcast %mul3A_20 : i32 to vector<16xi32>
    %add3A_266 = arith.addi %add3A_265, %mul3A_264 : vector<16xi32>
    %mul3A_267 = arith.constant 224 : i32
    %mul3A_268 = vector.broadcast %mul3A_267 : i32 to vector<16xi32>
    %mul3A_269 = arith.muli %min3A_261, %mul3A_268 : vector<16xi32>
    %add3A_270 = vector.broadcast %mul3A_20 : i32 to vector<16xi32>
    %add3A_271 = arith.addi %add3A_270, %mul3A_269 : vector<16xi32>
    %add3A_272 = arith.addi %add3A_266, %max3A_246 : vector<16xi32>
    %swap3A_273 = arith.constant 16 : index
    %swap3A_274 = tpu.vector_load %arg8[%swap3A_273] {strides = array<i32>} : memref<64xi32, #tpu.memory_space<vmem>>, vector<16xi32>,
    tpu.vector_store %arg8[%swap3A_273], %add3A_272 {strides = array<i32>} : memref<64xi32, #tpu.memory_space<vmem>>, vector<16xi32>,
    %add3A_275 = arith.addi %add3A_266, %min3A_255 : vector<16xi32>
    %swap3A_276 = arith.constant 16 : index
    %swap3A_277 = tpu.vector_load %arg10[%swap3A_276] {strides = array<i32>} : memref<64xi32, #tpu.memory_space<vmem>>, vector<16xi32>,
    tpu.vector_store %arg10[%swap3A_276], %add3A_275 {strides = array<i32>} : memref<64xi32, #tpu.memory_space<vmem>>, vector<16xi32>,
    %add3A_278 = arith.addi %add3A_271, %max3A_246 : vector<16xi32>
    %swap3A_279 = arith.constant 16 : index
    %swap3A_280 = tpu.vector_load %arg9[%swap3A_279] {strides = array<i32>} : memref<64xi32, #tpu.memory_space<vmem>>, vector<16xi32>,
    tpu.vector_store %arg9[%swap3A_279], %add3A_278 {strides = array<i32>} : memref<64xi32, #tpu.memory_space<vmem>>, vector<16xi32>,
    %add3A_281 = arith.addi %add3A_271, %min3A_255 : vector<16xi32>
    %swap3A_282 = arith.constant 16 : index
    %swap3A_283 = tpu.vector_load %arg11[%swap3A_282] {strides = array<i32>} : memref<64xi32, #tpu.memory_space<vmem>>, vector<16xi32>,
    tpu.vector_store %arg11[%swap3A_282], %add3A_281 {strides = array<i32>} : memref<64xi32, #tpu.memory_space<vmem>>, vector<16xi32>,
    %mul3A_284 = arith.mulf %sub3A_205, %sub3A_210 : vector<16xf32>
    %mul3A_285 = arith.mulf %select_n3A_219, %select_n3A_227 : vector<16xf32>
    %mul3A_286 = arith.mulf %mul3A_284, %mul3A_285 : vector<16xf32>
    %swap3A_287 = arith.constant 16 : index
    %swap3A_288 = tpu.vector_load %arg12[%swap3A_287] {strides = array<i32>} : memref<64xf32, #tpu.memory_space<vmem>>, vector<16xf32>,
    tpu.vector_store %arg12[%swap3A_287], %mul3A_286 {strides = array<i32>} : memref<64xf32, #tpu.memory_space<vmem>>, vector<16xf32>,
    %mul3A_289 = arith.mulf %sub3A_205, %sub3A_211 : vector<16xf32>
    %mul3A_290 = arith.mulf %select_n3A_219, %select_n3A_243 : vector<16xf32>
    %mul3A_291 = arith.mulf %mul3A_289, %mul3A_290 : vector<16xf32>
    %swap3A_292 = arith.constant 16 : index
    %swap3A_293 = tpu.vector_load %arg13[%swap3A_292] {strides = array<i32>} : memref<64xf32, #tpu.memory_space<vmem>>, vector<16xf32>,
    tpu.vector_store %arg13[%swap3A_292], %mul3A_291 {strides = array<i32>} : memref<64xf32, #tpu.memory_space<vmem>>, vector<16xf32>,
    %mul3A_294 = arith.mulf %sub3A_206, %sub3A_210 : vector<16xf32>
    %mul3A_295 = arith.mulf %select_n3A_235, %select_n3A_227 : vector<16xf32>
    %mul3A_296 = arith.mulf %mul3A_294, %mul3A_295 : vector<16xf32>
    %swap3A_297 = arith.constant 16 : index
    %swap3A_298 = tpu.vector_load %arg14[%swap3A_297] {strides = array<i32>} : memref<64xf32, #tpu.memory_space<vmem>>, vector<16xf32>,
    tpu.vector_store %arg14[%swap3A_297], %mul3A_296 {strides = array<i32>} : memref<64xf32, #tpu.memory_space<vmem>>, vector<16xf32>,
    %mul3A_299 = arith.mulf %sub3A_206, %sub3A_211 : vector<16xf32>
    %mul3A_300 = arith.mulf %select_n3A_235, %select_n3A_243 : vector<16xf32>
    %mul3A_301 = arith.mulf %mul3A_299, %mul3A_300 : vector<16xf32>
    %swap3A_302 = arith.constant 16 : index
    %swap3A_303 = tpu.vector_load %arg15[%swap3A_302] {strides = array<i32>} : memref<64xf32, #tpu.memory_space<vmem>>, vector<16xf32>,
    tpu.vector_store %arg15[%swap3A_302], %mul3A_301 {strides = array<i32>} : memref<64xf32, #tpu.memory_space<vmem>>, vector<16xf32>,
    %get3A_304 = arith.constant 32 : index
    %get3A_305 = tpu.vector_load %arg6[%get3A_304] {strides = array<i32>} : memref<12544xf32, #tpu.memory_space<vmem>>, vector<16xf32>,
    %get3A_306 = arith.constant 32 : index
    %get3A_307 = tpu.vector_load %arg7[%get3A_306] {strides = array<i32>} : memref<12544xf32, #tpu.memory_space<vmem>>, vector<16xf32>,
    %add3A_308 = arith.constant 1.000000e+00 : f32
    %add3A_309 = vector.broadcast %add3A_308 : f32 to vector<16xf32>
    %add3A_310 = arith.addf %get3A_305, %add3A_309 : vector<16xf32>
    %mul3A_311 = arith.constant 2.240000e+02 : f32
    %mul3A_312 = vector.broadcast %mul3A_311 : f32 to vector<16xf32>
    %mul3A_313 = arith.mulf %add3A_310, %mul3A_312 : vector<16xf32>
    %sub3A_314 = arith.constant 1.000000e+00 : f32
    %sub3A_315 = vector.broadcast %sub3A_314 : f32 to vector<16xf32>
    %sub3A_316 = arith.subf %mul3A_313, %sub3A_315 : vector<16xf32>
    %mul3A_317 = arith.constant 5.000000e-01 : f32
    %mul3A_318 = vector.broadcast %mul3A_317 : f32 to vector<16xf32>
    %mul3A_319 = arith.mulf %sub3A_316, %mul3A_318 : vector<16xf32>
    %add3A_320 = arith.constant 1.000000e+00 : f32
    %add3A_321 = vector.broadcast %add3A_320 : f32 to vector<16xf32>
    %add3A_322 = arith.addf %get3A_307, %add3A_321 : vector<16xf32>
    %mul3A_323 = arith.constant 2.240000e+02 : f32
    %mul3A_324 = vector.broadcast %mul3A_323 : f32 to vector<16xf32>
    %mul3A_325 = arith.mulf %add3A_322, %mul3A_324 : vector<16xf32>
    %sub3A_326 = arith.constant 1.000000e+00 : f32
    %sub3A_327 = vector.broadcast %sub3A_326 : f32 to vector<16xf32>
    %sub3A_328 = arith.subf %mul3A_325, %sub3A_327 : vector<16xf32>
    %mul3A_329 = arith.constant 5.000000e-01 : f32
    %mul3A_330 = vector.broadcast %mul3A_329 : f32 to vector<16xf32>
    %mul3A_331 = arith.mulf %sub3A_328, %mul3A_330 : vector<16xf32>
    %convert_element_type3A_332 = arith.fptosi %mul3A_319 : vector<16xf32> to vector<16xi32>
    %convert_element_type3A_333 = arith.fptosi %mul3A_331 : vector<16xf32> to vector<16xi32>
    %convert_element_type3A_334 = arith.sitofp %convert_element_type3A_332 : vector<16xi32> to vector<16xf32>
    %gt3A_335 = arith.cmpf ogt, %convert_element_type3A_334, %mul3A_319 : vector<16xf32>
    %sub3A_336 = arith.constant 1 : i32
    %sub3A_337 = vector.broadcast %sub3A_336 : i32 to vector<16xi32>
    %sub3A_338 = arith.subi %convert_element_type3A_332, %sub3A_337 : vector<16xi32>
    %select_n3A_339 = arith.select %gt3A_335, %sub3A_338, %convert_element_type3A_332 : vector<16xi1>, vector<16xi32>
    %convert_element_type3A_340 = arith.sitofp %convert_element_type3A_333 : vector<16xi32> to vector<16xf32>
    %gt3A_341 = arith.cmpf ogt, %convert_element_type3A_340, %mul3A_331 : vector<16xf32>
    %sub3A_342 = arith.constant 1 : i32
    %sub3A_343 = vector.broadcast %sub3A_342 : i32 to vector<16xi32>
    %sub3A_344 = arith.subi %convert_element_type3A_333, %sub3A_343 : vector<16xi32>
    %select_n3A_345 = arith.select %gt3A_341, %sub3A_344, %convert_element_type3A_333 : vector<16xi1>, vector<16xi32>
    %convert_element_type3A_346 = arith.sitofp %select_n3A_339 : vector<16xi32> to vector<16xf32>
    %convert_element_type3A_347 = arith.sitofp %select_n3A_345 : vector<16xi32> to vector<16xf32>
    %add3A_348 = arith.constant 1.000000e+00 : f32
    %add3A_349 = vector.broadcast %add3A_348 : f32 to vector<16xf32>
    %add3A_350 = arith.addf %convert_element_type3A_346, %add3A_349 : vector<16xf32>
    %sub3A_351 = arith.subf %add3A_350, %mul3A_319 : vector<16xf32>
    %sub3A_352 = arith.subf %mul3A_319, %convert_element_type3A_346 : vector<16xf32>
    %add3A_353 = arith.constant 1.000000e+00 : f32
    %add3A_354 = vector.broadcast %add3A_353 : f32 to vector<16xf32>
    %add3A_355 = arith.addf %convert_element_type3A_347, %add3A_354 : vector<16xf32>
    %sub3A_356 = arith.subf %add3A_355, %mul3A_331 : vector<16xf32>
    %sub3A_357 = arith.subf %mul3A_331, %convert_element_type3A_347 : vector<16xf32>
    %ge3A_358 = arith.constant 0 : i32
    %ge3A_359 = vector.broadcast %ge3A_358 : i32 to vector<16xi32>
    %ge3A_360 = arith.cmpi sge, %select_n3A_339, %ge3A_359 : vector<16xi32>
    %jit3A_361 = arith.constant 1.000000e+00 : f32
    %jit3A_362 = arith.constant 0.000000e+00 : f32
    %broadcast_in_dim3A_363 = vector.broadcast %jit3A_361 : f32 to vector<16xf32>
    %broadcast_in_dim3A_364 = vector.broadcast %jit3A_362 : f32 to vector<16xf32>
    %select_n3A_365 = arith.select %ge3A_360, %broadcast_in_dim3A_363, %broadcast_in_dim3A_364 : vector<16xi1>, vector<16xf32>
    %ge3A_366 = arith.constant 0 : i32
    %ge3A_367 = vector.broadcast %ge3A_366 : i32 to vector<16xi32>
    %ge3A_368 = arith.cmpi sge, %select_n3A_345, %ge3A_367 : vector<16xi32>
    %jit3A_369 = arith.constant 1.000000e+00 : f32
    %jit3A_370 = arith.constant 0.000000e+00 : f32
    %broadcast_in_dim3A_371 = vector.broadcast %jit3A_369 : f32 to vector<16xf32>
    %broadcast_in_dim3A_372 = vector.broadcast %jit3A_370 : f32 to vector<16xf32>
    %select_n3A_373 = arith.select %ge3A_368, %broadcast_in_dim3A_371, %broadcast_in_dim3A_372 : vector<16xi1>, vector<16xf32>
    %lt3A_374 = arith.constant 223 : i32
    %lt3A_375 = vector.broadcast %lt3A_374 : i32 to vector<16xi32>
    %lt3A_376 = arith.cmpi slt, %select_n3A_339, %lt3A_375 : vector<16xi32>
    %jit3A_377 = arith.constant 1.000000e+00 : f32
    %jit3A_378 = arith.constant 0.000000e+00 : f32
    %broadcast_in_dim3A_379 = vector.broadcast %jit3A_377 : f32 to vector<16xf32>
    %broadcast_in_dim3A_380 = vector.broadcast %jit3A_378 : f32 to vector<16xf32>
    %select_n3A_381 = arith.select %lt3A_376, %broadcast_in_dim3A_379, %broadcast_in_dim3A_380 : vector<16xi1>, vector<16xf32>
    %lt3A_382 = arith.constant 223 : i32
    %lt3A_383 = vector.broadcast %lt3A_382 : i32 to vector<16xi32>
    %lt3A_384 = arith.cmpi slt, %select_n3A_345, %lt3A_383 : vector<16xi32>
    %jit3A_385 = arith.constant 1.000000e+00 : f32
    %jit3A_386 = arith.constant 0.000000e+00 : f32
    %broadcast_in_dim3A_387 = vector.broadcast %jit3A_385 : f32 to vector<16xf32>
    %broadcast_in_dim3A_388 = vector.broadcast %jit3A_386 : f32 to vector<16xf32>
    %select_n3A_389 = arith.select %lt3A_384, %broadcast_in_dim3A_387, %broadcast_in_dim3A_388 : vector<16xi1>, vector<16xf32>
    %max3A_390 = arith.constant 0 : i32
    %max3A_391 = vector.broadcast %max3A_390 : i32 to vector<16xi32>
    %max3A_392 = arith.maxsi %select_n3A_339, %max3A_391 : vector<16xi32>
    %max3A_393 = arith.constant 0 : i32
    %max3A_394 = vector.broadcast %max3A_393 : i32 to vector<16xi32>
    %max3A_395 = arith.maxsi %select_n3A_345, %max3A_394 : vector<16xi32>
    %add3A_396 = arith.constant 1 : i32
    %add3A_397 = vector.broadcast %add3A_396 : i32 to vector<16xi32>
    %add3A_398 = arith.addi %select_n3A_339, %add3A_397 : vector<16xi32>
    %min3A_399 = arith.constant 223 : i32
    %min3A_400 = vector.broadcast %min3A_399 : i32 to vector<16xi32>
    %min3A_401 = arith.minsi %add3A_398, %min3A_400 : vector<16xi32>
    %add3A_402 = arith.constant 1 : i32
    %add3A_403 = vector.broadcast %add3A_402 : i32 to vector<16xi32>
    %add3A_404 = arith.addi %select_n3A_345, %add3A_403 : vector<16xi32>
    %min3A_405 = arith.constant 223 : i32
    %min3A_406 = vector.broadcast %min3A_405 : i32 to vector<16xi32>
    %min3A_407 = arith.minsi %add3A_404, %min3A_406 : vector<16xi32>
    %mul3A_408 = arith.constant 224 : i32
    %mul3A_409 = vector.broadcast %mul3A_408 : i32 to vector<16xi32>
    %mul3A_410 = arith.muli %max3A_395, %mul3A_409 : vector<16xi32>
    %add3A_411 = vector.broadcast %mul3A_20 : i32 to vector<16xi32>
    %add3A_412 = arith.addi %add3A_411, %mul3A_410 : vector<16xi32>
    %mul3A_413 = arith.constant 224 : i32
    %mul3A_414 = vector.broadcast %mul3A_413 : i32 to vector<16xi32>
    %mul3A_415 = arith.muli %min3A_407, %mul3A_414 : vector<16xi32>
    %add3A_416 = vector.broadcast %mul3A_20 : i32 to vector<16xi32>
    %add3A_417 = arith.addi %add3A_416, %mul3A_415 : vector<16xi32>
    %add3A_418 = arith.addi %add3A_412, %max3A_392 : vector<16xi32>
    %swap3A_419 = arith.constant 32 : index
    %swap3A_420 = tpu.vector_load %arg8[%swap3A_419] {strides = array<i32>} : memref<64xi32, #tpu.memory_space<vmem>>, vector<16xi32>,
    tpu.vector_store %arg8[%swap3A_419], %add3A_418 {strides = array<i32>} : memref<64xi32, #tpu.memory_space<vmem>>, vector<16xi32>,
    %add3A_421 = arith.addi %add3A_412, %min3A_401 : vector<16xi32>
    %swap3A_422 = arith.constant 32 : index
    %swap3A_423 = tpu.vector_load %arg10[%swap3A_422] {strides = array<i32>} : memref<64xi32, #tpu.memory_space<vmem>>, vector<16xi32>,
    tpu.vector_store %arg10[%swap3A_422], %add3A_421 {strides = array<i32>} : memref<64xi32, #tpu.memory_space<vmem>>, vector<16xi32>,
    %add3A_424 = arith.addi %add3A_417, %max3A_392 : vector<16xi32>
    %swap3A_425 = arith.constant 32 : index
    %swap3A_426 = tpu.vector_load %arg9[%swap3A_425] {strides = array<i32>} : memref<64xi32, #tpu.memory_space<vmem>>, vector<16xi32>,
    tpu.vector_store %arg9[%swap3A_425], %add3A_424 {strides = array<i32>} : memref<64xi32, #tpu.memory_space<vmem>>, vector<16xi32>,
    %add3A_427 = arith.addi %add3A_417, %min3A_401 : vector<16xi32>
    %swap3A_428 = arith.constant 32 : index
    %swap3A_429 = tpu.vector_load %arg11[%swap3A_428] {strides = array<i32>} : memref<64xi32, #tpu.memory_space<vmem>>, vector<16xi32>,
    tpu.vector_store %arg11[%swap3A_428], %add3A_427 {strides = array<i32>} : memref<64xi32, #tpu.memory_space<vmem>>, vector<16xi32>,
    %mul3A_430 = arith.mulf %sub3A_351, %sub3A_356 : vector<16xf32>
    %mul3A_431 = arith.mulf %select_n3A_365, %select_n3A_373 : vector<16xf32>
    %mul3A_432 = arith.mulf %mul3A_430, %mul3A_431 : vector<16xf32>
    %swap3A_433 = arith.constant 32 : index
    %swap3A_434 = tpu.vector_load %arg12[%swap3A_433] {strides = array<i32>} : memref<64xf32, #tpu.memory_space<vmem>>, vector<16xf32>,
    tpu.vector_store %arg12[%swap3A_433], %mul3A_432 {strides = array<i32>} : memref<64xf32, #tpu.memory_space<vmem>>, vector<16xf32>,
    %mul3A_435 = arith.mulf %sub3A_351, %sub3A_357 : vector<16xf32>
    %mul3A_436 = arith.mulf %select_n3A_365, %select_n3A_389 : vector<16xf32>
    %mul3A_437 = arith.mulf %mul3A_435, %mul3A_436 : vector<16xf32>
    %swap3A_438 = arith.constant 32 : index
    %swap3A_439 = tpu.vector_load %arg13[%swap3A_438] {strides = array<i32>} : memref<64xf32, #tpu.memory_space<vmem>>, vector<16xf32>,
    tpu.vector_store %arg13[%swap3A_438], %mul3A_437 {strides = array<i32>} : memref<64xf32, #tpu.memory_space<vmem>>, vector<16xf32>,
    %mul3A_440 = arith.mulf %sub3A_352, %sub3A_356 : vector<16xf32>
    %mul3A_441 = arith.mulf %select_n3A_381, %select_n3A_373 : vector<16xf32>
    %mul3A_442 = arith.mulf %mul3A_440, %mul3A_441 : vector<16xf32>
    %swap3A_443 = arith.constant 32 : index
    %swap3A_444 = tpu.vector_load %arg14[%swap3A_443] {strides = array<i32>} : memref<64xf32, #tpu.memory_space<vmem>>, vector<16xf32>,
    tpu.vector_store %arg14[%swap3A_443], %mul3A_442 {strides = array<i32>} : memref<64xf32, #tpu.memory_space<vmem>>, vector<16xf32>,
    %mul3A_445 = arith.mulf %sub3A_352, %sub3A_357 : vector<16xf32>
    %mul3A_446 = arith.mulf %select_n3A_381, %select_n3A_389 : vector<16xf32>
    %mul3A_447 = arith.mulf %mul3A_445, %mul3A_446 : vector<16xf32>
    %swap3A_448 = arith.constant 32 : index
    %swap3A_449 = tpu.vector_load %arg15[%swap3A_448] {strides = array<i32>} : memref<64xf32, #tpu.memory_space<vmem>>, vector<16xf32>,
    tpu.vector_store %arg15[%swap3A_448], %mul3A_447 {strides = array<i32>} : memref<64xf32, #tpu.memory_space<vmem>>, vector<16xf32>,
    %get3A_450 = arith.constant 48 : index
    %get3A_451 = tpu.vector_load %arg6[%get3A_450] {strides = array<i32>} : memref<12544xf32, #tpu.memory_space<vmem>>, vector<16xf32>,
    %get3A_452 = arith.constant 48 : index
    %get3A_453 = tpu.vector_load %arg7[%get3A_452] {strides = array<i32>} : memref<12544xf32, #tpu.memory_space<vmem>>, vector<16xf32>,
    %add3A_454 = arith.constant 1.000000e+00 : f32
    %add3A_455 = vector.broadcast %add3A_454 : f32 to vector<16xf32>
    %add3A_456 = arith.addf %get3A_451, %add3A_455 : vector<16xf32>
    %mul3A_457 = arith.constant 2.240000e+02 : f32
    %mul3A_458 = vector.broadcast %mul3A_457 : f32 to vector<16xf32>
    %mul3A_459 = arith.mulf %add3A_456, %mul3A_458 : vector<16xf32>
    %sub3A_460 = arith.constant 1.000000e+00 : f32
    %sub3A_461 = vector.broadcast %sub3A_460 : f32 to vector<16xf32>
    %sub3A_462 = arith.subf %mul3A_459, %sub3A_461 : vector<16xf32>
    %mul3A_463 = arith.constant 5.000000e-01 : f32
    %mul3A_464 = vector.broadcast %mul3A_463 : f32 to vector<16xf32>
    %mul3A_465 = arith.mulf %sub3A_462, %mul3A_464 : vector<16xf32>
    %add3A_466 = arith.constant 1.000000e+00 : f32
    %add3A_467 = vector.broadcast %add3A_466 : f32 to vector<16xf32>
    %add3A_468 = arith.addf %get3A_453, %add3A_467 : vector<16xf32>
    %mul3A_469 = arith.constant 2.240000e+02 : f32
    %mul3A_470 = vector.broadcast %mul3A_469 : f32 to vector<16xf32>
    %mul3A_471 = arith.mulf %add3A_468, %mul3A_470 : vector<16xf32>
    %sub3A_472 = arith.constant 1.000000e+00 : f32
    %sub3A_473 = vector.broadcast %sub3A_472 : f32 to vector<16xf32>
    %sub3A_474 = arith.subf %mul3A_471, %sub3A_473 : vector<16xf32>
    %mul3A_475 = arith.constant 5.000000e-01 : f32
    %mul3A_476 = vector.broadcast %mul3A_475 : f32 to vector<16xf32>
    %mul3A_477 = arith.mulf %sub3A_474, %mul3A_476 : vector<16xf32>
    %convert_element_type3A_478 = arith.fptosi %mul3A_465 : vector<16xf32> to vector<16xi32>
    %convert_element_type3A_479 = arith.fptosi %mul3A_477 : vector<16xf32> to vector<16xi32>
    %convert_element_type3A_480 = arith.sitofp %convert_element_type3A_478 : vector<16xi32> to vector<16xf32>
    %gt3A_481 = arith.cmpf ogt, %convert_element_type3A_480, %mul3A_465 : vector<16xf32>
    %sub3A_482 = arith.constant 1 : i32
    %sub3A_483 = vector.broadcast %sub3A_482 : i32 to vector<16xi32>
    %sub3A_484 = arith.subi %convert_element_type3A_478, %sub3A_483 : vector<16xi32>
    %select_n3A_485 = arith.select %gt3A_481, %sub3A_484, %convert_element_type3A_478 : vector<16xi1>, vector<16xi32>
    %convert_element_type3A_486 = arith.sitofp %convert_element_type3A_479 : vector<16xi32> to vector<16xf32>
    %gt3A_487 = arith.cmpf ogt, %convert_element_type3A_486, %mul3A_477 : vector<16xf32>
    %sub3A_488 = arith.constant 1 : i32
    %sub3A_489 = vector.broadcast %sub3A_488 : i32 to vector<16xi32>
    %sub3A_490 = arith.subi %convert_element_type3A_479, %sub3A_489 : vector<16xi32>
    %select_n3A_491 = arith.select %gt3A_487, %sub3A_490, %convert_element_type3A_479 : vector<16xi1>, vector<16xi32>
    %convert_element_type3A_492 = arith.sitofp %select_n3A_485 : vector<16xi32> to vector<16xf32>
    %convert_element_type3A_493 = arith.sitofp %select_n3A_491 : vector<16xi32> to vector<16xf32>
    %add3A_494 = arith.constant 1.000000e+00 : f32
    %add3A_495 = vector.broadcast %add3A_494 : f32 to vector<16xf32>
    %add3A_496 = arith.addf %convert_element_type3A_492, %add3A_495 : vector<16xf32>
    %sub3A_497 = arith.subf %add3A_496, %mul3A_465 : vector<16xf32>
    %sub3A_498 = arith.subf %mul3A_465, %convert_element_type3A_492 : vector<16xf32>
    %add3A_499 = arith.constant 1.000000e+00 : f32
    %add3A_500 = vector.broadcast %add3A_499 : f32 to vector<16xf32>
    %add3A_501 = arith.addf %convert_element_type3A_493, %add3A_500 : vector<16xf32>
    %sub3A_502 = arith.subf %add3A_501, %mul3A_477 : vector<16xf32>
    %sub3A_503 = arith.subf %mul3A_477, %convert_element_type3A_493 : vector<16xf32>
    %ge3A_504 = arith.constant 0 : i32
    %ge3A_505 = vector.broadcast %ge3A_504 : i32 to vector<16xi32>
    %ge3A_506 = arith.cmpi sge, %select_n3A_485, %ge3A_505 : vector<16xi32>
    %jit3A_507 = arith.constant 1.000000e+00 : f32
    %jit3A_508 = arith.constant 0.000000e+00 : f32
    %broadcast_in_dim3A_509 = vector.broadcast %jit3A_507 : f32 to vector<16xf32>
    %broadcast_in_dim3A_510 = vector.broadcast %jit3A_508 : f32 to vector<16xf32>
    %select_n3A_511 = arith.select %ge3A_506, %broadcast_in_dim3A_509, %broadcast_in_dim3A_510 : vector<16xi1>, vector<16xf32>
    %ge3A_512 = arith.constant 0 : i32
    %ge3A_513 = vector.broadcast %ge3A_512 : i32 to vector<16xi32>
    %ge3A_514 = arith.cmpi sge, %select_n3A_491, %ge3A_513 : vector<16xi32>
    %jit3A_515 = arith.constant 1.000000e+00 : f32
    %jit3A_516 = arith.constant 0.000000e+00 : f32
    %broadcast_in_dim3A_517 = vector.broadcast %jit3A_515 : f32 to vector<16xf32>
    %broadcast_in_dim3A_518 = vector.broadcast %jit3A_516 : f32 to vector<16xf32>
    %select_n3A_519 = arith.select %ge3A_514, %broadcast_in_dim3A_517, %broadcast_in_dim3A_518 : vector<16xi1>, vector<16xf32>
    %lt3A_520 = arith.constant 223 : i32
    %lt3A_521 = vector.broadcast %lt3A_520 : i32 to vector<16xi32>
    %lt3A_522 = arith.cmpi slt, %select_n3A_485, %lt3A_521 : vector<16xi32>
    %jit3A_523 = arith.constant 1.000000e+00 : f32
    %jit3A_524 = arith.constant 0.000000e+00 : f32
    %broadcast_in_dim3A_525 = vector.broadcast %jit3A_523 : f32 to vector<16xf32>
    %broadcast_in_dim3A_526 = vector.broadcast %jit3A_524 : f32 to vector<16xf32>
    %select_n3A_527 = arith.select %lt3A_522, %broadcast_in_dim3A_525, %broadcast_in_dim3A_526 : vector<16xi1>, vector<16xf32>
    %lt3A_528 = arith.constant 223 : i32
    %lt3A_529 = vector.broadcast %lt3A_528 : i32 to vector<16xi32>
    %lt3A_530 = arith.cmpi slt, %select_n3A_491, %lt3A_529 : vector<16xi32>
    %jit3A_531 = arith.constant 1.000000e+00 : f32
    %jit3A_532 = arith.constant 0.000000e+00 : f32
    %broadcast_in_dim3A_533 = vector.broadcast %jit3A_531 : f32 to vector<16xf32>
    %broadcast_in_dim3A_534 = vector.broadcast %jit3A_532 : f32 to vector<16xf32>
    %select_n3A_535 = arith.select %lt3A_530, %broadcast_in_dim3A_533, %broadcast_in_dim3A_534 : vector<16xi1>, vector<16xf32>
    %max3A_536 = arith.constant 0 : i32
    %max3A_537 = vector.broadcast %max3A_536 : i32 to vector<16xi32>
    %max3A_538 = arith.maxsi %select_n3A_485, %max3A_537 : vector<16xi32>
    %max3A_539 = arith.constant 0 : i32
    %max3A_540 = vector.broadcast %max3A_539 : i32 to vector<16xi32>
    %max3A_541 = arith.maxsi %select_n3A_491, %max3A_540 : vector<16xi32>
    %add3A_542 = arith.constant 1 : i32
    %add3A_543 = vector.broadcast %add3A_542 : i32 to vector<16xi32>
    %add3A_544 = arith.addi %select_n3A_485, %add3A_543 : vector<16xi32>
    %min3A_545 = arith.constant 223 : i32
    %min3A_546 = vector.broadcast %min3A_545 : i32 to vector<16xi32>
    %min3A_547 = arith.minsi %add3A_544, %min3A_546 : vector<16xi32>
    %add3A_548 = arith.constant 1 : i32
    %add3A_549 = vector.broadcast %add3A_548 : i32 to vector<16xi32>
    %add3A_550 = arith.addi %select_n3A_491, %add3A_549 : vector<16xi32>
    %min3A_551 = arith.constant 223 : i32
    %min3A_552 = vector.broadcast %min3A_551 : i32 to vector<16xi32>
    %min3A_553 = arith.minsi %add3A_550, %min3A_552 : vector<16xi32>
    %mul3A_554 = arith.constant 224 : i32
    %mul3A_555 = vector.broadcast %mul3A_554 : i32 to vector<16xi32>
    %mul3A_556 = arith.muli %max3A_541, %mul3A_555 : vector<16xi32>
    %add3A_557 = vector.broadcast %mul3A_20 : i32 to vector<16xi32>
    %add3A_558 = arith.addi %add3A_557, %mul3A_556 : vector<16xi32>
    %mul3A_559 = arith.constant 224 : i32
    %mul3A_560 = vector.broadcast %mul3A_559 : i32 to vector<16xi32>
    %mul3A_561 = arith.muli %min3A_553, %mul3A_560 : vector<16xi32>
    %add3A_562 = vector.broadcast %mul3A_20 : i32 to vector<16xi32>
    %add3A_563 = arith.addi %add3A_562, %mul3A_561 : vector<16xi32>
    %add3A_564 = arith.addi %add3A_558, %max3A_538 : vector<16xi32>
    %swap3A_565 = arith.constant 48 : index
    %swap3A_566 = tpu.vector_load %arg8[%swap3A_565] {strides = array<i32>} : memref<64xi32, #tpu.memory_space<vmem>>, vector<16xi32>,
    tpu.vector_store %arg8[%swap3A_565], %add3A_564 {strides = array<i32>} : memref<64xi32, #tpu.memory_space<vmem>>, vector<16xi32>,
    %add3A_567 = arith.addi %add3A_558, %min3A_547 : vector<16xi32>
    %swap3A_568 = arith.constant 48 : index
    %swap3A_569 = tpu.vector_load %arg10[%swap3A_568] {strides = array<i32>} : memref<64xi32, #tpu.memory_space<vmem>>, vector<16xi32>,
    tpu.vector_store %arg10[%swap3A_568], %add3A_567 {strides = array<i32>} : memref<64xi32, #tpu.memory_space<vmem>>, vector<16xi32>,
    %add3A_570 = arith.addi %add3A_563, %max3A_538 : vector<16xi32>
    %swap3A_571 = arith.constant 48 : index
    %swap3A_572 = tpu.vector_load %arg9[%swap3A_571] {strides = array<i32>} : memref<64xi32, #tpu.memory_space<vmem>>, vector<16xi32>,
    tpu.vector_store %arg9[%swap3A_571], %add3A_570 {strides = array<i32>} : memref<64xi32, #tpu.memory_space<vmem>>, vector<16xi32>,
    %add3A_573 = arith.addi %add3A_563, %min3A_547 : vector<16xi32>
    %swap3A_574 = arith.constant 48 : index
    %swap3A_575 = tpu.vector_load %arg11[%swap3A_574] {strides = array<i32>} : memref<64xi32, #tpu.memory_space<vmem>>, vector<16xi32>,
    tpu.vector_store %arg11[%swap3A_574], %add3A_573 {strides = array<i32>} : memref<64xi32, #tpu.memory_space<vmem>>, vector<16xi32>,
    %mul3A_576 = arith.mulf %sub3A_497, %sub3A_502 : vector<16xf32>
    %mul3A_577 = arith.mulf %select_n3A_511, %select_n3A_519 : vector<16xf32>
    %mul3A_578 = arith.mulf %mul3A_576, %mul3A_577 : vector<16xf32>
    %swap3A_579 = arith.constant 48 : index
    %swap3A_580 = tpu.vector_load %arg12[%swap3A_579] {strides = array<i32>} : memref<64xf32, #tpu.memory_space<vmem>>, vector<16xf32>,
    tpu.vector_store %arg12[%swap3A_579], %mul3A_578 {strides = array<i32>} : memref<64xf32, #tpu.memory_space<vmem>>, vector<16xf32>,
    %mul3A_581 = arith.mulf %sub3A_497, %sub3A_503 : vector<16xf32>
    %mul3A_582 = arith.mulf %select_n3A_511, %select_n3A_535 : vector<16xf32>
    %mul3A_583 = arith.mulf %mul3A_581, %mul3A_582 : vector<16xf32>
    %swap3A_584 = arith.constant 48 : index
    %swap3A_585 = tpu.vector_load %arg13[%swap3A_584] {strides = array<i32>} : memref<64xf32, #tpu.memory_space<vmem>>, vector<16xf32>,
    tpu.vector_store %arg13[%swap3A_584], %mul3A_583 {strides = array<i32>} : memref<64xf32, #tpu.memory_space<vmem>>, vector<16xf32>,
    %mul3A_586 = arith.mulf %sub3A_498, %sub3A_502 : vector<16xf32>
    %mul3A_587 = arith.mulf %select_n3A_527, %select_n3A_519 : vector<16xf32>
    %mul3A_588 = arith.mulf %mul3A_586, %mul3A_587 : vector<16xf32>
    %swap3A_589 = arith.constant 48 : index
    %swap3A_590 = tpu.vector_load %arg14[%swap3A_589] {strides = array<i32>} : memref<64xf32, #tpu.memory_space<vmem>>, vector<16xf32>,
    tpu.vector_store %arg14[%swap3A_589], %mul3A_588 {strides = array<i32>} : memref<64xf32, #tpu.memory_space<vmem>>, vector<16xf32>,
    %mul3A_591 = arith.mulf %sub3A_498, %sub3A_503 : vector<16xf32>
    %mul3A_592 = arith.mulf %select_n3A_527, %select_n3A_535 : vector<16xf32>
    %mul3A_593 = arith.mulf %mul3A_591, %mul3A_592 : vector<16xf32>
    %swap3A_594 = arith.constant 48 : index
    %swap3A_595 = tpu.vector_load %arg15[%swap3A_594] {strides = array<i32>} : memref<64xf32, #tpu.memory_space<vmem>>, vector<16xf32>,
    tpu.vector_store %arg15[%swap3A_594], %mul3A_593 {strides = array<i32>} : memref<64xf32, #tpu.memory_space<vmem>>, vector<16xf32>,
    %dma_start3A = arith.constant 0 : i32
    %dma_start3A_596 = arith.constant 0 : i32
    %dma_start3A_597 = tpu.memref_slice %arg2[%dma_start3A, %dma_start3A_596] : memref<401408x128xf32, #tpu.memory_space<hbm>> -> memref<401408x128xf32, #tpu.memory_space<hbm>>
    tpu.enqueue_indirect_dma source(%dma_start3A_597 : memref<401408x128xf32, #tpu.memory_space<hbm>>) target(%arg16 : memref<64x128xf32, #tpu.memory_space<vmem>>) offsets(%arg8 : memref<64xi32, #tpu.memory_space<vmem>>) semaphore(%arg33 : memref<!tpu.dma_semaphore, #tpu.memory_space<semaphore_mem>>)
    %dma_start3A_598 = arith.constant 0 : i32
    %dma_start3A_599 = arith.constant 0 : i32
    %dma_start3A_600 = tpu.memref_slice %arg2[%dma_start3A_598, %dma_start3A_599] : memref<401408x128xf32, #tpu.memory_space<hbm>> -> memref<401408x128xf32, #tpu.memory_space<hbm>>
    tpu.enqueue_indirect_dma source(%dma_start3A_600 : memref<401408x128xf32, #tpu.memory_space<hbm>>) target(%arg17 : memref<64x128xf32, #tpu.memory_space<vmem>>) offsets(%arg9 : memref<64xi32, #tpu.memory_space<vmem>>) semaphore(%arg34 : memref<!tpu.dma_semaphore, #tpu.memory_space<semaphore_mem>>)
    %dma_start3A_601 = arith.constant 0 : i32
    %dma_start3A_602 = arith.constant 0 : i32
    %dma_start3A_603 = tpu.memref_slice %arg2[%dma_start3A_601, %dma_start3A_602] : memref<401408x128xf32, #tpu.memory_space<hbm>> -> memref<401408x128xf32, #tpu.memory_space<hbm>>
    tpu.enqueue_indirect_dma source(%dma_start3A_603 : memref<401408x128xf32, #tpu.memory_space<hbm>>) target(%arg18 : memref<64x128xf32, #tpu.memory_space<vmem>>) offsets(%arg10 : memref<64xi32, #tpu.memory_space<vmem>>) semaphore(%arg35 : memref<!tpu.dma_semaphore, #tpu.memory_space<semaphore_mem>>)
    %dma_start3A_604 = arith.constant 0 : i32
    %dma_start3A_605 = arith.constant 0 : i32
    %dma_start3A_606 = tpu.memref_slice %arg2[%dma_start3A_604, %dma_start3A_605] : memref<401408x128xf32, #tpu.memory_space<hbm>> -> memref<401408x128xf32, #tpu.memory_space<hbm>>
    tpu.enqueue_indirect_dma source(%dma_start3A_606 : memref<401408x128xf32, #tpu.memory_space<hbm>>) target(%arg19 : memref<64x128xf32, #tpu.memory_space<vmem>>) offsets(%arg11 : memref<64xi32, #tpu.memory_space<vmem>>) semaphore(%arg36 : memref<!tpu.dma_semaphore, #tpu.memory_space<semaphore_mem>>)
    %add3A_607 = arith.constant 0 : i32
    %add3A_608 = arith.addi %mul3A_2, %add3A_607 : i32
    %dma_start3A_609 = arith.constant 0 : i32
    %dma_start3A_610 = tpu.memref_slice %arg5[%add3A_608, %dma_start3A_609] : memref<401408x128xf32, #tpu.memory_space<hbm>> -> memref<128x128xf32, #tpu.memory_space<hbm>>
    %dma_start3A_611 = arith.constant 0 : i32
    %dma_start3A_612 = tpu.memref_slice %arg5[%add3A_608, %dma_start3A_611] : memref<401408x128xf32, #tpu.memory_space<hbm>> -> memref<128x128xf32, #tpu.memory_space<hbm>>
    tpu.enqueue_dma source(%arg32 : memref<128x128xf32, #tpu.memory_space<vmem>>) target(%dma_start3A_612 : memref<128x128xf32, #tpu.memory_space<hbm>>) target_semaphore(%arg41 : memref<!tpu.dma_semaphore, #tpu.memory_space<semaphore_mem>>)
    %scan3A = arith.constant 0 : i32
    %scan3A_613 = arith.constant 0 : i32
    %scan3A_614 = arith.constant 98 : i32
    %scan3A_615 = arith.addi %scan3A_613, %scan3A_614 : i32
    %scan3A_616 = arith.constant 1 : i32
    scf.for %scan3A_635 = %scan3A_613 to %scan3A_615 step %scan3A_616  : i32 {
      %mul3A_636 = arith.constant 2 : i32
      %mul3A_637 = arith.muli %mul3A_636, %scan3A_635 : i32
      %add3A_638 = arith.constant 1 : i32
      %add3A_639 = arith.addi %mul3A_637, %add3A_638 : i32
      %mul3A_640 = arith.constant 64 : i32
      %mul3A_641 = arith.muli %add3A_639, %mul3A_640 : i32
      %add3A_642 = arith.constant 0 : i32
      %add3A_643 = arith.addi %mul3A_641, %add3A_642 : i32
      %get3A_644 = arith.index_cast %add3A_643 : i32 to index
      %get3A_645 = tpu.vector_load %arg6[%get3A_644] {strides = array<i32>} : memref<12544xf32, #tpu.memory_space<vmem>>, vector<16xf32>,
      %add3A_646 = arith.constant 0 : i32
      %add3A_647 = arith.addi %mul3A_641, %add3A_646 : i32
      %get3A_648 = arith.index_cast %add3A_647 : i32 to index
      %get3A_649 = tpu.vector_load %arg7[%get3A_648] {strides = array<i32>} : memref<12544xf32, #tpu.memory_space<vmem>>, vector<16xf32>,
      %add3A_650 = arith.constant 1.000000e+00 : f32
      %add3A_651 = vector.broadcast %add3A_650 : f32 to vector<16xf32>
      %add3A_652 = arith.addf %get3A_645, %add3A_651 : vector<16xf32>
      %mul3A_653 = arith.constant 2.240000e+02 : f32
      %mul3A_654 = vector.broadcast %mul3A_653 : f32 to vector<16xf32>
      %mul3A_655 = arith.mulf %add3A_652, %mul3A_654 : vector<16xf32>
      %sub3A_656 = arith.constant 1.000000e+00 : f32
      %sub3A_657 = vector.broadcast %sub3A_656 : f32 to vector<16xf32>
      %sub3A_658 = arith.subf %mul3A_655, %sub3A_657 : vector<16xf32>
      %mul3A_659 = arith.constant 5.000000e-01 : f32
      %mul3A_660 = vector.broadcast %mul3A_659 : f32 to vector<16xf32>
      %mul3A_661 = arith.mulf %sub3A_658, %mul3A_660 : vector<16xf32>
      %add3A_662 = arith.constant 1.000000e+00 : f32
      %add3A_663 = vector.broadcast %add3A_662 : f32 to vector<16xf32>
      %add3A_664 = arith.addf %get3A_649, %add3A_663 : vector<16xf32>
      %mul3A_665 = arith.constant 2.240000e+02 : f32
      %mul3A_666 = vector.broadcast %mul3A_665 : f32 to vector<16xf32>
      %mul3A_667 = arith.mulf %add3A_664, %mul3A_666 : vector<16xf32>
      %sub3A_668 = arith.constant 1.000000e+00 : f32
      %sub3A_669 = vector.broadcast %sub3A_668 : f32 to vector<16xf32>
      %sub3A_670 = arith.subf %mul3A_667, %sub3A_669 : vector<16xf32>
      %mul3A_671 = arith.constant 5.000000e-01 : f32
      %mul3A_672 = vector.broadcast %mul3A_671 : f32 to vector<16xf32>
      %mul3A_673 = arith.mulf %sub3A_670, %mul3A_672 : vector<16xf32>
      %convert_element_type3A_674 = arith.fptosi %mul3A_661 : vector<16xf32> to vector<16xi32>
      %convert_element_type3A_675 = arith.fptosi %mul3A_673 : vector<16xf32> to vector<16xi32>
      %convert_element_type3A_676 = arith.sitofp %convert_element_type3A_674 : vector<16xi32> to vector<16xf32>
      %gt3A_677 = arith.cmpf ogt, %convert_element_type3A_676, %mul3A_661 : vector<16xf32>
      %sub3A_678 = arith.constant 1 : i32
      %sub3A_679 = vector.broadcast %sub3A_678 : i32 to vector<16xi32>
      %sub3A_680 = arith.subi %convert_element_type3A_674, %sub3A_679 : vector<16xi32>
      %select_n3A_681 = arith.select %gt3A_677, %sub3A_680, %convert_element_type3A_674 : vector<16xi1>, vector<16xi32>
      %convert_element_type3A_682 = arith.sitofp %convert_element_type3A_675 : vector<16xi32> to vector<16xf32>
      %gt3A_683 = arith.cmpf ogt, %convert_element_type3A_682, %mul3A_673 : vector<16xf32>
      %sub3A_684 = arith.constant 1 : i32
      %sub3A_685 = vector.broadcast %sub3A_684 : i32 to vector<16xi32>
      %sub3A_686 = arith.subi %convert_element_type3A_675, %sub3A_685 : vector<16xi32>
      %select_n3A_687 = arith.select %gt3A_683, %sub3A_686, %convert_element_type3A_675 : vector<16xi1>, vector<16xi32>
      %convert_element_type3A_688 = arith.sitofp %select_n3A_681 : vector<16xi32> to vector<16xf32>
      %convert_element_type3A_689 = arith.sitofp %select_n3A_687 : vector<16xi32> to vector<16xf32>
      %add3A_690 = arith.constant 1.000000e+00 : f32
      %add3A_691 = vector.broadcast %add3A_690 : f32 to vector<16xf32>
      %add3A_692 = arith.addf %convert_element_type3A_688, %add3A_691 : vector<16xf32>
      %sub3A_693 = arith.subf %add3A_692, %mul3A_661 : vector<16xf32>
      %sub3A_694 = arith.subf %mul3A_661, %convert_element_type3A_688 : vector<16xf32>
      %add3A_695 = arith.constant 1.000000e+00 : f32
      %add3A_696 = vector.broadcast %add3A_695 : f32 to vector<16xf32>
      %add3A_697 = arith.addf %convert_element_type3A_689, %add3A_696 : vector<16xf32>
      %sub3A_698 = arith.subf %add3A_697, %mul3A_673 : vector<16xf32>
      %sub3A_699 = arith.subf %mul3A_673, %convert_element_type3A_689 : vector<16xf32>
      %ge3A_700 = arith.constant 0 : i32
      %ge3A_701 = vector.broadcast %ge3A_700 : i32 to vector<16xi32>
      %ge3A_702 = arith.cmpi sge, %select_n3A_681, %ge3A_701 : vector<16xi32>
      %jit3A_703 = arith.constant 1.000000e+00 : f32
      %jit3A_704 = arith.constant 0.000000e+00 : f32
      %broadcast_in_dim3A_705 = vector.broadcast %jit3A_703 : f32 to vector<16xf32>
      %broadcast_in_dim3A_706 = vector.broadcast %jit3A_704 : f32 to vector<16xf32>
      %select_n3A_707 = arith.select %ge3A_702, %broadcast_in_dim3A_705, %broadcast_in_dim3A_706 : vector<16xi1>, vector<16xf32>
      %ge3A_708 = arith.constant 0 : i32
      %ge3A_709 = vector.broadcast %ge3A_708 : i32 to vector<16xi32>
      %ge3A_710 = arith.cmpi sge, %select_n3A_687, %ge3A_709 : vector<16xi32>
      %jit3A_711 = arith.constant 1.000000e+00 : f32
      %jit3A_712 = arith.constant 0.000000e+00 : f32
      %broadcast_in_dim3A_713 = vector.broadcast %jit3A_711 : f32 to vector<16xf32>
      %broadcast_in_dim3A_714 = vector.broadcast %jit3A_712 : f32 to vector<16xf32>
      %select_n3A_715 = arith.select %ge3A_710, %broadcast_in_dim3A_713, %broadcast_in_dim3A_714 : vector<16xi1>, vector<16xf32>
      %lt3A_716 = arith.constant 223 : i32
      %lt3A_717 = vector.broadcast %lt3A_716 : i32 to vector<16xi32>
      %lt3A_718 = arith.cmpi slt, %select_n3A_681, %lt3A_717 : vector<16xi32>
      %jit3A_719 = arith.constant 1.000000e+00 : f32
      %jit3A_720 = arith.constant 0.000000e+00 : f32
      %broadcast_in_dim3A_721 = vector.broadcast %jit3A_719 : f32 to vector<16xf32>
      %broadcast_in_dim3A_722 = vector.broadcast %jit3A_720 : f32 to vector<16xf32>
      %select_n3A_723 = arith.select %lt3A_718, %broadcast_in_dim3A_721, %broadcast_in_dim3A_722 : vector<16xi1>, vector<16xf32>
      %lt3A_724 = arith.constant 223 : i32
      %lt3A_725 = vector.broadcast %lt3A_724 : i32 to vector<16xi32>
      %lt3A_726 = arith.cmpi slt, %select_n3A_687, %lt3A_725 : vector<16xi32>
      %jit3A_727 = arith.constant 1.000000e+00 : f32
      %jit3A_728 = arith.constant 0.000000e+00 : f32
      %broadcast_in_dim3A_729 = vector.broadcast %jit3A_727 : f32 to vector<16xf32>
      %broadcast_in_dim3A_730 = vector.broadcast %jit3A_728 : f32 to vector<16xf32>
      %select_n3A_731 = arith.select %lt3A_726, %broadcast_in_dim3A_729, %broadcast_in_dim3A_730 : vector<16xi1>, vector<16xf32>
      %max3A_732 = arith.constant 0 : i32
      %max3A_733 = vector.broadcast %max3A_732 : i32 to vector<16xi32>
      %max3A_734 = arith.maxsi %select_n3A_681, %max3A_733 : vector<16xi32>
      %max3A_735 = arith.constant 0 : i32
      %max3A_736 = vector.broadcast %max3A_735 : i32 to vector<16xi32>
      %max3A_737 = arith.maxsi %select_n3A_687, %max3A_736 : vector<16xi32>
      %add3A_738 = arith.constant 1 : i32
      %add3A_739 = vector.broadcast %add3A_738 : i32 to vector<16xi32>
      %add3A_740 = arith.addi %select_n3A_681, %add3A_739 : vector<16xi32>
      %min3A_741 = arith.constant 223 : i32
      %min3A_742 = vector.broadcast %min3A_741 : i32 to vector<16xi32>
      %min3A_743 = arith.minsi %add3A_740, %min3A_742 : vector<16xi32>
      %add3A_744 = arith.constant 1 : i32
      %add3A_745 = vector.broadcast %add3A_744 : i32 to vector<16xi32>
      %add3A_746 = arith.addi %select_n3A_687, %add3A_745 : vector<16xi32>
      %min3A_747 = arith.constant 223 : i32
      %min3A_748 = vector.broadcast %min3A_747 : i32 to vector<16xi32>
      %min3A_749 = arith.minsi %add3A_746, %min3A_748 : vector<16xi32>
      %mul3A_750 = arith.constant 224 : i32
      %mul3A_751 = vector.broadcast %mul3A_750 : i32 to vector<16xi32>
      %mul3A_752 = arith.muli %max3A_737, %mul3A_751 : vector<16xi32>
      %add3A_753 = vector.broadcast %mul3A_20 : i32 to vector<16xi32>
      %add3A_754 = arith.addi %add3A_753, %mul3A_752 : vector<16xi32>
      %mul3A_755 = arith.constant 224 : i32
      %mul3A_756 = vector.broadcast %mul3A_755 : i32 to vector<16xi32>
      %mul3A_757 = arith.muli %min3A_749, %mul3A_756 : vector<16xi32>
      %add3A_758 = vector.broadcast %mul3A_20 : i32 to vector<16xi32>
      %add3A_759 = arith.addi %add3A_758, %mul3A_757 : vector<16xi32>
      %add3A_760 = arith.addi %add3A_754, %max3A_734 : vector<16xi32>
      %swap3A_761 = arith.constant 0 : index
      %swap3A_762 = tpu.vector_load %arg20[%swap3A_761] {strides = array<i32>} : memref<64xi32, #tpu.memory_space<vmem>>, vector<16xi32>,
      tpu.vector_store %arg20[%swap3A_761], %add3A_760 {strides = array<i32>} : memref<64xi32, #tpu.memory_space<vmem>>, vector<16xi32>,
      %add3A_763 = arith.addi %add3A_754, %min3A_743 : vector<16xi32>
      %swap3A_764 = arith.constant 0 : index
      %swap3A_765 = tpu.vector_load %arg22[%swap3A_764] {strides = array<i32>} : memref<64xi32, #tpu.memory_space<vmem>>, vector<16xi32>,
      tpu.vector_store %arg22[%swap3A_764], %add3A_763 {strides = array<i32>} : memref<64xi32, #tpu.memory_space<vmem>>, vector<16xi32>,
      %add3A_766 = arith.addi %add3A_759, %max3A_734 : vector<16xi32>
      %swap3A_767 = arith.constant 0 : index
      %swap3A_768 = tpu.vector_load %arg21[%swap3A_767] {strides = array<i32>} : memref<64xi32, #tpu.memory_space<vmem>>, vector<16xi32>,
      tpu.vector_store %arg21[%swap3A_767], %add3A_766 {strides = array<i32>} : memref<64xi32, #tpu.memory_space<vmem>>, vector<16xi32>,
      %add3A_769 = arith.addi %add3A_759, %min3A_743 : vector<16xi32>
      %swap3A_770 = arith.constant 0 : index
      %swap3A_771 = tpu.vector_load %arg23[%swap3A_770] {strides = array<i32>} : memref<64xi32, #tpu.memory_space<vmem>>, vector<16xi32>,
      tpu.vector_store %arg23[%swap3A_770], %add3A_769 {strides = array<i32>} : memref<64xi32, #tpu.memory_space<vmem>>, vector<16xi32>,
      %mul3A_772 = arith.mulf %sub3A_693, %sub3A_698 : vector<16xf32>
      %mul3A_773 = arith.mulf %select_n3A_707, %select_n3A_715 : vector<16xf32>
      %mul3A_774 = arith.mulf %mul3A_772, %mul3A_773 : vector<16xf32>
      %swap3A_775 = arith.constant 0 : index
      %swap3A_776 = tpu.vector_load %arg24[%swap3A_775] {strides = array<i32>} : memref<64xf32, #tpu.memory_space<vmem>>, vector<16xf32>,
      tpu.vector_store %arg24[%swap3A_775], %mul3A_774 {strides = array<i32>} : memref<64xf32, #tpu.memory_space<vmem>>, vector<16xf32>,
      %mul3A_777 = arith.mulf %sub3A_693, %sub3A_699 : vector<16xf32>
      %mul3A_778 = arith.mulf %select_n3A_707, %select_n3A_731 : vector<16xf32>
      %mul3A_779 = arith.mulf %mul3A_777, %mul3A_778 : vector<16xf32>
      %swap3A_780 = arith.constant 0 : index
      %swap3A_781 = tpu.vector_load %arg25[%swap3A_780] {strides = array<i32>} : memref<64xf32, #tpu.memory_space<vmem>>, vector<16xf32>,
      tpu.vector_store %arg25[%swap3A_780], %mul3A_779 {strides = array<i32>} : memref<64xf32, #tpu.memory_space<vmem>>, vector<16xf32>,
      %mul3A_782 = arith.mulf %sub3A_694, %sub3A_698 : vector<16xf32>
      %mul3A_783 = arith.mulf %select_n3A_723, %select_n3A_715 : vector<16xf32>
      %mul3A_784 = arith.mulf %mul3A_782, %mul3A_783 : vector<16xf32>
      %swap3A_785 = arith.constant 0 : index
      %swap3A_786 = tpu.vector_load %arg26[%swap3A_785] {strides = array<i32>} : memref<64xf32, #tpu.memory_space<vmem>>, vector<16xf32>,
      tpu.vector_store %arg26[%swap3A_785], %mul3A_784 {strides = array<i32>} : memref<64xf32, #tpu.memory_space<vmem>>, vector<16xf32>,
      %mul3A_787 = arith.mulf %sub3A_694, %sub3A_699 : vector<16xf32>
      %mul3A_788 = arith.mulf %select_n3A_723, %select_n3A_731 : vector<16xf32>
      %mul3A_789 = arith.mulf %mul3A_787, %mul3A_788 : vector<16xf32>
      %swap3A_790 = arith.constant 0 : index
      %swap3A_791 = tpu.vector_load %arg27[%swap3A_790] {strides = array<i32>} : memref<64xf32, #tpu.memory_space<vmem>>, vector<16xf32>,
      tpu.vector_store %arg27[%swap3A_790], %mul3A_789 {strides = array<i32>} : memref<64xf32, #tpu.memory_space<vmem>>, vector<16xf32>,
      %add3A_792 = arith.constant 16 : i32
      %add3A_793 = arith.addi %mul3A_641, %add3A_792 : i32
      %get3A_794 = arith.index_cast %add3A_793 : i32 to index
      %get3A_795 = tpu.vector_load %arg6[%get3A_794] {strides = array<i32>} : memref<12544xf32, #tpu.memory_space<vmem>>, vector<16xf32>,
      %add3A_796 = arith.constant 16 : i32
      %add3A_797 = arith.addi %mul3A_641, %add3A_796 : i32
      %get3A_798 = arith.index_cast %add3A_797 : i32 to index
      %get3A_799 = tpu.vector_load %arg7[%get3A_798] {strides = array<i32>} : memref<12544xf32, #tpu.memory_space<vmem>>, vector<16xf32>,
      %add3A_800 = arith.constant 1.000000e+00 : f32
      %add3A_801 = vector.broadcast %add3A_800 : f32 to vector<16xf32>
      %add3A_802 = arith.addf %get3A_795, %add3A_801 : vector<16xf32>
      %mul3A_803 = arith.constant 2.240000e+02 : f32
      %mul3A_804 = vector.broadcast %mul3A_803 : f32 to vector<16xf32>
      %mul3A_805 = arith.mulf %add3A_802, %mul3A_804 : vector<16xf32>
      %sub3A_806 = arith.constant 1.000000e+00 : f32
      %sub3A_807 = vector.broadcast %sub3A_806 : f32 to vector<16xf32>
      %sub3A_808 = arith.subf %mul3A_805, %sub3A_807 : vector<16xf32>
      %mul3A_809 = arith.constant 5.000000e-01 : f32
      %mul3A_810 = vector.broadcast %mul3A_809 : f32 to vector<16xf32>
      %mul3A_811 = arith.mulf %sub3A_808, %mul3A_810 : vector<16xf32>
      %add3A_812 = arith.constant 1.000000e+00 : f32
      %add3A_813 = vector.broadcast %add3A_812 : f32 to vector<16xf32>
      %add3A_814 = arith.addf %get3A_799, %add3A_813 : vector<16xf32>
      %mul3A_815 = arith.constant 2.240000e+02 : f32
      %mul3A_816 = vector.broadcast %mul3A_815 : f32 to vector<16xf32>
      %mul3A_817 = arith.mulf %add3A_814, %mul3A_816 : vector<16xf32>
      %sub3A_818 = arith.constant 1.000000e+00 : f32
      %sub3A_819 = vector.broadcast %sub3A_818 : f32 to vector<16xf32>
      %sub3A_820 = arith.subf %mul3A_817, %sub3A_819 : vector<16xf32>
      %mul3A_821 = arith.constant 5.000000e-01 : f32
      %mul3A_822 = vector.broadcast %mul3A_821 : f32 to vector<16xf32>
      %mul3A_823 = arith.mulf %sub3A_820, %mul3A_822 : vector<16xf32>
      %convert_element_type3A_824 = arith.fptosi %mul3A_811 : vector<16xf32> to vector<16xi32>
      %convert_element_type3A_825 = arith.fptosi %mul3A_823 : vector<16xf32> to vector<16xi32>
      %convert_element_type3A_826 = arith.sitofp %convert_element_type3A_824 : vector<16xi32> to vector<16xf32>
      %gt3A_827 = arith.cmpf ogt, %convert_element_type3A_826, %mul3A_811 : vector<16xf32>
      %sub3A_828 = arith.constant 1 : i32
      %sub3A_829 = vector.broadcast %sub3A_828 : i32 to vector<16xi32>
      %sub3A_830 = arith.subi %convert_element_type3A_824, %sub3A_829 : vector<16xi32>
      %select_n3A_831 = arith.select %gt3A_827, %sub3A_830, %convert_element_type3A_824 : vector<16xi1>, vector<16xi32>
      %convert_element_type3A_832 = arith.sitofp %convert_element_type3A_825 : vector<16xi32> to vector<16xf32>
      %gt3A_833 = arith.cmpf ogt, %convert_element_type3A_832, %mul3A_823 : vector<16xf32>
      %sub3A_834 = arith.constant 1 : i32
      %sub3A_835 = vector.broadcast %sub3A_834 : i32 to vector<16xi32>
      %sub3A_836 = arith.subi %convert_element_type3A_825, %sub3A_835 : vector<16xi32>
      %select_n3A_837 = arith.select %gt3A_833, %sub3A_836, %convert_element_type3A_825 : vector<16xi1>, vector<16xi32>
      %convert_element_type3A_838 = arith.sitofp %select_n3A_831 : vector<16xi32> to vector<16xf32>
      %convert_element_type3A_839 = arith.sitofp %select_n3A_837 : vector<16xi32> to vector<16xf32>
      %add3A_840 = arith.constant 1.000000e+00 : f32
      %add3A_841 = vector.broadcast %add3A_840 : f32 to vector<16xf32>
      %add3A_842 = arith.addf %convert_element_type3A_838, %add3A_841 : vector<16xf32>
      %sub3A_843 = arith.subf %add3A_842, %mul3A_811 : vector<16xf32>
      %sub3A_844 = arith.subf %mul3A_811, %convert_element_type3A_838 : vector<16xf32>
      %add3A_845 = arith.constant 1.000000e+00 : f32
      %add3A_846 = vector.broadcast %add3A_845 : f32 to vector<16xf32>
      %add3A_847 = arith.addf %convert_element_type3A_839, %add3A_846 : vector<16xf32>
      %sub3A_848 = arith.subf %add3A_847, %mul3A_823 : vector<16xf32>
      %sub3A_849 = arith.subf %mul3A_823, %convert_element_type3A_839 : vector<16xf32>
      %ge3A_850 = arith.constant 0 : i32
      %ge3A_851 = vector.broadcast %ge3A_850 : i32 to vector<16xi32>
      %ge3A_852 = arith.cmpi sge, %select_n3A_831, %ge3A_851 : vector<16xi32>
      %jit3A_853 = arith.constant 1.000000e+00 : f32
      %jit3A_854 = arith.constant 0.000000e+00 : f32
      %broadcast_in_dim3A_855 = vector.broadcast %jit3A_853 : f32 to vector<16xf32>
      %broadcast_in_dim3A_856 = vector.broadcast %jit3A_854 : f32 to vector<16xf32>
      %select_n3A_857 = arith.select %ge3A_852, %broadcast_in_dim3A_855, %broadcast_in_dim3A_856 : vector<16xi1>, vector<16xf32>
      %ge3A_858 = arith.constant 0 : i32
      %ge3A_859 = vector.broadcast %ge3A_858 : i32 to vector<16xi32>
      %ge3A_860 = arith.cmpi sge, %select_n3A_837, %ge3A_859 : vector<16xi32>
      %jit3A_861 = arith.constant 1.000000e+00 : f32
      %jit3A_862 = arith.constant 0.000000e+00 : f32
      %broadcast_in_dim3A_863 = vector.broadcast %jit3A_861 : f32 to vector<16xf32>
      %broadcast_in_dim3A_864 = vector.broadcast %jit3A_862 : f32 to vector<16xf32>
      %select_n3A_865 = arith.select %ge3A_860, %broadcast_in_dim3A_863, %broadcast_in_dim3A_864 : vector<16xi1>, vector<16xf32>
      %lt3A_866 = arith.constant 223 : i32
      %lt3A_867 = vector.broadcast %lt3A_866 : i32 to vector<16xi32>
      %lt3A_868 = arith.cmpi slt, %select_n3A_831, %lt3A_867 : vector<16xi32>
      %jit3A_869 = arith.constant 1.000000e+00 : f32
      %jit3A_870 = arith.constant 0.000000e+00 : f32
      %broadcast_in_dim3A_871 = vector.broadcast %jit3A_869 : f32 to vector<16xf32>
      %broadcast_in_dim3A_872 = vector.broadcast %jit3A_870 : f32 to vector<16xf32>
      %select_n3A_873 = arith.select %lt3A_868, %broadcast_in_dim3A_871, %broadcast_in_dim3A_872 : vector<16xi1>, vector<16xf32>
      %lt3A_874 = arith.constant 223 : i32
      %lt3A_875 = vector.broadcast %lt3A_874 : i32 to vector<16xi32>
      %lt3A_876 = arith.cmpi slt, %select_n3A_837, %lt3A_875 : vector<16xi32>
      %jit3A_877 = arith.constant 1.000000e+00 : f32
      %jit3A_878 = arith.constant 0.000000e+00 : f32
      %broadcast_in_dim3A_879 = vector.broadcast %jit3A_877 : f32 to vector<16xf32>
      %broadcast_in_dim3A_880 = vector.broadcast %jit3A_878 : f32 to vector<16xf32>
      %select_n3A_881 = arith.select %lt3A_876, %broadcast_in_dim3A_879, %broadcast_in_dim3A_880 : vector<16xi1>, vector<16xf32>
      %max3A_882 = arith.constant 0 : i32
      %max3A_883 = vector.broadcast %max3A_882 : i32 to vector<16xi32>
      %max3A_884 = arith.maxsi %select_n3A_831, %max3A_883 : vector<16xi32>
      %max3A_885 = arith.constant 0 : i32
      %max3A_886 = vector.broadcast %max3A_885 : i32 to vector<16xi32>
      %max3A_887 = arith.maxsi %select_n3A_837, %max3A_886 : vector<16xi32>
      %add3A_888 = arith.constant 1 : i32
      %add3A_889 = vector.broadcast %add3A_888 : i32 to vector<16xi32>
      %add3A_890 = arith.addi %select_n3A_831, %add3A_889 : vector<16xi32>
      %min3A_891 = arith.constant 223 : i32
      %min3A_892 = vector.broadcast %min3A_891 : i32 to vector<16xi32>
      %min3A_893 = arith.minsi %add3A_890, %min3A_892 : vector<16xi32>
      %add3A_894 = arith.constant 1 : i32
      %add3A_895 = vector.broadcast %add3A_894 : i32 to vector<16xi32>
      %add3A_896 = arith.addi %select_n3A_837, %add3A_895 : vector<16xi32>
      %min3A_897 = arith.constant 223 : i32
      %min3A_898 = vector.broadcast %min3A_897 : i32 to vector<16xi32>
      %min3A_899 = arith.minsi %add3A_896, %min3A_898 : vector<16xi32>
      %mul3A_900 = arith.constant 224 : i32
      %mul3A_901 = vector.broadcast %mul3A_900 : i32 to vector<16xi32>
      %mul3A_902 = arith.muli %max3A_887, %mul3A_901 : vector<16xi32>
      %add3A_903 = vector.broadcast %mul3A_20 : i32 to vector<16xi32>
      %add3A_904 = arith.addi %add3A_903, %mul3A_902 : vector<16xi32>
      %mul3A_905 = arith.constant 224 : i32
      %mul3A_906 = vector.broadcast %mul3A_905 : i32 to vector<16xi32>
      %mul3A_907 = arith.muli %min3A_899, %mul3A_906 : vector<16xi32>
      %add3A_908 = vector.broadcast %mul3A_20 : i32 to vector<16xi32>
      %add3A_909 = arith.addi %add3A_908, %mul3A_907 : vector<16xi32>
      %add3A_910 = arith.addi %add3A_904, %max3A_884 : vector<16xi32>
      %swap3A_911 = arith.constant 16 : index
      %swap3A_912 = tpu.vector_load %arg20[%swap3A_911] {strides = array<i32>} : memref<64xi32, #tpu.memory_space<vmem>>, vector<16xi32>,
      tpu.vector_store %arg20[%swap3A_911], %add3A_910 {strides = array<i32>} : memref<64xi32, #tpu.memory_space<vmem>>, vector<16xi32>,
      %add3A_913 = arith.addi %add3A_904, %min3A_893 : vector<16xi32>
      %swap3A_914 = arith.constant 16 : index
      %swap3A_915 = tpu.vector_load %arg22[%swap3A_914] {strides = array<i32>} : memref<64xi32, #tpu.memory_space<vmem>>, vector<16xi32>,
      tpu.vector_store %arg22[%swap3A_914], %add3A_913 {strides = array<i32>} : memref<64xi32, #tpu.memory_space<vmem>>, vector<16xi32>,
      %add3A_916 = arith.addi %add3A_909, %max3A_884 : vector<16xi32>
      %swap3A_917 = arith.constant 16 : index
      %swap3A_918 = tpu.vector_load %arg21[%swap3A_917] {strides = array<i32>} : memref<64xi32, #tpu.memory_space<vmem>>, vector<16xi32>,
      tpu.vector_store %arg21[%swap3A_917], %add3A_916 {strides = array<i32>} : memref<64xi32, #tpu.memory_space<vmem>>, vector<16xi32>,
      %add3A_919 = arith.addi %add3A_909, %min3A_893 : vector<16xi32>
      %swap3A_920 = arith.constant 16 : index
      %swap3A_921 = tpu.vector_load %arg23[%swap3A_920] {strides = array<i32>} : memref<64xi32, #tpu.memory_space<vmem>>, vector<16xi32>,
      tpu.vector_store %arg23[%swap3A_920], %add3A_919 {strides = array<i32>} : memref<64xi32, #tpu.memory_space<vmem>>, vector<16xi32>,
      %mul3A_922 = arith.mulf %sub3A_843, %sub3A_848 : vector<16xf32>
      %mul3A_923 = arith.mulf %select_n3A_857, %select_n3A_865 : vector<16xf32>
      %mul3A_924 = arith.mulf %mul3A_922, %mul3A_923 : vector<16xf32>
      %swap3A_925 = arith.constant 16 : index
      %swap3A_926 = tpu.vector_load %arg24[%swap3A_925] {strides = array<i32>} : memref<64xf32, #tpu.memory_space<vmem>>, vector<16xf32>,
      tpu.vector_store %arg24[%swap3A_925], %mul3A_924 {strides = array<i32>} : memref<64xf32, #tpu.memory_space<vmem>>, vector<16xf32>,
      %mul3A_927 = arith.mulf %sub3A_843, %sub3A_849 : vector<16xf32>
      %mul3A_928 = arith.mulf %select_n3A_857, %select_n3A_881 : vector<16xf32>
      %mul3A_929 = arith.mulf %mul3A_927, %mul3A_928 : vector<16xf32>
      %swap3A_930 = arith.constant 16 : index
      %swap3A_931 = tpu.vector_load %arg25[%swap3A_930] {strides = array<i32>} : memref<64xf32, #tpu.memory_space<vmem>>, vector<16xf32>,
      tpu.vector_store %arg25[%swap3A_930], %mul3A_929 {strides = array<i32>} : memref<64xf32, #tpu.memory_space<vmem>>, vector<16xf32>,
      %mul3A_932 = arith.mulf %sub3A_844, %sub3A_848 : vector<16xf32>
      %mul3A_933 = arith.mulf %select_n3A_873, %select_n3A_865 : vector<16xf32>
      %mul3A_934 = arith.mulf %mul3A_932, %mul3A_933 : vector<16xf32>
      %swap3A_935 = arith.constant 16 : index
      %swap3A_936 = tpu.vector_load %arg26[%swap3A_935] {strides = array<i32>} : memref<64xf32, #tpu.memory_space<vmem>>, vector<16xf32>,
      tpu.vector_store %arg26[%swap3A_935], %mul3A_934 {strides = array<i32>} : memref<64xf32, #tpu.memory_space<vmem>>, vector<16xf32>,
      %mul3A_937 = arith.mulf %sub3A_844, %sub3A_849 : vector<16xf32>
      %mul3A_938 = arith.mulf %select_n3A_873, %select_n3A_881 : vector<16xf32>
      %mul3A_939 = arith.mulf %mul3A_937, %mul3A_938 : vector<16xf32>
      %swap3A_940 = arith.constant 16 : index
      %swap3A_941 = tpu.vector_load %arg27[%swap3A_940] {strides = array<i32>} : memref<64xf32, #tpu.memory_space<vmem>>, vector<16xf32>,
      tpu.vector_store %arg27[%swap3A_940], %mul3A_939 {strides = array<i32>} : memref<64xf32, #tpu.memory_space<vmem>>, vector<16xf32>,
      %add3A_942 = arith.constant 32 : i32
      %add3A_943 = arith.addi %mul3A_641, %add3A_942 : i32
      %get3A_944 = arith.index_cast %add3A_943 : i32 to index
      %get3A_945 = tpu.vector_load %arg6[%get3A_944] {strides = array<i32>} : memref<12544xf32, #tpu.memory_space<vmem>>, vector<16xf32>,
      %add3A_946 = arith.constant 32 : i32
      %add3A_947 = arith.addi %mul3A_641, %add3A_946 : i32
      %get3A_948 = arith.index_cast %add3A_947 : i32 to index
      %get3A_949 = tpu.vector_load %arg7[%get3A_948] {strides = array<i32>} : memref<12544xf32, #tpu.memory_space<vmem>>, vector<16xf32>,
      %add3A_950 = arith.constant 1.000000e+00 : f32
      %add3A_951 = vector.broadcast %add3A_950 : f32 to vector<16xf32>
      %add3A_952 = arith.addf %get3A_945, %add3A_951 : vector<16xf32>
      %mul3A_953 = arith.constant 2.240000e+02 : f32
      %mul3A_954 = vector.broadcast %mul3A_953 : f32 to vector<16xf32>
      %mul3A_955 = arith.mulf %add3A_952, %mul3A_954 : vector<16xf32>
      %sub3A_956 = arith.constant 1.000000e+00 : f32
      %sub3A_957 = vector.broadcast %sub3A_956 : f32 to vector<16xf32>
      %sub3A_958 = arith.subf %mul3A_955, %sub3A_957 : vector<16xf32>
      %mul3A_959 = arith.constant 5.000000e-01 : f32
      %mul3A_960 = vector.broadcast %mul3A_959 : f32 to vector<16xf32>
      %mul3A_961 = arith.mulf %sub3A_958, %mul3A_960 : vector<16xf32>
      %add3A_962 = arith.constant 1.000000e+00 : f32
      %add3A_963 = vector.broadcast %add3A_962 : f32 to vector<16xf32>
      %add3A_964 = arith.addf %get3A_949, %add3A_963 : vector<16xf32>
      %mul3A_965 = arith.constant 2.240000e+02 : f32
      %mul3A_966 = vector.broadcast %mul3A_965 : f32 to vector<16xf32>
      %mul3A_967 = arith.mulf %add3A_964, %mul3A_966 : vector<16xf32>
      %sub3A_968 = arith.constant 1.000000e+00 : f32
      %sub3A_969 = vector.broadcast %sub3A_968 : f32 to vector<16xf32>
      %sub3A_970 = arith.subf %mul3A_967, %sub3A_969 : vector<16xf32>
      %mul3A_971 = arith.constant 5.000000e-01 : f32
      %mul3A_972 = vector.broadcast %mul3A_971 : f32 to vector<16xf32>
      %mul3A_973 = arith.mulf %sub3A_970, %mul3A_972 : vector<16xf32>
      %convert_element_type3A_974 = arith.fptosi %mul3A_961 : vector<16xf32> to vector<16xi32>
      %convert_element_type3A_975 = arith.fptosi %mul3A_973 : vector<16xf32> to vector<16xi32>
      %convert_element_type3A_976 = arith.sitofp %convert_element_type3A_974 : vector<16xi32> to vector<16xf32>
      %gt3A_977 = arith.cmpf ogt, %convert_element_type3A_976, %mul3A_961 : vector<16xf32>
      %sub3A_978 = arith.constant 1 : i32
      %sub3A_979 = vector.broadcast %sub3A_978 : i32 to vector<16xi32>
      %sub3A_980 = arith.subi %convert_element_type3A_974, %sub3A_979 : vector<16xi32>
      %select_n3A_981 = arith.select %gt3A_977, %sub3A_980, %convert_element_type3A_974 : vector<16xi1>, vector<16xi32>
      %convert_element_type3A_982 = arith.sitofp %convert_element_type3A_975 : vector<16xi32> to vector<16xf32>
      %gt3A_983 = arith.cmpf ogt, %convert_element_type3A_982, %mul3A_973 : vector<16xf32>
      %sub3A_984 = arith.constant 1 : i32
      %sub3A_985 = vector.broadcast %sub3A_984 : i32 to vector<16xi32>
      %sub3A_986 = arith.subi %convert_element_type3A_975, %sub3A_985 : vector<16xi32>
      %select_n3A_987 = arith.select %gt3A_983, %sub3A_986, %convert_element_type3A_975 : vector<16xi1>, vector<16xi32>
      %convert_element_type3A_988 = arith.sitofp %select_n3A_981 : vector<16xi32> to vector<16xf32>
      %convert_element_type3A_989 = arith.sitofp %select_n3A_987 : vector<16xi32> to vector<16xf32>
      %add3A_990 = arith.constant 1.000000e+00 : f32
      %add3A_991 = vector.broadcast %add3A_990 : f32 to vector<16xf32>
      %add3A_992 = arith.addf %convert_element_type3A_988, %add3A_991 : vector<16xf32>
      %sub3A_993 = arith.subf %add3A_992, %mul3A_961 : vector<16xf32>
      %sub3A_994 = arith.subf %mul3A_961, %convert_element_type3A_988 : vector<16xf32>
      %add3A_995 = arith.constant 1.000000e+00 : f32
      %add3A_996 = vector.broadcast %add3A_995 : f32 to vector<16xf32>
      %add3A_997 = arith.addf %convert_element_type3A_989, %add3A_996 : vector<16xf32>
      %sub3A_998 = arith.subf %add3A_997, %mul3A_973 : vector<16xf32>
      %sub3A_999 = arith.subf %mul3A_973, %convert_element_type3A_989 : vector<16xf32>
      %ge3A_1000 = arith.constant 0 : i32
      %ge3A_1001 = vector.broadcast %ge3A_1000 : i32 to vector<16xi32>
      %ge3A_1002 = arith.cmpi sge, %select_n3A_981, %ge3A_1001 : vector<16xi32>
      %jit3A_1003 = arith.constant 1.000000e+00 : f32
      %jit3A_1004 = arith.constant 0.000000e+00 : f32
      %broadcast_in_dim3A_1005 = vector.broadcast %jit3A_1003 : f32 to vector<16xf32>
      %broadcast_in_dim3A_1006 = vector.broadcast %jit3A_1004 : f32 to vector<16xf32>
      %select_n3A_1007 = arith.select %ge3A_1002, %broadcast_in_dim3A_1005, %broadcast_in_dim3A_1006 : vector<16xi1>, vector<16xf32>
      %ge3A_1008 = arith.constant 0 : i32
      %ge3A_1009 = vector.broadcast %ge3A_1008 : i32 to vector<16xi32>
      %ge3A_1010 = arith.cmpi sge, %select_n3A_987, %ge3A_1009 : vector<16xi32>
      %jit3A_1011 = arith.constant 1.000000e+00 : f32
      %jit3A_1012 = arith.constant 0.000000e+00 : f32
      %broadcast_in_dim3A_1013 = vector.broadcast %jit3A_1011 : f32 to vector<16xf32>
      %broadcast_in_dim3A_1014 = vector.broadcast %jit3A_1012 : f32 to vector<16xf32>
      %select_n3A_1015 = arith.select %ge3A_1010, %broadcast_in_dim3A_1013, %broadcast_in_dim3A_1014 : vector<16xi1>, vector<16xf32>
      %lt3A_1016 = arith.constant 223 : i32
      %lt3A_1017 = vector.broadcast %lt3A_1016 : i32 to vector<16xi32>
      %lt3A_1018 = arith.cmpi slt, %select_n3A_981, %lt3A_1017 : vector<16xi32>
      %jit3A_1019 = arith.constant 1.000000e+00 : f32
      %jit3A_1020 = arith.constant 0.000000e+00 : f32
      %broadcast_in_dim3A_1021 = vector.broadcast %jit3A_1019 : f32 to vector<16xf32>
      %broadcast_in_dim3A_1022 = vector.broadcast %jit3A_1020 : f32 to vector<16xf32>
      %select_n3A_1023 = arith.select %lt3A_1018, %broadcast_in_dim3A_1021, %broadcast_in_dim3A_1022 : vector<16xi1>, vector<16xf32>
      %lt3A_1024 = arith.constant 223 : i32
      %lt3A_1025 = vector.broadcast %lt3A_1024 : i32 to vector<16xi32>
      %lt3A_1026 = arith.cmpi slt, %select_n3A_987, %lt3A_1025 : vector<16xi32>
      %jit3A_1027 = arith.constant 1.000000e+00 : f32
      %jit3A_1028 = arith.constant 0.000000e+00 : f32
      %broadcast_in_dim3A_1029 = vector.broadcast %jit3A_1027 : f32 to vector<16xf32>
      %broadcast_in_dim3A_1030 = vector.broadcast %jit3A_1028 : f32 to vector<16xf32>
      %select_n3A_1031 = arith.select %lt3A_1026, %broadcast_in_dim3A_1029, %broadcast_in_dim3A_1030 : vector<16xi1>, vector<16xf32>
      %max3A_1032 = arith.constant 0 : i32
      %max3A_1033 = vector.broadcast %max3A_1032 : i32 to vector<16xi32>
      %max3A_1034 = arith.maxsi %select_n3A_981, %max3A_1033 : vector<16xi32>
      %max3A_1035 = arith.constant 0 : i32
      %max3A_1036 = vector.broadcast %max3A_1035 : i32 to vector<16xi32>
      %max3A_1037 = arith.maxsi %select_n3A_987, %max3A_1036 : vector<16xi32>
      %add3A_1038 = arith.constant 1 : i32
      %add3A_1039 = vector.broadcast %add3A_1038 : i32 to vector<16xi32>
      %add3A_1040 = arith.addi %select_n3A_981, %add3A_1039 : vector<16xi32>
      %min3A_1041 = arith.constant 223 : i32
      %min3A_1042 = vector.broadcast %min3A_1041 : i32 to vector<16xi32>
      %min3A_1043 = arith.minsi %add3A_1040, %min3A_1042 : vector<16xi32>
      %add3A_1044 = arith.constant 1 : i32
      %add3A_1045 = vector.broadcast %add3A_1044 : i32 to vector<16xi32>
      %add3A_1046 = arith.addi %select_n3A_987, %add3A_1045 : vector<16xi32>
      %min3A_1047 = arith.constant 223 : i32
      %min3A_1048 = vector.broadcast %min3A_1047 : i32 to vector<16xi32>
      %min3A_1049 = arith.minsi %add3A_1046, %min3A_1048 : vector<16xi32>
      %mul3A_1050 = arith.constant 224 : i32
      %mul3A_1051 = vector.broadcast %mul3A_1050 : i32 to vector<16xi32>
      %mul3A_1052 = arith.muli %max3A_1037, %mul3A_1051 : vector<16xi32>
      %add3A_1053 = vector.broadcast %mul3A_20 : i32 to vector<16xi32>
      %add3A_1054 = arith.addi %add3A_1053, %mul3A_1052 : vector<16xi32>
      %mul3A_1055 = arith.constant 224 : i32
      %mul3A_1056 = vector.broadcast %mul3A_1055 : i32 to vector<16xi32>
      %mul3A_1057 = arith.muli %min3A_1049, %mul3A_1056 : vector<16xi32>
      %add3A_1058 = vector.broadcast %mul3A_20 : i32 to vector<16xi32>
      %add3A_1059 = arith.addi %add3A_1058, %mul3A_1057 : vector<16xi32>
      %add3A_1060 = arith.addi %add3A_1054, %max3A_1034 : vector<16xi32>
      %swap3A_1061 = arith.constant 32 : index
      %swap3A_1062 = tpu.vector_load %arg20[%swap3A_1061] {strides = array<i32>} : memref<64xi32, #tpu.memory_space<vmem>>, vector<16xi32>,
      tpu.vector_store %arg20[%swap3A_1061], %add3A_1060 {strides = array<i32>} : memref<64xi32, #tpu.memory_space<vmem>>, vector<16xi32>,
      %add3A_1063 = arith.addi %add3A_1054, %min3A_1043 : vector<16xi32>
      %swap3A_1064 = arith.constant 32 : index
      %swap3A_1065 = tpu.vector_load %arg22[%swap3A_1064] {strides = array<i32>} : memref<64xi32, #tpu.memory_space<vmem>>, vector<16xi32>,
      tpu.vector_store %arg22[%swap3A_1064], %add3A_1063 {strides = array<i32>} : memref<64xi32, #tpu.memory_space<vmem>>, vector<16xi32>,
      %add3A_1066 = arith.addi %add3A_1059, %max3A_1034 : vector<16xi32>
      %swap3A_1067 = arith.constant 32 : index
      %swap3A_1068 = tpu.vector_load %arg21[%swap3A_1067] {strides = array<i32>} : memref<64xi32, #tpu.memory_space<vmem>>, vector<16xi32>,
      tpu.vector_store %arg21[%swap3A_1067], %add3A_1066 {strides = array<i32>} : memref<64xi32, #tpu.memory_space<vmem>>, vector<16xi32>,
      %add3A_1069 = arith.addi %add3A_1059, %min3A_1043 : vector<16xi32>
      %swap3A_1070 = arith.constant 32 : index
      %swap3A_1071 = tpu.vector_load %arg23[%swap3A_1070] {strides = array<i32>} : memref<64xi32, #tpu.memory_space<vmem>>, vector<16xi32>,
      tpu.vector_store %arg23[%swap3A_1070], %add3A_1069 {strides = array<i32>} : memref<64xi32, #tpu.memory_space<vmem>>, vector<16xi32>,
      %mul3A_1072 = arith.mulf %sub3A_993, %sub3A_998 : vector<16xf32>
      %mul3A_1073 = arith.mulf %select_n3A_1007, %select_n3A_1015 : vector<16xf32>
      %mul3A_1074 = arith.mulf %mul3A_1072, %mul3A_1073 : vector<16xf32>
      %swap3A_1075 = arith.constant 32 : index
      %swap3A_1076 = tpu.vector_load %arg24[%swap3A_1075] {strides = array<i32>} : memref<64xf32, #tpu.memory_space<vmem>>, vector<16xf32>,
      tpu.vector_store %arg24[%swap3A_1075], %mul3A_1074 {strides = array<i32>} : memref<64xf32, #tpu.memory_space<vmem>>, vector<16xf32>,
      %mul3A_1077 = arith.mulf %sub3A_993, %sub3A_999 : vector<16xf32>
      %mul3A_1078 = arith.mulf %select_n3A_1007, %select_n3A_1031 : vector<16xf32>
      %mul3A_1079 = arith.mulf %mul3A_1077, %mul3A_1078 : vector<16xf32>
      %swap3A_1080 = arith.constant 32 : index
      %swap3A_1081 = tpu.vector_load %arg25[%swap3A_1080] {strides = array<i32>} : memref<64xf32, #tpu.memory_space<vmem>>, vector<16xf32>,
      tpu.vector_store %arg25[%swap3A_1080], %mul3A_1079 {strides = array<i32>} : memref<64xf32, #tpu.memory_space<vmem>>, vector<16xf32>,
      %mul3A_1082 = arith.mulf %sub3A_994, %sub3A_998 : vector<16xf32>
      %mul3A_1083 = arith.mulf %select_n3A_1023, %select_n3A_1015 : vector<16xf32>
      %mul3A_1084 = arith.mulf %mul3A_1082, %mul3A_1083 : vector<16xf32>
      %swap3A_1085 = arith.constant 32 : index
      %swap3A_1086 = tpu.vector_load %arg26[%swap3A_1085] {strides = array<i32>} : memref<64xf32, #tpu.memory_space<vmem>>, vector<16xf32>,
      tpu.vector_store %arg26[%swap3A_1085], %mul3A_1084 {strides = array<i32>} : memref<64xf32, #tpu.memory_space<vmem>>, vector<16xf32>,
      %mul3A_1087 = arith.mulf %sub3A_994, %sub3A_999 : vector<16xf32>
      %mul3A_1088 = arith.mulf %select_n3A_1023, %select_n3A_1031 : vector<16xf32>
      %mul3A_1089 = arith.mulf %mul3A_1087, %mul3A_1088 : vector<16xf32>
      %swap3A_1090 = arith.constant 32 : index
      %swap3A_1091 = tpu.vector_load %arg27[%swap3A_1090] {strides = array<i32>} : memref<64xf32, #tpu.memory_space<vmem>>, vector<16xf32>,
      tpu.vector_store %arg27[%swap3A_1090], %mul3A_1089 {strides = array<i32>} : memref<64xf32, #tpu.memory_space<vmem>>, vector<16xf32>,
      %add3A_1092 = arith.constant 48 : i32
      %add3A_1093 = arith.addi %mul3A_641, %add3A_1092 : i32
      %get3A_1094 = arith.index_cast %add3A_1093 : i32 to index
      %get3A_1095 = tpu.vector_load %arg6[%get3A_1094] {strides = array<i32>} : memref<12544xf32, #tpu.memory_space<vmem>>, vector<16xf32>,
      %add3A_1096 = arith.constant 48 : i32
      %add3A_1097 = arith.addi %mul3A_641, %add3A_1096 : i32
      %get3A_1098 = arith.index_cast %add3A_1097 : i32 to index
      %get3A_1099 = tpu.vector_load %arg7[%get3A_1098] {strides = array<i32>} : memref<12544xf32, #tpu.memory_space<vmem>>, vector<16xf32>,
      %add3A_1100 = arith.constant 1.000000e+00 : f32
      %add3A_1101 = vector.broadcast %add3A_1100 : f32 to vector<16xf32>
      %add3A_1102 = arith.addf %get3A_1095, %add3A_1101 : vector<16xf32>
      %mul3A_1103 = arith.constant 2.240000e+02 : f32
      %mul3A_1104 = vector.broadcast %mul3A_1103 : f32 to vector<16xf32>
      %mul3A_1105 = arith.mulf %add3A_1102, %mul3A_1104 : vector<16xf32>
      %sub3A_1106 = arith.constant 1.000000e+00 : f32
      %sub3A_1107 = vector.broadcast %sub3A_1106 : f32 to vector<16xf32>
      %sub3A_1108 = arith.subf %mul3A_1105, %sub3A_1107 : vector<16xf32>
      %mul3A_1109 = arith.constant 5.000000e-01 : f32
      %mul3A_1110 = vector.broadcast %mul3A_1109 : f32 to vector<16xf32>
      %mul3A_1111 = arith.mulf %sub3A_1108, %mul3A_1110 : vector<16xf32>
      %add3A_1112 = arith.constant 1.000000e+00 : f32
      %add3A_1113 = vector.broadcast %add3A_1112 : f32 to vector<16xf32>
      %add3A_1114 = arith.addf %get3A_1099, %add3A_1113 : vector<16xf32>
      %mul3A_1115 = arith.constant 2.240000e+02 : f32
      %mul3A_1116 = vector.broadcast %mul3A_1115 : f32 to vector<16xf32>
      %mul3A_1117 = arith.mulf %add3A_1114, %mul3A_1116 : vector<16xf32>
      %sub3A_1118 = arith.constant 1.000000e+00 : f32
      %sub3A_1119 = vector.broadcast %sub3A_1118 : f32 to vector<16xf32>
      %sub3A_1120 = arith.subf %mul3A_1117, %sub3A_1119 : vector<16xf32>
      %mul3A_1121 = arith.constant 5.000000e-01 : f32
      %mul3A_1122 = vector.broadcast %mul3A_1121 : f32 to vector<16xf32>
      %mul3A_1123 = arith.mulf %sub3A_1120, %mul3A_1122 : vector<16xf32>
      %convert_element_type3A_1124 = arith.fptosi %mul3A_1111 : vector<16xf32> to vector<16xi32>
      %convert_element_type3A_1125 = arith.fptosi %mul3A_1123 : vector<16xf32> to vector<16xi32>
      %convert_element_type3A_1126 = arith.sitofp %convert_element_type3A_1124 : vector<16xi32> to vector<16xf32>
      %gt3A_1127 = arith.cmpf ogt, %convert_element_type3A_1126, %mul3A_1111 : vector<16xf32>
      %sub3A_1128 = arith.constant 1 : i32
      %sub3A_1129 = vector.broadcast %sub3A_1128 : i32 to vector<16xi32>
      %sub3A_1130 = arith.subi %convert_element_type3A_1124, %sub3A_1129 : vector<16xi32>
      %select_n3A_1131 = arith.select %gt3A_1127, %sub3A_1130, %convert_element_type3A_1124 : vector<16xi1>, vector<16xi32>
      %convert_element_type3A_1132 = arith.sitofp %convert_element_type3A_1125 : vector<16xi32> to vector<16xf32>
      %gt3A_1133 = arith.cmpf ogt, %convert_element_type3A_1132, %mul3A_1123 : vector<16xf32>
      %sub3A_1134 = arith.constant 1 : i32
      %sub3A_1135 = vector.broadcast %sub3A_1134 : i32 to vector<16xi32>
      %sub3A_1136 = arith.subi %convert_element_type3A_1125, %sub3A_1135 : vector<16xi32>
      %select_n3A_1137 = arith.select %gt3A_1133, %sub3A_1136, %convert_element_type3A_1125 : vector<16xi1>, vector<16xi32>
      %convert_element_type3A_1138 = arith.sitofp %select_n3A_1131 : vector<16xi32> to vector<16xf32>
      %convert_element_type3A_1139 = arith.sitofp %select_n3A_1137 : vector<16xi32> to vector<16xf32>
      %add3A_1140 = arith.constant 1.000000e+00 : f32
      %add3A_1141 = vector.broadcast %add3A_1140 : f32 to vector<16xf32>
      %add3A_1142 = arith.addf %convert_element_type3A_1138, %add3A_1141 : vector<16xf32>
      %sub3A_1143 = arith.subf %add3A_1142, %mul3A_1111 : vector<16xf32>
      %sub3A_1144 = arith.subf %mul3A_1111, %convert_element_type3A_1138 : vector<16xf32>
      %add3A_1145 = arith.constant 1.000000e+00 : f32
      %add3A_1146 = vector.broadcast %add3A_1145 : f32 to vector<16xf32>
      %add3A_1147 = arith.addf %convert_element_type3A_1139, %add3A_1146 : vector<16xf32>
      %sub3A_1148 = arith.subf %add3A_1147, %mul3A_1123 : vector<16xf32>
      %sub3A_1149 = arith.subf %mul3A_1123, %convert_element_type3A_1139 : vector<16xf32>
      %ge3A_1150 = arith.constant 0 : i32
      %ge3A_1151 = vector.broadcast %ge3A_1150 : i32 to vector<16xi32>
      %ge3A_1152 = arith.cmpi sge, %select_n3A_1131, %ge3A_1151 : vector<16xi32>
      %jit3A_1153 = arith.constant 1.000000e+00 : f32
      %jit3A_1154 = arith.constant 0.000000e+00 : f32
      %broadcast_in_dim3A_1155 = vector.broadcast %jit3A_1153 : f32 to vector<16xf32>
      %broadcast_in_dim3A_1156 = vector.broadcast %jit3A_1154 : f32 to vector<16xf32>
      %select_n3A_1157 = arith.select %ge3A_1152, %broadcast_in_dim3A_1155, %broadcast_in_dim3A_1156 : vector<16xi1>, vector<16xf32>
      %ge3A_1158 = arith.constant 0 : i32
      %ge3A_1159 = vector.broadcast %ge3A_1158 : i32 to vector<16xi32>
      %ge3A_1160 = arith.cmpi sge, %select_n3A_1137, %ge3A_1159 : vector<16xi32>
      %jit3A_1161 = arith.constant 1.000000e+00 : f32
      %jit3A_1162 = arith.constant 0.000000e+00 : f32
      %broadcast_in_dim3A_1163 = vector.broadcast %jit3A_1161 : f32 to vector<16xf32>
      %broadcast_in_dim3A_1164 = vector.broadcast %jit3A_1162 : f32 to vector<16xf32>
      %select_n3A_1165 = arith.select %ge3A_1160, %broadcast_in_dim3A_1163, %broadcast_in_dim3A_1164 : vector<16xi1>, vector<16xf32>
      %lt3A_1166 = arith.constant 223 : i32
      %lt3A_1167 = vector.broadcast %lt3A_1166 : i32 to vector<16xi32>
      %lt3A_1168 = arith.cmpi slt, %select_n3A_1131, %lt3A_1167 : vector<16xi32>
      %jit3A_1169 = arith.constant 1.000000e+00 : f32
      %jit3A_1170 = arith.constant 0.000000e+00 : f32
      %broadcast_in_dim3A_1171 = vector.broadcast %jit3A_1169 : f32 to vector<16xf32>
      %broadcast_in_dim3A_1172 = vector.broadcast %jit3A_1170 : f32 to vector<16xf32>
      %select_n3A_1173 = arith.select %lt3A_1168, %broadcast_in_dim3A_1171, %broadcast_in_dim3A_1172 : vector<16xi1>, vector<16xf32>
      %lt3A_1174 = arith.constant 223 : i32
      %lt3A_1175 = vector.broadcast %lt3A_1174 : i32 to vector<16xi32>
      %lt3A_1176 = arith.cmpi slt, %select_n3A_1137, %lt3A_1175 : vector<16xi32>
      %jit3A_1177 = arith.constant 1.000000e+00 : f32
      %jit3A_1178 = arith.constant 0.000000e+00 : f32
      %broadcast_in_dim3A_1179 = vector.broadcast %jit3A_1177 : f32 to vector<16xf32>
      %broadcast_in_dim3A_1180 = vector.broadcast %jit3A_1178 : f32 to vector<16xf32>
      %select_n3A_1181 = arith.select %lt3A_1176, %broadcast_in_dim3A_1179, %broadcast_in_dim3A_1180 : vector<16xi1>, vector<16xf32>
      %max3A_1182 = arith.constant 0 : i32
      %max3A_1183 = vector.broadcast %max3A_1182 : i32 to vector<16xi32>
      %max3A_1184 = arith.maxsi %select_n3A_1131, %max3A_1183 : vector<16xi32>
      %max3A_1185 = arith.constant 0 : i32
      %max3A_1186 = vector.broadcast %max3A_1185 : i32 to vector<16xi32>
      %max3A_1187 = arith.maxsi %select_n3A_1137, %max3A_1186 : vector<16xi32>
      %add3A_1188 = arith.constant 1 : i32
      %add3A_1189 = vector.broadcast %add3A_1188 : i32 to vector<16xi32>
      %add3A_1190 = arith.addi %select_n3A_1131, %add3A_1189 : vector<16xi32>
      %min3A_1191 = arith.constant 223 : i32
      %min3A_1192 = vector.broadcast %min3A_1191 : i32 to vector<16xi32>
      %min3A_1193 = arith.minsi %add3A_1190, %min3A_1192 : vector<16xi32>
      %add3A_1194 = arith.constant 1 : i32
      %add3A_1195 = vector.broadcast %add3A_1194 : i32 to vector<16xi32>
      %add3A_1196 = arith.addi %select_n3A_1137, %add3A_1195 : vector<16xi32>
      %min3A_1197 = arith.constant 223 : i32
      %min3A_1198 = vector.broadcast %min3A_1197 : i32 to vector<16xi32>
      %min3A_1199 = arith.minsi %add3A_1196, %min3A_1198 : vector<16xi32>
      %mul3A_1200 = arith.constant 224 : i32
      %mul3A_1201 = vector.broadcast %mul3A_1200 : i32 to vector<16xi32>
      %mul3A_1202 = arith.muli %max3A_1187, %mul3A_1201 : vector<16xi32>
      %add3A_1203 = vector.broadcast %mul3A_20 : i32 to vector<16xi32>
      %add3A_1204 = arith.addi %add3A_1203, %mul3A_1202 : vector<16xi32>
      %mul3A_1205 = arith.constant 224 : i32
      %mul3A_1206 = vector.broadcast %mul3A_1205 : i32 to vector<16xi32>
      %mul3A_1207 = arith.muli %min3A_1199, %mul3A_1206 : vector<16xi32>
      %add3A_1208 = vector.broadcast %mul3A_20 : i32 to vector<16xi32>
      %add3A_1209 = arith.addi %add3A_1208, %mul3A_1207 : vector<16xi32>
      %add3A_1210 = arith.addi %add3A_1204, %max3A_1184 : vector<16xi32>
      %swap3A_1211 = arith.constant 48 : index
      %swap3A_1212 = tpu.vector_load %arg20[%swap3A_1211] {strides = array<i32>} : memref<64xi32, #tpu.memory_space<vmem>>, vector<16xi32>,
      tpu.vector_store %arg20[%swap3A_1211], %add3A_1210 {strides = array<i32>} : memref<64xi32, #tpu.memory_space<vmem>>, vector<16xi32>,
      %add3A_1213 = arith.addi %add3A_1204, %min3A_1193 : vector<16xi32>
      %swap3A_1214 = arith.constant 48 : index
      %swap3A_1215 = tpu.vector_load %arg22[%swap3A_1214] {strides = array<i32>} : memref<64xi32, #tpu.memory_space<vmem>>, vector<16xi32>,
      tpu.vector_store %arg22[%swap3A_1214], %add3A_1213 {strides = array<i32>} : memref<64xi32, #tpu.memory_space<vmem>>, vector<16xi32>,
      %add3A_1216 = arith.addi %add3A_1209, %max3A_1184 : vector<16xi32>
      %swap3A_1217 = arith.constant 48 : index
      %swap3A_1218 = tpu.vector_load %arg21[%swap3A_1217] {strides = array<i32>} : memref<64xi32, #tpu.memory_space<vmem>>, vector<16xi32>,
      tpu.vector_store %arg21[%swap3A_1217], %add3A_1216 {strides = array<i32>} : memref<64xi32, #tpu.memory_space<vmem>>, vector<16xi32>,
      %add3A_1219 = arith.addi %add3A_1209, %min3A_1193 : vector<16xi32>
      %swap3A_1220 = arith.constant 48 : index
      %swap3A_1221 = tpu.vector_load %arg23[%swap3A_1220] {strides = array<i32>} : memref<64xi32, #tpu.memory_space<vmem>>, vector<16xi32>,
      tpu.vector_store %arg23[%swap3A_1220], %add3A_1219 {strides = array<i32>} : memref<64xi32, #tpu.memory_space<vmem>>, vector<16xi32>,
      %mul3A_1222 = arith.mulf %sub3A_1143, %sub3A_1148 : vector<16xf32>
      %mul3A_1223 = arith.mulf %select_n3A_1157, %select_n3A_1165 : vector<16xf32>
      %mul3A_1224 = arith.mulf %mul3A_1222, %mul3A_1223 : vector<16xf32>
      %swap3A_1225 = arith.constant 48 : index
      %swap3A_1226 = tpu.vector_load %arg24[%swap3A_1225] {strides = array<i32>} : memref<64xf32, #tpu.memory_space<vmem>>, vector<16xf32>,
      tpu.vector_store %arg24[%swap3A_1225], %mul3A_1224 {strides = array<i32>} : memref<64xf32, #tpu.memory_space<vmem>>, vector<16xf32>,
      %mul3A_1227 = arith.mulf %sub3A_1143, %sub3A_1149 : vector<16xf32>
      %mul3A_1228 = arith.mulf %select_n3A_1157, %select_n3A_1181 : vector<16xf32>
      %mul3A_1229 = arith.mulf %mul3A_1227, %mul3A_1228 : vector<16xf32>
      %swap3A_1230 = arith.constant 48 : index
      %swap3A_1231 = tpu.vector_load %arg25[%swap3A_1230] {strides = array<i32>} : memref<64xf32, #tpu.memory_space<vmem>>, vector<16xf32>,
      tpu.vector_store %arg25[%swap3A_1230], %mul3A_1229 {strides = array<i32>} : memref<64xf32, #tpu.memory_space<vmem>>, vector<16xf32>,
      %mul3A_1232 = arith.mulf %sub3A_1144, %sub3A_1148 : vector<16xf32>
      %mul3A_1233 = arith.mulf %select_n3A_1173, %select_n3A_1165 : vector<16xf32>
      %mul3A_1234 = arith.mulf %mul3A_1232, %mul3A_1233 : vector<16xf32>
      %swap3A_1235 = arith.constant 48 : index
      %swap3A_1236 = tpu.vector_load %arg26[%swap3A_1235] {strides = array<i32>} : memref<64xf32, #tpu.memory_space<vmem>>, vector<16xf32>,
      tpu.vector_store %arg26[%swap3A_1235], %mul3A_1234 {strides = array<i32>} : memref<64xf32, #tpu.memory_space<vmem>>, vector<16xf32>,
      %mul3A_1237 = arith.mulf %sub3A_1144, %sub3A_1149 : vector<16xf32>
      %mul3A_1238 = arith.mulf %select_n3A_1173, %select_n3A_1181 : vector<16xf32>
      %mul3A_1239 = arith.mulf %mul3A_1237, %mul3A_1238 : vector<16xf32>
      %swap3A_1240 = arith.constant 48 : index
      %swap3A_1241 = tpu.vector_load %arg27[%swap3A_1240] {strides = array<i32>} : memref<64xf32, #tpu.memory_space<vmem>>, vector<16xf32>,
      tpu.vector_store %arg27[%swap3A_1240], %mul3A_1239 {strides = array<i32>} : memref<64xf32, #tpu.memory_space<vmem>>, vector<16xf32>,
      %dma_start3A_1242 = arith.constant 0 : i32
      %dma_start3A_1243 = arith.constant 0 : i32
      %dma_start3A_1244 = tpu.memref_slice %arg2[%dma_start3A_1242, %dma_start3A_1243] : memref<401408x128xf32, #tpu.memory_space<hbm>> -> memref<401408x128xf32, #tpu.memory_space<hbm>>
      tpu.enqueue_indirect_dma source(%dma_start3A_1244 : memref<401408x128xf32, #tpu.memory_space<hbm>>) target(%arg28 : memref<64x128xf32, #tpu.memory_space<vmem>>) offsets(%arg20 : memref<64xi32, #tpu.memory_space<vmem>>) semaphore(%arg37 : memref<!tpu.dma_semaphore, #tpu.memory_space<semaphore_mem>>)
      %dma_start3A_1245 = arith.constant 0 : i32
      %dma_start3A_1246 = arith.constant 0 : i32
      %dma_start3A_1247 = tpu.memref_slice %arg2[%dma_start3A_1245, %dma_start3A_1246] : memref<401408x128xf32, #tpu.memory_space<hbm>> -> memref<401408x128xf32, #tpu.memory_space<hbm>>
      tpu.enqueue_indirect_dma source(%dma_start3A_1247 : memref<401408x128xf32, #tpu.memory_space<hbm>>) target(%arg29 : memref<64x128xf32, #tpu.memory_space<vmem>>) offsets(%arg21 : memref<64xi32, #tpu.memory_space<vmem>>) semaphore(%arg38 : memref<!tpu.dma_semaphore, #tpu.memory_space<semaphore_mem>>)
      %dma_start3A_1248 = arith.constant 0 : i32
      %dma_start3A_1249 = arith.constant 0 : i32
      %dma_start3A_1250 = tpu.memref_slice %arg2[%dma_start3A_1248, %dma_start3A_1249] : memref<401408x128xf32, #tpu.memory_space<hbm>> -> memref<401408x128xf32, #tpu.memory_space<hbm>>
      tpu.enqueue_indirect_dma source(%dma_start3A_1250 : memref<401408x128xf32, #tpu.memory_space<hbm>>) target(%arg30 : memref<64x128xf32, #tpu.memory_space<vmem>>) offsets(%arg22 : memref<64xi32, #tpu.memory_space<vmem>>) semaphore(%arg39 : memref<!tpu.dma_semaphore, #tpu.memory_space<semaphore_mem>>)
      %dma_start3A_1251 = arith.constant 0 : i32
      %dma_start3A_1252 = arith.constant 0 : i32
      %dma_start3A_1253 = tpu.memref_slice %arg2[%dma_start3A_1251, %dma_start3A_1252] : memref<401408x128xf32, #tpu.memory_space<hbm>> -> memref<401408x128xf32, #tpu.memory_space<hbm>>
      tpu.enqueue_indirect_dma source(%dma_start3A_1253 : memref<401408x128xf32, #tpu.memory_space<hbm>>) target(%arg31 : memref<64x128xf32, #tpu.memory_space<vmem>>) offsets(%arg23 : memref<64xi32, #tpu.memory_space<vmem>>) semaphore(%arg40 : memref<!tpu.dma_semaphore, #tpu.memory_space<semaphore_mem>>)
      %dma_wait3A_1254 = arith.constant 0 : i32
      %dma_wait3A_1255 = arith.constant 0 : i32
      %dma_wait3A_1256 = tpu.memref_slice %arg2[%dma_wait3A_1254, %dma_wait3A_1255] : memref<401408x128xf32, #tpu.memory_space<hbm>> -> memref<401408x128xf32, #tpu.memory_space<hbm>>
      tpu.wait_indirect_dma semaphore(%arg33 : memref<!tpu.dma_semaphore, #tpu.memory_space<semaphore_mem>>) src(%dma_wait3A_1256 : memref<401408x128xf32, #tpu.memory_space<hbm>>) dst(%arg16 : memref<64x128xf32, #tpu.memory_space<vmem>>)
      %dma_wait3A_1257 = arith.constant 0 : i32
      %dma_wait3A_1258 = arith.constant 0 : i32
      %dma_wait3A_1259 = tpu.memref_slice %arg2[%dma_wait3A_1257, %dma_wait3A_1258] : memref<401408x128xf32, #tpu.memory_space<hbm>> -> memref<401408x128xf32, #tpu.memory_space<hbm>>
      tpu.wait_indirect_dma semaphore(%arg34 : memref<!tpu.dma_semaphore, #tpu.memory_space<semaphore_mem>>) src(%dma_wait3A_1259 : memref<401408x128xf32, #tpu.memory_space<hbm>>) dst(%arg17 : memref<64x128xf32, #tpu.memory_space<vmem>>)
      %dma_wait3A_1260 = arith.constant 0 : i32
      %dma_wait3A_1261 = arith.constant 0 : i32
      %dma_wait3A_1262 = tpu.memref_slice %arg2[%dma_wait3A_1260, %dma_wait3A_1261] : memref<401408x128xf32, #tpu.memory_space<hbm>> -> memref<401408x128xf32, #tpu.memory_space<hbm>>
      tpu.wait_indirect_dma semaphore(%arg35 : memref<!tpu.dma_semaphore, #tpu.memory_space<semaphore_mem>>) src(%dma_wait3A_1262 : memref<401408x128xf32, #tpu.memory_space<hbm>>) dst(%arg18 : memref<64x128xf32, #tpu.memory_space<vmem>>)
      %dma_wait3A_1263 = arith.constant 0 : i32
      %dma_wait3A_1264 = arith.constant 0 : i32
      %dma_wait3A_1265 = tpu.memref_slice %arg2[%dma_wait3A_1263, %dma_wait3A_1264] : memref<401408x128xf32, #tpu.memory_space<hbm>> -> memref<401408x128xf32, #tpu.memory_space<hbm>>
      tpu.wait_indirect_dma semaphore(%arg36 : memref<!tpu.dma_semaphore, #tpu.memory_space<semaphore_mem>>) src(%dma_wait3A_1265 : memref<401408x128xf32, #tpu.memory_space<hbm>>) dst(%arg19 : memref<64x128xf32, #tpu.memory_space<vmem>>)
      %mul3A_1266 = arith.constant 128 : i32
      %mul3A_1267 = arith.muli %scan3A_635, %mul3A_1266 : i32
      %add3A_1268 = arith.addi %mul3A_2, %mul3A_1267 : i32
      %dma_wait3A_1269 = arith.constant 0 : i32
      %dma_wait3A_1270 = tpu.memref_slice %arg5[%add3A_1268, %dma_wait3A_1269] : memref<401408x128xf32, #tpu.memory_space<hbm>> -> memref<128x128xf32, #tpu.memory_space<hbm>>
      %dma_wait3A_1271 = arith.constant 0 : i32
      %dma_wait3A_1272 = tpu.memref_slice %arg5[%add3A_1268, %dma_wait3A_1271] : memref<401408x128xf32, #tpu.memory_space<hbm>> -> memref<128x128xf32, #tpu.memory_space<hbm>>
      tpu.wait_dma2 semaphore(%arg41 : memref<!tpu.dma_semaphore, #tpu.memory_space<semaphore_mem>>) src(%arg32 : memref<128x128xf32, #tpu.memory_space<vmem>>) dst(%dma_wait3A_1272 : memref<128x128xf32, #tpu.memory_space<hbm>>)
      %parallel_loop3A = arith.constant 0 : i32
      %parallel_loop3A_1273 = arith.constant 64 : i32
      %parallel_loop3A_1274 = arith.constant 1 : i32
      scf.for %parallel_loop3A_1915 = %parallel_loop3A to %parallel_loop3A_1273 step %parallel_loop3A_1274  : i32 {
        %parallel_loop3A_1916 = arith.constant 0 : i32
        %parallel_loop3A_1917 = vector.broadcast %parallel_loop3A_1916 : i32 to vector<16xi32>
        %parallel_loop3A_1918 = vector.broadcast %parallel_loop3A_1915 : i32 to vector<16xi32>
        %parallel_loop3A_1919 = arith.addi %parallel_loop3A_1917, %parallel_loop3A_1918 : vector<16xi32>
        %parallel_loop3A_1920 = tpu.vector_load_idx %arg12[%parallel_loop3A_1919] : memref<64xf32, #tpu.memory_space<vmem>>[vector<16xi32>], vector<16xf32>,
        %parallel_loop3A_1921 = tpu.vector_load_idx %arg13[%parallel_loop3A_1919] : memref<64xf32, #tpu.memory_space<vmem>>[vector<16xi32>], vector<16xf32>,
        %parallel_loop3A_1922 = tpu.vector_load_idx %arg14[%parallel_loop3A_1919] : memref<64xf32, #tpu.memory_space<vmem>>[vector<16xi32>], vector<16xf32>,
        %parallel_loop3A_1923 = tpu.vector_load_idx %arg15[%parallel_loop3A_1919] : memref<64xf32, #tpu.memory_space<vmem>>[vector<16xi32>], vector<16xf32>,
        %parallel_loop3A_1924 = arith.constant 0 : i32
        %parallel_loop3A_1925 = arith.addi %parallel_loop3A_1915, %parallel_loop3A_1924 : i32
        %parallel_loop3A_1926 = arith.index_cast %parallel_loop3A_1915 : i32 to index
        %parallel_loop3A_1927 = arith.constant 0 : index
        %parallel_loop3A_1928 = tpu.vector_load %arg16[%parallel_loop3A_1926, %parallel_loop3A_1927] {strides = array<i32>} : memref<64x128xf32, #tpu.memory_space<vmem>>, vector<16xf32>,
        %parallel_loop3A_1929 = arith.mulf %parallel_loop3A_1928, %parallel_loop3A_1920 : vector<16xf32>
        %parallel_loop3A_1930 = arith.index_cast %parallel_loop3A_1915 : i32 to index
        %parallel_loop3A_1931 = arith.constant 0 : index
        %parallel_loop3A_1932 = tpu.vector_load %arg17[%parallel_loop3A_1930, %parallel_loop3A_1931] {strides = array<i32>} : memref<64x128xf32, #tpu.memory_space<vmem>>, vector<16xf32>,
        %parallel_loop3A_1933 = arith.mulf %parallel_loop3A_1932, %parallel_loop3A_1921 : vector<16xf32>
        %parallel_loop3A_1934 = arith.addf %parallel_loop3A_1929, %parallel_loop3A_1933 : vector<16xf32>
        %parallel_loop3A_1935 = arith.index_cast %parallel_loop3A_1915 : i32 to index
        %parallel_loop3A_1936 = arith.constant 0 : index
        %parallel_loop3A_1937 = tpu.vector_load %arg18[%parallel_loop3A_1935, %parallel_loop3A_1936] {strides = array<i32>} : memref<64x128xf32, #tpu.memory_space<vmem>>, vector<16xf32>,
        %parallel_loop3A_1938 = arith.mulf %parallel_loop3A_1937, %parallel_loop3A_1922 : vector<16xf32>
        %parallel_loop3A_1939 = arith.index_cast %parallel_loop3A_1915 : i32 to index
        %parallel_loop3A_1940 = arith.constant 0 : index
        %parallel_loop3A_1941 = tpu.vector_load %arg19[%parallel_loop3A_1939, %parallel_loop3A_1940] {strides = array<i32>} : memref<64x128xf32, #tpu.memory_space<vmem>>, vector<16xf32>,
        %parallel_loop3A_1942 = arith.mulf %parallel_loop3A_1941, %parallel_loop3A_1923 : vector<16xf32>
        %parallel_loop3A_1943 = arith.addf %parallel_loop3A_1938, %parallel_loop3A_1942 : vector<16xf32>
        %parallel_loop3A_1944 = arith.addf %parallel_loop3A_1934, %parallel_loop3A_1943 : vector<16xf32>
        %parallel_loop3A_1945 = arith.index_cast %parallel_loop3A_1925 : i32 to index
        %parallel_loop3A_1946 = arith.constant 0 : index
        %parallel_loop3A_1947 = tpu.vector_load %arg32[%parallel_loop3A_1945, %parallel_loop3A_1946] {strides = array<i32>} : memref<128x128xf32, #tpu.memory_space<vmem>>, vector<16xf32>,
        tpu.vector_store %arg32[%parallel_loop3A_1945, %parallel_loop3A_1946], %parallel_loop3A_1944 {strides = array<i32>} : memref<128x128xf32, #tpu.memory_space<vmem>>, vector<16xf32>,
        %parallel_loop3A_1948 = arith.index_cast %parallel_loop3A_1915 : i32 to index
        %parallel_loop3A_1949 = arith.constant 16 : index
        %parallel_loop3A_1950 = tpu.vector_load %arg16[%parallel_loop3A_1948, %parallel_loop3A_1949] {strides = array<i32>} : memref<64x128xf32, #tpu.memory_space<vmem>>, vector<16xf32>,
        %parallel_loop3A_1951 = arith.mulf %parallel_loop3A_1950, %parallel_loop3A_1920 : vector<16xf32>
        %parallel_loop3A_1952 = arith.index_cast %parallel_loop3A_1915 : i32 to index
        %parallel_loop3A_1953 = arith.constant 16 : index
        %parallel_loop3A_1954 = tpu.vector_load %arg17[%parallel_loop3A_1952, %parallel_loop3A_1953] {strides = array<i32>} : memref<64x128xf32, #tpu.memory_space<vmem>>, vector<16xf32>,
        %parallel_loop3A_1955 = arith.mulf %parallel_loop3A_1954, %parallel_loop3A_1921 : vector<16xf32>
        %parallel_loop3A_1956 = arith.addf %parallel_loop3A_1951, %parallel_loop3A_1955 : vector<16xf32>
        %parallel_loop3A_1957 = arith.index_cast %parallel_loop3A_1915 : i32 to index
        %parallel_loop3A_1958 = arith.constant 16 : index
        %parallel_loop3A_1959 = tpu.vector_load %arg18[%parallel_loop3A_1957, %parallel_loop3A_1958] {strides = array<i32>} : memref<64x128xf32, #tpu.memory_space<vmem>>, vector<16xf32>,
        %parallel_loop3A_1960 = arith.mulf %parallel_loop3A_1959, %parallel_loop3A_1922 : vector<16xf32>
        %parallel_loop3A_1961 = arith.index_cast %parallel_loop3A_1915 : i32 to index
        %parallel_loop3A_1962 = arith.constant 16 : index
        %parallel_loop3A_1963 = tpu.vector_load %arg19[%parallel_loop3A_1961, %parallel_loop3A_1962] {strides = array<i32>} : memref<64x128xf32, #tpu.memory_space<vmem>>, vector<16xf32>,
        %parallel_loop3A_1964 = arith.mulf %parallel_loop3A_1963, %parallel_loop3A_1923 : vector<16xf32>
        %parallel_loop3A_1965 = arith.addf %parallel_loop3A_1960, %parallel_loop3A_1964 : vector<16xf32>
        %parallel_loop3A_1966 = arith.addf %parallel_loop3A_1956, %parallel_loop3A_1965 : vector<16xf32>
        %parallel_loop3A_1967 = arith.index_cast %parallel_loop3A_1925 : i32 to index
        %parallel_loop3A_1968 = arith.constant 16 : index
        %parallel_loop3A_1969 = tpu.vector_load %arg32[%parallel_loop3A_1967, %parallel_loop3A_1968] {strides = array<i32>} : memref<128x128xf32, #tpu.memory_space<vmem>>, vector<16xf32>,
        tpu.vector_store %arg32[%parallel_loop3A_1967, %parallel_loop3A_1968], %parallel_loop3A_1966 {strides = array<i32>} : memref<128x128xf32, #tpu.memory_space<vmem>>, vector<16xf32>,
        %parallel_loop3A_1970 = arith.index_cast %parallel_loop3A_1915 : i32 to index
        %parallel_loop3A_1971 = arith.constant 32 : index
        %parallel_loop3A_1972 = tpu.vector_load %arg16[%parallel_loop3A_1970, %parallel_loop3A_1971] {strides = array<i32>} : memref<64x128xf32, #tpu.memory_space<vmem>>, vector<16xf32>,
        %parallel_loop3A_1973 = arith.mulf %parallel_loop3A_1972, %parallel_loop3A_1920 : vector<16xf32>
        %parallel_loop3A_1974 = arith.index_cast %parallel_loop3A_1915 : i32 to index
        %parallel_loop3A_1975 = arith.constant 32 : index
        %parallel_loop3A_1976 = tpu.vector_load %arg17[%parallel_loop3A_1974, %parallel_loop3A_1975] {strides = array<i32>} : memref<64x128xf32, #tpu.memory_space<vmem>>, vector<16xf32>,
        %parallel_loop3A_1977 = arith.mulf %parallel_loop3A_1976, %parallel_loop3A_1921 : vector<16xf32>
        %parallel_loop3A_1978 = arith.addf %parallel_loop3A_1973, %parallel_loop3A_1977 : vector<16xf32>
        %parallel_loop3A_1979 = arith.index_cast %parallel_loop3A_1915 : i32 to index
        %parallel_loop3A_1980 = arith.constant 32 : index
        %parallel_loop3A_1981 = tpu.vector_load %arg18[%parallel_loop3A_1979, %parallel_loop3A_1980] {strides = array<i32>} : memref<64x128xf32, #tpu.memory_space<vmem>>, vector<16xf32>,
        %parallel_loop3A_1982 = arith.mulf %parallel_loop3A_1981, %parallel_loop3A_1922 : vector<16xf32>
        %parallel_loop3A_1983 = arith.index_cast %parallel_loop3A_1915 : i32 to index
        %parallel_loop3A_1984 = arith.constant 32 : index
        %parallel_loop3A_1985 = tpu.vector_load %arg19[%parallel_loop3A_1983, %parallel_loop3A_1984] {strides = array<i32>} : memref<64x128xf32, #tpu.memory_space<vmem>>, vector<16xf32>,
        %parallel_loop3A_1986 = arith.mulf %parallel_loop3A_1985, %parallel_loop3A_1923 : vector<16xf32>
        %parallel_loop3A_1987 = arith.addf %parallel_loop3A_1982, %parallel_loop3A_1986 : vector<16xf32>
        %parallel_loop3A_1988 = arith.addf %parallel_loop3A_1978, %parallel_loop3A_1987 : vector<16xf32>
        %parallel_loop3A_1989 = arith.index_cast %parallel_loop3A_1925 : i32 to index
        %parallel_loop3A_1990 = arith.constant 32 : index
        %parallel_loop3A_1991 = tpu.vector_load %arg32[%parallel_loop3A_1989, %parallel_loop3A_1990] {strides = array<i32>} : memref<128x128xf32, #tpu.memory_space<vmem>>, vector<16xf32>,
        tpu.vector_store %arg32[%parallel_loop3A_1989, %parallel_loop3A_1990], %parallel_loop3A_1988 {strides = array<i32>} : memref<128x128xf32, #tpu.memory_space<vmem>>, vector<16xf32>,
        %parallel_loop3A_1992 = arith.index_cast %parallel_loop3A_1915 : i32 to index
        %parallel_loop3A_1993 = arith.constant 48 : index
        %parallel_loop3A_1994 = tpu.vector_load %arg16[%parallel_loop3A_1992, %parallel_loop3A_1993] {strides = array<i32>} : memref<64x128xf32, #tpu.memory_space<vmem>>, vector<16xf32>,
        %parallel_loop3A_1995 = arith.mulf %parallel_loop3A_1994, %parallel_loop3A_1920 : vector<16xf32>
        %parallel_loop3A_1996 = arith.index_cast %parallel_loop3A_1915 : i32 to index
        %parallel_loop3A_1997 = arith.constant 48 : index
        %parallel_loop3A_1998 = tpu.vector_load %arg17[%parallel_loop3A_1996, %parallel_loop3A_1997] {strides = array<i32>} : memref<64x128xf32, #tpu.memory_space<vmem>>, vector<16xf32>,
        %parallel_loop3A_1999 = arith.mulf %parallel_loop3A_1998, %parallel_loop3A_1921 : vector<16xf32>
        %parallel_loop3A_2000 = arith.addf %parallel_loop3A_1995, %parallel_loop3A_1999 : vector<16xf32>
        %parallel_loop3A_2001 = arith.index_cast %parallel_loop3A_1915 : i32 to index
        %parallel_loop3A_2002 = arith.constant 48 : index
        %parallel_loop3A_2003 = tpu.vector_load %arg18[%parallel_loop3A_2001, %parallel_loop3A_2002] {strides = array<i32>} : memref<64x128xf32, #tpu.memory_space<vmem>>, vector<16xf32>,
        %parallel_loop3A_2004 = arith.mulf %parallel_loop3A_2003, %parallel_loop3A_1922 : vector<16xf32>
        %parallel_loop3A_2005 = arith.index_cast %parallel_loop3A_1915 : i32 to index
        %parallel_loop3A_2006 = arith.constant 48 : index
        %parallel_loop3A_2007 = tpu.vector_load %arg19[%parallel_loop3A_2005, %parallel_loop3A_2006] {strides = array<i32>} : memref<64x128xf32, #tpu.memory_space<vmem>>, vector<16xf32>,
        %parallel_loop3A_2008 = arith.mulf %parallel_loop3A_2007, %parallel_loop3A_1923 : vector<16xf32>
        %parallel_loop3A_2009 = arith.addf %parallel_loop3A_2004, %parallel_loop3A_2008 : vector<16xf32>
        %parallel_loop3A_2010 = arith.addf %parallel_loop3A_2000, %parallel_loop3A_2009 : vector<16xf32>
        %parallel_loop3A_2011 = arith.index_cast %parallel_loop3A_1925 : i32 to index
        %parallel_loop3A_2012 = arith.constant 48 : index
        %parallel_loop3A_2013 = tpu.vector_load %arg32[%parallel_loop3A_2011, %parallel_loop3A_2012] {strides = array<i32>} : memref<128x128xf32, #tpu.memory_space<vmem>>, vector<16xf32>,
        tpu.vector_store %arg32[%parallel_loop3A_2011, %parallel_loop3A_2012], %parallel_loop3A_2010 {strides = array<i32>} : memref<128x128xf32, #tpu.memory_space<vmem>>, vector<16xf32>,
        %parallel_loop3A_2014 = arith.index_cast %parallel_loop3A_1915 : i32 to index
        %parallel_loop3A_2015 = arith.constant 64 : index
        %parallel_loop3A_2016 = tpu.vector_load %arg16[%parallel_loop3A_2014, %parallel_loop3A_2015] {strides = array<i32>} : memref<64x128xf32, #tpu.memory_space<vmem>>, vector<16xf32>,
        %parallel_loop3A_2017 = arith.mulf %parallel_loop3A_2016, %parallel_loop3A_1920 : vector<16xf32>
        %parallel_loop3A_2018 = arith.index_cast %parallel_loop3A_1915 : i32 to index
        %parallel_loop3A_2019 = arith.constant 64 : index
        %parallel_loop3A_2020 = tpu.vector_load %arg17[%parallel_loop3A_2018, %parallel_loop3A_2019] {strides = array<i32>} : memref<64x128xf32, #tpu.memory_space<vmem>>, vector<16xf32>,
        %parallel_loop3A_2021 = arith.mulf %parallel_loop3A_2020, %parallel_loop3A_1921 : vector<16xf32>
        %parallel_loop3A_2022 = arith.addf %parallel_loop3A_2017, %parallel_loop3A_2021 : vector<16xf32>
        %parallel_loop3A_2023 = arith.index_cast %parallel_loop3A_1915 : i32 to index
        %parallel_loop3A_2024 = arith.constant 64 : index
        %parallel_loop3A_2025 = tpu.vector_load %arg18[%parallel_loop3A_2023, %parallel_loop3A_2024] {strides = array<i32>} : memref<64x128xf32, #tpu.memory_space<vmem>>, vector<16xf32>,
        %parallel_loop3A_2026 = arith.mulf %parallel_loop3A_2025, %parallel_loop3A_1922 : vector<16xf32>
        %parallel_loop3A_2027 = arith.index_cast %parallel_loop3A_1915 : i32 to index
        %parallel_loop3A_2028 = arith.constant 64 : index
        %parallel_loop3A_2029 = tpu.vector_load %arg19[%parallel_loop3A_2027, %parallel_loop3A_2028] {strides = array<i32>} : memref<64x128xf32, #tpu.memory_space<vmem>>, vector<16xf32>,
        %parallel_loop3A_2030 = arith.mulf %parallel_loop3A_2029, %parallel_loop3A_1923 : vector<16xf32>
        %parallel_loop3A_2031 = arith.addf %parallel_loop3A_2026, %parallel_loop3A_2030 : vector<16xf32>
        %parallel_loop3A_2032 = arith.addf %parallel_loop3A_2022, %parallel_loop3A_2031 : vector<16xf32>
        %parallel_loop3A_2033 = arith.index_cast %parallel_loop3A_1925 : i32 to index
        %parallel_loop3A_2034 = arith.constant 64 : index
        %parallel_loop3A_2035 = tpu.vector_load %arg32[%parallel_loop3A_2033, %parallel_loop3A_2034] {strides = array<i32>} : memref<128x128xf32, #tpu.memory_space<vmem>>, vector<16xf32>,
        tpu.vector_store %arg32[%parallel_loop3A_2033, %parallel_loop3A_2034], %parallel_loop3A_2032 {strides = array<i32>} : memref<128x128xf32, #tpu.memory_space<vmem>>, vector<16xf32>,
        %parallel_loop3A_2036 = arith.index_cast %parallel_loop3A_1915 : i32 to index
        %parallel_loop3A_2037 = arith.constant 80 : index
        %parallel_loop3A_2038 = tpu.vector_load %arg16[%parallel_loop3A_2036, %parallel_loop3A_2037] {strides = array<i32>} : memref<64x128xf32, #tpu.memory_space<vmem>>, vector<16xf32>,
        %parallel_loop3A_2039 = arith.mulf %parallel_loop3A_2038, %parallel_loop3A_1920 : vector<16xf32>
        %parallel_loop3A_2040 = arith.index_cast %parallel_loop3A_1915 : i32 to index
        %parallel_loop3A_2041 = arith.constant 80 : index
        %parallel_loop3A_2042 = tpu.vector_load %arg17[%parallel_loop3A_2040, %parallel_loop3A_2041] {strides = array<i32>} : memref<64x128xf32, #tpu.memory_space<vmem>>, vector<16xf32>,
        %parallel_loop3A_2043 = arith.mulf %parallel_loop3A_2042, %parallel_loop3A_1921 : vector<16xf32>
        %parallel_loop3A_2044 = arith.addf %parallel_loop3A_2039, %parallel_loop3A_2043 : vector<16xf32>
        %parallel_loop3A_2045 = arith.index_cast %parallel_loop3A_1915 : i32 to index
        %parallel_loop3A_2046 = arith.constant 80 : index
        %parallel_loop3A_2047 = tpu.vector_load %arg18[%parallel_loop3A_2045, %parallel_loop3A_2046] {strides = array<i32>} : memref<64x128xf32, #tpu.memory_space<vmem>>, vector<16xf32>,
        %parallel_loop3A_2048 = arith.mulf %parallel_loop3A_2047, %parallel_loop3A_1922 : vector<16xf32>
        %parallel_loop3A_2049 = arith.index_cast %parallel_loop3A_1915 : i32 to index
        %parallel_loop3A_2050 = arith.constant 80 : index
        %parallel_loop3A_2051 = tpu.vector_load %arg19[%parallel_loop3A_2049, %parallel_loop3A_2050] {strides = array<i32>} : memref<64x128xf32, #tpu.memory_space<vmem>>, vector<16xf32>,
        %parallel_loop3A_2052 = arith.mulf %parallel_loop3A_2051, %parallel_loop3A_1923 : vector<16xf32>
        %parallel_loop3A_2053 = arith.addf %parallel_loop3A_2048, %parallel_loop3A_2052 : vector<16xf32>
        %parallel_loop3A_2054 = arith.addf %parallel_loop3A_2044, %parallel_loop3A_2053 : vector<16xf32>
        %parallel_loop3A_2055 = arith.index_cast %parallel_loop3A_1925 : i32 to index
        %parallel_loop3A_2056 = arith.constant 80 : index
        %parallel_loop3A_2057 = tpu.vector_load %arg32[%parallel_loop3A_2055, %parallel_loop3A_2056] {strides = array<i32>} : memref<128x128xf32, #tpu.memory_space<vmem>>, vector<16xf32>,
        tpu.vector_store %arg32[%parallel_loop3A_2055, %parallel_loop3A_2056], %parallel_loop3A_2054 {strides = array<i32>} : memref<128x128xf32, #tpu.memory_space<vmem>>, vector<16xf32>,
        %parallel_loop3A_2058 = arith.index_cast %parallel_loop3A_1915 : i32 to index
        %parallel_loop3A_2059 = arith.constant 96 : index
        %parallel_loop3A_2060 = tpu.vector_load %arg16[%parallel_loop3A_2058, %parallel_loop3A_2059] {strides = array<i32>} : memref<64x128xf32, #tpu.memory_space<vmem>>, vector<16xf32>,
        %parallel_loop3A_2061 = arith.mulf %parallel_loop3A_2060, %parallel_loop3A_1920 : vector<16xf32>
        %parallel_loop3A_2062 = arith.index_cast %parallel_loop3A_1915 : i32 to index
        %parallel_loop3A_2063 = arith.constant 96 : index
        %parallel_loop3A_2064 = tpu.vector_load %arg17[%parallel_loop3A_2062, %parallel_loop3A_2063] {strides = array<i32>} : memref<64x128xf32, #tpu.memory_space<vmem>>, vector<16xf32>,
        %parallel_loop3A_2065 = arith.mulf %parallel_loop3A_2064, %parallel_loop3A_1921 : vector<16xf32>
        %parallel_loop3A_2066 = arith.addf %parallel_loop3A_2061, %parallel_loop3A_2065 : vector<16xf32>
        %parallel_loop3A_2067 = arith.index_cast %parallel_loop3A_1915 : i32 to index
        %parallel_loop3A_2068 = arith.constant 96 : index
        %parallel_loop3A_2069 = tpu.vector_load %arg18[%parallel_loop3A_2067, %parallel_loop3A_2068] {strides = array<i32>} : memref<64x128xf32, #tpu.memory_space<vmem>>, vector<16xf32>,
        %parallel_loop3A_2070 = arith.mulf %parallel_loop3A_2069, %parallel_loop3A_1922 : vector<16xf32>
        %parallel_loop3A_2071 = arith.index_cast %parallel_loop3A_1915 : i32 to index
        %parallel_loop3A_2072 = arith.constant 96 : index
        %parallel_loop3A_2073 = tpu.vector_load %arg19[%parallel_loop3A_2071, %parallel_loop3A_2072] {strides = array<i32>} : memref<64x128xf32, #tpu.memory_space<vmem>>, vector<16xf32>,
        %parallel_loop3A_2074 = arith.mulf %parallel_loop3A_2073, %parallel_loop3A_1923 : vector<16xf32>
        %parallel_loop3A_2075 = arith.addf %parallel_loop3A_2070, %parallel_loop3A_2074 : vector<16xf32>
        %parallel_loop3A_2076 = arith.addf %parallel_loop3A_2066, %parallel_loop3A_2075 : vector<16xf32>
        %parallel_loop3A_2077 = arith.index_cast %parallel_loop3A_1925 : i32 to index
        %parallel_loop3A_2078 = arith.constant 96 : index
        %parallel_loop3A_2079 = tpu.vector_load %arg32[%parallel_loop3A_2077, %parallel_loop3A_2078] {strides = array<i32>} : memref<128x128xf32, #tpu.memory_space<vmem>>, vector<16xf32>,
        tpu.vector_store %arg32[%parallel_loop3A_2077, %parallel_loop3A_2078], %parallel_loop3A_2076 {strides = array<i32>} : memref<128x128xf32, #tpu.memory_space<vmem>>, vector<16xf32>,
        %parallel_loop3A_2080 = arith.index_cast %parallel_loop3A_1915 : i32 to index
        %parallel_loop3A_2081 = arith.constant 112 : index
        %parallel_loop3A_2082 = tpu.vector_load %arg16[%parallel_loop3A_2080, %parallel_loop3A_2081] {strides = array<i32>} : memref<64x128xf32, #tpu.memory_space<vmem>>, vector<16xf32>,
        %parallel_loop3A_2083 = arith.mulf %parallel_loop3A_2082, %parallel_loop3A_1920 : vector<16xf32>
        %parallel_loop3A_2084 = arith.index_cast %parallel_loop3A_1915 : i32 to index
        %parallel_loop3A_2085 = arith.constant 112 : index
        %parallel_loop3A_2086 = tpu.vector_load %arg17[%parallel_loop3A_2084, %parallel_loop3A_2085] {strides = array<i32>} : memref<64x128xf32, #tpu.memory_space<vmem>>, vector<16xf32>,
        %parallel_loop3A_2087 = arith.mulf %parallel_loop3A_2086, %parallel_loop3A_1921 : vector<16xf32>
        %parallel_loop3A_2088 = arith.addf %parallel_loop3A_2083, %parallel_loop3A_2087 : vector<16xf32>
        %parallel_loop3A_2089 = arith.index_cast %parallel_loop3A_1915 : i32 to index
        %parallel_loop3A_2090 = arith.constant 112 : index
        %parallel_loop3A_2091 = tpu.vector_load %arg18[%parallel_loop3A_2089, %parallel_loop3A_2090] {strides = array<i32>} : memref<64x128xf32, #tpu.memory_space<vmem>>, vector<16xf32>,
        %parallel_loop3A_2092 = arith.mulf %parallel_loop3A_2091, %parallel_loop3A_1922 : vector<16xf32>
        %parallel_loop3A_2093 = arith.index_cast %parallel_loop3A_1915 : i32 to index
        %parallel_loop3A_2094 = arith.constant 112 : index
        %parallel_loop3A_2095 = tpu.vector_load %arg19[%parallel_loop3A_2093, %parallel_loop3A_2094] {strides = array<i32>} : memref<64x128xf32, #tpu.memory_space<vmem>>, vector<16xf32>,
        %parallel_loop3A_2096 = arith.mulf %parallel_loop3A_2095, %parallel_loop3A_1923 : vector<16xf32>
        %parallel_loop3A_2097 = arith.addf %parallel_loop3A_2092, %parallel_loop3A_2096 : vector<16xf32>
        %parallel_loop3A_2098 = arith.addf %parallel_loop3A_2088, %parallel_loop3A_2097 : vector<16xf32>
        %parallel_loop3A_2099 = arith.index_cast %parallel_loop3A_1925 : i32 to index
        %parallel_loop3A_2100 = arith.constant 112 : index
        %parallel_loop3A_2101 = tpu.vector_load %arg32[%parallel_loop3A_2099, %parallel_loop3A_2100] {strides = array<i32>} : memref<128x128xf32, #tpu.memory_space<vmem>>, vector<16xf32>,
        tpu.vector_store %arg32[%parallel_loop3A_2099, %parallel_loop3A_2100], %parallel_loop3A_2098 {strides = array<i32>} : memref<128x128xf32, #tpu.memory_space<vmem>>, vector<16xf32>,
      } {sc.loop_unroll_factor = 2 : i64, sc.parallel_access}
      %add3A_1275 = arith.constant 2 : i32
      %add3A_1276 = arith.addi %mul3A_637, %add3A_1275 : i32
      %min3A_1277 = arith.constant 194 : i32
      %min3A_1278 = arith.minsi %add3A_1276, %min3A_1277 : i32
      %mul3A_1279 = arith.constant 64 : i32
      %mul3A_1280 = arith.muli %min3A_1278, %mul3A_1279 : i32
      %add3A_1281 = arith.constant 0 : i32
      %add3A_1282 = arith.addi %mul3A_1280, %add3A_1281 : i32
      %get3A_1283 = arith.index_cast %add3A_1282 : i32 to index
      %get3A_1284 = tpu.vector_load %arg6[%get3A_1283] {strides = array<i32>} : memref<12544xf32, #tpu.memory_space<vmem>>, vector<16xf32>,
      %add3A_1285 = arith.constant 0 : i32
      %add3A_1286 = arith.addi %mul3A_1280, %add3A_1285 : i32
      %get3A_1287 = arith.index_cast %add3A_1286 : i32 to index
      %get3A_1288 = tpu.vector_load %arg7[%get3A_1287] {strides = array<i32>} : memref<12544xf32, #tpu.memory_space<vmem>>, vector<16xf32>,
      %add3A_1289 = arith.constant 1.000000e+00 : f32
      %add3A_1290 = vector.broadcast %add3A_1289 : f32 to vector<16xf32>
      %add3A_1291 = arith.addf %get3A_1284, %add3A_1290 : vector<16xf32>
      %mul3A_1292 = arith.constant 2.240000e+02 : f32
      %mul3A_1293 = vector.broadcast %mul3A_1292 : f32 to vector<16xf32>
      %mul3A_1294 = arith.mulf %add3A_1291, %mul3A_1293 : vector<16xf32>
      %sub3A_1295 = arith.constant 1.000000e+00 : f32
      %sub3A_1296 = vector.broadcast %sub3A_1295 : f32 to vector<16xf32>
      %sub3A_1297 = arith.subf %mul3A_1294, %sub3A_1296 : vector<16xf32>
      %mul3A_1298 = arith.constant 5.000000e-01 : f32
      %mul3A_1299 = vector.broadcast %mul3A_1298 : f32 to vector<16xf32>
      %mul3A_1300 = arith.mulf %sub3A_1297, %mul3A_1299 : vector<16xf32>
      %add3A_1301 = arith.constant 1.000000e+00 : f32
      %add3A_1302 = vector.broadcast %add3A_1301 : f32 to vector<16xf32>
      %add3A_1303 = arith.addf %get3A_1288, %add3A_1302 : vector<16xf32>
      %mul3A_1304 = arith.constant 2.240000e+02 : f32
      %mul3A_1305 = vector.broadcast %mul3A_1304 : f32 to vector<16xf32>
      %mul3A_1306 = arith.mulf %add3A_1303, %mul3A_1305 : vector<16xf32>
      %sub3A_1307 = arith.constant 1.000000e+00 : f32
      %sub3A_1308 = vector.broadcast %sub3A_1307 : f32 to vector<16xf32>
      %sub3A_1309 = arith.subf %mul3A_1306, %sub3A_1308 : vector<16xf32>
      %mul3A_1310 = arith.constant 5.000000e-01 : f32
      %mul3A_1311 = vector.broadcast %mul3A_1310 : f32 to vector<16xf32>
      %mul3A_1312 = arith.mulf %sub3A_1309, %mul3A_1311 : vector<16xf32>
      %convert_element_type3A_1313 = arith.fptosi %mul3A_1300 : vector<16xf32> to vector<16xi32>
      %convert_element_type3A_1314 = arith.fptosi %mul3A_1312 : vector<16xf32> to vector<16xi32>
      %convert_element_type3A_1315 = arith.sitofp %convert_element_type3A_1313 : vector<16xi32> to vector<16xf32>
      %gt3A_1316 = arith.cmpf ogt, %convert_element_type3A_1315, %mul3A_1300 : vector<16xf32>
      %sub3A_1317 = arith.constant 1 : i32
      %sub3A_1318 = vector.broadcast %sub3A_1317 : i32 to vector<16xi32>
      %sub3A_1319 = arith.subi %convert_element_type3A_1313, %sub3A_1318 : vector<16xi32>
      %select_n3A_1320 = arith.select %gt3A_1316, %sub3A_1319, %convert_element_type3A_1313 : vector<16xi1>, vector<16xi32>
      %convert_element_type3A_1321 = arith.sitofp %convert_element_type3A_1314 : vector<16xi32> to vector<16xf32>
      %gt3A_1322 = arith.cmpf ogt, %convert_element_type3A_1321, %mul3A_1312 : vector<16xf32>
      %sub3A_1323 = arith.constant 1 : i32
      %sub3A_1324 = vector.broadcast %sub3A_1323 : i32 to vector<16xi32>
      %sub3A_1325 = arith.subi %convert_element_type3A_1314, %sub3A_1324 : vector<16xi32>
      %select_n3A_1326 = arith.select %gt3A_1322, %sub3A_1325, %convert_element_type3A_1314 : vector<16xi1>, vector<16xi32>
      %convert_element_type3A_1327 = arith.sitofp %select_n3A_1320 : vector<16xi32> to vector<16xf32>
      %convert_element_type3A_1328 = arith.sitofp %select_n3A_1326 : vector<16xi32> to vector<16xf32>
      %add3A_1329 = arith.constant 1.000000e+00 : f32
      %add3A_1330 = vector.broadcast %add3A_1329 : f32 to vector<16xf32>
      %add3A_1331 = arith.addf %convert_element_type3A_1327, %add3A_1330 : vector<16xf32>
      %sub3A_1332 = arith.subf %add3A_1331, %mul3A_1300 : vector<16xf32>
      %sub3A_1333 = arith.subf %mul3A_1300, %convert_element_type3A_1327 : vector<16xf32>
      %add3A_1334 = arith.constant 1.000000e+00 : f32
      %add3A_1335 = vector.broadcast %add3A_1334 : f32 to vector<16xf32>
      %add3A_1336 = arith.addf %convert_element_type3A_1328, %add3A_1335 : vector<16xf32>
      %sub3A_1337 = arith.subf %add3A_1336, %mul3A_1312 : vector<16xf32>
      %sub3A_1338 = arith.subf %mul3A_1312, %convert_element_type3A_1328 : vector<16xf32>
      %ge3A_1339 = arith.constant 0 : i32
      %ge3A_1340 = vector.broadcast %ge3A_1339 : i32 to vector<16xi32>
      %ge3A_1341 = arith.cmpi sge, %select_n3A_1320, %ge3A_1340 : vector<16xi32>
      %jit3A_1342 = arith.constant 1.000000e+00 : f32
      %jit3A_1343 = arith.constant 0.000000e+00 : f32
      %broadcast_in_dim3A_1344 = vector.broadcast %jit3A_1342 : f32 to vector<16xf32>
      %broadcast_in_dim3A_1345 = vector.broadcast %jit3A_1343 : f32 to vector<16xf32>
      %select_n3A_1346 = arith.select %ge3A_1341, %broadcast_in_dim3A_1344, %broadcast_in_dim3A_1345 : vector<16xi1>, vector<16xf32>
      %ge3A_1347 = arith.constant 0 : i32
      %ge3A_1348 = vector.broadcast %ge3A_1347 : i32 to vector<16xi32>
      %ge3A_1349 = arith.cmpi sge, %select_n3A_1326, %ge3A_1348 : vector<16xi32>
      %jit3A_1350 = arith.constant 1.000000e+00 : f32
      %jit3A_1351 = arith.constant 0.000000e+00 : f32
      %broadcast_in_dim3A_1352 = vector.broadcast %jit3A_1350 : f32 to vector<16xf32>
      %broadcast_in_dim3A_1353 = vector.broadcast %jit3A_1351 : f32 to vector<16xf32>
      %select_n3A_1354 = arith.select %ge3A_1349, %broadcast_in_dim3A_1352, %broadcast_in_dim3A_1353 : vector<16xi1>, vector<16xf32>
      %lt3A_1355 = arith.constant 223 : i32
      %lt3A_1356 = vector.broadcast %lt3A_1355 : i32 to vector<16xi32>
      %lt3A_1357 = arith.cmpi slt, %select_n3A_1320, %lt3A_1356 : vector<16xi32>
      %jit3A_1358 = arith.constant 1.000000e+00 : f32
      %jit3A_1359 = arith.constant 0.000000e+00 : f32
      %broadcast_in_dim3A_1360 = vector.broadcast %jit3A_1358 : f32 to vector<16xf32>
      %broadcast_in_dim3A_1361 = vector.broadcast %jit3A_1359 : f32 to vector<16xf32>
      %select_n3A_1362 = arith.select %lt3A_1357, %broadcast_in_dim3A_1360, %broadcast_in_dim3A_1361 : vector<16xi1>, vector<16xf32>
      %lt3A_1363 = arith.constant 223 : i32
      %lt3A_1364 = vector.broadcast %lt3A_1363 : i32 to vector<16xi32>
      %lt3A_1365 = arith.cmpi slt, %select_n3A_1326, %lt3A_1364 : vector<16xi32>
      %jit3A_1366 = arith.constant 1.000000e+00 : f32
      %jit3A_1367 = arith.constant 0.000000e+00 : f32
      %broadcast_in_dim3A_1368 = vector.broadcast %jit3A_1366 : f32 to vector<16xf32>
      %broadcast_in_dim3A_1369 = vector.broadcast %jit3A_1367 : f32 to vector<16xf32>
      %select_n3A_1370 = arith.select %lt3A_1365, %broadcast_in_dim3A_1368, %broadcast_in_dim3A_1369 : vector<16xi1>, vector<16xf32>
      %max3A_1371 = arith.constant 0 : i32
      %max3A_1372 = vector.broadcast %max3A_1371 : i32 to vector<16xi32>
      %max3A_1373 = arith.maxsi %select_n3A_1320, %max3A_1372 : vector<16xi32>
      %max3A_1374 = arith.constant 0 : i32
      %max3A_1375 = vector.broadcast %max3A_1374 : i32 to vector<16xi32>
      %max3A_1376 = arith.maxsi %select_n3A_1326, %max3A_1375 : vector<16xi32>
      %add3A_1377 = arith.constant 1 : i32
      %add3A_1378 = vector.broadcast %add3A_1377 : i32 to vector<16xi32>
      %add3A_1379 = arith.addi %select_n3A_1320, %add3A_1378 : vector<16xi32>
      %min3A_1380 = arith.constant 223 : i32
      %min3A_1381 = vector.broadcast %min3A_1380 : i32 to vector<16xi32>
      %min3A_1382 = arith.minsi %add3A_1379, %min3A_1381 : vector<16xi32>
      %add3A_1383 = arith.constant 1 : i32
      %add3A_1384 = vector.broadcast %add3A_1383 : i32 to vector<16xi32>
      %add3A_1385 = arith.addi %select_n3A_1326, %add3A_1384 : vector<16xi32>
      %min3A_1386 = arith.constant 223 : i32
      %min3A_1387 = vector.broadcast %min3A_1386 : i32 to vector<16xi32>
      %min3A_1388 = arith.minsi %add3A_1385, %min3A_1387 : vector<16xi32>
      %mul3A_1389 = arith.constant 224 : i32
      %mul3A_1390 = vector.broadcast %mul3A_1389 : i32 to vector<16xi32>
      %mul3A_1391 = arith.muli %max3A_1376, %mul3A_1390 : vector<16xi32>
      %add3A_1392 = vector.broadcast %mul3A_20 : i32 to vector<16xi32>
      %add3A_1393 = arith.addi %add3A_1392, %mul3A_1391 : vector<16xi32>
      %mul3A_1394 = arith.constant 224 : i32
      %mul3A_1395 = vector.broadcast %mul3A_1394 : i32 to vector<16xi32>
      %mul3A_1396 = arith.muli %min3A_1388, %mul3A_1395 : vector<16xi32>
      %add3A_1397 = vector.broadcast %mul3A_20 : i32 to vector<16xi32>
      %add3A_1398 = arith.addi %add3A_1397, %mul3A_1396 : vector<16xi32>
      %add3A_1399 = arith.addi %add3A_1393, %max3A_1373 : vector<16xi32>
      %swap3A_1400 = arith.constant 0 : index
      %swap3A_1401 = tpu.vector_load %arg8[%swap3A_1400] {strides = array<i32>} : memref<64xi32, #tpu.memory_space<vmem>>, vector<16xi32>,
      tpu.vector_store %arg8[%swap3A_1400], %add3A_1399 {strides = array<i32>} : memref<64xi32, #tpu.memory_space<vmem>>, vector<16xi32>,
      %add3A_1402 = arith.addi %add3A_1393, %min3A_1382 : vector<16xi32>
      %swap3A_1403 = arith.constant 0 : index
      %swap3A_1404 = tpu.vector_load %arg10[%swap3A_1403] {strides = array<i32>} : memref<64xi32, #tpu.memory_space<vmem>>, vector<16xi32>,
      tpu.vector_store %arg10[%swap3A_1403], %add3A_1402 {strides = array<i32>} : memref<64xi32, #tpu.memory_space<vmem>>, vector<16xi32>,
      %add3A_1405 = arith.addi %add3A_1398, %max3A_1373 : vector<16xi32>
      %swap3A_1406 = arith.constant 0 : index
      %swap3A_1407 = tpu.vector_load %arg9[%swap3A_1406] {strides = array<i32>} : memref<64xi32, #tpu.memory_space<vmem>>, vector<16xi32>,
      tpu.vector_store %arg9[%swap3A_1406], %add3A_1405 {strides = array<i32>} : memref<64xi32, #tpu.memory_space<vmem>>, vector<16xi32>,
      %add3A_1408 = arith.addi %add3A_1398, %min3A_1382 : vector<16xi32>
      %swap3A_1409 = arith.constant 0 : index
      %swap3A_1410 = tpu.vector_load %arg11[%swap3A_1409] {strides = array<i32>} : memref<64xi32, #tpu.memory_space<vmem>>, vector<16xi32>,
      tpu.vector_store %arg11[%swap3A_1409], %add3A_1408 {strides = array<i32>} : memref<64xi32, #tpu.memory_space<vmem>>, vector<16xi32>,
      %mul3A_1411 = arith.mulf %sub3A_1332, %sub3A_1337 : vector<16xf32>
      %mul3A_1412 = arith.mulf %select_n3A_1346, %select_n3A_1354 : vector<16xf32>
      %mul3A_1413 = arith.mulf %mul3A_1411, %mul3A_1412 : vector<16xf32>
      %swap3A_1414 = arith.constant 0 : index
      %swap3A_1415 = tpu.vector_load %arg12[%swap3A_1414] {strides = array<i32>} : memref<64xf32, #tpu.memory_space<vmem>>, vector<16xf32>,
      tpu.vector_store %arg12[%swap3A_1414], %mul3A_1413 {strides = array<i32>} : memref<64xf32, #tpu.memory_space<vmem>>, vector<16xf32>,
      %mul3A_1416 = arith.mulf %sub3A_1332, %sub3A_1338 : vector<16xf32>
      %mul3A_1417 = arith.mulf %select_n3A_1346, %select_n3A_1370 : vector<16xf32>
      %mul3A_1418 = arith.mulf %mul3A_1416, %mul3A_1417 : vector<16xf32>
      %swap3A_1419 = arith.constant 0 : index
      %swap3A_1420 = tpu.vector_load %arg13[%swap3A_1419] {strides = array<i32>} : memref<64xf32, #tpu.memory_space<vmem>>, vector<16xf32>,
      tpu.vector_store %arg13[%swap3A_1419], %mul3A_1418 {strides = array<i32>} : memref<64xf32, #tpu.memory_space<vmem>>, vector<16xf32>,
      %mul3A_1421 = arith.mulf %sub3A_1333, %sub3A_1337 : vector<16xf32>
      %mul3A_1422 = arith.mulf %select_n3A_1362, %select_n3A_1354 : vector<16xf32>
      %mul3A_1423 = arith.mulf %mul3A_1421, %mul3A_1422 : vector<16xf32>
      %swap3A_1424 = arith.constant 0 : index
      %swap3A_1425 = tpu.vector_load %arg14[%swap3A_1424] {strides = array<i32>} : memref<64xf32, #tpu.memory_space<vmem>>, vector<16xf32>,
      tpu.vector_store %arg14[%swap3A_1424], %mul3A_1423 {strides = array<i32>} : memref<64xf32, #tpu.memory_space<vmem>>, vector<16xf32>,
      %mul3A_1426 = arith.mulf %sub3A_1333, %sub3A_1338 : vector<16xf32>
      %mul3A_1427 = arith.mulf %select_n3A_1362, %select_n3A_1370 : vector<16xf32>
      %mul3A_1428 = arith.mulf %mul3A_1426, %mul3A_1427 : vector<16xf32>
      %swap3A_1429 = arith.constant 0 : index
      %swap3A_1430 = tpu.vector_load %arg15[%swap3A_1429] {strides = array<i32>} : memref<64xf32, #tpu.memory_space<vmem>>, vector<16xf32>,
      tpu.vector_store %arg15[%swap3A_1429], %mul3A_1428 {strides = array<i32>} : memref<64xf32, #tpu.memory_space<vmem>>, vector<16xf32>,
      %add3A_1431 = arith.constant 16 : i32
      %add3A_1432 = arith.addi %mul3A_1280, %add3A_1431 : i32
      %get3A_1433 = arith.index_cast %add3A_1432 : i32 to index
      %get3A_1434 = tpu.vector_load %arg6[%get3A_1433] {strides = array<i32>} : memref<12544xf32, #tpu.memory_space<vmem>>, vector<16xf32>,
      %add3A_1435 = arith.constant 16 : i32
      %add3A_1436 = arith.addi %mul3A_1280, %add3A_1435 : i32
      %get3A_1437 = arith.index_cast %add3A_1436 : i32 to index
      %get3A_1438 = tpu.vector_load %arg7[%get3A_1437] {strides = array<i32>} : memref<12544xf32, #tpu.memory_space<vmem>>, vector<16xf32>,
      %add3A_1439 = arith.constant 1.000000e+00 : f32
      %add3A_1440 = vector.broadcast %add3A_1439 : f32 to vector<16xf32>
      %add3A_1441 = arith.addf %get3A_1434, %add3A_1440 : vector<16xf32>
      %mul3A_1442 = arith.constant 2.240000e+02 : f32
      %mul3A_1443 = vector.broadcast %mul3A_1442 : f32 to vector<16xf32>
      %mul3A_1444 = arith.mulf %add3A_1441, %mul3A_1443 : vector<16xf32>
      %sub3A_1445 = arith.constant 1.000000e+00 : f32
      %sub3A_1446 = vector.broadcast %sub3A_1445 : f32 to vector<16xf32>
      %sub3A_1447 = arith.subf %mul3A_1444, %sub3A_1446 : vector<16xf32>
      %mul3A_1448 = arith.constant 5.000000e-01 : f32
      %mul3A_1449 = vector.broadcast %mul3A_1448 : f32 to vector<16xf32>
      %mul3A_1450 = arith.mulf %sub3A_1447, %mul3A_1449 : vector<16xf32>
      %add3A_1451 = arith.constant 1.000000e+00 : f32
      %add3A_1452 = vector.broadcast %add3A_1451 : f32 to vector<16xf32>
      %add3A_1453 = arith.addf %get3A_1438, %add3A_1452 : vector<16xf32>
      %mul3A_1454 = arith.constant 2.240000e+02 : f32
      %mul3A_1455 = vector.broadcast %mul3A_1454 : f32 to vector<16xf32>
      %mul3A_1456 = arith.mulf %add3A_1453, %mul3A_1455 : vector<16xf32>
      %sub3A_1457 = arith.constant 1.000000e+00 : f32
      %sub3A_1458 = vector.broadcast %sub3A_1457 : f32 to vector<16xf32>
      %sub3A_1459 = arith.subf %mul3A_1456, %sub3A_1458 : vector<16xf32>
      %mul3A_1460 = arith.constant 5.000000e-01 : f32
      %mul3A_1461 = vector.broadcast %mul3A_1460 : f32 to vector<16xf32>
      %mul3A_1462 = arith.mulf %sub3A_1459, %mul3A_1461 : vector<16xf32>
      %convert_element_type3A_1463 = arith.fptosi %mul3A_1450 : vector<16xf32> to vector<16xi32>
      %convert_element_type3A_1464 = arith.fptosi %mul3A_1462 : vector<16xf32> to vector<16xi32>
      %convert_element_type3A_1465 = arith.sitofp %convert_element_type3A_1463 : vector<16xi32> to vector<16xf32>
      %gt3A_1466 = arith.cmpf ogt, %convert_element_type3A_1465, %mul3A_1450 : vector<16xf32>
      %sub3A_1467 = arith.constant 1 : i32
      %sub3A_1468 = vector.broadcast %sub3A_1467 : i32 to vector<16xi32>
      %sub3A_1469 = arith.subi %convert_element_type3A_1463, %sub3A_1468 : vector<16xi32>
      %select_n3A_1470 = arith.select %gt3A_1466, %sub3A_1469, %convert_element_type3A_1463 : vector<16xi1>, vector<16xi32>
      %convert_element_type3A_1471 = arith.sitofp %convert_element_type3A_1464 : vector<16xi32> to vector<16xf32>
      %gt3A_1472 = arith.cmpf ogt, %convert_element_type3A_1471, %mul3A_1462 : vector<16xf32>
      %sub3A_1473 = arith.constant 1 : i32
      %sub3A_1474 = vector.broadcast %sub3A_1473 : i32 to vector<16xi32>
      %sub3A_1475 = arith.subi %convert_element_type3A_1464, %sub3A_1474 : vector<16xi32>
      %select_n3A_1476 = arith.select %gt3A_1472, %sub3A_1475, %convert_element_type3A_1464 : vector<16xi1>, vector<16xi32>
      %convert_element_type3A_1477 = arith.sitofp %select_n3A_1470 : vector<16xi32> to vector<16xf32>
      %convert_element_type3A_1478 = arith.sitofp %select_n3A_1476 : vector<16xi32> to vector<16xf32>
      %add3A_1479 = arith.constant 1.000000e+00 : f32
      %add3A_1480 = vector.broadcast %add3A_1479 : f32 to vector<16xf32>
      %add3A_1481 = arith.addf %convert_element_type3A_1477, %add3A_1480 : vector<16xf32>
      %sub3A_1482 = arith.subf %add3A_1481, %mul3A_1450 : vector<16xf32>
      %sub3A_1483 = arith.subf %mul3A_1450, %convert_element_type3A_1477 : vector<16xf32>
      %add3A_1484 = arith.constant 1.000000e+00 : f32
      %add3A_1485 = vector.broadcast %add3A_1484 : f32 to vector<16xf32>
      %add3A_1486 = arith.addf %convert_element_type3A_1478, %add3A_1485 : vector<16xf32>
      %sub3A_1487 = arith.subf %add3A_1486, %mul3A_1462 : vector<16xf32>
      %sub3A_1488 = arith.subf %mul3A_1462, %convert_element_type3A_1478 : vector<16xf32>
      %ge3A_1489 = arith.constant 0 : i32
      %ge3A_1490 = vector.broadcast %ge3A_1489 : i32 to vector<16xi32>
      %ge3A_1491 = arith.cmpi sge, %select_n3A_1470, %ge3A_1490 : vector<16xi32>
      %jit3A_1492 = arith.constant 1.000000e+00 : f32
      %jit3A_1493 = arith.constant 0.000000e+00 : f32
      %broadcast_in_dim3A_1494 = vector.broadcast %jit3A_1492 : f32 to vector<16xf32>
      %broadcast_in_dim3A_1495 = vector.broadcast %jit3A_1493 : f32 to vector<16xf32>
      %select_n3A_1496 = arith.select %ge3A_1491, %broadcast_in_dim3A_1494, %broadcast_in_dim3A_1495 : vector<16xi1>, vector<16xf32>
      %ge3A_1497 = arith.constant 0 : i32
      %ge3A_1498 = vector.broadcast %ge3A_1497 : i32 to vector<16xi32>
      %ge3A_1499 = arith.cmpi sge, %select_n3A_1476, %ge3A_1498 : vector<16xi32>
      %jit3A_1500 = arith.constant 1.000000e+00 : f32
      %jit3A_1501 = arith.constant 0.000000e+00 : f32
      %broadcast_in_dim3A_1502 = vector.broadcast %jit3A_1500 : f32 to vector<16xf32>
      %broadcast_in_dim3A_1503 = vector.broadcast %jit3A_1501 : f32 to vector<16xf32>
      %select_n3A_1504 = arith.select %ge3A_1499, %broadcast_in_dim3A_1502, %broadcast_in_dim3A_1503 : vector<16xi1>, vector<16xf32>
      %lt3A_1505 = arith.constant 223 : i32
      %lt3A_1506 = vector.broadcast %lt3A_1505 : i32 to vector<16xi32>
      %lt3A_1507 = arith.cmpi slt, %select_n3A_1470, %lt3A_1506 : vector<16xi32>
      %jit3A_1508 = arith.constant 1.000000e+00 : f32
      %jit3A_1509 = arith.constant 0.000000e+00 : f32
      %broadcast_in_dim3A_1510 = vector.broadcast %jit3A_1508 : f32 to vector<16xf32>
      %broadcast_in_dim3A_1511 = vector.broadcast %jit3A_1509 : f32 to vector<16xf32>
      %select_n3A_1512 = arith.select %lt3A_1507, %broadcast_in_dim3A_1510, %broadcast_in_dim3A_1511 : vector<16xi1>, vector<16xf32>
      %lt3A_1513 = arith.constant 223 : i32
      %lt3A_1514 = vector.broadcast %lt3A_1513 : i32 to vector<16xi32>
      %lt3A_1515 = arith.cmpi slt, %select_n3A_1476, %lt3A_1514 : vector<16xi32>
      %jit3A_1516 = arith.constant 1.000000e+00 : f32
      %jit3A_1517 = arith.constant 0.000000e+00 : f32
      %broadcast_in_dim3A_1518 = vector.broadcast %jit3A_1516 : f32 to vector<16xf32>
      %broadcast_in_dim3A_1519 = vector.broadcast %jit3A_1517 : f32 to vector<16xf32>
      %select_n3A_1520 = arith.select %lt3A_1515, %broadcast_in_dim3A_1518, %broadcast_in_dim3A_1519 : vector<16xi1>, vector<16xf32>
      %max3A_1521 = arith.constant 0 : i32
      %max3A_1522 = vector.broadcast %max3A_1521 : i32 to vector<16xi32>
      %max3A_1523 = arith.maxsi %select_n3A_1470, %max3A_1522 : vector<16xi32>
      %max3A_1524 = arith.constant 0 : i32
      %max3A_1525 = vector.broadcast %max3A_1524 : i32 to vector<16xi32>
      %max3A_1526 = arith.maxsi %select_n3A_1476, %max3A_1525 : vector<16xi32>
      %add3A_1527 = arith.constant 1 : i32
      %add3A_1528 = vector.broadcast %add3A_1527 : i32 to vector<16xi32>
      %add3A_1529 = arith.addi %select_n3A_1470, %add3A_1528 : vector<16xi32>
      %min3A_1530 = arith.constant 223 : i32
      %min3A_1531 = vector.broadcast %min3A_1530 : i32 to vector<16xi32>
      %min3A_1532 = arith.minsi %add3A_1529, %min3A_1531 : vector<16xi32>
      %add3A_1533 = arith.constant 1 : i32
      %add3A_1534 = vector.broadcast %add3A_1533 : i32 to vector<16xi32>
      %add3A_1535 = arith.addi %select_n3A_1476, %add3A_1534 : vector<16xi32>
      %min3A_1536 = arith.constant 223 : i32
      %min3A_1537 = vector.broadcast %min3A_1536 : i32 to vector<16xi32>
      %min3A_1538 = arith.minsi %add3A_1535, %min3A_1537 : vector<16xi32>
      %mul3A_1539 = arith.constant 224 : i32
      %mul3A_1540 = vector.broadcast %mul3A_1539 : i32 to vector<16xi32>
      %mul3A_1541 = arith.muli %max3A_1526, %mul3A_1540 : vector<16xi32>
      %add3A_1542 = vector.broadcast %mul3A_20 : i32 to vector<16xi32>
      %add3A_1543 = arith.addi %add3A_1542, %mul3A_1541 : vector<16xi32>
      %mul3A_1544 = arith.constant 224 : i32
      %mul3A_1545 = vector.broadcast %mul3A_1544 : i32 to vector<16xi32>
      %mul3A_1546 = arith.muli %min3A_1538, %mul3A_1545 : vector<16xi32>
      %add3A_1547 = vector.broadcast %mul3A_20 : i32 to vector<16xi32>
      %add3A_1548 = arith.addi %add3A_1547, %mul3A_1546 : vector<16xi32>
      %add3A_1549 = arith.addi %add3A_1543, %max3A_1523 : vector<16xi32>
      %swap3A_1550 = arith.constant 16 : index
      %swap3A_1551 = tpu.vector_load %arg8[%swap3A_1550] {strides = array<i32>} : memref<64xi32, #tpu.memory_space<vmem>>, vector<16xi32>,
      tpu.vector_store %arg8[%swap3A_1550], %add3A_1549 {strides = array<i32>} : memref<64xi32, #tpu.memory_space<vmem>>, vector<16xi32>,
      %add3A_1552 = arith.addi %add3A_1543, %min3A_1532 : vector<16xi32>
      %swap3A_1553 = arith.constant 16 : index
      %swap3A_1554 = tpu.vector_load %arg10[%swap3A_1553] {strides = array<i32>} : memref<64xi32, #tpu.memory_space<vmem>>, vector<16xi32>,
      tpu.vector_store %arg10[%swap3A_1553], %add3A_1552 {strides = array<i32>} : memref<64xi32, #tpu.memory_space<vmem>>, vector<16xi32>,
      %add3A_1555 = arith.addi %add3A_1548, %max3A_1523 : vector<16xi32>
      %swap3A_1556 = arith.constant 16 : index
      %swap3A_1557 = tpu.vector_load %arg9[%swap3A_1556] {strides = array<i32>} : memref<64xi32, #tpu.memory_space<vmem>>, vector<16xi32>,
      tpu.vector_store %arg9[%swap3A_1556], %add3A_1555 {strides = array<i32>} : memref<64xi32, #tpu.memory_space<vmem>>, vector<16xi32>,
      %add3A_1558 = arith.addi %add3A_1548, %min3A_1532 : vector<16xi32>
      %swap3A_1559 = arith.constant 16 : index
      %swap3A_1560 = tpu.vector_load %arg11[%swap3A_1559] {strides = array<i32>} : memref<64xi32, #tpu.memory_space<vmem>>, vector<16xi32>,
      tpu.vector_store %arg11[%swap3A_1559], %add3A_1558 {strides = array<i32>} : memref<64xi32, #tpu.memory_space<vmem>>, vector<16xi32>,
      %mul3A_1561 = arith.mulf %sub3A_1482, %sub3A_1487 : vector<16xf32>
      %mul3A_1562 = arith.mulf %select_n3A_1496, %select_n3A_1504 : vector<16xf32>
      %mul3A_1563 = arith.mulf %mul3A_1561, %mul3A_1562 : vector<16xf32>
      %swap3A_1564 = arith.constant 16 : index
      %swap3A_1565 = tpu.vector_load %arg12[%swap3A_1564] {strides = array<i32>} : memref<64xf32, #tpu.memory_space<vmem>>, vector<16xf32>,
      tpu.vector_store %arg12[%swap3A_1564], %mul3A_1563 {strides = array<i32>} : memref<64xf32, #tpu.memory_space<vmem>>, vector<16xf32>,
      %mul3A_1566 = arith.mulf %sub3A_1482, %sub3A_1488 : vector<16xf32>
      %mul3A_1567 = arith.mulf %select_n3A_1496, %select_n3A_1520 : vector<16xf32>
      %mul3A_1568 = arith.mulf %mul3A_1566, %mul3A_1567 : vector<16xf32>
      %swap3A_1569 = arith.constant 16 : index
      %swap3A_1570 = tpu.vector_load %arg13[%swap3A_1569] {strides = array<i32>} : memref<64xf32, #tpu.memory_space<vmem>>, vector<16xf32>,
      tpu.vector_store %arg13[%swap3A_1569], %mul3A_1568 {strides = array<i32>} : memref<64xf32, #tpu.memory_space<vmem>>, vector<16xf32>,
      %mul3A_1571 = arith.mulf %sub3A_1483, %sub3A_1487 : vector<16xf32>
      %mul3A_1572 = arith.mulf %select_n3A_1512, %select_n3A_1504 : vector<16xf32>
      %mul3A_1573 = arith.mulf %mul3A_1571, %mul3A_1572 : vector<16xf32>
      %swap3A_1574 = arith.constant 16 : index
      %swap3A_1575 = tpu.vector_load %arg14[%swap3A_1574] {strides = array<i32>} : memref<64xf32, #tpu.memory_space<vmem>>, vector<16xf32>,
      tpu.vector_store %arg14[%swap3A_1574], %mul3A_1573 {strides = array<i32>} : memref<64xf32, #tpu.memory_space<vmem>>, vector<16xf32>,
      %mul3A_1576 = arith.mulf %sub3A_1483, %sub3A_1488 : vector<16xf32>
      %mul3A_1577 = arith.mulf %select_n3A_1512, %select_n3A_1520 : vector<16xf32>
      %mul3A_1578 = arith.mulf %mul3A_1576, %mul3A_1577 : vector<16xf32>
      %swap3A_1579 = arith.constant 16 : index
      %swap3A_1580 = tpu.vector_load %arg15[%swap3A_1579] {strides = array<i32>} : memref<64xf32, #tpu.memory_space<vmem>>, vector<16xf32>,
      tpu.vector_store %arg15[%swap3A_1579], %mul3A_1578 {strides = array<i32>} : memref<64xf32, #tpu.memory_space<vmem>>, vector<16xf32>,
      %add3A_1581 = arith.constant 32 : i32
      %add3A_1582 = arith.addi %mul3A_1280, %add3A_1581 : i32
      %get3A_1583 = arith.index_cast %add3A_1582 : i32 to index
      %get3A_1584 = tpu.vector_load %arg6[%get3A_1583] {strides = array<i32>} : memref<12544xf32, #tpu.memory_space<vmem>>, vector<16xf32>,
      %add3A_1585 = arith.constant 32 : i32
      %add3A_1586 = arith.addi %mul3A_1280, %add3A_1585 : i32
      %get3A_1587 = arith.index_cast %add3A_1586 : i32 to index
      %get3A_1588 = tpu.vector_load %arg7[%get3A_1587] {strides = array<i32>} : memref<12544xf32, #tpu.memory_space<vmem>>, vector<16xf32>,
      %add3A_1589 = arith.constant 1.000000e+00 : f32
      %add3A_1590 = vector.broadcast %add3A_1589 : f32 to vector<16xf32>
      %add3A_1591 = arith.addf %get3A_1584, %add3A_1590 : vector<16xf32>
      %mul3A_1592 = arith.constant 2.240000e+02 : f32
      %mul3A_1593 = vector.broadcast %mul3A_1592 : f32 to vector<16xf32>
      %mul3A_1594 = arith.mulf %add3A_1591, %mul3A_1593 : vector<16xf32>
      %sub3A_1595 = arith.constant 1.000000e+00 : f32
      %sub3A_1596 = vector.broadcast %sub3A_1595 : f32 to vector<16xf32>
      %sub3A_1597 = arith.subf %mul3A_1594, %sub3A_1596 : vector<16xf32>
      %mul3A_1598 = arith.constant 5.000000e-01 : f32
      %mul3A_1599 = vector.broadcast %mul3A_1598 : f32 to vector<16xf32>
      %mul3A_1600 = arith.mulf %sub3A_1597, %mul3A_1599 : vector<16xf32>
      %add3A_1601 = arith.constant 1.000000e+00 : f32
      %add3A_1602 = vector.broadcast %add3A_1601 : f32 to vector<16xf32>
      %add3A_1603 = arith.addf %get3A_1588, %add3A_1602 : vector<16xf32>
      %mul3A_1604 = arith.constant 2.240000e+02 : f32
      %mul3A_1605 = vector.broadcast %mul3A_1604 : f32 to vector<16xf32>
      %mul3A_1606 = arith.mulf %add3A_1603, %mul3A_1605 : vector<16xf32>
      %sub3A_1607 = arith.constant 1.000000e+00 : f32
      %sub3A_1608 = vector.broadcast %sub3A_1607 : f32 to vector<16xf32>
      %sub3A_1609 = arith.subf %mul3A_1606, %sub3A_1608 : vector<16xf32>
      %mul3A_1610 = arith.constant 5.000000e-01 : f32
      %mul3A_1611 = vector.broadcast %mul3A_1610 : f32 to vector<16xf32>
      %mul3A_1612 = arith.mulf %sub3A_1609, %mul3A_1611 : vector<16xf32>
      %convert_element_type3A_1613 = arith.fptosi %mul3A_1600 : vector<16xf32> to vector<16xi32>
      %convert_element_type3A_1614 = arith.fptosi %mul3A_1612 : vector<16xf32> to vector<16xi32>
      %convert_element_type3A_1615 = arith.sitofp %convert_element_type3A_1613 : vector<16xi32> to vector<16xf32>
      %gt3A_1616 = arith.cmpf ogt, %convert_element_type3A_1615, %mul3A_1600 : vector<16xf32>
      %sub3A_1617 = arith.constant 1 : i32
      %sub3A_1618 = vector.broadcast %sub3A_1617 : i32 to vector<16xi32>
      %sub3A_1619 = arith.subi %convert_element_type3A_1613, %sub3A_1618 : vector<16xi32>
      %select_n3A_1620 = arith.select %gt3A_1616, %sub3A_1619, %convert_element_type3A_1613 : vector<16xi1>, vector<16xi32>
      %convert_element_type3A_1621 = arith.sitofp %convert_element_type3A_1614 : vector<16xi32> to vector<16xf32>
      %gt3A_1622 = arith.cmpf ogt, %convert_element_type3A_1621, %mul3A_1612 : vector<16xf32>
      %sub3A_1623 = arith.constant 1 : i32
      %sub3A_1624 = vector.broadcast %sub3A_1623 : i32 to vector<16xi32>
      %sub3A_1625 = arith.subi %convert_element_type3A_1614, %sub3A_1624 : vector<16xi32>
      %select_n3A_1626 = arith.select %gt3A_1622, %sub3A_1625, %convert_element_type3A_1614 : vector<16xi1>, vector<16xi32>
      %convert_element_type3A_1627 = arith.sitofp %select_n3A_1620 : vector<16xi32> to vector<16xf32>
      %convert_element_type3A_1628 = arith.sitofp %select_n3A_1626 : vector<16xi32> to vector<16xf32>
      %add3A_1629 = arith.constant 1.000000e+00 : f32
      %add3A_1630 = vector.broadcast %add3A_1629 : f32 to vector<16xf32>
      %add3A_1631 = arith.addf %convert_element_type3A_1627, %add3A_1630 : vector<16xf32>
      %sub3A_1632 = arith.subf %add3A_1631, %mul3A_1600 : vector<16xf32>
      %sub3A_1633 = arith.subf %mul3A_1600, %convert_element_type3A_1627 : vector<16xf32>
      %add3A_1634 = arith.constant 1.000000e+00 : f32
      %add3A_1635 = vector.broadcast %add3A_1634 : f32 to vector<16xf32>
      %add3A_1636 = arith.addf %convert_element_type3A_1628, %add3A_1635 : vector<16xf32>
      %sub3A_1637 = arith.subf %add3A_1636, %mul3A_1612 : vector<16xf32>
      %sub3A_1638 = arith.subf %mul3A_1612, %convert_element_type3A_1628 : vector<16xf32>
      %ge3A_1639 = arith.constant 0 : i32
      %ge3A_1640 = vector.broadcast %ge3A_1639 : i32 to vector<16xi32>
      %ge3A_1641 = arith.cmpi sge, %select_n3A_1620, %ge3A_1640 : vector<16xi32>
      %jit3A_1642 = arith.constant 1.000000e+00 : f32
      %jit3A_1643 = arith.constant 0.000000e+00 : f32
      %broadcast_in_dim3A_1644 = vector.broadcast %jit3A_1642 : f32 to vector<16xf32>
      %broadcast_in_dim3A_1645 = vector.broadcast %jit3A_1643 : f32 to vector<16xf32>
      %select_n3A_1646 = arith.select %ge3A_1641, %broadcast_in_dim3A_1644, %broadcast_in_dim3A_1645 : vector<16xi1>, vector<16xf32>
      %ge3A_1647 = arith.constant 0 : i32
      %ge3A_1648 = vector.broadcast %ge3A_1647 : i32 to vector<16xi32>
      %ge3A_1649 = arith.cmpi sge, %select_n3A_1626, %ge3A_1648 : vector<16xi32>
      %jit3A_1650 = arith.constant 1.000000e+00 : f32
      %jit3A_1651 = arith.constant 0.000000e+00 : f32
      %broadcast_in_dim3A_1652 = vector.broadcast %jit3A_1650 : f32 to vector<16xf32>
      %broadcast_in_dim3A_1653 = vector.broadcast %jit3A_1651 : f32 to vector<16xf32>
      %select_n3A_1654 = arith.select %ge3A_1649, %broadcast_in_dim3A_1652, %broadcast_in_dim3A_1653 : vector<16xi1>, vector<16xf32>
      %lt3A_1655 = arith.constant 223 : i32
      %lt3A_1656 = vector.broadcast %lt3A_1655 : i32 to vector<16xi32>
      %lt3A_1657 = arith.cmpi slt, %select_n3A_1620, %lt3A_1656 : vector<16xi32>
      %jit3A_1658 = arith.constant 1.000000e+00 : f32
      %jit3A_1659 = arith.constant 0.000000e+00 : f32
      %broadcast_in_dim3A_1660 = vector.broadcast %jit3A_1658 : f32 to vector<16xf32>
      %broadcast_in_dim3A_1661 = vector.broadcast %jit3A_1659 : f32 to vector<16xf32>
      %select_n3A_1662 = arith.select %lt3A_1657, %broadcast_in_dim3A_1660, %broadcast_in_dim3A_1661 : vector<16xi1>, vector<16xf32>
      %lt3A_1663 = arith.constant 223 : i32
      %lt3A_1664 = vector.broadcast %lt3A_1663 : i32 to vector<16xi32>
      %lt3A_1665 = arith.cmpi slt, %select_n3A_1626, %lt3A_1664 : vector<16xi32>
      %jit3A_1666 = arith.constant 1.000000e+00 : f32
      %jit3A_1667 = arith.constant 0.000000e+00 : f32
      %broadcast_in_dim3A_1668 = vector.broadcast %jit3A_1666 : f32 to vector<16xf32>
      %broadcast_in_dim3A_1669 = vector.broadcast %jit3A_1667 : f32 to vector<16xf32>
      %select_n3A_1670 = arith.select %lt3A_1665, %broadcast_in_dim3A_1668, %broadcast_in_dim3A_1669 : vector<16xi1>, vector<16xf32>
      %max3A_1671 = arith.constant 0 : i32
      %max3A_1672 = vector.broadcast %max3A_1671 : i32 to vector<16xi32>
      %max3A_1673 = arith.maxsi %select_n3A_1620, %max3A_1672 : vector<16xi32>
      %max3A_1674 = arith.constant 0 : i32
      %max3A_1675 = vector.broadcast %max3A_1674 : i32 to vector<16xi32>
      %max3A_1676 = arith.maxsi %select_n3A_1626, %max3A_1675 : vector<16xi32>
      %add3A_1677 = arith.constant 1 : i32
      %add3A_1678 = vector.broadcast %add3A_1677 : i32 to vector<16xi32>
      %add3A_1679 = arith.addi %select_n3A_1620, %add3A_1678 : vector<16xi32>
      %min3A_1680 = arith.constant 223 : i32
      %min3A_1681 = vector.broadcast %min3A_1680 : i32 to vector<16xi32>
      %min3A_1682 = arith.minsi %add3A_1679, %min3A_1681 : vector<16xi32>
      %add3A_1683 = arith.constant 1 : i32
      %add3A_1684 = vector.broadcast %add3A_1683 : i32 to vector<16xi32>
      %add3A_1685 = arith.addi %select_n3A_1626, %add3A_1684 : vector<16xi32>
      %min3A_1686 = arith.constant 223 : i32
      %min3A_1687 = vector.broadcast %min3A_1686 : i32 to vector<16xi32>
      %min3A_1688 = arith.minsi %add3A_1685, %min3A_1687 : vector<16xi32>
      %mul3A_1689 = arith.constant 224 : i32
      %mul3A_1690 = vector.broadcast %mul3A_1689 : i32 to vector<16xi32>
      %mul3A_1691 = arith.muli %max3A_1676, %mul3A_1690 : vector<16xi32>
      %add3A_1692 = vector.broadcast %mul3A_20 : i32 to vector<16xi32>
      %add3A_1693 = arith.addi %add3A_1692, %mul3A_1691 : vector<16xi32>
      %mul3A_1694 = arith.constant 224 : i32
      %mul3A_1695 = vector.broadcast %mul3A_1694 : i32 to vector<16xi32>
      %mul3A_1696 = arith.muli %min3A_1688, %mul3A_1695 : vector<16xi32>
      %add3A_1697 = vector.broadcast %mul3A_20 : i32 to vector<16xi32>
      %add3A_1698 = arith.addi %add3A_1697, %mul3A_1696 : vector<16xi32>
      %add3A_1699 = arith.addi %add3A_1693, %max3A_1673 : vector<16xi32>
      %swap3A_1700 = arith.constant 32 : index
      %swap3A_1701 = tpu.vector_load %arg8[%swap3A_1700] {strides = array<i32>} : memref<64xi32, #tpu.memory_space<vmem>>, vector<16xi32>,
      tpu.vector_store %arg8[%swap3A_1700], %add3A_1699 {strides = array<i32>} : memref<64xi32, #tpu.memory_space<vmem>>, vector<16xi32>,
      %add3A_1702 = arith.addi %add3A_1693, %min3A_1682 : vector<16xi32>
      %swap3A_1703 = arith.constant 32 : index
      %swap3A_1704 = tpu.vector_load %arg10[%swap3A_1703] {strides = array<i32>} : memref<64xi32, #tpu.memory_space<vmem>>, vector<16xi32>,
      tpu.vector_store %arg10[%swap3A_1703], %add3A_1702 {strides = array<i32>} : memref<64xi32, #tpu.memory_space<vmem>>, vector<16xi32>,
      %add3A_1705 = arith.addi %add3A_1698, %max3A_1673 : vector<16xi32>
      %swap3A_1706 = arith.constant 32 : index
      %swap3A_1707 = tpu.vector_load %arg9[%swap3A_1706] {strides = array<i32>} : memref<64xi32, #tpu.memory_space<vmem>>, vector<16xi32>,
      tpu.vector_store %arg9[%swap3A_1706], %add3A_1705 {strides = array<i32>} : memref<64xi32, #tpu.memory_space<vmem>>, vector<16xi32>,
      %add3A_1708 = arith.addi %add3A_1698, %min3A_1682 : vector<16xi32>
      %swap3A_1709 = arith.constant 32 : index
      %swap3A_1710 = tpu.vector_load %arg11[%swap3A_1709] {strides = array<i32>} : memref<64xi32, #tpu.memory_space<vmem>>, vector<16xi32>,
      tpu.vector_store %arg11[%swap3A_1709], %add3A_1708 {strides = array<i32>} : memref<64xi32, #tpu.memory_space<vmem>>, vector<16xi32>,
      %mul3A_1711 = arith.mulf %sub3A_1632, %sub3A_1637 : vector<16xf32>
      %mul3A_1712 = arith.mulf %select_n3A_1646, %select_n3A_1654 : vector<16xf32>
      %mul3A_1713 = arith.mulf %mul3A_1711, %mul3A_1712 : vector<16xf32>
      %swap3A_1714 = arith.constant 32 : index
      %swap3A_1715 = tpu.vector_load %arg12[%swap3A_1714] {strides = array<i32>} : memref<64xf32, #tpu.memory_space<vmem>>, vector<16xf32>,
      tpu.vector_store %arg12[%swap3A_1714], %mul3A_1713 {strides = array<i32>} : memref<64xf32, #tpu.memory_space<vmem>>, vector<16xf32>,
      %mul3A_1716 = arith.mulf %sub3A_1632, %sub3A_1638 : vector<16xf32>
      %mul3A_1717 = arith.mulf %select_n3A_1646, %select_n3A_1670 : vector<16xf32>
      %mul3A_1718 = arith.mulf %mul3A_1716, %mul3A_1717 : vector<16xf32>
      %swap3A_1719 = arith.constant 32 : index
      %swap3A_1720 = tpu.vector_load %arg13[%swap3A_1719] {strides = array<i32>} : memref<64xf32, #tpu.memory_space<vmem>>, vector<16xf32>,
      tpu.vector_store %arg13[%swap3A_1719], %mul3A_1718 {strides = array<i32>} : memref<64xf32, #tpu.memory_space<vmem>>, vector<16xf32>,
      %mul3A_1721 = arith.mulf %sub3A_1633, %sub3A_1637 : vector<16xf32>
      %mul3A_1722 = arith.mulf %select_n3A_1662, %select_n3A_1654 : vector<16xf32>
      %mul3A_1723 = arith.mulf %mul3A_1721, %mul3A_1722 : vector<16xf32>
      %swap3A_1724 = arith.constant 32 : index
      %swap3A_1725 = tpu.vector_load %arg14[%swap3A_1724] {strides = array<i32>} : memref<64xf32, #tpu.memory_space<vmem>>, vector<16xf32>,
      tpu.vector_store %arg14[%swap3A_1724], %mul3A_1723 {strides = array<i32>} : memref<64xf32, #tpu.memory_space<vmem>>, vector<16xf32>,
      %mul3A_1726 = arith.mulf %sub3A_1633, %sub3A_1638 : vector<16xf32>
      %mul3A_1727 = arith.mulf %select_n3A_1662, %select_n3A_1670 : vector<16xf32>
      %mul3A_1728 = arith.mulf %mul3A_1726, %mul3A_1727 : vector<16xf32>
      %swap3A_1729 = arith.constant 32 : index
      %swap3A_1730 = tpu.vector_load %arg15[%swap3A_1729] {strides = array<i32>} : memref<64xf32, #tpu.memory_space<vmem>>, vector<16xf32>,
      tpu.vector_store %arg15[%swap3A_1729], %mul3A_1728 {strides = array<i32>} : memref<64xf32, #tpu.memory_space<vmem>>, vector<16xf32>,
      %add3A_1731 = arith.constant 48 : i32
      %add3A_1732 = arith.addi %mul3A_1280, %add3A_1731 : i32
      %get3A_1733 = arith.index_cast %add3A_1732 : i32 to index
      %get3A_1734 = tpu.vector_load %arg6[%get3A_1733] {strides = array<i32>} : memref<12544xf32, #tpu.memory_space<vmem>>, vector<16xf32>,
      %add3A_1735 = arith.constant 48 : i32
      %add3A_1736 = arith.addi %mul3A_1280, %add3A_1735 : i32
      %get3A_1737 = arith.index_cast %add3A_1736 : i32 to index
      %get3A_1738 = tpu.vector_load %arg7[%get3A_1737] {strides = array<i32>} : memref<12544xf32, #tpu.memory_space<vmem>>, vector<16xf32>,
      %add3A_1739 = arith.constant 1.000000e+00 : f32
      %add3A_1740 = vector.broadcast %add3A_1739 : f32 to vector<16xf32>
      %add3A_1741 = arith.addf %get3A_1734, %add3A_1740 : vector<16xf32>
      %mul3A_1742 = arith.constant 2.240000e+02 : f32
      %mul3A_1743 = vector.broadcast %mul3A_1742 : f32 to vector<16xf32>
      %mul3A_1744 = arith.mulf %add3A_1741, %mul3A_1743 : vector<16xf32>
      %sub3A_1745 = arith.constant 1.000000e+00 : f32
      %sub3A_1746 = vector.broadcast %sub3A_1745 : f32 to vector<16xf32>
      %sub3A_1747 = arith.subf %mul3A_1744, %sub3A_1746 : vector<16xf32>
      %mul3A_1748 = arith.constant 5.000000e-01 : f32
      %mul3A_1749 = vector.broadcast %mul3A_1748 : f32 to vector<16xf32>
      %mul3A_1750 = arith.mulf %sub3A_1747, %mul3A_1749 : vector<16xf32>
      %add3A_1751 = arith.constant 1.000000e+00 : f32
      %add3A_1752 = vector.broadcast %add3A_1751 : f32 to vector<16xf32>
      %add3A_1753 = arith.addf %get3A_1738, %add3A_1752 : vector<16xf32>
      %mul3A_1754 = arith.constant 2.240000e+02 : f32
      %mul3A_1755 = vector.broadcast %mul3A_1754 : f32 to vector<16xf32>
      %mul3A_1756 = arith.mulf %add3A_1753, %mul3A_1755 : vector<16xf32>
      %sub3A_1757 = arith.constant 1.000000e+00 : f32
      %sub3A_1758 = vector.broadcast %sub3A_1757 : f32 to vector<16xf32>
      %sub3A_1759 = arith.subf %mul3A_1756, %sub3A_1758 : vector<16xf32>
      %mul3A_1760 = arith.constant 5.000000e-01 : f32
      %mul3A_1761 = vector.broadcast %mul3A_1760 : f32 to vector<16xf32>
      %mul3A_1762 = arith.mulf %sub3A_1759, %mul3A_1761 : vector<16xf32>
      %convert_element_type3A_1763 = arith.fptosi %mul3A_1750 : vector<16xf32> to vector<16xi32>
      %convert_element_type3A_1764 = arith.fptosi %mul3A_1762 : vector<16xf32> to vector<16xi32>
      %convert_element_type3A_1765 = arith.sitofp %convert_element_type3A_1763 : vector<16xi32> to vector<16xf32>
      %gt3A_1766 = arith.cmpf ogt, %convert_element_type3A_1765, %mul3A_1750 : vector<16xf32>
      %sub3A_1767 = arith.constant 1 : i32
      %sub3A_1768 = vector.broadcast %sub3A_1767 : i32 to vector<16xi32>
      %sub3A_1769 = arith.subi %convert_element_type3A_1763, %sub3A_1768 : vector<16xi32>
      %select_n3A_1770 = arith.select %gt3A_1766, %sub3A_1769, %convert_element_type3A_1763 : vector<16xi1>, vector<16xi32>
      %convert_element_type3A_1771 = arith.sitofp %convert_element_type3A_1764 : vector<16xi32> to vector<16xf32>
      %gt3A_1772 = arith.cmpf ogt, %convert_element_type3A_1771, %mul3A_1762 : vector<16xf32>
      %sub3A_1773 = arith.constant 1 : i32
      %sub3A_1774 = vector.broadcast %sub3A_1773 : i32 to vector<16xi32>
      %sub3A_1775 = arith.subi %convert_element_type3A_1764, %sub3A_1774 : vector<16xi32>
      %select_n3A_1776 = arith.select %gt3A_1772, %sub3A_1775, %convert_element_type3A_1764 : vector<16xi1>, vector<16xi32>
      %convert_element_type3A_1777 = arith.sitofp %select_n3A_1770 : vector<16xi32> to vector<16xf32>
      %convert_element_type3A_1778 = arith.sitofp %select_n3A_1776 : vector<16xi32> to vector<16xf32>
      %add3A_1779 = arith.constant 1.000000e+00 : f32
      %add3A_1780 = vector.broadcast %add3A_1779 : f32 to vector<16xf32>
      %add3A_1781 = arith.addf %convert_element_type3A_1777, %add3A_1780 : vector<16xf32>
      %sub3A_1782 = arith.subf %add3A_1781, %mul3A_1750 : vector<16xf32>
      %sub3A_1783 = arith.subf %mul3A_1750, %convert_element_type3A_1777 : vector<16xf32>
      %add3A_1784 = arith.constant 1.000000e+00 : f32
      %add3A_1785 = vector.broadcast %add3A_1784 : f32 to vector<16xf32>
      %add3A_1786 = arith.addf %convert_element_type3A_1778, %add3A_1785 : vector<16xf32>
      %sub3A_1787 = arith.subf %add3A_1786, %mul3A_1762 : vector<16xf32>
      %sub3A_1788 = arith.subf %mul3A_1762, %convert_element_type3A_1778 : vector<16xf32>
      %ge3A_1789 = arith.constant 0 : i32
      %ge3A_1790 = vector.broadcast %ge3A_1789 : i32 to vector<16xi32>
      %ge3A_1791 = arith.cmpi sge, %select_n3A_1770, %ge3A_1790 : vector<16xi32>
      %jit3A_1792 = arith.constant 1.000000e+00 : f32
      %jit3A_1793 = arith.constant 0.000000e+00 : f32
      %broadcast_in_dim3A_1794 = vector.broadcast %jit3A_1792 : f32 to vector<16xf32>
      %broadcast_in_dim3A_1795 = vector.broadcast %jit3A_1793 : f32 to vector<16xf32>
      %select_n3A_1796 = arith.select %ge3A_1791, %broadcast_in_dim3A_1794, %broadcast_in_dim3A_1795 : vector<16xi1>, vector<16xf32>
      %ge3A_1797 = arith.constant 0 : i32
      %ge3A_1798 = vector.broadcast %ge3A_1797 : i32 to vector<16xi32>
      %ge3A_1799 = arith.cmpi sge, %select_n3A_1776, %ge3A_1798 : vector<16xi32>
      %jit3A_1800 = arith.constant 1.000000e+00 : f32
      %jit3A_1801 = arith.constant 0.000000e+00 : f32
      %broadcast_in_dim3A_1802 = vector.broadcast %jit3A_1800 : f32 to vector<16xf32>
      %broadcast_in_dim3A_1803 = vector.broadcast %jit3A_1801 : f32 to vector<16xf32>
      %select_n3A_1804 = arith.select %ge3A_1799, %broadcast_in_dim3A_1802, %broadcast_in_dim3A_1803 : vector<16xi1>, vector<16xf32>
      %lt3A_1805 = arith.constant 223 : i32
      %lt3A_1806 = vector.broadcast %lt3A_1805 : i32 to vector<16xi32>
      %lt3A_1807 = arith.cmpi slt, %select_n3A_1770, %lt3A_1806 : vector<16xi32>
      %jit3A_1808 = arith.constant 1.000000e+00 : f32
      %jit3A_1809 = arith.constant 0.000000e+00 : f32
      %broadcast_in_dim3A_1810 = vector.broadcast %jit3A_1808 : f32 to vector<16xf32>
      %broadcast_in_dim3A_1811 = vector.broadcast %jit3A_1809 : f32 to vector<16xf32>
      %select_n3A_1812 = arith.select %lt3A_1807, %broadcast_in_dim3A_1810, %broadcast_in_dim3A_1811 : vector<16xi1>, vector<16xf32>
      %lt3A_1813 = arith.constant 223 : i32
      %lt3A_1814 = vector.broadcast %lt3A_1813 : i32 to vector<16xi32>
      %lt3A_1815 = arith.cmpi slt, %select_n3A_1776, %lt3A_1814 : vector<16xi32>
      %jit3A_1816 = arith.constant 1.000000e+00 : f32
      %jit3A_1817 = arith.constant 0.000000e+00 : f32
      %broadcast_in_dim3A_1818 = vector.broadcast %jit3A_1816 : f32 to vector<16xf32>
      %broadcast_in_dim3A_1819 = vector.broadcast %jit3A_1817 : f32 to vector<16xf32>
      %select_n3A_1820 = arith.select %lt3A_1815, %broadcast_in_dim3A_1818, %broadcast_in_dim3A_1819 : vector<16xi1>, vector<16xf32>
      %max3A_1821 = arith.constant 0 : i32
      %max3A_1822 = vector.broadcast %max3A_1821 : i32 to vector<16xi32>
      %max3A_1823 = arith.maxsi %select_n3A_1770, %max3A_1822 : vector<16xi32>
      %max3A_1824 = arith.constant 0 : i32
      %max3A_1825 = vector.broadcast %max3A_1824 : i32 to vector<16xi32>
      %max3A_1826 = arith.maxsi %select_n3A_1776, %max3A_1825 : vector<16xi32>
      %add3A_1827 = arith.constant 1 : i32
      %add3A_1828 = vector.broadcast %add3A_1827 : i32 to vector<16xi32>
      %add3A_1829 = arith.addi %select_n3A_1770, %add3A_1828 : vector<16xi32>
      %min3A_1830 = arith.constant 223 : i32
      %min3A_1831 = vector.broadcast %min3A_1830 : i32 to vector<16xi32>
      %min3A_1832 = arith.minsi %add3A_1829, %min3A_1831 : vector<16xi32>
      %add3A_1833 = arith.constant 1 : i32
      %add3A_1834 = vector.broadcast %add3A_1833 : i32 to vector<16xi32>
      %add3A_1835 = arith.addi %select_n3A_1776, %add3A_1834 : vector<16xi32>
      %min3A_1836 = arith.constant 223 : i32
      %min3A_1837 = vector.broadcast %min3A_1836 : i32 to vector<16xi32>
      %min3A_1838 = arith.minsi %add3A_1835, %min3A_1837 : vector<16xi32>
      %mul3A_1839 = arith.constant 224 : i32
      %mul3A_1840 = vector.broadcast %mul3A_1839 : i32 to vector<16xi32>
      %mul3A_1841 = arith.muli %max3A_1826, %mul3A_1840 : vector<16xi32>
      %add3A_1842 = vector.broadcast %mul3A_20 : i32 to vector<16xi32>
      %add3A_1843 = arith.addi %add3A_1842, %mul3A_1841 : vector<16xi32>
      %mul3A_1844 = arith.constant 224 : i32
      %mul3A_1845 = vector.broadcast %mul3A_1844 : i32 to vector<16xi32>
      %mul3A_1846 = arith.muli %min3A_1838, %mul3A_1845 : vector<16xi32>
      %add3A_1847 = vector.broadcast %mul3A_20 : i32 to vector<16xi32>
      %add3A_1848 = arith.addi %add3A_1847, %mul3A_1846 : vector<16xi32>
      %add3A_1849 = arith.addi %add3A_1843, %max3A_1823 : vector<16xi32>
      %swap3A_1850 = arith.constant 48 : index
      %swap3A_1851 = tpu.vector_load %arg8[%swap3A_1850] {strides = array<i32>} : memref<64xi32, #tpu.memory_space<vmem>>, vector<16xi32>,
      tpu.vector_store %arg8[%swap3A_1850], %add3A_1849 {strides = array<i32>} : memref<64xi32, #tpu.memory_space<vmem>>, vector<16xi32>,
      %add3A_1852 = arith.addi %add3A_1843, %min3A_1832 : vector<16xi32>
      %swap3A_1853 = arith.constant 48 : index
      %swap3A_1854 = tpu.vector_load %arg10[%swap3A_1853] {strides = array<i32>} : memref<64xi32, #tpu.memory_space<vmem>>, vector<16xi32>,
      tpu.vector_store %arg10[%swap3A_1853], %add3A_1852 {strides = array<i32>} : memref<64xi32, #tpu.memory_space<vmem>>, vector<16xi32>,
      %add3A_1855 = arith.addi %add3A_1848, %max3A_1823 : vector<16xi32>
      %swap3A_1856 = arith.constant 48 : index
      %swap3A_1857 = tpu.vector_load %arg9[%swap3A_1856] {strides = array<i32>} : memref<64xi32, #tpu.memory_space<vmem>>, vector<16xi32>,
      tpu.vector_store %arg9[%swap3A_1856], %add3A_1855 {strides = array<i32>} : memref<64xi32, #tpu.memory_space<vmem>>, vector<16xi32>,
      %add3A_1858 = arith.addi %add3A_1848, %min3A_1832 : vector<16xi32>
      %swap3A_1859 = arith.constant 48 : index
      %swap3A_1860 = tpu.vector_load %arg11[%swap3A_1859] {strides = array<i32>} : memref<64xi32, #tpu.memory_space<vmem>>, vector<16xi32>,
      tpu.vector_store %arg11[%swap3A_1859], %add3A_1858 {strides = array<i32>} : memref<64xi32, #tpu.memory_space<vmem>>, vector<16xi32>,
      %mul3A_1861 = arith.mulf %sub3A_1782, %sub3A_1787 : vector<16xf32>
      %mul3A_1862 = arith.mulf %select_n3A_1796, %select_n3A_1804 : vector<16xf32>
      %mul3A_1863 = arith.mulf %mul3A_1861, %mul3A_1862 : vector<16xf32>
      %swap3A_1864 = arith.constant 48 : index
      %swap3A_1865 = tpu.vector_load %arg12[%swap3A_1864] {strides = array<i32>} : memref<64xf32, #tpu.memory_space<vmem>>, vector<16xf32>,
      tpu.vector_store %arg12[%swap3A_1864], %mul3A_1863 {strides = array<i32>} : memref<64xf32, #tpu.memory_space<vmem>>, vector<16xf32>,
      %mul3A_1866 = arith.mulf %sub3A_1782, %sub3A_1788 : vector<16xf32>
      %mul3A_1867 = arith.mulf %select_n3A_1796, %select_n3A_1820 : vector<16xf32>
      %mul3A_1868 = arith.mulf %mul3A_1866, %mul3A_1867 : vector<16xf32>
      %swap3A_1869 = arith.constant 48 : index
      %swap3A_1870 = tpu.vector_load %arg13[%swap3A_1869] {strides = array<i32>} : memref<64xf32, #tpu.memory_space<vmem>>, vector<16xf32>,
      tpu.vector_store %arg13[%swap3A_1869], %mul3A_1868 {strides = array<i32>} : memref<64xf32, #tpu.memory_space<vmem>>, vector<16xf32>,
      %mul3A_1871 = arith.mulf %sub3A_1783, %sub3A_1787 : vector<16xf32>
      %mul3A_1872 = arith.mulf %select_n3A_1812, %select_n3A_1804 : vector<16xf32>
      %mul3A_1873 = arith.mulf %mul3A_1871, %mul3A_1872 : vector<16xf32>
      %swap3A_1874 = arith.constant 48 : index
      %swap3A_1875 = tpu.vector_load %arg14[%swap3A_1874] {strides = array<i32>} : memref<64xf32, #tpu.memory_space<vmem>>, vector<16xf32>,
      tpu.vector_store %arg14[%swap3A_1874], %mul3A_1873 {strides = array<i32>} : memref<64xf32, #tpu.memory_space<vmem>>, vector<16xf32>,
      %mul3A_1876 = arith.mulf %sub3A_1783, %sub3A_1788 : vector<16xf32>
      %mul3A_1877 = arith.mulf %select_n3A_1812, %select_n3A_1820 : vector<16xf32>
      %mul3A_1878 = arith.mulf %mul3A_1876, %mul3A_1877 : vector<16xf32>
      %swap3A_1879 = arith.constant 48 : index
      %swap3A_1880 = tpu.vector_load %arg15[%swap3A_1879] {strides = array<i32>} : memref<64xf32, #tpu.memory_space<vmem>>, vector<16xf32>,
      tpu.vector_store %arg15[%swap3A_1879], %mul3A_1878 {strides = array<i32>} : memref<64xf32, #tpu.memory_space<vmem>>, vector<16xf32>,
      %dma_start3A_1881 = arith.constant 0 : i32
      %dma_start3A_1882 = arith.constant 0 : i32
      %dma_start3A_1883 = tpu.memref_slice %arg2[%dma_start3A_1881, %dma_start3A_1882] : memref<401408x128xf32, #tpu.memory_space<hbm>> -> memref<401408x128xf32, #tpu.memory_space<hbm>>
      tpu.enqueue_indirect_dma source(%dma_start3A_1883 : memref<401408x128xf32, #tpu.memory_space<hbm>>) target(%arg16 : memref<64x128xf32, #tpu.memory_space<vmem>>) offsets(%arg8 : memref<64xi32, #tpu.memory_space<vmem>>) semaphore(%arg33 : memref<!tpu.dma_semaphore, #tpu.memory_space<semaphore_mem>>)
      %dma_start3A_1884 = arith.constant 0 : i32
      %dma_start3A_1885 = arith.constant 0 : i32
      %dma_start3A_1886 = tpu.memref_slice %arg2[%dma_start3A_1884, %dma_start3A_1885] : memref<401408x128xf32, #tpu.memory_space<hbm>> -> memref<401408x128xf32, #tpu.memory_space<hbm>>
      tpu.enqueue_indirect_dma source(%dma_start3A_1886 : memref<401408x128xf32, #tpu.memory_space<hbm>>) target(%arg17 : memref<64x128xf32, #tpu.memory_space<vmem>>) offsets(%arg9 : memref<64xi32, #tpu.memory_space<vmem>>) semaphore(%arg34 : memref<!tpu.dma_semaphore, #tpu.memory_space<semaphore_mem>>)
      %dma_start3A_1887 = arith.constant 0 : i32
      %dma_start3A_1888 = arith.constant 0 : i32
      %dma_start3A_1889 = tpu.memref_slice %arg2[%dma_start3A_1887, %dma_start3A_1888] : memref<401408x128xf32, #tpu.memory_space<hbm>> -> memref<401408x128xf32, #tpu.memory_space<hbm>>
      tpu.enqueue_indirect_dma source(%dma_start3A_1889 : memref<401408x128xf32, #tpu.memory_space<hbm>>) target(%arg18 : memref<64x128xf32, #tpu.memory_space<vmem>>) offsets(%arg10 : memref<64xi32, #tpu.memory_space<vmem>>) semaphore(%arg35 : memref<!tpu.dma_semaphore, #tpu.memory_space<semaphore_mem>>)
      %dma_start3A_1890 = arith.constant 0 : i32
      %dma_start3A_1891 = arith.constant 0 : i32
      %dma_start3A_1892 = tpu.memref_slice %arg2[%dma_start3A_1890, %dma_start3A_1891] : memref<401408x128xf32, #tpu.memory_space<hbm>> -> memref<401408x128xf32, #tpu.memory_space<hbm>>
      tpu.enqueue_indirect_dma source(%dma_start3A_1892 : memref<401408x128xf32, #tpu.memory_space<hbm>>) target(%arg19 : memref<64x128xf32, #tpu.memory_space<vmem>>) offsets(%arg11 : memref<64xi32, #tpu.memory_space<vmem>>) semaphore(%arg36 : memref<!tpu.dma_semaphore, #tpu.memory_space<semaphore_mem>>)
      %dma_wait3A_1893 = arith.constant 0 : i32
      %dma_wait3A_1894 = arith.constant 0 : i32
      %dma_wait3A_1895 = tpu.memref_slice %arg2[%dma_wait3A_1893, %dma_wait3A_1894] : memref<401408x128xf32, #tpu.memory_space<hbm>> -> memref<401408x128xf32, #tpu.memory_space<hbm>>
      tpu.wait_indirect_dma semaphore(%arg37 : memref<!tpu.dma_semaphore, #tpu.memory_space<semaphore_mem>>) src(%dma_wait3A_1895 : memref<401408x128xf32, #tpu.memory_space<hbm>>) dst(%arg28 : memref<64x128xf32, #tpu.memory_space<vmem>>)
      %dma_wait3A_1896 = arith.constant 0 : i32
      %dma_wait3A_1897 = arith.constant 0 : i32
      %dma_wait3A_1898 = tpu.memref_slice %arg2[%dma_wait3A_1896, %dma_wait3A_1897] : memref<401408x128xf32, #tpu.memory_space<hbm>> -> memref<401408x128xf32, #tpu.memory_space<hbm>>
      tpu.wait_indirect_dma semaphore(%arg38 : memref<!tpu.dma_semaphore, #tpu.memory_space<semaphore_mem>>) src(%dma_wait3A_1898 : memref<401408x128xf32, #tpu.memory_space<hbm>>) dst(%arg29 : memref<64x128xf32, #tpu.memory_space<vmem>>)
      %dma_wait3A_1899 = arith.constant 0 : i32
      %dma_wait3A_1900 = arith.constant 0 : i32
      %dma_wait3A_1901 = tpu.memref_slice %arg2[%dma_wait3A_1899, %dma_wait3A_1900] : memref<401408x128xf32, #tpu.memory_space<hbm>> -> memref<401408x128xf32, #tpu.memory_space<hbm>>
      tpu.wait_indirect_dma semaphore(%arg39 : memref<!tpu.dma_semaphore, #tpu.memory_space<semaphore_mem>>) src(%dma_wait3A_1901 : memref<401408x128xf32, #tpu.memory_space<hbm>>) dst(%arg30 : memref<64x128xf32, #tpu.memory_space<vmem>>)
      %dma_wait3A_1902 = arith.constant 0 : i32
      %dma_wait3A_1903 = arith.constant 0 : i32
      %dma_wait3A_1904 = tpu.memref_slice %arg2[%dma_wait3A_1902, %dma_wait3A_1903] : memref<401408x128xf32, #tpu.memory_space<hbm>> -> memref<401408x128xf32, #tpu.memory_space<hbm>>
      tpu.wait_indirect_dma semaphore(%arg40 : memref<!tpu.dma_semaphore, #tpu.memory_space<semaphore_mem>>) src(%dma_wait3A_1904 : memref<401408x128xf32, #tpu.memory_space<hbm>>) dst(%arg31 : memref<64x128xf32, #tpu.memory_space<vmem>>)
      %parallel_loop3A_1905 = arith.constant 0 : i32
      %parallel_loop3A_1906 = arith.constant 64 : i32
      %parallel_loop3A_1907 = arith.constant 1 : i32
      scf.for %parallel_loop3A_1915 = %parallel_loop3A_1905 to %parallel_loop3A_1906 step %parallel_loop3A_1907  : i32 {
        %parallel_loop3A_1916 = arith.constant 0 : i32
        %parallel_loop3A_1917 = vector.broadcast %parallel_loop3A_1916 : i32 to vector<16xi32>
        %parallel_loop3A_1918 = vector.broadcast %parallel_loop3A_1915 : i32 to vector<16xi32>
        %parallel_loop3A_1919 = arith.addi %parallel_loop3A_1917, %parallel_loop3A_1918 : vector<16xi32>
        %parallel_loop3A_1920 = tpu.vector_load_idx %arg24[%parallel_loop3A_1919] : memref<64xf32, #tpu.memory_space<vmem>>[vector<16xi32>], vector<16xf32>,
        %parallel_loop3A_1921 = tpu.vector_load_idx %arg25[%parallel_loop3A_1919] : memref<64xf32, #tpu.memory_space<vmem>>[vector<16xi32>], vector<16xf32>,
        %parallel_loop3A_1922 = tpu.vector_load_idx %arg26[%parallel_loop3A_1919] : memref<64xf32, #tpu.memory_space<vmem>>[vector<16xi32>], vector<16xf32>,
        %parallel_loop3A_1923 = tpu.vector_load_idx %arg27[%parallel_loop3A_1919] : memref<64xf32, #tpu.memory_space<vmem>>[vector<16xi32>], vector<16xf32>,
        %parallel_loop3A_1924 = arith.constant 64 : i32
        %parallel_loop3A_1925 = arith.addi %parallel_loop3A_1915, %parallel_loop3A_1924 : i32
        %parallel_loop3A_1926 = arith.index_cast %parallel_loop3A_1915 : i32 to index
        %parallel_loop3A_1927 = arith.constant 0 : index
        %parallel_loop3A_1928 = tpu.vector_load %arg28[%parallel_loop3A_1926, %parallel_loop3A_1927] {strides = array<i32>} : memref<64x128xf32, #tpu.memory_space<vmem>>, vector<16xf32>,
        %parallel_loop3A_1929 = arith.mulf %parallel_loop3A_1928, %parallel_loop3A_1920 : vector<16xf32>
        %parallel_loop3A_1930 = arith.index_cast %parallel_loop3A_1915 : i32 to index
        %parallel_loop3A_1931 = arith.constant 0 : index
        %parallel_loop3A_1932 = tpu.vector_load %arg29[%parallel_loop3A_1930, %parallel_loop3A_1931] {strides = array<i32>} : memref<64x128xf32, #tpu.memory_space<vmem>>, vector<16xf32>,
        %parallel_loop3A_1933 = arith.mulf %parallel_loop3A_1932, %parallel_loop3A_1921 : vector<16xf32>
        %parallel_loop3A_1934 = arith.addf %parallel_loop3A_1929, %parallel_loop3A_1933 : vector<16xf32>
        %parallel_loop3A_1935 = arith.index_cast %parallel_loop3A_1915 : i32 to index
        %parallel_loop3A_1936 = arith.constant 0 : index
        %parallel_loop3A_1937 = tpu.vector_load %arg30[%parallel_loop3A_1935, %parallel_loop3A_1936] {strides = array<i32>} : memref<64x128xf32, #tpu.memory_space<vmem>>, vector<16xf32>,
        %parallel_loop3A_1938 = arith.mulf %parallel_loop3A_1937, %parallel_loop3A_1922 : vector<16xf32>
        %parallel_loop3A_1939 = arith.index_cast %parallel_loop3A_1915 : i32 to index
        %parallel_loop3A_1940 = arith.constant 0 : index
        %parallel_loop3A_1941 = tpu.vector_load %arg31[%parallel_loop3A_1939, %parallel_loop3A_1940] {strides = array<i32>} : memref<64x128xf32, #tpu.memory_space<vmem>>, vector<16xf32>,
        %parallel_loop3A_1942 = arith.mulf %parallel_loop3A_1941, %parallel_loop3A_1923 : vector<16xf32>
        %parallel_loop3A_1943 = arith.addf %parallel_loop3A_1938, %parallel_loop3A_1942 : vector<16xf32>
        %parallel_loop3A_1944 = arith.addf %parallel_loop3A_1934, %parallel_loop3A_1943 : vector<16xf32>
        %parallel_loop3A_1945 = arith.index_cast %parallel_loop3A_1925 : i32 to index
        %parallel_loop3A_1946 = arith.constant 0 : index
        %parallel_loop3A_1947 = tpu.vector_load %arg32[%parallel_loop3A_1945, %parallel_loop3A_1946] {strides = array<i32>} : memref<128x128xf32, #tpu.memory_space<vmem>>, vector<16xf32>,
        tpu.vector_store %arg32[%parallel_loop3A_1945, %parallel_loop3A_1946], %parallel_loop3A_1944 {strides = array<i32>} : memref<128x128xf32, #tpu.memory_space<vmem>>, vector<16xf32>,
        %parallel_loop3A_1948 = arith.index_cast %parallel_loop3A_1915 : i32 to index
        %parallel_loop3A_1949 = arith.constant 16 : index
        %parallel_loop3A_1950 = tpu.vector_load %arg28[%parallel_loop3A_1948, %parallel_loop3A_1949] {strides = array<i32>} : memref<64x128xf32, #tpu.memory_space<vmem>>, vector<16xf32>,
        %parallel_loop3A_1951 = arith.mulf %parallel_loop3A_1950, %parallel_loop3A_1920 : vector<16xf32>
        %parallel_loop3A_1952 = arith.index_cast %parallel_loop3A_1915 : i32 to index
        %parallel_loop3A_1953 = arith.constant 16 : index
        %parallel_loop3A_1954 = tpu.vector_load %arg29[%parallel_loop3A_1952, %parallel_loop3A_1953] {strides = array<i32>} : memref<64x128xf32, #tpu.memory_space<vmem>>, vector<16xf32>,
        %parallel_loop3A_1955 = arith.mulf %parallel_loop3A_1954, %parallel_loop3A_1921 : vector<16xf32>
        %parallel_loop3A_1956 = arith.addf %parallel_loop3A_1951, %parallel_loop3A_1955 : vector<16xf32>
        %parallel_loop3A_1957 = arith.index_cast %parallel_loop3A_1915 : i32 to index
        %parallel_loop3A_1958 = arith.constant 16 : index
        %parallel_loop3A_1959 = tpu.vector_load %arg30[%parallel_loop3A_1957, %parallel_loop3A_1958] {strides = array<i32>} : memref<64x128xf32, #tpu.memory_space<vmem>>, vector<16xf32>,
        %parallel_loop3A_1960 = arith.mulf %parallel_loop3A_1959, %parallel_loop3A_1922 : vector<16xf32>
        %parallel_loop3A_1961 = arith.index_cast %parallel_loop3A_1915 : i32 to index
        %parallel_loop3A_1962 = arith.constant 16 : index
        %parallel_loop3A_1963 = tpu.vector_load %arg31[%parallel_loop3A_1961, %parallel_loop3A_1962] {strides = array<i32>} : memref<64x128xf32, #tpu.memory_space<vmem>>, vector<16xf32>,
        %parallel_loop3A_1964 = arith.mulf %parallel_loop3A_1963, %parallel_loop3A_1923 : vector<16xf32>
        %parallel_loop3A_1965 = arith.addf %parallel_loop3A_1960, %parallel_loop3A_1964 : vector<16xf32>
        %parallel_loop3A_1966 = arith.addf %parallel_loop3A_1956, %parallel_loop3A_1965 : vector<16xf32>
        %parallel_loop3A_1967 = arith.index_cast %parallel_loop3A_1925 : i32 to index
        %parallel_loop3A_1968 = arith.constant 16 : index
        %parallel_loop3A_1969 = tpu.vector_load %arg32[%parallel_loop3A_1967, %parallel_loop3A_1968] {strides = array<i32>} : memref<128x128xf32, #tpu.memory_space<vmem>>, vector<16xf32>,
        tpu.vector_store %arg32[%parallel_loop3A_1967, %parallel_loop3A_1968], %parallel_loop3A_1966 {strides = array<i32>} : memref<128x128xf32, #tpu.memory_space<vmem>>, vector<16xf32>,
        %parallel_loop3A_1970 = arith.index_cast %parallel_loop3A_1915 : i32 to index
        %parallel_loop3A_1971 = arith.constant 32 : index
        %parallel_loop3A_1972 = tpu.vector_load %arg28[%parallel_loop3A_1970, %parallel_loop3A_1971] {strides = array<i32>} : memref<64x128xf32, #tpu.memory_space<vmem>>, vector<16xf32>,
        %parallel_loop3A_1973 = arith.mulf %parallel_loop3A_1972, %parallel_loop3A_1920 : vector<16xf32>
        %parallel_loop3A_1974 = arith.index_cast %parallel_loop3A_1915 : i32 to index
        %parallel_loop3A_1975 = arith.constant 32 : index
        %parallel_loop3A_1976 = tpu.vector_load %arg29[%parallel_loop3A_1974, %parallel_loop3A_1975] {strides = array<i32>} : memref<64x128xf32, #tpu.memory_space<vmem>>, vector<16xf32>,
        %parallel_loop3A_1977 = arith.mulf %parallel_loop3A_1976, %parallel_loop3A_1921 : vector<16xf32>
        %parallel_loop3A_1978 = arith.addf %parallel_loop3A_1973, %parallel_loop3A_1977 : vector<16xf32>
        %parallel_loop3A_1979 = arith.index_cast %parallel_loop3A_1915 : i32 to index
        %parallel_loop3A_1980 = arith.constant 32 : index
        %parallel_loop3A_1981 = tpu.vector_load %arg30[%parallel_loop3A_1979, %parallel_loop3A_1980] {strides = array<i32>} : memref<64x128xf32, #tpu.memory_space<vmem>>, vector<16xf32>,
        %parallel_loop3A_1982 = arith.mulf %parallel_loop3A_1981, %parallel_loop3A_1922 : vector<16xf32>
        %parallel_loop3A_1983 = arith.index_cast %parallel_loop3A_1915 : i32 to index
        %parallel_loop3A_1984 = arith.constant 32 : index
        %parallel_loop3A_1985 = tpu.vector_load %arg31[%parallel_loop3A_1983, %parallel_loop3A_1984] {strides = array<i32>} : memref<64x128xf32, #tpu.memory_space<vmem>>, vector<16xf32>,
        %parallel_loop3A_1986 = arith.mulf %parallel_loop3A_1985, %parallel_loop3A_1923 : vector<16xf32>
        %parallel_loop3A_1987 = arith.addf %parallel_loop3A_1982, %parallel_loop3A_1986 : vector<16xf32>
        %parallel_loop3A_1988 = arith.addf %parallel_loop3A_1978, %parallel_loop3A_1987 : vector<16xf32>
        %parallel_loop3A_1989 = arith.index_cast %parallel_loop3A_1925 : i32 to index
        %parallel_loop3A_1990 = arith.constant 32 : index
        %parallel_loop3A_1991 = tpu.vector_load %arg32[%parallel_loop3A_1989, %parallel_loop3A_1990] {strides = array<i32>} : memref<128x128xf32, #tpu.memory_space<vmem>>, vector<16xf32>,
        tpu.vector_store %arg32[%parallel_loop3A_1989, %parallel_loop3A_1990], %parallel_loop3A_1988 {strides = array<i32>} : memref<128x128xf32, #tpu.memory_space<vmem>>, vector<16xf32>,
        %parallel_loop3A_1992 = arith.index_cast %parallel_loop3A_1915 : i32 to index
        %parallel_loop3A_1993 = arith.constant 48 : index
        %parallel_loop3A_1994 = tpu.vector_load %arg28[%parallel_loop3A_1992, %parallel_loop3A_1993] {strides = array<i32>} : memref<64x128xf32, #tpu.memory_space<vmem>>, vector<16xf32>,
        %parallel_loop3A_1995 = arith.mulf %parallel_loop3A_1994, %parallel_loop3A_1920 : vector<16xf32>
        %parallel_loop3A_1996 = arith.index_cast %parallel_loop3A_1915 : i32 to index
        %parallel_loop3A_1997 = arith.constant 48 : index
        %parallel_loop3A_1998 = tpu.vector_load %arg29[%parallel_loop3A_1996, %parallel_loop3A_1997] {strides = array<i32>} : memref<64x128xf32, #tpu.memory_space<vmem>>, vector<16xf32>,
        %parallel_loop3A_1999 = arith.mulf %parallel_loop3A_1998, %parallel_loop3A_1921 : vector<16xf32>
        %parallel_loop3A_2000 = arith.addf %parallel_loop3A_1995, %parallel_loop3A_1999 : vector<16xf32>
        %parallel_loop3A_2001 = arith.index_cast %parallel_loop3A_1915 : i32 to index
        %parallel_loop3A_2002 = arith.constant 48 : index
        %parallel_loop3A_2003 = tpu.vector_load %arg30[%parallel_loop3A_2001, %parallel_loop3A_2002] {strides = array<i32>} : memref<64x128xf32, #tpu.memory_space<vmem>>, vector<16xf32>,
        %parallel_loop3A_2004 = arith.mulf %parallel_loop3A_2003, %parallel_loop3A_1922 : vector<16xf32>
        %parallel_loop3A_2005 = arith.index_cast %parallel_loop3A_1915 : i32 to index
        %parallel_loop3A_2006 = arith.constant 48 : index
        %parallel_loop3A_2007 = tpu.vector_load %arg31[%parallel_loop3A_2005, %parallel_loop3A_2006] {strides = array<i32>} : memref<64x128xf32, #tpu.memory_space<vmem>>, vector<16xf32>,
        %parallel_loop3A_2008 = arith.mulf %parallel_loop3A_2007, %parallel_loop3A_1923 : vector<16xf32>
        %parallel_loop3A_2009 = arith.addf %parallel_loop3A_2004, %parallel_loop3A_2008 : vector<16xf32>
        %parallel_loop3A_2010 = arith.addf %parallel_loop3A_2000, %parallel_loop3A_2009 : vector<16xf32>
        %parallel_loop3A_2011 = arith.index_cast %parallel_loop3A_1925 : i32 to index
        %parallel_loop3A_2012 = arith.constant 48 : index
        %parallel_loop3A_2013 = tpu.vector_load %arg32[%parallel_loop3A_2011, %parallel_loop3A_2012] {strides = array<i32>} : memref<128x128xf32, #tpu.memory_space<vmem>>, vector<16xf32>,
        tpu.vector_store %arg32[%parallel_loop3A_2011, %parallel_loop3A_2012], %parallel_loop3A_2010 {strides = array<i32>} : memref<128x128xf32, #tpu.memory_space<vmem>>, vector<16xf32>,
        %parallel_loop3A_2014 = arith.index_cast %parallel_loop3A_1915 : i32 to index
        %parallel_loop3A_2015 = arith.constant 64 : index
        %parallel_loop3A_2016 = tpu.vector_load %arg28[%parallel_loop3A_2014, %parallel_loop3A_2015] {strides = array<i32>} : memref<64x128xf32, #tpu.memory_space<vmem>>, vector<16xf32>,
        %parallel_loop3A_2017 = arith.mulf %parallel_loop3A_2016, %parallel_loop3A_1920 : vector<16xf32>
        %parallel_loop3A_2018 = arith.index_cast %parallel_loop3A_1915 : i32 to index
        %parallel_loop3A_2019 = arith.constant 64 : index
        %parallel_loop3A_2020 = tpu.vector_load %arg29[%parallel_loop3A_2018, %parallel_loop3A_2019] {strides = array<i32>} : memref<64x128xf32, #tpu.memory_space<vmem>>, vector<16xf32>,
        %parallel_loop3A_2021 = arith.mulf %parallel_loop3A_2020, %parallel_loop3A_1921 : vector<16xf32>
        %parallel_loop3A_2022 = arith.addf %parallel_loop3A_2017, %parallel_loop3A_2021 : vector<16xf32>
        %parallel_loop3A_2023 = arith.index_cast %parallel_loop3A_1915 : i32 to index
        %parallel_loop3A_2024 = arith.constant 64 : index
        %parallel_loop3A_2025 = tpu.vector_load %arg30[%parallel_loop3A_2023, %parallel_loop3A_2024] {strides = array<i32>} : memref<64x128xf32, #tpu.memory_space<vmem>>, vector<16xf32>,
        %parallel_loop3A_2026 = arith.mulf %parallel_loop3A_2025, %parallel_loop3A_1922 : vector<16xf32>
        %parallel_loop3A_2027 = arith.index_cast %parallel_loop3A_1915 : i32 to index
        %parallel_loop3A_2028 = arith.constant 64 : index
        %parallel_loop3A_2029 = tpu.vector_load %arg31[%parallel_loop3A_2027, %parallel_loop3A_2028] {strides = array<i32>} : memref<64x128xf32, #tpu.memory_space<vmem>>, vector<16xf32>,
        %parallel_loop3A_2030 = arith.mulf %parallel_loop3A_2029, %parallel_loop3A_1923 : vector<16xf32>
        %parallel_loop3A_2031 = arith.addf %parallel_loop3A_2026, %parallel_loop3A_2030 : vector<16xf32>
        %parallel_loop3A_2032 = arith.addf %parallel_loop3A_2022, %parallel_loop3A_2031 : vector<16xf32>
        %parallel_loop3A_2033 = arith.index_cast %parallel_loop3A_1925 : i32 to index
        %parallel_loop3A_2034 = arith.constant 64 : index
        %parallel_loop3A_2035 = tpu.vector_load %arg32[%parallel_loop3A_2033, %parallel_loop3A_2034] {strides = array<i32>} : memref<128x128xf32, #tpu.memory_space<vmem>>, vector<16xf32>,
        tpu.vector_store %arg32[%parallel_loop3A_2033, %parallel_loop3A_2034], %parallel_loop3A_2032 {strides = array<i32>} : memref<128x128xf32, #tpu.memory_space<vmem>>, vector<16xf32>,
        %parallel_loop3A_2036 = arith.index_cast %parallel_loop3A_1915 : i32 to index
        %parallel_loop3A_2037 = arith.constant 80 : index
        %parallel_loop3A_2038 = tpu.vector_load %arg28[%parallel_loop3A_2036, %parallel_loop3A_2037] {strides = array<i32>} : memref<64x128xf32, #tpu.memory_space<vmem>>, vector<16xf32>,
        %parallel_loop3A_2039 = arith.mulf %parallel_loop3A_2038, %parallel_loop3A_1920 : vector<16xf32>
        %parallel_loop3A_2040 = arith.index_cast %parallel_loop3A_1915 : i32 to index
        %parallel_loop3A_2041 = arith.constant 80 : index
        %parallel_loop3A_2042 = tpu.vector_load %arg29[%parallel_loop3A_2040, %parallel_loop3A_2041] {strides = array<i32>} : memref<64x128xf32, #tpu.memory_space<vmem>>, vector<16xf32>,
        %parallel_loop3A_2043 = arith.mulf %parallel_loop3A_2042, %parallel_loop3A_1921 : vector<16xf32>
        %parallel_loop3A_2044 = arith.addf %parallel_loop3A_2039, %parallel_loop3A_2043 : vector<16xf32>
        %parallel_loop3A_2045 = arith.index_cast %parallel_loop3A_1915 : i32 to index
        %parallel_loop3A_2046 = arith.constant 80 : index
        %parallel_loop3A_2047 = tpu.vector_load %arg30[%parallel_loop3A_2045, %parallel_loop3A_2046] {strides = array<i32>} : memref<64x128xf32, #tpu.memory_space<vmem>>, vector<16xf32>,
        %parallel_loop3A_2048 = arith.mulf %parallel_loop3A_2047, %parallel_loop3A_1922 : vector<16xf32>
        %parallel_loop3A_2049 = arith.index_cast %parallel_loop3A_1915 : i32 to index
        %parallel_loop3A_2050 = arith.constant 80 : index
        %parallel_loop3A_2051 = tpu.vector_load %arg31[%parallel_loop3A_2049, %parallel_loop3A_2050] {strides = array<i32>} : memref<64x128xf32, #tpu.memory_space<vmem>>, vector<16xf32>,
        %parallel_loop3A_2052 = arith.mulf %parallel_loop3A_2051, %parallel_loop3A_1923 : vector<16xf32>
        %parallel_loop3A_2053 = arith.addf %parallel_loop3A_2048, %parallel_loop3A_2052 : vector<16xf32>
        %parallel_loop3A_2054 = arith.addf %parallel_loop3A_2044, %parallel_loop3A_2053 : vector<16xf32>
        %parallel_loop3A_2055 = arith.index_cast %parallel_loop3A_1925 : i32 to index
        %parallel_loop3A_2056 = arith.constant 80 : index
        %parallel_loop3A_2057 = tpu.vector_load %arg32[%parallel_loop3A_2055, %parallel_loop3A_2056] {strides = array<i32>} : memref<128x128xf32, #tpu.memory_space<vmem>>, vector<16xf32>,
        tpu.vector_store %arg32[%parallel_loop3A_2055, %parallel_loop3A_2056], %parallel_loop3A_2054 {strides = array<i32>} : memref<128x128xf32, #tpu.memory_space<vmem>>, vector<16xf32>,
        %parallel_loop3A_2058 = arith.index_cast %parallel_loop3A_1915 : i32 to index
        %parallel_loop3A_2059 = arith.constant 96 : index
        %parallel_loop3A_2060 = tpu.vector_load %arg28[%parallel_loop3A_2058, %parallel_loop3A_2059] {strides = array<i32>} : memref<64x128xf32, #tpu.memory_space<vmem>>, vector<16xf32>,
        %parallel_loop3A_2061 = arith.mulf %parallel_loop3A_2060, %parallel_loop3A_1920 : vector<16xf32>
        %parallel_loop3A_2062 = arith.index_cast %parallel_loop3A_1915 : i32 to index
        %parallel_loop3A_2063 = arith.constant 96 : index
        %parallel_loop3A_2064 = tpu.vector_load %arg29[%parallel_loop3A_2062, %parallel_loop3A_2063] {strides = array<i32>} : memref<64x128xf32, #tpu.memory_space<vmem>>, vector<16xf32>,
        %parallel_loop3A_2065 = arith.mulf %parallel_loop3A_2064, %parallel_loop3A_1921 : vector<16xf32>
        %parallel_loop3A_2066 = arith.addf %parallel_loop3A_2061, %parallel_loop3A_2065 : vector<16xf32>
        %parallel_loop3A_2067 = arith.index_cast %parallel_loop3A_1915 : i32 to index
        %parallel_loop3A_2068 = arith.constant 96 : index
        %parallel_loop3A_2069 = tpu.vector_load %arg30[%parallel_loop3A_2067, %parallel_loop3A_2068] {strides = array<i32>} : memref<64x128xf32, #tpu.memory_space<vmem>>, vector<16xf32>,
        %parallel_loop3A_2070 = arith.mulf %parallel_loop3A_2069, %parallel_loop3A_1922 : vector<16xf32>
        %parallel_loop3A_2071 = arith.index_cast %parallel_loop3A_1915 : i32 to index
        %parallel_loop3A_2072 = arith.constant 96 : index
        %parallel_loop3A_2073 = tpu.vector_load %arg31[%parallel_loop3A_2071, %parallel_loop3A_2072] {strides = array<i32>} : memref<64x128xf32, #tpu.memory_space<vmem>>, vector<16xf32>,
        %parallel_loop3A_2074 = arith.mulf %parallel_loop3A_2073, %parallel_loop3A_1923 : vector<16xf32>
        %parallel_loop3A_2075 = arith.addf %parallel_loop3A_2070, %parallel_loop3A_2074 : vector<16xf32>
        %parallel_loop3A_2076 = arith.addf %parallel_loop3A_2066, %parallel_loop3A_2075 : vector<16xf32>
        %parallel_loop3A_2077 = arith.index_cast %parallel_loop3A_1925 : i32 to index
        %parallel_loop3A_2078 = arith.constant 96 : index
        %parallel_loop3A_2079 = tpu.vector_load %arg32[%parallel_loop3A_2077, %parallel_loop3A_2078] {strides = array<i32>} : memref<128x128xf32, #tpu.memory_space<vmem>>, vector<16xf32>,
        tpu.vector_store %arg32[%parallel_loop3A_2077, %parallel_loop3A_2078], %parallel_loop3A_2076 {strides = array<i32>} : memref<128x128xf32, #tpu.memory_space<vmem>>, vector<16xf32>,
        %parallel_loop3A_2080 = arith.index_cast %parallel_loop3A_1915 : i32 to index
        %parallel_loop3A_2081 = arith.constant 112 : index
        %parallel_loop3A_2082 = tpu.vector_load %arg28[%parallel_loop3A_2080, %parallel_loop3A_2081] {strides = array<i32>} : memref<64x128xf32, #tpu.memory_space<vmem>>, vector<16xf32>,
        %parallel_loop3A_2083 = arith.mulf %parallel_loop3A_2082, %parallel_loop3A_1920 : vector<16xf32>
        %parallel_loop3A_2084 = arith.index_cast %parallel_loop3A_1915 : i32 to index
        %parallel_loop3A_2085 = arith.constant 112 : index
        %parallel_loop3A_2086 = tpu.vector_load %arg29[%parallel_loop3A_2084, %parallel_loop3A_2085] {strides = array<i32>} : memref<64x128xf32, #tpu.memory_space<vmem>>, vector<16xf32>,
        %parallel_loop3A_2087 = arith.mulf %parallel_loop3A_2086, %parallel_loop3A_1921 : vector<16xf32>
        %parallel_loop3A_2088 = arith.addf %parallel_loop3A_2083, %parallel_loop3A_2087 : vector<16xf32>
        %parallel_loop3A_2089 = arith.index_cast %parallel_loop3A_1915 : i32 to index
        %parallel_loop3A_2090 = arith.constant 112 : index
        %parallel_loop3A_2091 = tpu.vector_load %arg30[%parallel_loop3A_2089, %parallel_loop3A_2090] {strides = array<i32>} : memref<64x128xf32, #tpu.memory_space<vmem>>, vector<16xf32>,
        %parallel_loop3A_2092 = arith.mulf %parallel_loop3A_2091, %parallel_loop3A_1922 : vector<16xf32>
        %parallel_loop3A_2093 = arith.index_cast %parallel_loop3A_1915 : i32 to index
        %parallel_loop3A_2094 = arith.constant 112 : index
        %parallel_loop3A_2095 = tpu.vector_load %arg31[%parallel_loop3A_2093, %parallel_loop3A_2094] {strides = array<i32>} : memref<64x128xf32, #tpu.memory_space<vmem>>, vector<16xf32>,
        %parallel_loop3A_2096 = arith.mulf %parallel_loop3A_2095, %parallel_loop3A_1923 : vector<16xf32>
        %parallel_loop3A_2097 = arith.addf %parallel_loop3A_2092, %parallel_loop3A_2096 : vector<16xf32>
        %parallel_loop3A_2098 = arith.addf %parallel_loop3A_2088, %parallel_loop3A_2097 : vector<16xf32>
        %parallel_loop3A_2099 = arith.index_cast %parallel_loop3A_1925 : i32 to index
        %parallel_loop3A_2100 = arith.constant 112 : index
        %parallel_loop3A_2101 = tpu.vector_load %arg32[%parallel_loop3A_2099, %parallel_loop3A_2100] {strides = array<i32>} : memref<128x128xf32, #tpu.memory_space<vmem>>, vector<16xf32>,
        tpu.vector_store %arg32[%parallel_loop3A_2099, %parallel_loop3A_2100], %parallel_loop3A_2098 {strides = array<i32>} : memref<128x128xf32, #tpu.memory_space<vmem>>, vector<16xf32>,
      } {sc.loop_unroll_factor = 2 : i64, sc.parallel_access}
      %mul3A_1908 = arith.constant 128 : i32
      %mul3A_1909 = arith.muli %scan3A_635, %mul3A_1908 : i32
      %add3A_1910 = arith.addi %mul3A_2, %mul3A_1909 : i32
      %dma_start3A_1911 = arith.constant 0 : i32
      %dma_start3A_1912 = tpu.memref_slice %arg5[%add3A_1910, %dma_start3A_1911] : memref<401408x128xf32, #tpu.memory_space<hbm>> -> memref<128x128xf32, #tpu.memory_space<hbm>>
      %dma_start3A_1913 = arith.constant 0 : i32
      %dma_start3A_1914 = tpu.memref_slice %arg5[%add3A_1910, %dma_start3A_1913] : memref<401408x128xf32, #tpu.memory_space<hbm>> -> memref<128x128xf32, #tpu.memory_space<hbm>>
      tpu.enqueue_dma source(%arg32 : memref<128x128xf32, #tpu.memory_space<vmem>>) target(%dma_start3A_1914 : memref<128x128xf32, #tpu.memory_space<hbm>>) target_semaphore(%arg41 : memref<!tpu.dma_semaphore, #tpu.memory_space<semaphore_mem>>)
    }
    %scan3A_617 = arith.constant 98 : i32
    %add3A_618 = arith.constant 0 : i32
    %add3A_619 = arith.addi %mul3A_2, %add3A_618 : i32
    %dma_wait3A = arith.constant 0 : i32
    %dma_wait3A_620 = tpu.memref_slice %arg5[%add3A_619, %dma_wait3A] : memref<401408x128xf32, #tpu.memory_space<hbm>> -> memref<128x128xf32, #tpu.memory_space<hbm>>
    %dma_wait3A_621 = arith.constant 0 : i32
    %dma_wait3A_622 = tpu.memref_slice %arg5[%add3A_619, %dma_wait3A_621] : memref<401408x128xf32, #tpu.memory_space<hbm>> -> memref<128x128xf32, #tpu.memory_space<hbm>>
    tpu.wait_dma2 semaphore(%arg41 : memref<!tpu.dma_semaphore, #tpu.memory_space<semaphore_mem>>) src(%arg32 : memref<128x128xf32, #tpu.memory_space<vmem>>) dst(%dma_wait3A_622 : memref<128x128xf32, #tpu.memory_space<hbm>>)
    %dma_wait3A_623 = arith.constant 0 : i32
    %dma_wait3A_624 = arith.constant 0 : i32
    %dma_wait3A_625 = tpu.memref_slice %arg2[%dma_wait3A_623, %dma_wait3A_624] : memref<401408x128xf32, #tpu.memory_space<hbm>> -> memref<401408x128xf32, #tpu.memory_space<hbm>>
    tpu.wait_indirect_dma semaphore(%arg33 : memref<!tpu.dma_semaphore, #tpu.memory_space<semaphore_mem>>) src(%dma_wait3A_625 : memref<401408x128xf32, #tpu.memory_space<hbm>>) dst(%arg16 : memref<64x128xf32, #tpu.memory_space<vmem>>)
    %dma_wait3A_626 = arith.constant 0 : i32
    %dma_wait3A_627 = arith.constant 0 : i32
    %dma_wait3A_628 = tpu.memref_slice %arg2[%dma_wait3A_626, %dma_wait3A_627] : memref<401408x128xf32, #tpu.memory_space<hbm>> -> memref<401408x128xf32, #tpu.memory_space<hbm>>
    tpu.wait_indirect_dma semaphore(%arg34 : memref<!tpu.dma_semaphore, #tpu.memory_space<semaphore_mem>>) src(%dma_wait3A_628 : memref<401408x128xf32, #tpu.memory_space<hbm>>) dst(%arg17 : memref<64x128xf32, #tpu.memory_space<vmem>>)
    %dma_wait3A_629 = arith.constant 0 : i32
    %dma_wait3A_630 = arith.constant 0 : i32
    %dma_wait3A_631 = tpu.memref_slice %arg2[%dma_wait3A_629, %dma_wait3A_630] : memref<401408x128xf32, #tpu.memory_space<hbm>> -> memref<401408x128xf32, #tpu.memory_space<hbm>>
    tpu.wait_indirect_dma semaphore(%arg35 : memref<!tpu.dma_semaphore, #tpu.memory_space<semaphore_mem>>) src(%dma_wait3A_631 : memref<401408x128xf32, #tpu.memory_space<hbm>>) dst(%arg18 : memref<64x128xf32, #tpu.memory_space<vmem>>)
    %dma_wait3A_632 = arith.constant 0 : i32
    %dma_wait3A_633 = arith.constant 0 : i32
    %dma_wait3A_634 = tpu.memref_slice %arg2[%dma_wait3A_632, %dma_wait3A_633] : memref<401408x128xf32, #tpu.memory_space<hbm>> -> memref<401408x128xf32, #tpu.memory_space<hbm>>
    tpu.wait_indirect_dma semaphore(%arg36 : memref<!tpu.dma_semaphore, #tpu.memory_space<semaphore_mem>>) src(%dma_wait3A_634 : memref<401408x128xf32, #tpu.memory_space<hbm>>) dst(%arg19 : memref<64x128xf32, #tpu.memory_space<vmem>>)
    return
  }
}

</mosaic_0001>

<sc_bundles>
// kernel: kernel.3.cloned.1.call-start
scs
__scs_entry_jumppad:
0x0: {  	(pc) =	sbr.rel $0x88, $3  }
0x1: {  	(tag) =	ssettag $0x0;
	lr =	simm.s32 $0x1  }
0x2: {  	[smem:$0x3F9F] =	sst lr;
	_ =	strace $0xD0000000  }
0x3: {  	_ = 	snop  }
0x4: {  	_ = 	snop  }
0x5: {  	_ = 	snop  }
0x6: {  	_ = 	snop  }
0x7: {  	_ = 	snop  }
__scs_overlays_trampoline_lowered:
0x8: {  	[smem:$0x3FAE] =	sst s0  }
0x9: {  	[smem:$0x3FAF] =	sst s1  }
0xa: {  	[smem:$0x3FB0] =	sst s2  }
0xb: {  	[smem:$0x3FB1] =	sst s3  }
0xc: {  	[smem:$0x3FB2] =	sst s4  }
0xd: {  	[smem:$0x3FB3] =	sst s5  }
0xe: {  	[smem:$0x3FB4] =	sst s6  }
0xf: {  	[smem:$0x3FB5] =	sst s7  }
0x10: {  	[smem:$0x3FB6] =	sst s8  }
0x11: {  	[smem:$0x3FB7] =	sst s9;
	s0 =	simm.s32 @!p0 $0x0  }
0x12: {  	s1 =	sld [smem:$0x3F9D];
	s0 =	simm.s32 @p0 $0x1  }
0x13: {  	[smem:$0x3FB8] =	sst s0;
	s0 =	simm.s32 @!p1 $0x0  }
0x14: {  	s2 =	sld [smem:$0x3F9C];
	s0 =	simm.s32 @p1 $0x1  }
0x15: {  	[smem:$0x3FB9] =	sst s0;
	s0 =	simm.s32 @!p2 $0x0  }
0x16: {  	s3 =	sld [smem:$0x3FDB];
	s0 =	simm.s32 @p2 $0x1  }
0x17: {  	s4 =	simm.s32 $0x1BF5;
	[smem:$0x3FBB] =	sst s0  }
0x18: {  	s0 =	sld [smem:$0x3F9E];
	_ =	swait.ge [sflag:s4], $0x0  }
0x19: {  	s7 =	sld [smem:$0x3F9F]  }
0x1a: {  	s8 =	sadd.s32 $0xFFFFE003, lr  }
0x1b: {  	s9 =	sadd.s32 $0xFFFFFEF7, lr;
	s5 =	simm.s32 $0xFFFFFFFF;
	p2 =	slt.u32 s8, $0xFFFFF086  }
0x1c: {  	p1 =	slt.u32 s9, $0xF7A;
	s5 =	simm.s32 @!p2 $0x0  }
0x1d: {  	s5 =	simm.s32 @p1 $0x1;
	p0 =	seq.s32 s7, s2  }
0x1e: {  	s7 =	smul.u32 @!p0 $0xF7A, s2;
	p2 =	seq.s32 @!p0 s5, $0x0  }
0x1f: {  	s9 =	smul.u32 $0xF7A, s1;
	s8 =	simm.s32 @!p0 $0x1BF5;
	p2 =	por !p2, p0  }
0x20: {  	[sflag:s8] =	ssyncset.s32 @!p0 $0xFFFFF086;
	s6 =	sadd.s32 @!p0 s3, s7;
	s7 =	simm.s32 @!p0 $0x108  }
0x21: {  	s3 =	sadd.s32 s3, s9;
	s6 =	sadd.s32 @!p0 $0x88, s6;
	s7 =	simm.s32 @p2 $0x1082  }
0x22: {  	[simem:s7], [sflag:s8] =	dma.local @!p0 [hbm:s6], $0xF7A  }
0x23: {  	s9 =	sor.u32 $0xD0000000, s2;
	s6 =	simm.s32 $0x108;
	_ =	swait.ge @!p0 [sflag:s8], $0x0  }
0x24: {  	s3 =	sadd.s32 $0x88, s3;
	s6 =	simm.s32 @!p1 $0x1082;
	[sflag:s4] =	ssyncset.s32 $0xFFFFF086  }
0x25: {  	[simem:s6], [sflag:s4] =	dma.local [hbm:s3], $0xF7A  }
0x26: {  	[smem:$0x3F9F] =	sst s1;
	(tag) =	ssettag s2;
	_ =	strace s9  }
0x27: {  	s1 =	sld [smem:$0x3FAF]  }
0x28: {  	s2 =	sld [smem:$0x3FB0]  }
0x29: {  	s4 =	sld [smem:$0x3FB2]  }
0x2a: {  	p0 =	seq.s32 s5, $0x0;
	s5 =	sld [smem:$0x3FB3]  }
0x2b: {  	s6 =	sld [smem:$0x3FB4]  }
0x2c: {  	s7 =	sld [smem:$0x3FB5]  }
0x2d: {  	s3 =	simm.s32 $0x108;
	s8 =	sld [smem:$0x3FB6]  }
0x2e: {  	s3 =	simm.s32 @!p0 $0x1082;
	s9 =	sld [smem:$0x3FB7]  }
0x2f: {  	lr =	sadd.s32 s0, s3;
	s0 =	sld [smem:$0x3FAE]  }
0x30: {  	s3 =	sld [smem:$0x3FB1]  }
0x31: {  	[smem:$0x3FBA] =	sst s10  }
0x32: {  	s10 =	sld [smem:$0x3FB8];
	_ =	sdelay $0x3  }
0x33: {  	p0 =	seq.s32 s10, $0x1;
	s10 =	sld [smem:$0x3FBA];
	_ =	sdelay $0x3  }
0x34: {  	[smem:$0x3FBA] =	sst s10  }
0x35: {  	s10 =	sld [smem:$0x3FB9];
	_ =	sdelay $0x3  }
0x36: {  	p1 =	seq.s32 s10, $0x1;
	s10 =	sld [smem:$0x3FBA];
	_ =	sdelay $0x3  }
0x37: {  	[smem:$0x3FBA] =	sst s10  }
0x38: {  	s10 =	sld [smem:$0x3FBB]  }
0x39: {  	_ = 	snop;
	(pc) =	sbr.ind lr, $3  }
0x3a: {  	_ = 	snop  }
0x3b: {  	_ = 	snop  }
0x3c: {  	p2 =	seq.s32 s10, $0x1;
	s10 =	sld [smem:$0x3FBA]  }
0x3d: {  	_ =	shalt  }
0x3e: {  	_ =	shalt  }
0x3f: {  	_ =	shalt  }
0x40: {  	_ =	shalt  }
0x41: {  	_ =	shalt  }
0x42: {  	_ =	shalt  }
0x43: {  	_ =	shalt  }
0x44: {  	_ =	shalt  }
0x45: {  	_ =	shalt  }
0x46: {  	_ =	shalt  }
0x47: {  	_ =	shalt  }
0x48: {  	_ =	shalt  }
0x49: {  	_ =	shalt  }
0x4a: {  	_ =	shalt  }
0x4b: {  	_ =	shalt  }
0x4c: {  	_ =	shalt  }
0x4d: {  	_ =	shalt  }
0x4e: {  	_ =	shalt  }
0x4f: {  	_ =	shalt  }
0x50: {  	_ =	shalt  }
0x51: {  	_ =	shalt  }
0x52: {  	_ =	shalt  }
0x53: {  	_ =	shalt  }
0x54: {  	_ =	shalt  }
0x55: {  	_ =	shalt  }
0x56: {  	_ =	shalt  }
0x57: {  	_ =	shalt  }
0x58: {  	_ =	shalt  }
0x59: {  	_ =	shalt  }
0x5a: {  	_ =	shalt  }
0x5b: {  	_ =	shalt  }
0x5c: {  	_ =	shalt  }
0x5d: {  	_ =	shalt  }
0x5e: {  	_ =	shalt  }
0x5f: {  	_ =	shalt  }
0x60: {  	_ =	shalt  }
0x61: {  	_ =	shalt  }
0x62: {  	_ =	shalt  }
0x63: {  	_ =	shalt  }
0x64: {  	_ =	shalt  }
0x65: {  	_ =	shalt  }
0x66: {  	_ =	shalt  }
0x67: {  	_ =	shalt  }
0x68: {  	_ =	shalt  }
0x69: {  	_ =	shalt  }
0x6a: {  	_ =	shalt  }
0x6b: {  	_ =	shalt  }
0x6c: {  	_ =	shalt  }
0x6d: {  	_ =	shalt  }
0x6e: {  	_ =	shalt  }
0x6f: {  	_ =	shalt  }
0x70: {  	_ =	shalt  }
0x71: {  	_ =	shalt  }
0x72: {  	_ =	shalt  }
0x73: {  	_ =	shalt  }
0x74: {  	_ =	shalt  }
0x75: {  	_ =	shalt  }
0x76: {  	_ =	shalt  }
0x77: {  	_ =	shalt  }
0x78: {  	_ =	shalt  }
0x79: {  	_ =	shalt  }
0x7a: {  	_ =	shalt  }
0x7b: {  	_ =	shalt  }
0x7c: {  	_ =	shalt  }
0x7d: {  	_ =	shalt  }
0x7e: {  	_ =	shalt  }
0x7f: {  	_ =	shalt  }
0x80: {  	_ =	shalt  }
0x81: {  	_ =	shalt  }
0x82: {  	_ =	shalt  }
0x83: {  	_ =	shalt  }
0x84: {  	_ =	shalt  }
0x85: {  	_ =	shalt  }
0x86: {  	_ =	shalt  }
0x87: {  	_ =	shalt  }
.Lfunc_end0:
.L_simem_size_0:
called_computation_lowered:
.L_overlay_start_0:
0x88: {  	s2 =	sld [smem:$0x3FD9]  }
0x89: {  	s3 =	sld [smem:$0x3FFE];
	_ =	sdelay $0x1  }
0x8a: {  	s1 =	srdreg.scid  }
0x8b: {  	s0 =	sand.u32 $0x1, s1  }
0x8c: {  	s17 =	sshll.u32 s0, $0xA;
	s2 =	sadd.s32 s3, s2  }
0x8d: {  	s2 =	sadd.s32 s2, s17  }
0x8e: {  	[smem:$0x3FC6] =	sst s2  }
0x8f: {  	_ = 	snop  }
0x90: {  	s2 =	sld [smem:$0x3FC9]  }
0x91: {  	s18 =	sld [smem:$0x3FD0];
	(tm) =	ssettm $0x1  }
0x92: {  	s4 =	sld [smem:$0x3FFB];
	_ =	sdelay $0x3  }
0x93: {  	_ =	strace s4  }
0x94: {  	s4 =	sld [smem:$0x3FFC];
	_ =	sdelay $0x3  }
0x95: {  	_ =	strace s4  }
0x96: {  	s4 =	sld [smem:$0x3FFD];
	_ =	sdelay $0x3  }
0x97: {  	_ =	strace s4  }
0x98: {  	_ =	strace $0x8FFFFFFF  }
0x99: {  	s19 =	sld [smem:$0x3FDB];
	_ =	sdelay $0x1  }
0x9a: {  	s5 =	simm.s32 $_scs_section_size  }
0x9b: {  	s6 =	simm.s32 $_size__tile_overlayer_lowered;
	s7 =	simm.s32 $_tile_overlayer_lowered  }
0x9c: {  	s22 =	simm.s32 $0x1BFF;
	s21 =	sshll.u32 s7, $0x1;
	s4 =	sadd.s32 s5, s19  }
0x9d: {  	s8 =	simm.s32 $0x0;
	s20 =	sshll.u32 s6, $0x1;
	s6 =	sadd.s32 s21, s4  }
0x9e: {  	[timem:s8], [sflag:s22] =	dma.local [hbm:s6], s20  }
0x9f: {  	_ =	swait.ge [sflag:s22], s20  }
0xa0: {  	s5 =	ssub.s32 $0x0, s20;
	[sflag:s22] =	ssyncset.done $0x0  }
0xa1: {  	[sflag:s22] =	ssyncadd.s32 s5;
	_ =	sdelay $0x1  }
0xa2: {  	s23 =	simm.s32 $0x1B8B  }
0xa3: {  	_ =	swait.ge [sflag:s23], $0x1  }
0xa4: {  	[sflag:s23] =	ssyncset.done $0x0  }
0xa5: {  	s25 =	simm.s32 $0x1B8E;
	s24 =	sld [smem:$0x3FFE];
	[sflag:s23] =	ssyncadd.s32 $0xFFFFFFFF  }
0xa6: {  	s26 =	simm.s32 $execute0_lowered;
	[smem:$0x3FD2] =	sst s25  }
0xa7: {  	s6 =	sshll.u32 s26, $0x1;
	_ =	strace $0x80000046;
	[dreg:$0x1] =	wrdreg $0xFFFFFFFF  }
0xa8: {  	s28 =	simm.s32 $_size_execute0_lowered;
	s4 =	sadd.s32 s4, s6;
	[dreg:$0x0] =	wrdreg $0x0  }
0xa9: {  	s6 =	sshll.u32 s28, $0x1;
	[dreg:$0x2] =	wrdreg s4  }
0xaa: {  	[dreg:$0x3] =	wrdreg s6  }
0xab: {  	[dreg:$0x4] =	wrdreg $0xC0  }
0xac: {  	_ =	task [dreg:s8], $0x5FFFF  }
0xad: {  	[dreg:$0x1] =	wrdreg $0xFFFFFFFF  }
0xae: {  	[dreg:$0x0] =	wrdreg $0x60  }
0xaf: {  	[dreg:$0x2] =	wrdreg s2  }
0xb0: {  	[dreg:$0x3] =	wrdreg s24  }
0xb1: {  	[dreg:$0x4] =	wrdreg s18  }
0xb2: {  	[dreg:$0x5] =	wrdreg $0x9  }
0xb3: {  	_ =	task.clear_ibuf [dreg:s8], $0x6FFFF;
	_ =	strace $0x90000046  }
0xb4: {  	s29 =	simm.s32 $0x9;
	_ =	strace $0x80000048  }
0xb5: {  	_ =	swait.ge [sflag:s29], $0x1  }
0xb6: {  	[sflag:s29] =	ssyncadd.s32 $0xFFFFFFFF  }
0xb7: {  	_ =	strace $0x90000048  }
0xb8: {  	_ =	sfence  }
0xb9: {  	s30 =	sld [smem:$0x0];
	_ =	sdelay $0x2  }
0xba: {  	s31 =	sshll.u32 s1, $0xD;
	s1 =	sshrl.u32 s1, $0x2  }
0xbb: {  	s3 =	sand.u32 $0x4000, s31;
	s1 =	sadd.s32 s1, s30  }
0xbc: {  	s0 =	sor.u32 s3, s0;
	s1 =	sshll.u32 s1, $0x11  }
0xbd: {  	s0 =	sor.u32 s1, s0  }
0xbe: {  	s0 =	sadd.s32 $0x8F2B, s0  }
0xbf: {  	[sflag:s0] =	ssyncadd.remote.s32 $0x1  }
0xc0: {  	_ =	sfence.sel $0xFFFF  }
0xc1: {  	[dreg:$0x0] =	wrdreg $0xFFFFFFFF;
	(pc) =	sbr.abs _section_cstart, $3  }
0xc2: {  	[dreg:$0x1] =	wrdreg $0xFFFFFFFF  }
0xc3: {  	_ =	task.clear_ibuf [dreg:s8], $0x2FFFF;
	_ =	strace $0x9FFFFFFF  }
0xc4: {  	(tm) =	ssettm $0x7FFFFFFF  }
0xc5: {  	_ =	shalt  }
tec
execute0_lowered:
.L_overlay_start_1:
0x0: {  	(tag) =	ssettag $0x1  }
0x1: {  	s1 =	rddreg [dreg:$0x0]  }
0x2: {  	s0 =	rddreg [dreg:$0x1]  }
0x3: {  	s9 =	rddreg [dreg:$0x2]  }
0x4: {  	s2 =	srdreg.scid;
	s6 =	stileid.u32  }
0x5: {  	s4 =	simm.s32 $0x0;
	s12 =	simm.s32 $0x40;
	s11 =	simm.s32 $0x4  }
0x6: {  	s10 =	simm.s32 $0x6580;
	s28 =	simm.s32 $0xE900;
	s29 =	simm.s32 $0xE980  }
0x7: {  	s2 =	sand.u32 $0x1, s2;
	s3 =	sshll.u32 s6, $0x1;
	s6 =	sshrl.u32 s6, $0x1  }
0x8: {  	[smem:$0x7FF] =	sst s4;
	s3 =	sor.u32 s2, s3;
	s8 =	smul.u32 $0xC400, s6  }
0x9: {  	_ =	strace $0x80000047;
	s2 =	ssub.s32 $0x2, s2;
	s25 =	smul.u32 $0x620, s3  }
0xa: {  	s6 =	simm.s32 $0x9;
	s5 =	sshrl.u32 s2, $0x1;
	s30 =	smul.u32 $0x188000, s3  }
0xb: {  	s7 =	smul.u32 $0x31000, s3;
	s3 =	simm.s32 $0x0;
	s2 =	ssub.s32 s2, s5  }
0xc: {  	s5 =	simm.s32 $0x6500;
	s0 =	sadd.s32 s0, s25;
	[dreg:$0x7] =	wrdreg s30  }
0xd: {  	s26 =	sadd.s32 s9, s7;
	s31 =	smax.u32 s2, $0x1;
	[dreg:$0x4] =	wrdreg s0  }
0xe: {  	s2 =	simm.s32 $0x3;
	s7 =	simm.s32 $0x6400;
	[dreg:$0x6] =	wrdreg s26  }
0xf: {  	s9 =	simm.s32 $0x6480;
	s0 =	sadd.s32 $0xC400, s0;
	[dreg:$0x8] =	wrdreg s31  }
0x10: {  	v1 =	vimm.s32 $0x0;
	v2 =	vimm.f32 $0.0e+00;
	v0 =	vmov s8;
	s25 =	simm.s32 $0xE800;
	s26 =	simm.s32 $0xE880;
	[dreg:$0x5] =	wrdreg s0  }
.LBB2_1:
0x11: {  	[dreg:$0x9] =	wrdreg s3  }
0x12: {  	s0 =	simm.s32 $0x0;
	s14 =	rddreg [dreg:$0x5];
	s4 =	simm.s32 $0xA  }
0x13: {  	[tilespmem:s0], [sflag:$0xA] =	stream.linear.gather [hbm4b:s14+s0], $0x3100, $0x38;
	[tilespmem:$0x1AA00] =	vst v63  }
0x14: {  	_ =	swait.ge [sflag:s4], $0x3100  }
0x15: {  	[sflag:s4] =	ssyncset.done $0x0  }
0x16: {  	s8 =	simm.s32 $0x3100;
	s15 =	rddreg [dreg:$0x4];
	[sflag:s4] =	ssyncadd.s32 $0xFFFFCF00  }
0x17: {  	[tilespmem:s8], [sflag:$0xA] =	stream.linear.gather [hbm4b:s15+s0], $0x3100, $0x38;
	[tilespmem:$0x1AA00] =	vst v63  }
0x18: {  	_ =	swait.ge [sflag:s4], $0x3100  }
0x19: {  	[sflag:s4] =	ssyncset.done $0x0  }
0x1a: {  	[sflag:s4] =	ssyncadd.s32 $0xFFFFCF00  }
0x1b: {  	v3 =	vld [tilespmem:$0x0]  }
0x1c: {  	v4 =	vld [tilespmem:$0x3100]  }
0x1d: {  	v11 =	vld [tilespmem:$0x10]  }
0x1e: {  	v15 =	vld [tilespmem:$0x3110]  }
0x1f: {  	v22 =	vld [tilespmem:$0x3120];
	_ =	sdelay $0x2  }
0x20: {  	v3 =	vadd.f32 $1.000000000e+00, v3  }
0x21: {  	v4 =	vadd.f32 $1.000000000e+00, v4;
	v11 =	vadd.f32 $1.000000000e+00, v11  }
0x22: {  	v15 =	vadd.f32 $1.000000000e+00, v15;
	v22 =	vadd.f32 $1.000000000e+00, v22;
	v3 =	vmul.f32 $2.240000000e+02, v3  }
0x23: {  	v4 =	vmul.f32 $2.240000000e+02, v4;
	v11 =	vmul.f32 $2.240000000e+02, v11  }
0x24: {  	v15 =	vmul.f32 $2.240000000e+02, v15;
	v22 =	vmul.f32 $2.240000000e+02, v22;
	v3 =	vadd.f32 $-1.000000000e+00, v3  }
0x25: {  	v4 =	vadd.f32 $-1.000000000e+00, v4;
	v11 =	vadd.f32 $-1.000000000e+00, v11  }
0x26: {  	v15 =	vadd.f32 $-1.000000000e+00, v15;
	v22 =	vadd.f32 $-1.000000000e+00, v22;
	v3 =	vmul.f32 $5.000000000e-01, v3  }
0x27: {  	v4 =	vmul.f32 $5.000000000e-01, v4;
	v11 =	vmul.f32 $5.000000000e-01, v11  }
0x28: {  	v15 =	vmul.f32 $5.000000000e-01, v15;
	v22 =	vmul.f32 $5.000000000e-01, v22  }
0x29: {  	v34 =	vld [tilespmem:$0x20];
	v5 =	vtrunc.f32 v3;
	v7 =	vtrunc.f32 v4  }
0x2a: {  	v20 =	vtrunc.f32 v11;
	v25 =	vtrunc.f32 v15  }
0x2b: {  	v41 =	vtrunc.f32 v22;
	v6 =	vcvt.f32.s32 v5;
	vm0 =	vlt.f32 v3, v5  }
0x2c: {  	v60 =	vcvt.f32.s32 v7;
	vm13 =	vlt.f32 v4, v7;
	v21 =	vcvt.f32.s32 v20  }
0x2d: {  	vm10 =	vlt.f32 v11, v20;
	v26 =	vcvt.f32.s32 v25;
	vm11 =	vlt.f32 v15, v25  }
0x2e: {  	v20 =	vadd.f32 $1.000000000e+00, v34;
	v42 =	vcvt.f32.s32 v41;
	v5 =	vsel vm0, $0xFFFFFFFF, v1  }
0x2f: {  	v8 =	vsel vm13, $0xFFFFFFFF, v1;
	v24 =	vsel vm10, $0xFFFFFFFF, v1;
	v28 =	vsel vm11, $0xFFFFFFFF, v1  }
0x30: {  	v5 =	vadd.s32 v6, v5;
	v6 =	vadd.s32 v60, v8;
	v20 =	vmul.f32 $2.240000000e+02, v20  }
0x31: {  	v61 =	vcvt.s32.f32 v5;
	vm14 =	vgt.s32 v5, $0xFFFFFFFF;
	v9 =	vcvt.s32.f32 v6  }
0x32: {  	vm15 =	vgt.s32 v6, $0xFFFFFFFF;
	vm4 =	vlt.s32 v5, $0xDF;
	vm5 =	vlt.s32 v6, $0xDF  }
0x33: {  	vm6 =	vgt.s32 v5, $0x0;
	vm7 =	vgt.s32 v6, $0x0;
	v16 =	vadd.s32 $0x1, v6  }
0x34: {  	v10 =	vsel vm14, $0x3F800000, v2;
	v12 =	vsel vm15, $0x3F800000, v2;
	v14 =	vsel vm4, $0x3F800000, v2  }
0x35: {  	v63 =	vsel vm5, $0x3F800000, v2;
	v23 =	vnsel vm6, $0x0, v5;
	v6 =	vnsel vm7, $0x0, v6  }
0x36: {  	v5 =	vadd.s32 $0x1, v5;
	vm8 =	vlt.s32 v16, $0xDF;
	v20 =	vadd.f32 $-1.000000000e+00, v20  }
0x37: {  	v62 =	vadd.f32 $1.000000000e+00, v61;
	v13 =	vadd.f32 $1.000000000e+00, v9;
	v16 =	vnsel vm8, $0xDF, v16  }
0x38: {  	v6 =	vmul.u32 $0xE0, v6;
	v19 =	vmul.f32 v12, v10;
	v10 =	vmul.f32 v63, v10  }
0x39: {  	vm9 =	vlt.s32 v5, $0xDF;
	v12 =	vmul.f32 v12, v14;
	v7 =	vmul.f32 v63, v14  }
0x3a: {  	v16 =	vmul.u32 $0xE0, v16;
	v5 =	vnsel vm9, $0xDF, v5;
	v20 =	vmul.f32 $5.000000000e-01, v20  }
0x3b: {  	vm9 =	vlt.f32 v22, v41;
	v8 =	vsub.f32 v62, v3;
	v3 =	vsub.f32 v3, v61  }
0x3c: {  	v13 =	vsub.f32 v13, v4;
	v4 =	vsub.f32 v4, v9;
	v6 =	vadd.s32 v0, v6  }
0x3d: {  	v45 =	vsel vm9, $0xFFFFFFFF, v1;
	v16 =	vadd.s32 v0, v16;
	v17 =	vadd.s32 v23, v6  }
0x3e: {  	v6 =	vadd.s32 v5, v6;
	v38 =	vtrunc.f32 v20;
	v18 =	vmul.f32 v13, v8  }
0x3f: {  	v8 =	vmul.f32 v4, v8;
	v9 =	vadd.s32 v23, v16;
	v13 =	vmul.f32 v13, v3  }
0x40: {  	v3 =	vmul.f32 v4, v3;
	v4 =	vadd.s32 v26, v28;
	v5 =	vadd.s32 v5, v16  }
0x41: {  	v39 =	vcvt.f32.s32 v38;
	vm8 =	vlt.f32 v20, v38;
	v30 =	vcvt.s32.f32 v4  }
0x42: {  	vm13 =	vgt.s32 v4, $0xFFFFFFFF;
	vm15 =	vlt.s32 v4, $0xDF;
	vm5 =	vgt.s32 v4, $0x0  }
0x43: {  	v40 =	vsel vm8, $0xFFFFFFFF, v1;
	v18 =	vmul.f32 v18, v19;
	v8 =	vmul.f32 v10, v8  }
0x44: {  	v10 =	vadd.s32 v21, v24;
	v12 =	vmul.f32 v13, v12;
	v3 =	vmul.f32 v7, v3  }
0x45: {  	v35 =	vsel vm13, $0x3F800000, v2;
	v37 =	vsel vm15, $0x3F800000, v2;
	v24 =	vadd.s32 $0x1, v4  }
0x46: {  	v4 =	vnsel vm5, $0x0, v4;
	v27 =	vcvt.s32.f32 v10;
	vm12 =	vgt.s32 v10, $0xFFFFFFFF  }
0x47: {  	v32 =	vadd.f32 $1.000000000e+00, v30;
	vm14 =	vlt.s32 v10, $0xDF;
	v13 =	vsub.f32 v15, v30  }
0x48: {  	vm4 =	vgt.s32 v10, $0x0;
	vm6 =	vlt.s32 v24, $0xDF;
	v4 =	vmul.u32 $0xE0, v4  }
0x49: {  	v33 =	vsel vm12, $0x3F800000, v2;
	v36 =	vsel vm14, $0x3F800000, v2;
	v23 =	vnsel vm4, $0x0, v10  }
0x4a: {  	v10 =	vadd.s32 $0x1, v10;
	v24 =	vnsel vm6, $0xDF, v24;
	v29 =	vadd.f32 $1.000000000e+00, v27  }
0x4b: {  	v14 =	vsub.f32 v32, v15;
	vm7 =	vlt.s32 v10, $0xDF;
	v24 =	vmul.u32 $0xE0, v24  }
0x4c: {  	v4 =	vadd.s32 v0, v4;
	v16 =	vmul.f32 v37, v33;
	v19 =	vmul.f32 v35, v36  }
0x4d: {  	v44 =	vmul.f32 v37, v36;
	v15 =	vadd.s32 v42, v45;
	v10 =	vnsel vm7, $0xDF, v10  }
0x4e: {  	v26 =	vadd.s32 v23, v4;
	v47 =	vcvt.s32.f32 v15;
	vm11 =	vgt.s32 v15, $0xFFFFFFFF  }
0x4f: {  	v32 =	vadd.s32 $0x1, v15;
	vm4 =	vgt.s32 v15, $0x0;
	vm5 =	vlt.s32 v15, $0xDF  }
0x50: {  	v31 =	vsub.f32 v29, v11;
	v11 =	vsub.f32 v11, v27;
	v24 =	vadd.s32 v0, v24  }
0x51: {  	v27 =	vmul.f32 v35, v33;
	v4 =	vadd.s32 v10, v4;
	v28 =	vsel vm11, $0x3F800000, v2  }
0x52: {  	vm15 =	vlt.s32 v32, $0xDF;
	v52 =	vnsel vm4, $0x0, v15;
	v15 =	vsel vm5, $0x3F800000, v2  }
0x53: {  	v23 =	vadd.s32 v23, v24;
	v10 =	vadd.s32 v10, v24;
	v49 =	vadd.f32 $1.000000000e+00, v47  }
0x54: {  	v55 =	vmul.u32 $0xE0, v52;
	v25 =	vmul.f32 v14, v31;
	v7 =	vmul.f32 v13, v31  }
0x55: {  	v29 =	vld [tilespmem:$0x30];
	v50 =	vnsel vm15, $0xDF, v32;
	v14 =	vmul.f32 v14, v11;
	v11 =	vmul.f32 v13, v11  }
0x56: {  	[tilespmem:$0x6280] =	vst v9;
	v33 =	vld [tilespmem:$0x3130];
	v13 =	vsub.f32 v22, v47;
	v56 =	vmul.u32 $0xE0, v50;
	v9 =	vadd.s32 v0, v55  }
0x57: {  	v25 =	vmul.f32 v25, v27;
	v7 =	vmul.f32 v16, v7;
	v16 =	vadd.s32 v39, v40  }
0x58: {  	v14 =	vmul.f32 v14, v19;
	v11 =	vmul.f32 v44, v11;
	v27 =	vsub.f32 v49, v22  }
0x59: {  	[tilespmem:$0x6200] =	vst v17;
	v17 =	vadd.s32 v0, v56;
	v43 =	vcvt.s32.f32 v16;
	vm10 =	vgt.s32 v16, $0xFFFFFFFF  }
0x5a: {  	vm12 =	vlt.s32 v16, $0xDF;
	vm13 =	vgt.s32 v16, $0x0;
	v31 =	vadd.s32 $0x1, v16  }
0x5b: {  	v29 =	vadd.f32 $1.000000000e+00, v29;
	v57 =	vadd.f32 $1.000000000e+00, v33;
	v48 =	vsel vm10, $0x3F800000, v2  }
0x5c: {  	v30 =	vsel vm12, $0x3F800000, v2;
	v16 =	vnsel vm13, $0x0, v16;
	vm14 =	vlt.s32 v31, $0xDF  }
0x5d: {  	v46 =	vadd.f32 $1.000000000e+00, v43;
	v34 =	vmul.f32 v28, v48;
	v54 =	vmul.f32 $2.240000000e+02, v29  }
0x5e: {  	[tilespmem:$0x6300] =	vst v6;
	v31 =	vnsel vm14, $0xDF, v31;
	v59 =	vmul.f32 v15, v48;
	v61 =	vmul.f32 $2.240000000e+02, v57  }
0x5f: {  	[tilespmem:$0x6380] =	vst v5;
	v62 =	vadd.s32 v16, v9;
	v35 =	vmul.f32 v28, v30;
	v19 =	vsub.f32 v46, v20  }
0x60: {  	[tilespmem:$0x6400] =	vst v18;
	v15 =	vmul.f32 v15, v30;
	v20 =	vsub.f32 v20, v43;
	v60 =	vadd.f32 $-1.000000000e+00, v54  }
0x61: {  	[tilespmem:$0x6480] =	vst v8;
	v29 =	vadd.f32 $-1.000000000e+00, v61;
	v51 =	vmul.f32 v27, v19;
	v58 =	vmul.f32 v13, v19  }
0x62: {  	[tilespmem:$0x6500] =	vst v12;
	v24 =	vadd.s32 v16, v17;
	v63 =	vmul.f32 $5.000000000e-01, v60;
	v32 =	vmul.f32 v27, v20  }
0x63: {  	[tilespmem:$0x6580] =	vst v3;
	v9 =	vadd.s32 v31, v9;
	v16 =	vmul.f32 $5.000000000e-01, v29;
	v53 =	vmul.f32 v51, v34  }
0x64: {  	[tilespmem:$0x6210] =	vst v26;
	v3 =	vadd.s32 v31, v17;
	v5 =	vmul.f32 v59, v58;
	v33 =	vtrunc.f32 v63  }
0x65: {  	[tilespmem:$0x6310] =	vst v4;
	v34 =	vmul.f32 v13, v20;
	v37 =	vtrunc.f32 v16;
	vm6 =	vlt.f32 v63, v33  }
0x66: {  	[tilespmem:$0x6290] =	vst v23;
	v18 =	vcvt.f32.s32 v33;
	v38 =	vcvt.f32.s32 v37;
	vm7 =	vlt.f32 v16, v37  }
0x67: {  	[tilespmem:$0x6390] =	vst v10;
	v13 =	vmul.f32 v32, v35;
	v36 =	vsel vm6, $0xFFFFFFFF, v1;
	v40 =	vsel vm7, $0xFFFFFFFF, v1  }
0x68: {  	[tilespmem:$0x6410] =	vst v25;
	v4 =	vmul.f32 v15, v34;
	v18 =	vadd.s32 v18, v36;
	v41 =	vadd.s32 v38, v40  }
0x69: {  	[tilespmem:$0x6490] =	vst v7;
	v39 =	vcvt.s32.f32 v18;
	vm8 =	vgt.s32 v18, $0xFFFFFFFF;
	v43 =	vcvt.s32.f32 v41  }
0x6a: {  	[tilespmem:$0x6510] =	vst v14;
	vm9 =	vgt.s32 v41, $0xFFFFFFFF;
	vm10 =	vlt.s32 v41, $0xDF;
	vm11 =	vgt.s32 v18, $0x0  }
0x6b: {  	[tilespmem:$0x63A0] =	vst v3;
	vm12 =	vgt.s32 v41, $0x0;
	v51 =	vadd.s32 $0x1, v18;
	v3 =	vadd.s32 $0x1, v41  }
0x6c: {  	[tilespmem:$0x6590] =	vst v11;
	vm15 =	vlt.s32 v18, $0xDF;
	v44 =	vsel vm8, $0x3F800000, v2;
	v45 =	vsel vm9, $0x3F800000, v2  }
0x6d: {  	[tilespmem:$0x6220] =	vst v62;
	v47 =	vsel vm10, $0x3F800000, v2;
	v49 =	vnsel vm11, $0x0, v18;
	v50 =	vnsel vm12, $0x0, v41  }
0x6e: {  	[tilespmem:$0x62A0] =	vst v24;
	vm13 =	vlt.s32 v51, $0xDF;
	vm14 =	vlt.s32 v3, $0xDF;
	v42 =	vadd.f32 $1.000000000e+00, v39  }
0x6f: {  	[tilespmem:$0x6320] =	vst v9;
	v60 =	vsel vm15, $0x3F800000, v2;
	v46 =	vadd.f32 $1.000000000e+00, v43;
	v48 =	vsub.f32 v63, v39  }
0x70: {  	[tilespmem:$0x6420] =	vst v53;
	v52 =	vmul.u32 $0xE0, v50;
	v53 =	vsub.f32 v16, v43;
	v3 =	vnsel vm14, $0xDF, v3  }
0x71: {  	[tilespmem:$0x64A0] =	vst v5;
	v54 =	vnsel vm13, $0xDF, v51;
	v57 =	vmul.f32 v45, v44;
	v3 =	vmul.u32 $0xE0, v3  }
0x72: {  	[tilespmem:$0x6520] =	vst v13;
	v10 =	vsub.f32 v42, v63;
	v8 =	vsub.f32 v46, v16;
	v55 =	vadd.s32 v0, v52  }
0x73: {  	[tilespmem:$0x65A0] =	vst v4;
	v59 =	vmul.f32 v47, v44;
	v4 =	vmul.f32 v47, v60;
	v58 =	vadd.s32 v49, v55  }
0x74: {  	v3 =	vadd.s32 v0, v3;
	v5 =	vadd.s32 v54, v55;
	v56 =	vmul.f32 v8, v10;
	[tilespmem:$0x6230] =	vst v58  }
0x75: {  	v63 =	vmul.f32 v45, v60;
	v10 =	vmul.f32 v53, v10;
	[tilespmem:$0x6330] =	vst v5;
	v61 =	vadd.s32 v49, v3  }
0x76: {  	v3 =	vadd.s32 v54, v3;
	v62 =	vmul.f32 v8, v48;
	[tilespmem:$0x62B0] =	vst v61;
	v7 =	vmul.f32 v56, v57  }
0x77: {  	[tilespmem:$0x63B0] =	vst v3;
	v3 =	vmul.f32 v53, v48;
	v10 =	vmul.f32 v59, v10  }
0x78: {  	v5 =	vmul.f32 v62, v63;
	[tilespmem:$0x6430] =	vst v7  }
0x79: {  	v3 =	vmul.f32 v4, v3;
	[tilespmem:$0x64B0] =	vst v10  }
0x7a: {  	[tilespmem:$0x6530] =	vst v5  }
0x7b: {  	s16 =	simm.s32 $0x6200;
	s17 =	simm.s32 $0x6600;
	[tilespmem:$0x65B0] =	vst v3  }
0x7c: {  	[tilespmem:s17], [sflag:$0x1] =	stream.indirect.gather [hbm4b:s1+s12], $0x80, s16, s12, $0xb8;
	[tilespmem:$0x1AA00] =	vst v63  }
0x7d: {  	s18 =	simm.s32 $0x6280;
	s19 =	simm.s32 $0x8600  }
0x7e: {  	[tilespmem:s19], [sflag:$0x2] =	stream.indirect.gather [hbm4b:s1+s12], $0x80, s18, s12, $0xb8;
	[tilespmem:$0x1AA00] =	vst v63  }
0x7f: {  	s20 =	simm.s32 $0x6300;
	s21 =	simm.s32 $0xA600  }
0x80: {  	[tilespmem:s21], [sflag:$0x3] =	stream.indirect.gather [hbm4b:s1+s12], $0x80, s20, s12, $0xb8;
	[tilespmem:$0x1AA00] =	vst v63  }
0x81: {  	s22 =	simm.s32 $0x6380;
	s23 =	simm.s32 $0xC600  }
0x82: {  	[tilespmem:s23], [sflag:$0x4] =	stream.indirect.gather [hbm4b:s1+s12], $0x80, s22, s12, $0xb8;
	[tilespmem:$0x1AA00] =	vst v63  }
0x83: {  	s31 =	simm.s32 $0x16A00;
	s30 =	simm.s32 $0x0;
	s24 =	rddreg [dreg:$0x6]  }
0x84: {  	[hbm4b:s24+s0] =	stream.linear.scatter [tilespmem:s31], [sflag:$0x9], $0x4000, $0x38;
	[tilespmem:$0x1AA00] =	vst v63  }
.LBB2_2:
0x85: {  	s3 =	sshll.u32 s30, $0x7  }
0x86: {  	v3 =	vld [tilespmem:s3+$0x40];
	_ =	sdelay $0x1  }
0x87: {  	v4 =	vld [tilespmem:s3+$0x3140];
	_ =	sdelay $0x2  }
0x88: {  	v3 =	vadd.f32 $1.000000000e+00, v3;
	_ =	sdelay $0x1  }
0x89: {  	v4 =	vadd.f32 $1.000000000e+00, v4;
	v3 =	vmul.f32 $2.240000000e+02, v3;
	_ =	sdelay $0x1  }
0x8a: {  	v4 =	vmul.f32 $2.240000000e+02, v4;
	v3 =	vadd.f32 $-1.000000000e+00, v3;
	_ =	sdelay $0x1  }
0x8b: {  	v4 =	vadd.f32 $-1.000000000e+00, v4;
	v3 =	vmul.f32 $5.000000000e-01, v3;
	_ =	sdelay $0x1  }
0x8c: {  	v4 =	vmul.f32 $5.000000000e-01, v4;
	v5 =	vtrunc.f32 v3  }
0x8d: {  	v6 =	vcvt.f32.s32 v5;
	vm0 =	vlt.f32 v3, v5  }
0x8e: {  	v7 =	vtrunc.f32 v4;
	v5 =	vsel vm0, $0xFFFFFFFF, v1  }
0x8f: {  	vm13 =	vlt.f32 v4, v7;
	v5 =	vadd.s32 v6, v5  }
0x90: {  	v8 =	vsel vm13, $0xFFFFFFFF, v1;
	v6 =	vcvt.f32.s32 v7;
	v7 =	vcvt.s32.f32 v5  }
0x91: {  	vm14 =	vgt.s32 v5, $0xFFFFFFFF;
	vm5 =	vgt.s32 v5, $0x0;
	v15 =	vadd.s32 $0x1, v5  }
0x92: {  	vm9 =	vlt.s32 v5, $0xDF;
	v6 =	vadd.s32 v6, v8;
	v10 =	vsel vm14, $0x3F800000, v2  }
0x93: {  	vm7 =	vlt.s32 v15, $0xDF;
	v8 =	vadd.f32 $1.000000000e+00, v7;
	v9 =	vcvt.s32.f32 v6  }
0x94: {  	vm15 =	vgt.s32 v6, $0xFFFFFFFF;
	vm4 =	vlt.s32 v6, $0xDF;
	vm6 =	vgt.s32 v6, $0x0  }
0x95: {  	v11 =	vsel vm15, $0x3F800000, v2;
	v13 =	vsel vm4, $0x3F800000, v2;
	v14 =	vnsel vm6, $0x0, v6  }
0x96: {  	v6 =	vadd.s32 $0x1, v6;
	v8 =	vsub.f32 v8, v3;
	v12 =	vadd.f32 $1.000000000e+00, v9  }
0x97: {  	v3 =	vsub.f32 v3, v7;
	v14 =	vmul.u32 $0xE0, v14;
	vm8 =	vlt.s32 v6, $0xDF  }
0x98: {  	v7 =	vnsel vm5, $0x0, v5;
	v6 =	vnsel vm8, $0xDF, v6;
	v12 =	vsub.f32 v12, v4  }
0x99: {  	v4 =	vsub.f32 v4, v9;
	v9 =	vnsel vm7, $0xDF, v15;
	v5 =	vadd.s32 v0, v14  }
0x9a: {  	v6 =	vmul.u32 $0xE0, v6;
	v15 =	vmul.f32 v11, v10;
	v10 =	vmul.f32 v13, v10  }
0x9b: {  	v16 =	vadd.s32 v7, v5;
	v14 =	vmul.f32 v12, v8;
	v8 =	vmul.f32 v4, v8  }
0x9c: {  	v17 =	vsel vm9, $0x3F800000, v2;
	v5 =	vadd.s32 v9, v5;
	v6 =	vadd.s32 v0, v6;
	[tilespmem:$0xE600] =	vst v16  }
0x9d: {  	[tilespmem:$0xE700] =	vst v5;
	v5 =	vadd.s32 v7, v6;
	v7 =	vmul.f32 v14, v15;
	v8 =	vmul.f32 v10, v8  }
0x9e: {  	[tilespmem:$0xE680] =	vst v5;
	v5 =	vadd.s32 v9, v6;
	v6 =	vmul.f32 v12, v3;
	v9 =	vmul.f32 v11, v17  }
0x9f: {  	v3 =	vmul.f32 v4, v3;
	v4 =	vmul.f32 v13, v17;
	[tilespmem:$0xE780] =	vst v5  }
0xa0: {  	[tilespmem:$0xE800] =	vst v7;
	v5 =	vmul.f32 v6, v9  }
0xa1: {  	[tilespmem:$0xE880] =	vst v8;
	v3 =	vmul.f32 v4, v3  }
0xa2: {  	[tilespmem:$0xE900] =	vst v5  }
0xa3: {  	[tilespmem:$0xE980] =	vst v3  }
0xa4: {  	v3 =	vld [tilespmem:s3+$0x50];
	_ =	sdelay $0x1  }
0xa5: {  	v4 =	vld [tilespmem:s3+$0x3150];
	_ =	sdelay $0x2  }
0xa6: {  	v3 =	vadd.f32 $1.000000000e+00, v3;
	_ =	sdelay $0x1  }
0xa7: {  	v4 =	vadd.f32 $1.000000000e+00, v4;
	v3 =	vmul.f32 $2.240000000e+02, v3;
	_ =	sdelay $0x1  }
0xa8: {  	v4 =	vmul.f32 $2.240000000e+02, v4;
	v3 =	vadd.f32 $-1.000000000e+00, v3;
	_ =	sdelay $0x1  }
0xa9: {  	v4 =	vadd.f32 $-1.000000000e+00, v4;
	v3 =	vmul.f32 $5.000000000e-01, v3;
	_ =	sdelay $0x1  }
0xaa: {  	v4 =	vmul.f32 $5.000000000e-01, v4;
	v5 =	vtrunc.f32 v3  }
0xab: {  	v6 =	vcvt.f32.s32 v5;
	vm10 =	vlt.f32 v3, v5  }
0xac: {  	v7 =	vtrunc.f32 v4;
	v5 =	vsel vm10, $0xFFFFFFFF, v1  }
0xad: {  	vm11 =	vlt.f32 v4, v7;
	v5 =	vadd.s32 v6, v5  }
0xae: {  	v8 =	vsel vm11, $0xFFFFFFFF, v1;
	v6 =	vcvt.f32.s32 v7;
	v7 =	vcvt.s32.f32 v5  }
0xaf: {  	vm12 =	vgt.s32 v5, $0xFFFFFFFF;
	vm15 =	vgt.s32 v5, $0x0;
	v15 =	vadd.s32 $0x1, v5  }
0xb0: {  	vm7 =	vlt.s32 v5, $0xDF;
	v6 =	vadd.s32 v6, v8;
	v10 =	vsel vm12, $0x3F800000, v2  }
0xb1: {  	vm5 =	vlt.s32 v15, $0xDF;
	v8 =	vadd.f32 $1.000000000e+00, v7;
	v9 =	vcvt.s32.f32 v6  }
0xb2: {  	vm13 =	vgt.s32 v6, $0xFFFFFFFF;
	vm14 =	vlt.s32 v6, $0xDF;
	vm4 =	vgt.s32 v6, $0x0  }
0xb3: {  	v11 =	vsel vm13, $0x3F800000, v2;
	v13 =	vsel vm14, $0x3F800000, v2;
	v14 =	vnsel vm4, $0x0, v6  }
0xb4: {  	v6 =	vadd.s32 $0x1, v6;
	v8 =	vsub.f32 v8, v3;
	v12 =	vadd.f32 $1.000000000e+00, v9  }
0xb5: {  	v3 =	vsub.f32 v3, v7;
	v14 =	vmul.u32 $0xE0, v14;
	vm6 =	vlt.s32 v6, $0xDF  }
0xb6: {  	v7 =	vnsel vm15, $0x0, v5;
	v6 =	vnsel vm6, $0xDF, v6;
	v12 =	vsub.f32 v12, v4  }
0xb7: {  	v4 =	vsub.f32 v4, v9;
	v9 =	vnsel vm5, $0xDF, v15;
	v5 =	vadd.s32 v0, v14  }
0xb8: {  	v6 =	vmul.u32 $0xE0, v6;
	v15 =	vmul.f32 v11, v10;
	v10 =	vmul.f32 v13, v10  }
0xb9: {  	v16 =	vadd.s32 v7, v5;
	v14 =	vmul.f32 v12, v8;
	v8 =	vmul.f32 v4, v8  }
0xba: {  	v17 =	vsel vm7, $0x3F800000, v2;
	v5 =	vadd.s32 v9, v5;
	v6 =	vadd.s32 v0, v6;
	[tilespmem:$0xE610] =	vst v16  }
0xbb: {  	[tilespmem:$0xE710] =	vst v5;
	v5 =	vadd.s32 v7, v6;
	v7 =	vmul.f32 v14, v15;
	v8 =	vmul.f32 v10, v8  }
0xbc: {  	[tilespmem:$0xE690] =	vst v5;
	v5 =	vadd.s32 v9, v6;
	v6 =	vmul.f32 v12, v3;
	v9 =	vmul.f32 v11, v17  }
0xbd: {  	v3 =	vmul.f32 v4, v3;
	v4 =	vmul.f32 v13, v17;
	[tilespmem:$0xE790] =	vst v5  }
0xbe: {  	[tilespmem:$0xE810] =	vst v7;
	v5 =	vmul.f32 v6, v9  }
0xbf: {  	[tilespmem:$0xE890] =	vst v8;
	v3 =	vmul.f32 v4, v3  }
0xc0: {  	[tilespmem:$0xE910] =	vst v5  }
0xc1: {  	[tilespmem:$0xE990] =	vst v3  }
0xc2: {  	v3 =	vld [tilespmem:s3+$0x60];
	_ =	sdelay $0x1  }
0xc3: {  	v4 =	vld [tilespmem:s3+$0x3160];
	_ =	sdelay $0x2  }
0xc4: {  	v3 =	vadd.f32 $1.000000000e+00, v3;
	_ =	sdelay $0x1  }
0xc5: {  	v4 =	vadd.f32 $1.000000000e+00, v4;
	v3 =	vmul.f32 $2.240000000e+02, v3;
	_ =	sdelay $0x1  }
0xc6: {  	v4 =	vmul.f32 $2.240000000e+02, v4;
	v3 =	vadd.f32 $-1.000000000e+00, v3;
	_ =	sdelay $0x1  }
0xc7: {  	v4 =	vadd.f32 $-1.000000000e+00, v4;
	v3 =	vmul.f32 $5.000000000e-01, v3;
	_ =	sdelay $0x1  }
0xc8: {  	v4 =	vmul.f32 $5.000000000e-01, v4;
	v5 =	vtrunc.f32 v3  }
0xc9: {  	v6 =	vcvt.f32.s32 v5;
	vm8 =	vlt.f32 v3, v5  }
0xca: {  	v7 =	vtrunc.f32 v4;
	v5 =	vsel vm8, $0xFFFFFFFF, v1  }
0xcb: {  	vm9 =	vlt.f32 v4, v7;
	v5 =	vadd.s32 v6, v5  }
0xcc: {  	v8 =	vsel vm9, $0xFFFFFFFF, v1;
	v6 =	vcvt.f32.s32 v7;
	v7 =	vcvt.s32.f32 v5  }
0xcd: {  	vm10 =	vgt.s32 v5, $0xFFFFFFFF;
	vm13 =	vgt.s32 v5, $0x0;
	v15 =	vadd.s32 $0x1, v5  }
0xce: {  	vm5 =	vlt.s32 v5, $0xDF;
	v6 =	vadd.s32 v6, v8;
	v10 =	vsel vm10, $0x3F800000, v2  }
0xcf: {  	vm15 =	vlt.s32 v15, $0xDF;
	v8 =	vadd.f32 $1.000000000e+00, v7;
	v9 =	vcvt.s32.f32 v6  }
0xd0: {  	vm11 =	vgt.s32 v6, $0xFFFFFFFF;
	vm12 =	vlt.s32 v6, $0xDF;
	vm14 =	vgt.s32 v6, $0x0  }
0xd1: {  	v11 =	vsel vm11, $0x3F800000, v2;
	v13 =	vsel vm12, $0x3F800000, v2;
	v14 =	vnsel vm14, $0x0, v6  }
0xd2: {  	v6 =	vadd.s32 $0x1, v6;
	v8 =	vsub.f32 v8, v3;
	v12 =	vadd.f32 $1.000000000e+00, v9  }
0xd3: {  	v3 =	vsub.f32 v3, v7;
	v14 =	vmul.u32 $0xE0, v14;
	vm4 =	vlt.s32 v6, $0xDF  }
0xd4: {  	v7 =	vnsel vm13, $0x0, v5;
	v6 =	vnsel vm4, $0xDF, v6;
	v12 =	vsub.f32 v12, v4  }
0xd5: {  	v4 =	vsub.f32 v4, v9;
	v9 =	vnsel vm15, $0xDF, v15;
	v5 =	vadd.s32 v0, v14  }
0xd6: {  	v6 =	vmul.u32 $0xE0, v6;
	v15 =	vmul.f32 v11, v10;
	v10 =	vmul.f32 v13, v10  }
0xd7: {  	v16 =	vadd.s32 v7, v5;
	v14 =	vmul.f32 v12, v8;
	v8 =	vmul.f32 v4, v8  }
0xd8: {  	v17 =	vsel vm5, $0x3F800000, v2;
	v5 =	vadd.s32 v9, v5;
	v6 =	vadd.s32 v0, v6;
	[tilespmem:$0xE620] =	vst v16  }
0xd9: {  	[tilespmem:$0xE720] =	vst v5;
	v5 =	vadd.s32 v7, v6;
	v7 =	vmul.f32 v14, v15;
	v8 =	vmul.f32 v10, v8  }
0xda: {  	[tilespmem:$0xE6A0] =	vst v5;
	v5 =	vadd.s32 v9, v6;
	v6 =	vmul.f32 v12, v3;
	v9 =	vmul.f32 v11, v17  }
0xdb: {  	v3 =	vmul.f32 v4, v3;
	v4 =	vmul.f32 v13, v17;
	[tilespmem:$0xE7A0] =	vst v5  }
0xdc: {  	[tilespmem:$0xE820] =	vst v7;
	v5 =	vmul.f32 v6, v9  }
0xdd: {  	[tilespmem:$0xE8A0] =	vst v8;
	v3 =	vmul.f32 v4, v3  }
0xde: {  	[tilespmem:$0xE920] =	vst v5  }
0xdf: {  	[tilespmem:$0xE9A0] =	vst v3  }
0xe0: {  	v3 =	vld [tilespmem:s3+$0x70];
	_ =	sdelay $0x1  }
0xe1: {  	v4 =	vld [tilespmem:s3+$0x3170];
	_ =	sdelay $0x2  }
0xe2: {  	v3 =	vadd.f32 $1.000000000e+00, v3;
	_ =	sdelay $0x1  }
0xe3: {  	v4 =	vadd.f32 $1.000000000e+00, v4;
	v3 =	vmul.f32 $2.240000000e+02, v3;
	_ =	sdelay $0x1  }
0xe4: {  	v4 =	vmul.f32 $2.240000000e+02, v4;
	v3 =	vadd.f32 $-1.000000000e+00, v3;
	_ =	sdelay $0x1  }
0xe5: {  	v4 =	vadd.f32 $-1.000000000e+00, v4;
	v3 =	vmul.f32 $5.000000000e-01, v3;
	_ =	sdelay $0x1  }
0xe6: {  	v4 =	vmul.f32 $5.000000000e-01, v4;
	v5 =	vtrunc.f32 v3  }
0xe7: {  	v6 =	vcvt.f32.s32 v5;
	vm6 =	vlt.f32 v3, v5  }
0xe8: {  	v7 =	vtrunc.f32 v4;
	v5 =	vsel vm6, $0xFFFFFFFF, v1  }
0xe9: {  	vm7 =	vlt.f32 v4, v7;
	v5 =	vadd.s32 v6, v5  }
0xea: {  	v8 =	vsel vm7, $0xFFFFFFFF, v1;
	v6 =	vcvt.f32.s32 v7;
	v7 =	vcvt.s32.f32 v5  }
0xeb: {  	vm8 =	vgt.s32 v5, $0xFFFFFFFF;
	vm11 =	vgt.s32 v5, $0x0;
	v15 =	vadd.s32 $0x1, v5  }
0xec: {  	vm15 =	vlt.s32 v5, $0xDF;
	v6 =	vadd.s32 v6, v8;
	v10 =	vsel vm8, $0x3F800000, v2  }
0xed: {  	vm13 =	vlt.s32 v15, $0xDF;
	v8 =	vadd.f32 $1.000000000e+00, v7;
	v9 =	vcvt.s32.f32 v6  }
0xee: {  	vm9 =	vgt.s32 v6, $0xFFFFFFFF;
	vm10 =	vlt.s32 v6, $0xDF;
	vm12 =	vgt.s32 v6, $0x0  }
0xef: {  	v11 =	vsel vm9, $0x3F800000, v2;
	v13 =	vsel vm10, $0x3F800000, v2;
	v14 =	vnsel vm12, $0x0, v6  }
0xf0: {  	v6 =	vadd.s32 $0x1, v6;
	v8 =	vsub.f32 v8, v3;
	v12 =	vadd.f32 $1.000000000e+00, v9  }
0xf1: {  	v3 =	vsub.f32 v3, v7;
	v14 =	vmul.u32 $0xE0, v14;
	vm14 =	vlt.s32 v6, $0xDF  }
0xf2: {  	v7 =	vnsel vm11, $0x0, v5;
	v6 =	vnsel vm14, $0xDF, v6;
	v12 =	vsub.f32 v12, v4  }
0xf3: {  	v4 =	vsub.f32 v4, v9;
	v9 =	vnsel vm13, $0xDF, v15;
	v5 =	vadd.s32 v0, v14  }
0xf4: {  	v6 =	vmul.u32 $0xE0, v6;
	v15 =	vmul.f32 v11, v10;
	v10 =	vmul.f32 v13, v10  }
0xf5: {  	v16 =	vadd.s32 v7, v5;
	v14 =	vmul.f32 v12, v8;
	v8 =	vmul.f32 v4, v8  }
0xf6: {  	v17 =	vsel vm15, $0x3F800000, v2;
	v5 =	vadd.s32 v9, v5;
	v6 =	vadd.s32 v0, v6;
	[tilespmem:$0xE630] =	vst v16  }
0xf7: {  	[tilespmem:$0xE730] =	vst v5;
	v5 =	vadd.s32 v7, v6;
	v7 =	vmul.f32 v14, v15;
	v8 =	vmul.f32 v10, v8  }
0xf8: {  	[tilespmem:$0xE6B0] =	vst v5;
	v5 =	vadd.s32 v9, v6;
	v6 =	vmul.f32 v12, v3;
	v9 =	vmul.f32 v11, v17  }
0xf9: {  	v3 =	vmul.f32 v4, v3;
	v4 =	vmul.f32 v13, v17;
	[tilespmem:$0xE7B0] =	vst v5  }
0xfa: {  	[tilespmem:$0xE830] =	vst v7;
	v5 =	vmul.f32 v6, v9  }
0xfb: {  	[tilespmem:$0xE8B0] =	vst v8;
	v3 =	vmul.f32 v4, v3  }
0xfc: {  	[tilespmem:$0xE930] =	vst v5  }
0xfd: {  	s0 =	simm.s32 $0xE600;
	s24 =	simm.s32 $0xEA00;
	[tilespmem:$0xE9B0] =	vst v3  }
0xfe: {  	[tilespmem:s24], [sflag:$0x5] =	stream.indirect.gather [hbm4b:s1+s12], $0x80, s0, s12, $0xb8;
	[tilespmem:$0x1AA00] =	vst v63  }
0xff: {  	s4 =	simm.s32 $0xE680;
	s8 =	simm.s32 $0x10A00  }
0x100: {  	[tilespmem:s8], [sflag:$0x6] =	stream.indirect.gather [hbm4b:s1+s12], $0x80, s4, s12, $0xb8;
	[tilespmem:$0x1AA00] =	vst v63  }
0x101: {  	s13 =	simm.s32 $0xE700;
	s14 =	simm.s32 $0x12A00  }
0x102: {  	[tilespmem:s14], [sflag:$0x7] =	stream.indirect.gather [hbm4b:s1+s12], $0x80, s13, s12, $0xb8;
	[tilespmem:$0x1AA00] =	vst v63  }
0x103: {  	s15 =	simm.s32 $0xE780;
	s16 =	simm.s32 $0x14A00;
	s17 =	simm.s32 $0x1  }
0x104: {  	[tilespmem:s16], [sflag:$0x8] =	stream.indirect.gather [hbm4b:s1+s12], $0x80, s15, s12, $0xb8;
	[tilespmem:$0x1AA00] =	vst v63  }
0x105: {  	_ =	swait.ge [sflag:s17], $0x2000  }
0x106: {  	[sflag:s17] =	ssyncset.done $0x0  }
0x107: {  	s18 =	simm.s32 $0x2;
	[sflag:s17] =	ssyncadd.s32 $0xFFFFE000  }
0x108: {  	_ =	swait.ge [sflag:s18], $0x2000  }
0x109: {  	[sflag:s18] =	ssyncset.done $0x0  }
0x10a: {  	[sflag:s18] =	ssyncadd.s32 $0xFFFFE000  }
0x10b: {  	_ =	swait.ge [sflag:s2], $0x2000  }
0x10c: {  	[sflag:s2] =	ssyncset.done $0x0  }
0x10d: {  	[sflag:s2] =	ssyncadd.s32 $0xFFFFE000  }
0x10e: {  	s19 =	simm.s32 $0x0;
	_ =	swait.ge [sflag:s11], $0x2000  }
0x10f: {  	v3 =	vmov s19;
	[sflag:s11] =	ssyncset.done $0x0  }
0x110: {  	v3 =	vand.u32 $0xFFFFFFFE, v3;
	[sflag:s11] =	ssyncadd.s32 $0xFFFFE000  }
0x111: {  	v3 =	vbroadcast v3, $0x0;
	_ =	swait.ge [sflag:s6], $0x4000  }
0x112: {  	[sflag:s6] =	ssyncset.done $0x0  }
0x113: {  	s17 =	simm.s32 $0x6680;
	[sflag:s6] =	ssyncadd.s32 $0xFFFFC000  }
0x114: {  	s16 =	simm.s32 $0x8680;
	v4 =	vld [tilespmem:s17+$0xFFFFFF80]  }
0x115: {  	s14 =	simm.s32 $0xA680;
	v6 =	vld [tilespmem:s16+$0xFFFFFF80]  }
0x116: {  	v7 =	vld [tilespmem:s14+$0xFFFFFF80]  }
0x117: {  	v21 =	vld.idx.msk [tilespmem:v3+s7+$0x0], $0xffff  }
0x118: {  	v23 =	vld.idx.msk [tilespmem:v3+s9+$0x0], $0xffff  }
0x119: {  	s20 =	simm.s32 $0x1;
	v22 =	vld.idx.msk [tilespmem:v3+s5+$0x0], $0xffff  }
0x11a: {  	v8 =	vmov s20;
	s15 =	simm.s32 $0xC680;
	v24 =	vld.idx.msk [tilespmem:v3+s10+$0x0], $0xffff  }
0x11b: {  	v3 =	vld [tilespmem:s15+$0xFFFFFF80];
	_ =	sdelay $0x3  }
0x11c: {  	v5 =	vld.idx.msk [tilespmem:v8+s7+$0x0], $0xffff;
	v9 =	vmul.f32 v4, v21;
	v10 =	vmul.f32 v6, v23  }
0x11d: {  	v6 =	vld.idx.msk [tilespmem:v8+s9+$0x0], $0xffff;
	v7 =	vmul.f32 v7, v22;
	v11 =	vmul.f32 v3, v24  }
0x11e: {  	v3 =	vld.idx.msk [tilespmem:v8+s5+$0x0], $0xffff  }
0x11f: {  	v4 =	vld.idx.msk [tilespmem:v8+s10+$0x0], $0xffff;
	v8 =	vadd.f32 v10, v9;
	v7 =	vadd.f32 v11, v7  }
0x120: {  	v9 =	vld [tilespmem:s17+$0x0]  }
0x121: {  	v10 =	vld [tilespmem:s16+$0x0];
	v7 =	vadd.f32 v7, v8  }
0x122: {  	s13 =	simm.s32 $0x16A80;
	v11 =	vld [tilespmem:s15+$0x0]  }
0x123: {  	v8 =	vld [tilespmem:s14+$0x0];
	[tilespmem:s13+$0xFFFFFF80] =	vst v7  }
0x124: {  	v7 =	vld [tilespmem:s17+$0xFFFFFF90]  }
0x125: {  	v12 =	vld [tilespmem:s16+$0xFFFFFF90]  }
0x126: {  	v13 =	vld [tilespmem:s14+$0xFFFFFF90]  }
0x127: {  	v9 =	vmul.f32 v9, v5;
	v10 =	vmul.f32 v10, v6;
	v14 =	vld [tilespmem:s15+$0xFFFFFF90]  }
0x128: {  	v11 =	vmul.f32 v11, v4;
	v8 =	vmul.f32 v8, v3;
	_ =	sdelay $0x1  }
0x129: {  	v9 =	vadd.f32 v10, v9;
	v8 =	vadd.f32 v11, v8  }
0x12a: {  	v7 =	vmul.f32 v7, v21;
	v10 =	vmul.f32 v12, v23  }
0x12b: {  	v11 =	vmul.f32 v14, v24;
	v8 =	vadd.f32 v8, v9;
	v9 =	vmul.f32 v13, v22;
	_ =	sdelay $0x1  }
0x12c: {  	v7 =	vadd.f32 v10, v7;
	[tilespmem:s13+$0x0] =	vst v8;
	v8 =	vadd.f32 v11, v9  }
0x12d: {  	v9 =	vld [tilespmem:s17+$0x10]  }
0x12e: {  	v10 =	vld [tilespmem:s16+$0x10];
	v7 =	vadd.f32 v8, v7  }
0x12f: {  	v11 =	vld [tilespmem:s15+$0x10]  }
0x130: {  	v8 =	vld [tilespmem:s14+$0x10];
	[tilespmem:s13+$0xFFFFFF90] =	vst v7  }
0x131: {  	v7 =	vld [tilespmem:s17+$0xFFFFFFA0]  }
0x132: {  	v12 =	vld [tilespmem:s16+$0xFFFFFFA0]  }
0x133: {  	v13 =	vld [tilespmem:s14+$0xFFFFFFA0]  }
0x134: {  	v14 =	vld [tilespmem:s15+$0xFFFFFFA0];
	v9 =	vmul.f32 v9, v5;
	v10 =	vmul.f32 v10, v6  }
0x135: {  	v11 =	vmul.f32 v11, v4;
	v8 =	vmul.f32 v8, v3;
	_ =	sdelay $0x1  }
0x136: {  	v9 =	vadd.f32 v10, v9;
	v8 =	vadd.f32 v11, v8  }
0x137: {  	v7 =	vmul.f32 v7, v21;
	v10 =	vmul.f32 v12, v23  }
0x138: {  	v11 =	vmul.f32 v14, v24;
	v8 =	vadd.f32 v8, v9;
	v9 =	vmul.f32 v13, v22;
	_ =	sdelay $0x1  }
0x139: {  	v7 =	vadd.f32 v10, v7;
	[tilespmem:s13+$0x10] =	vst v8;
	v8 =	vadd.f32 v11, v9  }
0x13a: {  	v9 =	vld [tilespmem:s17+$0x20]  }
0x13b: {  	v10 =	vld [tilespmem:s16+$0x20];
	v7 =	vadd.f32 v8, v7  }
0x13c: {  	v11 =	vld [tilespmem:s15+$0x20]  }
0x13d: {  	v8 =	vld [tilespmem:s14+$0x20];
	[tilespmem:s13+$0xFFFFFFA0] =	vst v7  }
0x13e: {  	v7 =	vld [tilespmem:s17+$0xFFFFFFB0]  }
0x13f: {  	v12 =	vld [tilespmem:s16+$0xFFFFFFB0]  }
0x140: {  	v13 =	vld [tilespmem:s14+$0xFFFFFFB0]  }
0x141: {  	v14 =	vld [tilespmem:s15+$0xFFFFFFB0];
	_ =	sdelay $0x1  }
0x142: {  	v9 =	vmul.f32 v9, v5;
	v10 =	vmul.f32 v10, v6  }
0x143: {  	v11 =	vmul.f32 v11, v4;
	v8 =	vmul.f32 v8, v3  }
0x144: {  	v7 =	vmul.f32 v7, v21;
	v12 =	vmul.f32 v12, v23  }
0x145: {  	v13 =	vmul.f32 v13, v22;
	v14 =	vmul.f32 v14, v24  }
0x146: {  	v9 =	vadd.f32 v10, v9;
	v8 =	vadd.f32 v11, v8  }
0x147: {  	v7 =	vadd.f32 v12, v7;
	v10 =	vadd.f32 v14, v13;
	_ =	sdelay $0x1  }
0x148: {  	s4 =	simm.s32 $0x8780;
	v8 =	vadd.f32 v8, v9;
	v9 =	vadd.f32 v10, v7  }
0x149: {  	s19 =	simm.s32 $0xA780;
	v19 =	vld [tilespmem:s4+$0xFFFFFF80]  }
0x14a: {  	s21 =	simm.s32 $0x3;
	v20 =	vld [tilespmem:s19+$0xFFFFFF80];
	[tilespmem:s13+$0xFFFFFFB0] =	vst v9  }
0x14b: {  	v15 =	vmov s21;
	v11 =	vld [tilespmem:s17+$0xFFFFFFC0]  }
0x14c: {  	s22 =	simm.s32 $0x2;
	v12 =	vld [tilespmem:s16+$0xFFFFFFC0]  }
0x14d: {  	[tilespmem:s13+$0x20] =	vst v8;
	v8 =	vmov s22;
	v13 =	vld [tilespmem:s14+$0xFFFFFFC0]  }
0x14e: {  	s21 =	simm.s32 $0x6780;
	v8 =	vand.u32 $0xFFFFFFFE, v8;
	v14 =	vld [tilespmem:s15+$0xFFFFFFC0]  }
0x14f: {  	v28 =	vld [tilespmem:s21+$0x0];
	v17 =	vbroadcast v8, $0x0  }
0x150: {  	v7 =	vld.idx.msk [tilespmem:v15+s7+$0x0], $0xffff  }
0x151: {  	v10 =	vld.idx.msk [tilespmem:v15+s9+$0x0], $0xffff  }
0x152: {  	v8 =	vld.idx.msk [tilespmem:v15+s5+$0x0], $0xffff;
	v18 =	vmul.f32 v11, v21;
	v12 =	vmul.f32 v12, v23  }
0x153: {  	v9 =	vld.idx.msk [tilespmem:v15+s10+$0x0], $0xffff;
	v13 =	vmul.f32 v13, v22;
	v14 =	vmul.f32 v14, v24  }
0x154: {  	v15 =	vld [tilespmem:s21+$0xFFFFFF80]  }
0x155: {  	v11 =	vld.idx.msk [tilespmem:v17+s7+$0x0], $0xffff;
	v18 =	vadd.f32 v12, v18;
	v13 =	vadd.f32 v14, v13  }
0x156: {  	v14 =	vld.idx.msk [tilespmem:v17+s9+$0x0], $0xffff  }
0x157: {  	v12 =	vld.idx.msk [tilespmem:v17+s5+$0x0], $0xffff;
	v18 =	vadd.f32 v13, v18  }
0x158: {  	s20 =	simm.s32 $0xC780;
	v13 =	vld.idx.msk [tilespmem:v17+s10+$0x0], $0xffff  }
0x159: {  	v17 =	vld [tilespmem:s20+$0xFFFFFF80];
	[tilespmem:s13+$0xFFFFFFC0] =	vst v18  }
0x15a: {  	v18 =	vld [tilespmem:s17+$0xFFFFFFD0]  }
0x15b: {  	v25 =	vld [tilespmem:s16+$0xFFFFFFD0]  }
0x15c: {  	v26 =	vld [tilespmem:s14+$0xFFFFFFD0]  }
0x15d: {  	v15 =	vmul.f32 v15, v11;
	v19 =	vmul.f32 v19, v14;
	v27 =	vld [tilespmem:s15+$0xFFFFFFD0]  }
0x15e: {  	v29 =	vld [tilespmem:s4+$0x0];
	v20 =	vmul.f32 v20, v12;
	v17 =	vmul.f32 v17, v13  }
0x15f: {  	v16 =	vld [tilespmem:s17+$0x30]  }
0x160: {  	v15 =	vadd.f32 v19, v15;
	v19 =	vld [tilespmem:s19+$0x0];
	v17 =	vadd.f32 v17, v20  }
0x161: {  	v20 =	vld [tilespmem:s20+$0x0];
	v18 =	vmul.f32 v18, v21;
	v25 =	vmul.f32 v25, v23  }
0x162: {  	v30 =	vld [tilespmem:s16+$0x30];
	v15 =	vadd.f32 v17, v15;
	v17 =	vmul.f32 v26, v22;
	v26 =	vmul.f32 v27, v24  }
0x163: {  	s18 =	simm.s32 $0x16B80;
	v31 =	vld [tilespmem:s15+$0x30]  }
0x164: {  	v27 =	vld [tilespmem:s14+$0x30];
	[tilespmem:s18+$0xFFFFFF80] =	vst v15;
	v15 =	vadd.f32 v25, v18;
	v17 =	vadd.f32 v26, v17  }
0x165: {  	v19 =	vmul.f32 v19, v8;
	v18 =	vmul.f32 v28, v7;
	v26 =	vld [tilespmem:s21+$0xFFFFFF90]  }
0x166: {  	v25 =	vmul.f32 v29, v10;
	v28 =	vld [tilespmem:s4+$0xFFFFFF90];
	v20 =	vmul.f32 v20, v9;
	v15 =	vadd.f32 v17, v15  }
0x167: {  	v17 =	vld [tilespmem:s19+$0xFFFFFF90]  }
0x168: {  	v18 =	vadd.f32 v25, v18;
	v25 =	vld [tilespmem:s20+$0xFFFFFF90];
	v19 =	vadd.f32 v20, v19;
	[tilespmem:s13+$0xFFFFFFD0] =	vst v15  }
0x169: {  	v29 =	vmul.f32 v31, v4;
	v27 =	vmul.f32 v27, v3;
	v20 =	vld [tilespmem:s17+$0xFFFFFFE0]  }
0x16a: {  	v15 =	vmul.f32 v16, v5;
	v16 =	vmul.f32 v30, v6;
	v18 =	vadd.f32 v19, v18;
	v19 =	vld [tilespmem:s16+$0xFFFFFFE0]  }
0x16b: {  	v30 =	vld [tilespmem:s14+$0xFFFFFFE0]  }
0x16c: {  	v15 =	vadd.f32 v16, v15;
	v16 =	vadd.f32 v29, v27;
	[tilespmem:s18+$0x0] =	vst v18;
	v18 =	vld [tilespmem:s15+$0xFFFFFFE0]  }
0x16d: {  	v26 =	vmul.f32 v26, v11;
	v27 =	vmul.f32 v28, v14;
	v28 =	vld [tilespmem:s21+$0x10]  }
0x16e: {  	v15 =	vadd.f32 v16, v15;
	v16 =	vmul.f32 v17, v12;
	v17 =	vmul.f32 v25, v13;
	v25 =	vld [tilespmem:s4+$0x10]  }
0x16f: {  	v29 =	vld [tilespmem:s19+$0x10]  }
0x170: {  	[tilespmem:s13+$0x30] =	vst v15;
	v15 =	vadd.f32 v27, v26;
	v16 =	vadd.f32 v17, v16;
	v17 =	vld [tilespmem:s20+$0x10]  }
0x171: {  	v26 =	vld [tilespmem:s17+$0x40]  }
0x172: {  	v20 =	vmul.f32 v20, v21;
	v19 =	vmul.f32 v19, v23;
	v27 =	vld [tilespmem:s16+$0x40];
	v15 =	vadd.f32 v16, v15  }
0x173: {  	v30 =	vmul.f32 v30, v22;
	v31 =	vld [tilespmem:s15+$0x40];
	v18 =	vmul.f32 v18, v24  }
0x174: {  	v16 =	vld [tilespmem:s14+$0x40];
	v19 =	vadd.f32 v19, v20;
	v28 =	vmul.f32 v28, v7;
	[tilespmem:s18+$0xFFFFFF90] =	vst v15;
	v15 =	vmul.f32 v25, v10  }
0x175: {  	v18 =	vadd.f32 v18, v30;
	v25 =	vmul.f32 v29, v8;
	v20 =	vld [tilespmem:s21+$0xFFFFFFA0];
	v17 =	vmul.f32 v17, v9  }
0x176: {  	v29 =	vld [tilespmem:s4+$0xFFFFFFA0];
	v15 =	vadd.f32 v15, v28  }
0x177: {  	v18 =	vadd.f32 v18, v19;
	v19 =	vld [tilespmem:s19+$0xFFFFFFA0];
	v17 =	vadd.f32 v17, v25  }
0x178: {  	v25 =	vmul.f32 v26, v5;
	v26 =	vmul.f32 v27, v6;
	v27 =	vld [tilespmem:s20+$0xFFFFFFA0]  }
0x179: {  	s3 =	simm.s32 $0x8880;
	v28 =	vmul.f32 v31, v4;
	v16 =	vmul.f32 v16, v3;
	v15 =	vadd.f32 v17, v15  }
0x17a: {  	v41 =	vld [tilespmem:s3+$0xFFFFFF80];
	s22 =	simm.s32 $0xA880  }
0x17b: {  	v42 =	vld [tilespmem:s22+$0xFFFFFF80];
	v17 =	vadd.f32 v26, v25;
	v16 =	vadd.f32 v28, v16;
	[tilespmem:s18+$0x10] =	vst v15  }
0x17c: {  	[tilespmem:s13+$0xFFFFFFE0] =	vst v18;
	v18 =	vmul.f32 v29, v14;
	v15 =	vmul.f32 v20, v11;
	v20 =	vld [tilespmem:s21+$0x20]  }
0x17d: {  	v16 =	vadd.f32 v16, v17;
	v17 =	vmul.f32 v19, v12;
	v19 =	vmul.f32 v27, v13;
	v26 =	vld [tilespmem:s4+$0x20]  }
0x17e: {  	v27 =	vld [tilespmem:s19+$0x20]  }
0x17f: {  	[tilespmem:s13+$0x40] =	vst v16;
	v15 =	vadd.f32 v18, v15;
	v16 =	vadd.f32 v19, v17;
	v17 =	vld [tilespmem:s20+$0x20]  }
0x180: {  	v18 =	vld [tilespmem:s17+$0x50]  }
0x181: {  	v19 =	vld [tilespmem:s14+$0x50];
	v15 =	vadd.f32 v16, v15  }
0x182: {  	v16 =	vld [tilespmem:s16+$0x50]  }
0x183: {  	[tilespmem:s18+$0xFFFFFFA0] =	vst v15;
	v15 =	vld [tilespmem:s15+$0x50]  }
0x184: {  	v20 =	vmul.f32 v20, v7;
	v26 =	vmul.f32 v26, v10;
	v28 =	vld [tilespmem:s21+$0xFFFFFFB0]  }
0x185: {  	v27 =	vmul.f32 v27, v8;
	v17 =	vmul.f32 v17, v9;
	v31 =	vld [tilespmem:s4+$0xFFFFFFB0]  }
0x186: {  	s23 =	simm.s32 $0x5;
	v20 =	vadd.f32 v26, v20;
	v26 =	vld [tilespmem:s19+$0xFFFFFFB0]  }
0x187: {  	v29 =	vmov s23;
	v17 =	vadd.f32 v17, v27;
	v27 =	vld [tilespmem:s20+$0xFFFFFFB0]  }
0x188: {  	v30 =	vld [tilespmem:s17+$0xFFFFFFF0];
	v18 =	vmul.f32 v18, v5;
	v16 =	vmul.f32 v16, v6  }
0x189: {  	v25 =	vld [tilespmem:s16+$0xFFFFFFF0];
	v19 =	vmul.f32 v19, v3;
	v15 =	vmul.f32 v15, v4  }
0x18a: {  	v32 =	vld [tilespmem:s14+$0xFFFFFFF0];
	v20 =	vadd.f32 v17, v20;
	v16 =	vadd.f32 v16, v18  }
0x18b: {  	v33 =	vld [tilespmem:s15+$0xFFFFFFF0];
	v18 =	vmul.f32 v28, v11;
	v15 =	vadd.f32 v15, v19;
	v19 =	vmul.f32 v31, v14  }
0x18c: {  	v17 =	vld.idx.msk [tilespmem:v29+s7+$0x0], $0xffff;
	[tilespmem:s18+$0x20] =	vst v20;
	v20 =	vmul.f32 v26, v12;
	v26 =	vmul.f32 v27, v13  }
0x18d: {  	v28 =	vld [tilespmem:s21+$0x30];
	v15 =	vadd.f32 v15, v16  }
0x18e: {  	v27 =	vld [tilespmem:s4+$0x30];
	v16 =	vadd.f32 v19, v18;
	v18 =	vadd.f32 v26, v20  }
0x18f: {  	v31 =	vld [tilespmem:s19+$0x30]  }
0x190: {  	v26 =	vld [tilespmem:s20+$0x30];
	[tilespmem:s13+$0x50] =	vst v15;
	v15 =	vadd.f32 v18, v16  }
0x191: {  	v34 =	vld [tilespmem:s17+$0x60]  }
0x192: {  	v35 =	vld [tilespmem:s16+$0x60];
	[tilespmem:s18+$0xFFFFFFB0] =	vst v15  }
0x193: {  	v19 =	vld [tilespmem:s21+$0xFFFFFFC0]  }
0x194: {  	s24 =	simm.s32 $0x4;
	v20 =	vld [tilespmem:s4+$0xFFFFFFC0]  }
0x195: {  	v15 =	vmov s24;
	v38 =	vld [tilespmem:s19+$0xFFFFFFC0]  }
0x196: {  	v15 =	vand.u32 $0xFFFFFFFE, v15;
	v39 =	vld [tilespmem:s20+$0xFFFFFFC0]  }
0x197: {  	v36 =	vld [tilespmem:s14+$0x60];
	v40 =	vbroadcast v15, $0x0  }
0x198: {  	v37 =	vld [tilespmem:s15+$0x60]  }
0x199: {  	v18 =	vld.idx.msk [tilespmem:v29+s9+$0x0], $0xffff  }
0x19a: {  	v16 =	vld.idx.msk [tilespmem:v29+s5+$0x0], $0xffff;
	v19 =	vmul.f32 v19, v11;
	v20 =	vmul.f32 v20, v14  }
0x19b: {  	s8 =	simm.s32 $0x6880;
	v15 =	vld.idx.msk [tilespmem:v29+s10+$0x0], $0xffff;
	v38 =	vmul.f32 v38, v12;
	v39 =	vmul.f32 v39, v13  }
0x19c: {  	v29 =	vld [tilespmem:s8+$0xFFFFFF80]  }
0x19d: {  	v43 =	vadd.f32 v20, v19;
	v19 =	vld.idx.msk [tilespmem:v40+s7+$0x0], $0xffff;
	v38 =	vadd.f32 v39, v38  }
0x19e: {  	v30 =	vmul.f32 v30, v21;
	v23 =	vmul.f32 v25, v23;
	v20 =	vld.idx.msk [tilespmem:v40+s9+$0x0], $0xffff  }
0x19f: {  	v32 =	vmul.f32 v32, v22;
	v24 =	vmul.f32 v33, v24;
	v21 =	vld.idx.msk [tilespmem:v40+s5+$0x0], $0xffff;
	v25 =	vadd.f32 v38, v43  }
0x1a0: {  	s23 =	simm.s32 $0xC880;
	v28 =	vmul.f32 v28, v7;
	v27 =	vmul.f32 v27, v10;
	v22 =	vld.idx.msk [tilespmem:v40+s10+$0x0], $0xffff  }
0x1a1: {  	v23 =	vadd.f32 v23, v30;
	v24 =	vadd.f32 v24, v32;
	[tilespmem:s18+$0xFFFFFFC0] =	vst v25;
	v25 =	vld [tilespmem:s23+$0xFFFFFF80]  }
0x1a2: {  	v30 =	vmul.f32 v31, v8;
	v26 =	vmul.f32 v26, v9;
	v27 =	vadd.f32 v27, v28;
	v28 =	vld [tilespmem:s4+$0xFFFFFFD0]  }
0x1a3: {  	v59 =	vadd.f32 v24, v23;
	v58 =	vld [tilespmem:s19+$0xFFFFFFD0]  }
0x1a4: {  	v57 =	vmul.f32 v34, v5;
	v26 =	vadd.f32 v26, v30;
	v23 =	vmul.f32 v29, v19;
	v29 =	vld [tilespmem:s20+$0xFFFFFFD0]  }
0x1a5: {  	v30 =	vmul.f32 v35, v6;
	v31 =	vld [tilespmem:s21+$0xFFFFFFD0];
	v24 =	vmul.f32 v41, v20  }
0x1a6: {  	v61 =	vld [tilespmem:s3+$0x0];
	v26 =	vadd.f32 v26, v27;
	v27 =	vmul.f32 v42, v21;
	v25 =	vmul.f32 v25, v22  }
0x1a7: {  	v60 =	vld [tilespmem:s8+$0x0];
	v36 =	vmul.f32 v36, v3;
	v37 =	vmul.f32 v37, v4  }
0x1a8: {  	v62 =	vld [tilespmem:s22+$0x0];
	v23 =	vadd.f32 v24, v23;
	v28 =	vmul.f32 v28, v14;
	v24 =	vadd.f32 v25, v27  }
0x1a9: {  	v30 =	vadd.f32 v30, v57;
	[tilespmem:s18+$0x30] =	vst v26;
	v26 =	vld [tilespmem:s23+$0x0];
	v33 =	vmul.f32 v58, v12;
	v29 =	vmul.f32 v29, v13  }
0x1aa: {  	v25 =	vadd.f32 v37, v36;
	v27 =	vmul.f32 v31, v11;
	v31 =	vadd.f32 v24, v23;
	v23 =	vld [tilespmem:s21+$0x40]  }
0x1ab: {  	s24 =	simm.s32 $0x16C80;
	v32 =	vmul.f32 v61, v18;
	v33 =	vadd.f32 v29, v33;
	v24 =	vld [tilespmem:s4+$0x40]  }
0x1ac: {  	v36 =	vadd.f32 v25, v30;
	v63 =	vadd.f32 v28, v27;
	v25 =	vld [tilespmem:s19+$0x40];
	[tilespmem:s24+$0xFFFFFF80] =	vst v31;
	v31 =	vmul.f32 v60, v17  }
0x1ad: {  	[tilespmem:s13+$0xFFFFFFF0] =	vst v59;
	v30 =	vmul.f32 v62, v16;
	v27 =	vld [tilespmem:s8+$0xFFFFFF90]  }
0x1ae: {  	s31 =	simm.s32 $0x6;
	[tilespmem:s13+$0x60] =	vst v36;
	v28 =	vld [tilespmem:s3+$0xFFFFFF90];
	v29 =	vadd.f32 v32, v31;
	v31 =	vmul.f32 v26, v15;
	v26 =	vadd.f32 v33, v63  }
.LBB2_3:
0x1af: {  	p0 =	slt.u32 s31, $0x3E;
	v32 =	vld [tilespmem:s22+$0xFFFFFF90];
	v23 =	vmul.f32 v23, v7  }
0x1b0: {  	v33 =	vld [tilespmem:s23+$0xFFFFFF90];
	v30 =	vadd.f32 v31, v30;
	[tilespmem:s18+$0xFFFFFFD0] =	vst v26;
	v24 =	vmul.f32 v24, v10  }
0x1b1: {  	v26 =	vld [tilespmem:s21+$0xFFFFFFE0];
	v25 =	vmul.f32 v25, v8  }
0x1b2: {  	v29 =	vadd.f32 v30, v29;
	v30 =	vld [tilespmem:s4+$0xFFFFFFE0];
	v23 =	vadd.f32 v24, v23  }
0x1b3: {  	v24 =	vld [tilespmem:s19+$0xFFFFFFE0]  }
0x1b4: {  	v27 =	vmul.f32 v27, v19;
	v28 =	vmul.f32 v28, v20;
	[tilespmem:s24+$0x0] =	vst v29;
	v29 =	vld [tilespmem:s20+$0xFFFFFFE0]  }
0x1b5: {  	v31 =	vmul.f32 v32, v21;
	v32 =	vmul.f32 v33, v22;
	v33 =	vld [tilespmem:s8+$0x10]  }
0x1b6: {  	v34 =	vld [tilespmem:s3+$0x10]  }
0x1b7: {  	v27 =	vadd.f32 v28, v27;
	v28 =	vadd.f32 v32, v31;
	v31 =	vld [tilespmem:s22+$0x10]  }
0x1b8: {  	v26 =	vmul.f32 v26, v11;
	v30 =	vmul.f32 v30, v14;
	v32 =	vld [tilespmem:s23+$0x10]  }
0x1b9: {  	v24 =	vmul.f32 v24, v12;
	v27 =	vadd.f32 v28, v27;
	v28 =	vmul.f32 v29, v13;
	v29 =	vld [tilespmem:s20+$0x40]  }
0x1ba: {  	v33 =	vmul.f32 v33, v17;
	v35 =	vld [tilespmem:s17+$0x70];
	s17 =	smov.u32 s21;
	s21 =	smov.u32 s8  }
0x1bb: {  	v26 =	vadd.f32 v30, v26;
	[tilespmem:s24+$0xFFFFFF90] =	vst v27;
	v27 =	vmul.f32 v34, v18;
	v24 =	vadd.f32 v28, v24;
	v28 =	vld [tilespmem:s16+$0x70];
	s16 =	smov.u32 s4;
	s4 =	smov.u32 s3  }
0x1bc: {  	v30 =	vld [tilespmem:s8+$0xFFFFFFA0];
	v31 =	vmul.f32 v31, v16  }
0x1bd: {  	v34 =	vld [tilespmem:s3+$0xFFFFFFA0];
	v27 =	vadd.f32 v27, v33;
	v32 =	vmul.f32 v32, v15;
	v24 =	vadd.f32 v24, v26  }
0x1be: {  	v26 =	vld [tilespmem:s22+$0xFFFFFFA0];
	v29 =	vmul.f32 v29, v9  }
0x1bf: {  	v33 =	vld [tilespmem:s23+$0xFFFFFFA0];
	v31 =	vadd.f32 v32, v31;
	[tilespmem:s18+$0xFFFFFFE0] =	vst v24;
	v24 =	vmul.f32 v35, v5;
	v5 =	vmovc v7;
	v7 =	vmov v17  }
0x1c0: {  	v17 =	vld [tilespmem:s17+$0xFFFFFFF0];
	v25 =	vadd.f32 v29, v25;
	v28 =	vmul.f32 v28, v6;
	v6 =	vmovc v10;
	v10 =	vmov v18  }
0x1c1: {  	v18 =	vadd.f32 v31, v27;
	v27 =	vld [tilespmem:s16+$0xFFFFFFF0]  }
0x1c2: {  	v29 =	vld [tilespmem:s19+$0xFFFFFFF0];
	v23 =	vadd.f32 v25, v23;
	v24 =	vadd.f32 v28, v24  }
0x1c3: {  	[tilespmem:s24+$0x10] =	vst v18;
	v18 =	vld [tilespmem:s20+$0xFFFFFFF0]  }
0x1c4: {  	v25 =	vmul.f32 v30, v19;
	v28 =	vmul.f32 v34, v20;
	v30 =	vld [tilespmem:s8+$0x20];
	[tilespmem:s18+$0x40] =	vst v23  }
0x1c5: {  	v23 =	vmul.f32 v26, v21;
	v26 =	vmul.f32 v33, v22;
	v31 =	vld [tilespmem:s3+$0x20]  }
0x1c6: {  	v25 =	vadd.f32 v28, v25;
	v28 =	vld [tilespmem:s22+$0x20]  }
0x1c7: {  	v17 =	vmul.f32 v17, v11;
	v11 =	vmovc v19;
	v23 =	vadd.f32 v26, v23;
	v27 =	vmul.f32 v27, v14;
	v26 =	vld [tilespmem:s23+$0x20]  }
0x1c8: {  	v14 =	vmovc v20;
	v19 =	vmul.f32 v29, v12;
	v12 =	vmovc v21;
	v18 =	vmul.f32 v18, v13;
	v29 =	vld [tilespmem:s17+$0x50];
	v13 =	vmov v22  }
0x1c9: {  	v20 =	vadd.f32 v23, v25;
	v21 =	vmul.f32 v30, v7;
	v22 =	vld [tilespmem:s16+$0x50]  }
0x1ca: {  	v17 =	vadd.f32 v27, v17;
	v23 =	vmul.f32 v31, v10;
	v18 =	vadd.f32 v18, v19;
	v19 =	vld [tilespmem:s19+$0x50]  }
0x1cb: {  	[tilespmem:s24+$0xFFFFFFA0] =	vst v20;
	v20 =	vmul.f32 v28, v16;
	v25 =	vld [tilespmem:s20+$0x50]  }
0x1cc: {  	s0 =	sadd.s32 $0x1, s31;
	v27 =	vld [tilespmem:s8+$0xFFFFFFB0];
	v21 =	vadd.f32 v23, v21;
	v23 =	vmul.f32 v26, v15;
	v17 =	vadd.f32 v18, v17  }
0x1cd: {  	v26 =	vmov s0;
	v18 =	vld [tilespmem:s3+$0xFFFFFFB0];
	v28 =	vmul.f32 v29, v5  }
0x1ce: {  	v29 =	vld [tilespmem:s22+$0xFFFFFFB0];
	v20 =	vadd.f32 v23, v20;
	[tilespmem:s18+$0xFFFFFFF0] =	vst v17;
	v17 =	vmul.f32 v22, v6  }
0x1cf: {  	v22 =	vld [tilespmem:s23+$0xFFFFFFB0];
	v19 =	vmul.f32 v19, v8  }
0x1d0: {  	v20 =	vadd.f32 v20, v21;
	v21 =	vadd.f32 v17, v28;
	v23 =	vmul.f32 v25, v9;
	v25 =	vld [tilespmem:s14+$0x70];
	s14 =	smov.u32 s19;
	s19 =	smov.u32 s22  }
0x1d1: {  	v28 =	vld [tilespmem:s15+$0x70];
	s15 =	smov.u32 s20;
	s20 =	smov.u32 s23  }
0x1d2: {  	v17 =	vld.idx.msk [tilespmem:v26+s7+$0x0], $0xffff;
	[tilespmem:s24+$0x20] =	vst v20;
	v19 =	vadd.f32 v23, v19  }
0x1d3: {  	v20 =	vmul.f32 v27, v11;
	v18 =	vmul.f32 v18, v14;
	v23 =	vld [tilespmem:s8+$0x30]  }
0x1d4: {  	v27 =	vmul.f32 v29, v12;
	v22 =	vmul.f32 v22, v13;
	v29 =	vld [tilespmem:s3+$0x30];
	v19 =	vadd.f32 v19, v21  }
0x1d5: {  	v21 =	vld [tilespmem:s22+$0x30];
	v25 =	vmul.f32 v25, v3;
	v3 =	vmov v8;
	v8 =	vmov v16  }
0x1d6: {  	v16 =	vadd.f32 v18, v20;
	v18 =	vadd.f32 v22, v27;
	v20 =	vld [tilespmem:s23+$0x30];
	[tilespmem:s18+$0x50] =	vst v19;
	v19 =	vmul.f32 v28, v4  }
0x1d7: {  	v4 =	vmov v9;
	v9 =	vmov v15;
	v22 =	vld [tilespmem:s17+$0x60]  }
0x1d8: {  	v15 =	vadd.f32 v18, v16;
	v16 =	vmul.f32 v23, v7;
	v18 =	vld [tilespmem:s16+$0x60];
	v19 =	vadd.f32 v19, v25  }
0x1d9: {  	v23 =	vmul.f32 v29, v10;
	v25 =	vld [tilespmem:s14+$0x60]  }
0x1da: {  	[tilespmem:s24+$0xFFFFFFB0] =	vst v15;
	v15 =	vmul.f32 v21, v8;
	v21 =	vld [tilespmem:s15+$0x60];
	v19 =	vadd.f32 v19, v24  }
0x1db: {  	v24 =	vld [tilespmem:s8+$0xFFFFFFC0];
	v16 =	vadd.f32 v23, v16;
	v20 =	vmul.f32 v20, v9  }
0x1dc: {  	v23 =	vld [tilespmem:s3+$0xFFFFFFC0];
	v22 =	vmul.f32 v22, v5;
	[tilespmem:s13+$0x70] =	vst v19;
	s13 =	smov.u32 s18;
	s18 =	smov.u32 s24  }
0x1dd: {  	v19 =	vmov s31;
	v27 =	vld [tilespmem:s22+$0xFFFFFFC0];
	v15 =	vadd.f32 v20, v15;
	v20 =	vmul.f32 v18, v6  }
0x1de: {  	v18 =	vand.u32 $0xFFFFFFFE, v19;
	v19 =	vld [tilespmem:s23+$0xFFFFFFC0];
	v25 =	vmul.f32 v25, v3  }
0x1df: {  	v28 =	vbroadcast v18, $0x0;
	v18 =	vld.idx.msk [tilespmem:v26+s9+$0x0], $0xffff;
	v29 =	vadd.f32 v15, v16;
	v21 =	vmul.f32 v21, v4  }
0x1e0: {  	v20 =	vadd.f32 v20, v22;
	v16 =	vld.idx.msk [tilespmem:v26+s5+$0x0], $0xffff  }
0x1e1: {  	s8 =	sadd.s32 $0x100, s8;
	v15 =	vld.idx.msk [tilespmem:v26+s10+$0x0], $0xffff;
	[tilespmem:s24+$0x30] =	vst v29;
	v21 =	vadd.f32 v21, v25  }
0x1e2: {  	s3 =	sadd.s32 $0x100, s3;
	v22 =	vmul.f32 v24, v11;
	v23 =	vmul.f32 v23, v14;
	v25 =	vld [tilespmem:s8+$0xFFFFFF80]  }
0x1e3: {  	s22 =	sadd.s32 $0x100, s22;
	v26 =	vmul.f32 v27, v12;
	v24 =	vld [tilespmem:s3+$0xFFFFFF80];
	v27 =	vmul.f32 v19, v13;
	v20 =	vadd.f32 v21, v20  }
0x1e4: {  	v29 =	vld [tilespmem:s22+$0xFFFFFF80]  }
0x1e5: {  	v22 =	vadd.f32 v23, v22;
	v19 =	vld.idx.msk [tilespmem:v28+s7+$0x0], $0xffff;
	v23 =	vadd.f32 v27, v26;
	[tilespmem:s13+$0x60] =	vst v20  }
0x1e6: {  	v20 =	vld.idx.msk [tilespmem:v28+s9+$0x0], $0xffff  }
0x1e7: {  	v21 =	vld.idx.msk [tilespmem:v28+s5+$0x0], $0xffff;
	v23 =	vadd.f32 v23, v22  }
0x1e8: {  	s23 =	sadd.s32 $0x100, s23;
	v22 =	vld.idx.msk [tilespmem:v28+s10+$0x0], $0xffff  }
0x1e9: {  	v26 =	vld [tilespmem:s23+$0xFFFFFF80];
	[tilespmem:s24+$0xFFFFFFC0] =	vst v23  }
0x1ea: {  	v23 =	vld [tilespmem:s21+$0xFFFFFFD0]  }
0x1eb: {  	v27 =	vld [tilespmem:s4+$0xFFFFFFD0]  }
0x1ec: {  	v28 =	vld [tilespmem:s19+$0xFFFFFFD0]  }
0x1ed: {  	v25 =	vmul.f32 v25, v19;
	v24 =	vmul.f32 v24, v20;
	v30 =	vld [tilespmem:s20+$0xFFFFFFD0]  }
0x1ee: {  	v29 =	vmul.f32 v29, v21;
	v26 =	vmul.f32 v26, v22;
	v31 =	vld [tilespmem:s8+$0x0]  }
0x1ef: {  	v32 =	vld [tilespmem:s3+$0x0]  }
0x1f0: {  	v24 =	vadd.f32 v24, v25;
	v25 =	vadd.f32 v26, v29;
	v26 =	vld [tilespmem:s22+$0x0]  }
0x1f1: {  	v29 =	vmul.f32 v23, v11;
	v27 =	vmul.f32 v27, v14;
	v33 =	vld [tilespmem:s23+$0x0]  }
.Ltmp0:
0x1f2: {  	v28 =	vmul.f32 v28, v12;
	v25 =	vadd.f32 v25, v24;
	v30 =	vmul.f32 v30, v13;
	v23 =	vld [tilespmem:s21+$0x40];
	(pc) =	sbr.rel @p0 .LBB2_3-.Ltmp0, $4  }
0x1f3: {  	s24 =	sadd.s32 $0x100, s24;
	v31 =	vmul.f32 v31, v17;
	v24 =	vld [tilespmem:s4+$0x40]  }
0x1f4: {  	v34 =	vadd.f32 v27, v29;
	[tilespmem:s24+$0xFFFFFF80] =	vst v25;
	v32 =	vmul.f32 v32, v18;
	v35 =	vadd.f32 v30, v28;
	v25 =	vld [tilespmem:s19+$0x40]  }
0x1f5: {  	v27 =	vld [tilespmem:s8+$0xFFFFFF90];
	v30 =	vmul.f32 v26, v16  }
0x1f6: {  	s31 =	sadd.s32 $0x2, s31;
	v28 =	vld [tilespmem:s3+$0xFFFFFF90];
	v29 =	vadd.f32 v32, v31;
	v31 =	vmul.f32 v33, v15;
	v26 =	vadd.f32 v35, v34  }
0x1f7: {  	_ = 	snop  }
0x1f8: {  	v30 =	vadd.f32 v31, v30  }
0x1f9: {  	v32 =	vld [tilespmem:s23+$0xFFFFFF90]  }
0x1fa: {  	v31 =	vld [tilespmem:s22+$0xFFFFFF90];
	v29 =	vadd.f32 v30, v29;
	_ =	sdelay $0x1  }
0x1fb: {  	[tilespmem:s24+$0x0] =	vst v29  }
0x1fc: {  	v29 =	vld [tilespmem:s8+$0x10]  }
0x1fd: {  	v27 =	vmul.f32 v27, v19;
	v28 =	vmul.f32 v28, v20;
	v30 =	vld [tilespmem:s3+$0x10]  }
0x1fe: {  	v32 =	vmul.f32 v32, v22;
	v31 =	vmul.f32 v31, v21;
	v33 =	vld [tilespmem:s22+$0x10]  }
0x1ff: {  	v34 =	vld [tilespmem:s23+$0x10]  }
0x200: {  	v27 =	vadd.f32 v28, v27;
	v28 =	vadd.f32 v32, v31;
	_ =	sdelay $0x1  }
0x201: {  	v27 =	vadd.f32 v28, v27  }
0x202: {  	v28 =	vmul.f32 v29, v17;
	v29 =	vmul.f32 v30, v18  }
0x203: {  	v30 =	vmul.f32 v34, v15;
	[tilespmem:s24+$0xFFFFFF90] =	vst v27;
	v27 =	vmul.f32 v33, v16  }
0x204: {  	v31 =	vld [tilespmem:s8+$0xFFFFFFA0]  }
0x205: {  	v44 =	vld [tilespmem:s3+$0xFFFFFFA0];
	v28 =	vadd.f32 v29, v28;
	v27 =	vadd.f32 v30, v27  }
0x206: {  	v29 =	vld [tilespmem:s22+$0xFFFFFFA0]  }
0x207: {  	v30 =	vld [tilespmem:s23+$0xFFFFFFA0];
	v27 =	vadd.f32 v27, v28;
	_ =	sdelay $0x1  }
0x208: {  	[tilespmem:s24+$0x10] =	vst v27  }
0x209: {  	v27 =	vld [tilespmem:s8+$0x20]  }
0x20a: {  	v28 =	vmul.f32 v31, v19;
	v31 =	vmul.f32 v44, v20;
	v45 =	vld [tilespmem:s3+$0x20]  }
0x20b: {  	v29 =	vmul.f32 v29, v21;
	v30 =	vmul.f32 v30, v22;
	v46 =	vld [tilespmem:s22+$0x20]  }
0x20c: {  	v47 =	vld [tilespmem:s23+$0x20]  }
0x20d: {  	v28 =	vadd.f32 v31, v28;
	v29 =	vadd.f32 v30, v29;
	_ =	sdelay $0x1  }
0x20e: {  	v28 =	vadd.f32 v29, v28  }
0x20f: {  	v27 =	vmul.f32 v27, v17;
	v29 =	vmul.f32 v45, v18  }
0x210: {  	v30 =	vmul.f32 v47, v15;
	[tilespmem:s24+$0xFFFFFFA0] =	vst v28;
	v28 =	vmul.f32 v46, v16  }
0x211: {  	v31 =	vld [tilespmem:s8+$0xFFFFFFB0]  }
0x212: {  	v27 =	vadd.f32 v29, v27;
	v29 =	vld [tilespmem:s3+$0xFFFFFFB0];
	v28 =	vadd.f32 v30, v28  }
0x213: {  	v48 =	vld [tilespmem:s23+$0xFFFFFFB0]  }
0x214: {  	v30 =	vld [tilespmem:s22+$0xFFFFFFB0];
	v27 =	vadd.f32 v28, v27;
	_ =	sdelay $0x1  }
0x215: {  	[tilespmem:s24+$0x20] =	vst v27  }
0x216: {  	v27 =	vld [tilespmem:s8+$0x30]  }
0x217: {  	v28 =	vmul.f32 v31, v19;
	v29 =	vmul.f32 v29, v20;
	v31 =	vld [tilespmem:s3+$0x30]  }
0x218: {  	v32 =	vmul.f32 v48, v22;
	v30 =	vmul.f32 v30, v21;
	v49 =	vld [tilespmem:s22+$0x30]  }
0x219: {  	v50 =	vld [tilespmem:s23+$0x30]  }
0x21a: {  	v28 =	vadd.f32 v29, v28;
	v29 =	vadd.f32 v32, v30;
	_ =	sdelay $0x1  }
0x21b: {  	[tilespmem:s18+$0xFFFFFFD0] =	vst v26;
	v26 =	vadd.f32 v29, v28  }
0x21c: {  	v53 =	vld [tilespmem:s19+$0xFFFFFFE0];
	v27 =	vmul.f32 v27, v17;
	v29 =	vmul.f32 v31, v18  }
0x21d: {  	v30 =	vld [tilespmem:s20+$0x40];
	v31 =	vmul.f32 v50, v15;
	[tilespmem:s24+$0xFFFFFFB0] =	vst v26;
	v26 =	vmul.f32 v49, v16  }
0x21e: {  	v51 =	vld [tilespmem:s8+$0xFFFFFFC0]  }
0x21f: {  	v27 =	vadd.f32 v29, v27;
	v29 =	vld [tilespmem:s3+$0xFFFFFFC0];
	v26 =	vadd.f32 v31, v26  }
0x220: {  	v52 =	vld [tilespmem:s23+$0xFFFFFFC0]  }
0x221: {  	v23 =	vmul.f32 v23, v7;
	v24 =	vmul.f32 v24, v10;
	v31 =	vld [tilespmem:s22+$0xFFFFFFC0];
	v26 =	vadd.f32 v26, v27  }
0x222: {  	v25 =	vmul.f32 v25, v8;
	v35 =	vld [tilespmem:s20+$0xFFFFFFE0];
	v30 =	vmul.f32 v30, v9  }
0x223: {  	v28 =	vld [tilespmem:s21+$0xFFFFFFE0];
	[tilespmem:s24+$0x30] =	vst v26  }
0x224: {  	v23 =	vadd.f32 v24, v23;
	v24 =	vadd.f32 v30, v25;
	v25 =	vld [tilespmem:s8+$0x40]  }
0x225: {  	v26 =	vmul.f32 v51, v19;
	v29 =	vmul.f32 v29, v20;
	v30 =	vld [tilespmem:s3+$0x40]  }
0x226: {  	v23 =	vadd.f32 v24, v23;
	v24 =	vmul.f32 v31, v21;
	v31 =	vmul.f32 v52, v22;
	v54 =	vld [tilespmem:s22+$0x40]  }
0x227: {  	v55 =	vld [tilespmem:s23+$0x40]  }
0x228: {  	v27 =	vld [tilespmem:s4+$0xFFFFFFE0];
	[tilespmem:s18+$0x40] =	vst v23;
	v23 =	vadd.f32 v29, v26;
	v24 =	vadd.f32 v31, v24  }
0x229: {  	v26 =	vld [tilespmem:s21+$0x50]  }
0x22a: {  	v29 =	vld [tilespmem:s4+$0x50];
	v23 =	vadd.f32 v24, v23  }
0x22b: {  	v31 =	vld [tilespmem:s20+$0x50];
	v25 =	vmul.f32 v25, v17;
	v30 =	vmul.f32 v30, v18  }
0x22c: {  	v24 =	vld [tilespmem:s19+$0x50];
	v56 =	vmul.f32 v55, v15;
	[tilespmem:s24+$0xFFFFFFC0] =	vst v23;
	v23 =	vmul.f32 v54, v16  }
0x22d: {  	v58 =	vmul.f32 v35, v13;
	v57 =	vld [tilespmem:s8+$0xFFFFFFD0]  }
0x22e: {  	v28 =	vmul.f32 v28, v11;
	v36 =	vld [tilespmem:s3+$0xFFFFFFD0];
	v25 =	vadd.f32 v30, v25;
	v23 =	vadd.f32 v56, v23  }
0x22f: {  	v27 =	vmul.f32 v27, v14;
	v26 =	vmul.f32 v26, v7;
	v59 =	vld [tilespmem:s22+$0xFFFFFFD0]  }
0x230: {  	v29 =	vmul.f32 v29, v10;
	v30 =	vmul.f32 v53, v12;
	v60 =	vld [tilespmem:s23+$0xFFFFFFD0];
	v23 =	vadd.f32 v23, v25  }
0x231: {  	v47 =	vld [tilespmem:s15+$0x70];
	v31 =	vmul.f32 v31, v9;
	v24 =	vmul.f32 v24, v8  }
0x232: {  	v27 =	vadd.f32 v27, v28;
	v28 =	vadd.f32 v58, v30;
	v30 =	vld [tilespmem:s16+$0x70];
	[tilespmem:s24+$0x40] =	vst v23  }
0x233: {  	v24 =	vadd.f32 v31, v24;
	v23 =	vadd.f32 v29, v26;
	v26 =	vld [tilespmem:s8+$0x50]  }
0x234: {  	v27 =	vadd.f32 v28, v27;
	v28 =	vmul.f32 v57, v19;
	v29 =	vmul.f32 v36, v20;
	v31 =	vld [tilespmem:s3+$0x50]  }
0x235: {  	v61 =	vmul.f32 v60, v22;
	v62 =	vld [tilespmem:s22+$0x50];
	v23 =	vadd.f32 v24, v23;
	v24 =	vmul.f32 v59, v21  }
0x236: {  	[tilespmem:s18+$0xFFFFFFE0] =	vst v27;
	v27 =	vld [tilespmem:s23+$0x50]  }
0x237: {  	v25 =	vld [tilespmem:s17+$0x70];
	[tilespmem:s18+$0x50] =	vst v23;
	v23 =	vadd.f32 v29, v28;
	v24 =	vadd.f32 v61, v24  }
0x238: {  	v28 =	vld [tilespmem:s21+$0x60]  }
0x239: {  	v29 =	vld [tilespmem:s4+$0x60];
	v23 =	vadd.f32 v24, v23  }
0x23a: {  	v40 =	vld [tilespmem:s20+$0x60];
	v26 =	vmul.f32 v26, v17;
	v31 =	vmul.f32 v31, v18  }
0x23b: {  	v24 =	vld [tilespmem:s19+$0x60];
	v27 =	vmul.f32 v27, v15;
	[tilespmem:s24+$0xFFFFFFD0] =	vst v23;
	v23 =	vmul.f32 v62, v16  }
0x23c: {  	v41 =	vld [tilespmem:s8+$0xFFFFFFE0]  }
0x23d: {  	v26 =	vadd.f32 v31, v26;
	v42 =	vld [tilespmem:s3+$0xFFFFFFE0];
	v23 =	vadd.f32 v27, v23  }
0x23e: {  	v31 =	vld [tilespmem:s23+$0xFFFFFFE0]  }
0x23f: {  	v27 =	vld [tilespmem:s22+$0xFFFFFFE0];
	v23 =	vadd.f32 v23, v26  }
0x240: {  	v63 =	vld [tilespmem:s21+$0xFFFFFFF0];
	v28 =	vmul.f32 v28, v7;
	v29 =	vmul.f32 v29, v10  }
0x241: {  	v43 =	vld [tilespmem:s19+$0xFFFFFFF0];
	v32 =	vmul.f32 v40, v9;
	v24 =	vmul.f32 v24, v8;
	[tilespmem:s24+$0x50] =	vst v23  }
0x242: {  	v23 =	vadd.f32 v29, v28;
	v28 =	vld [tilespmem:s8+$0x60]  }
0x243: {  	v24 =	vadd.f32 v32, v24;
	v29 =	vmul.f32 v41, v19;
	v44 =	vmul.f32 v42, v20;
	v45 =	vld [tilespmem:s3+$0x60]  }
0x244: {  	v31 =	vmul.f32 v31, v22;
	v27 =	vmul.f32 v27, v21;
	v46 =	vld [tilespmem:s22+$0x60]  }
0x245: {  	v23 =	vadd.f32 v24, v23;
	v24 =	vld [tilespmem:s23+$0x60]  }
0x246: {  	v37 =	vld [tilespmem:s20+$0xFFFFFFF0];
	v29 =	vadd.f32 v44, v29;
	v27 =	vadd.f32 v31, v27  }
0x247: {  	v26 =	vld [tilespmem:s4+$0xFFFFFFF0]  }
0x248: {  	v31 =	vld [tilespmem:s14+$0x70];
	[tilespmem:s18+$0x60] =	vst v23;
	v23 =	vadd.f32 v27, v29  }
0x249: {  	v27 =	vld [tilespmem:s21+$0x70];
	v28 =	vmul.f32 v28, v17;
	v29 =	vmul.f32 v45, v18  }
0x24a: {  	v48 =	vld [tilespmem:s4+$0x70];
	[tilespmem:s24+$0xFFFFFFE0] =	vst v23;
	v23 =	vmul.f32 v46, v16;
	v24 =	vmul.f32 v24, v15  }
0x24b: {  	v5 =	vmul.f32 v25, v5;
	v25 =	vld [tilespmem:s19+$0x70]  }
0x24c: {  	v14 =	vmul.f32 v26, v14;
	v26 =	vld [tilespmem:s20+$0x70];
	v28 =	vadd.f32 v29, v28;
	v23 =	vadd.f32 v24, v23  }
0x24d: {  	v49 =	vld [tilespmem:s8+$0xFFFFFFF0]  }
0x24e: {  	v38 =	vld [tilespmem:s3+$0xFFFFFFF0];
	v23 =	vadd.f32 v23, v28  }
0x24f: {  	v6 =	vmul.f32 v30, v6;
	v11 =	vmul.f32 v63, v11;
	v29 =	vld [tilespmem:s23+$0xFFFFFFF0]  }
0x250: {  	v12 =	vmul.f32 v43, v12;
	v13 =	vmul.f32 v37, v13;
	v24 =	vld [tilespmem:s22+$0xFFFFFFF0];
	[tilespmem:s24+$0x60] =	vst v23  }
0x251: {  	v4 =	vmul.f32 v47, v4;
	v5 =	vadd.f32 v6, v5;
	v3 =	vmul.f32 v31, v3;
	v23 =	vld [tilespmem:s8+$0x70]  }
0x252: {  	v12 =	vadd.f32 v13, v12;
	v11 =	vadd.f32 v14, v11;
	v6 =	vld [tilespmem:s3+$0x70]  }
0x253: {  	v3 =	vadd.f32 v4, v3;
	v13 =	vld [tilespmem:s22+$0x70]  }
0x254: {  	v11 =	vadd.f32 v12, v11;
	v4 =	vmul.f32 v27, v7;
	v7 =	vmul.f32 v48, v10;
	v10 =	vld [tilespmem:s23+$0x70]  }
0x255: {  	v8 =	vmul.f32 v25, v8;
	v9 =	vmul.f32 v26, v9;
	v3 =	vadd.f32 v3, v5  }
0x256: {  	v4 =	vadd.f32 v7, v4;
	v12 =	vmul.f32 v49, v19;
	v14 =	vmul.f32 v38, v20  }
0x257: {  	v8 =	vadd.f32 v9, v8;
	v19 =	vmul.f32 v29, v22;
	v5 =	vmul.f32 v24, v21  }
0x258: {  	v12 =	vadd.f32 v14, v12;
	v14 =	vmul.f32 v23, v17;
	v6 =	vmul.f32 v6, v18  }
0x259: {  	v7 =	vmul.f32 v13, v16;
	v10 =	vmul.f32 v10, v15  }
0x25a: {  	[tilespmem:s13+$0x70] =	vst v3;
	v3 =	vadd.f32 v8, v4;
	v5 =	vadd.f32 v19, v5  }
0x25b: {  	v6 =	vadd.f32 v6, v14;
	v7 =	vadd.f32 v10, v7  }
0x25c: {  	[tilespmem:s18+$0xFFFFFFF0] =	vst v11;
	v5 =	vadd.f32 v5, v12  }
0x25d: {  	s0 =	sshll.u32 s30, $0x1;
	[tilespmem:s18+$0x70] =	vst v3;
	v4 =	vadd.f32 v7, v6  }
0x25e: {  	s0 =	smin.u32 s0, $0xC0;
	[tilespmem:s24+$0xFFFFFFF0] =	vst v5  }
0x25f: {  	s20 =	sshll.u32 s0, $0x6;
	[tilespmem:s24+$0x70] =	vst v4  }
0x260: {  	v3 =	vld [tilespmem:s20+$0x80];
	_ =	sdelay $0x1  }
0x261: {  	v4 =	vld [tilespmem:s20+$0x3180];
	_ =	sdelay $0x2  }
0x262: {  	v3 =	vadd.f32 $1.000000000e+00, v3;
	_ =	sdelay $0x1  }
0x263: {  	v4 =	vadd.f32 $1.000000000e+00, v4;
	v3 =	vmul.f32 $2.240000000e+02, v3;
	_ =	sdelay $0x1  }
0x264: {  	v4 =	vmul.f32 $2.240000000e+02, v4;
	v3 =	vadd.f32 $-1.000000000e+00, v3;
	_ =	sdelay $0x1  }
0x265: {  	v4 =	vadd.f32 $-1.000000000e+00, v4;
	v3 =	vmul.f32 $5.000000000e-01, v3;
	_ =	sdelay $0x1  }
0x266: {  	v4 =	vmul.f32 $5.000000000e-01, v4;
	v5 =	vtrunc.f32 v3  }
0x267: {  	v6 =	vcvt.f32.s32 v5;
	vm0 =	vlt.f32 v3, v5  }
0x268: {  	v7 =	vtrunc.f32 v4;
	v5 =	vsel vm0, $0xFFFFFFFF, v1  }
0x269: {  	vm13 =	vlt.f32 v4, v7;
	v5 =	vadd.s32 v6, v5  }
0x26a: {  	v8 =	vsel vm13, $0xFFFFFFFF, v1;
	v6 =	vcvt.f32.s32 v7;
	v7 =	vcvt.s32.f32 v5  }
0x26b: {  	vm14 =	vgt.s32 v5, $0xFFFFFFFF;
	vm5 =	vgt.s32 v5, $0x0;
	v15 =	vadd.s32 $0x1, v5  }
0x26c: {  	vm9 =	vlt.s32 v5, $0xDF;
	v6 =	vadd.s32 v6, v8;
	v10 =	vsel vm14, $0x3F800000, v2  }
0x26d: {  	vm7 =	vlt.s32 v15, $0xDF;
	v8 =	vadd.f32 $1.000000000e+00, v7;
	v9 =	vcvt.s32.f32 v6  }
0x26e: {  	vm15 =	vgt.s32 v6, $0xFFFFFFFF;
	vm4 =	vlt.s32 v6, $0xDF;
	vm6 =	vgt.s32 v6, $0x0  }
0x26f: {  	v11 =	vsel vm15, $0x3F800000, v2;
	v13 =	vsel vm4, $0x3F800000, v2;
	v14 =	vnsel vm6, $0x0, v6  }
0x270: {  	v6 =	vadd.s32 $0x1, v6;
	v8 =	vsub.f32 v8, v3;
	v12 =	vadd.f32 $1.000000000e+00, v9  }
0x271: {  	v3 =	vsub.f32 v3, v7;
	v14 =	vmul.u32 $0xE0, v14;
	vm8 =	vlt.s32 v6, $0xDF  }
0x272: {  	v7 =	vnsel vm5, $0x0, v5;
	v6 =	vnsel vm8, $0xDF, v6;
	v12 =	vsub.f32 v12, v4  }
0x273: {  	v4 =	vsub.f32 v4, v9;
	v9 =	vnsel vm7, $0xDF, v15;
	v5 =	vadd.s32 v0, v14  }
0x274: {  	v6 =	vmul.u32 $0xE0, v6;
	v15 =	vmul.f32 v11, v10;
	v10 =	vmul.f32 v13, v10  }
0x275: {  	v16 =	vadd.s32 v7, v5;
	v14 =	vmul.f32 v12, v8;
	v8 =	vmul.f32 v4, v8  }
0x276: {  	v17 =	vsel vm9, $0x3F800000, v2;
	v5 =	vadd.s32 v9, v5;
	v6 =	vadd.s32 v0, v6;
	[tilespmem:$0x6200] =	vst v16  }
0x277: {  	[tilespmem:$0x6300] =	vst v5;
	v5 =	vadd.s32 v7, v6;
	v7 =	vmul.f32 v14, v15;
	v8 =	vmul.f32 v10, v8  }
0x278: {  	[tilespmem:$0x6280] =	vst v5;
	v5 =	vadd.s32 v9, v6;
	v6 =	vmul.f32 v12, v3;
	v9 =	vmul.f32 v11, v17  }
0x279: {  	v3 =	vmul.f32 v4, v3;
	v4 =	vmul.f32 v13, v17;
	[tilespmem:$0x6380] =	vst v5  }
0x27a: {  	[tilespmem:$0x6400] =	vst v7;
	v5 =	vmul.f32 v6, v9  }
0x27b: {  	[tilespmem:$0x6480] =	vst v8;
	v3 =	vmul.f32 v4, v3  }
0x27c: {  	[tilespmem:$0x6500] =	vst v5  }
0x27d: {  	[tilespmem:$0x6580] =	vst v3  }
0x27e: {  	v3 =	vld [tilespmem:s20+$0x90];
	_ =	sdelay $0x1  }
0x27f: {  	v4 =	vld [tilespmem:s20+$0x3190];
	_ =	sdelay $0x2  }
0x280: {  	v3 =	vadd.f32 $1.000000000e+00, v3;
	_ =	sdelay $0x1  }
0x281: {  	v4 =	vadd.f32 $1.000000000e+00, v4;
	v3 =	vmul.f32 $2.240000000e+02, v3;
	_ =	sdelay $0x1  }
0x282: {  	v4 =	vmul.f32 $2.240000000e+02, v4;
	v3 =	vadd.f32 $-1.000000000e+00, v3;
	_ =	sdelay $0x1  }
0x283: {  	v4 =	vadd.f32 $-1.000000000e+00, v4;
	v3 =	vmul.f32 $5.000000000e-01, v3;
	_ =	sdelay $0x1  }
0x284: {  	v4 =	vmul.f32 $5.000000000e-01, v4;
	v5 =	vtrunc.f32 v3  }
0x285: {  	v6 =	vcvt.f32.s32 v5;
	vm10 =	vlt.f32 v3, v5  }
0x286: {  	v7 =	vtrunc.f32 v4;
	v5 =	vsel vm10, $0xFFFFFFFF, v1  }
0x287: {  	vm11 =	vlt.f32 v4, v7;
	v5 =	vadd.s32 v6, v5  }
0x288: {  	v8 =	vsel vm11, $0xFFFFFFFF, v1;
	v6 =	vcvt.f32.s32 v7;
	v7 =	vcvt.s32.f32 v5  }
0x289: {  	vm12 =	vgt.s32 v5, $0xFFFFFFFF;
	vm15 =	vgt.s32 v5, $0x0;
	v15 =	vadd.s32 $0x1, v5  }
0x28a: {  	vm7 =	vlt.s32 v5, $0xDF;
	v6 =	vadd.s32 v6, v8;
	v10 =	vsel vm12, $0x3F800000, v2  }
0x28b: {  	vm5 =	vlt.s32 v15, $0xDF;
	v8 =	vadd.f32 $1.000000000e+00, v7;
	v9 =	vcvt.s32.f32 v6  }
0x28c: {  	vm13 =	vgt.s32 v6, $0xFFFFFFFF;
	vm14 =	vlt.s32 v6, $0xDF;
	vm4 =	vgt.s32 v6, $0x0  }
0x28d: {  	v11 =	vsel vm13, $0x3F800000, v2;
	v13 =	vsel vm14, $0x3F800000, v2;
	v14 =	vnsel vm4, $0x0, v6  }
0x28e: {  	v6 =	vadd.s32 $0x1, v6;
	v8 =	vsub.f32 v8, v3;
	v12 =	vadd.f32 $1.000000000e+00, v9  }
0x28f: {  	v3 =	vsub.f32 v3, v7;
	v14 =	vmul.u32 $0xE0, v14;
	vm6 =	vlt.s32 v6, $0xDF  }
0x290: {  	v7 =	vnsel vm15, $0x0, v5;
	v6 =	vnsel vm6, $0xDF, v6;
	v12 =	vsub.f32 v12, v4  }
0x291: {  	v4 =	vsub.f32 v4, v9;
	v9 =	vnsel vm5, $0xDF, v15;
	v5 =	vadd.s32 v0, v14  }
0x292: {  	v6 =	vmul.u32 $0xE0, v6;
	v15 =	vmul.f32 v11, v10;
	v10 =	vmul.f32 v13, v10  }
0x293: {  	v16 =	vadd.s32 v7, v5;
	v14 =	vmul.f32 v12, v8;
	v8 =	vmul.f32 v4, v8  }
0x294: {  	v17 =	vsel vm7, $0x3F800000, v2;
	v5 =	vadd.s32 v9, v5;
	v6 =	vadd.s32 v0, v6;
	[tilespmem:$0x6210] =	vst v16  }
0x295: {  	[tilespmem:$0x6310] =	vst v5;
	v5 =	vadd.s32 v7, v6;
	v7 =	vmul.f32 v14, v15;
	v8 =	vmul.f32 v10, v8  }
0x296: {  	[tilespmem:$0x6290] =	vst v5;
	v5 =	vadd.s32 v9, v6;
	v6 =	vmul.f32 v12, v3;
	v9 =	vmul.f32 v11, v17  }
0x297: {  	v3 =	vmul.f32 v4, v3;
	v4 =	vmul.f32 v13, v17;
	[tilespmem:$0x6390] =	vst v5  }
0x298: {  	[tilespmem:$0x6410] =	vst v7;
	v5 =	vmul.f32 v6, v9  }
0x299: {  	[tilespmem:$0x6490] =	vst v8;
	v3 =	vmul.f32 v4, v3  }
0x29a: {  	[tilespmem:$0x6510] =	vst v5  }
0x29b: {  	[tilespmem:$0x6590] =	vst v3  }
0x29c: {  	v3 =	vld [tilespmem:s20+$0xA0];
	_ =	sdelay $0x1  }
0x29d: {  	v4 =	vld [tilespmem:s20+$0x31A0];
	_ =	sdelay $0x2  }
0x29e: {  	v3 =	vadd.f32 $1.000000000e+00, v3;
	_ =	sdelay $0x1  }
0x29f: {  	v4 =	vadd.f32 $1.000000000e+00, v4;
	v3 =	vmul.f32 $2.240000000e+02, v3;
	_ =	sdelay $0x1  }
0x2a0: {  	v4 =	vmul.f32 $2.240000000e+02, v4;
	v3 =	vadd.f32 $-1.000000000e+00, v3;
	_ =	sdelay $0x1  }
0x2a1: {  	v4 =	vadd.f32 $-1.000000000e+00, v4;
	v3 =	vmul.f32 $5.000000000e-01, v3;
	_ =	sdelay $0x1  }
0x2a2: {  	v4 =	vmul.f32 $5.000000000e-01, v4;
	v5 =	vtrunc.f32 v3  }
0x2a3: {  	v6 =	vcvt.f32.s32 v5;
	vm8 =	vlt.f32 v3, v5  }
0x2a4: {  	v7 =	vtrunc.f32 v4;
	v5 =	vsel vm8, $0xFFFFFFFF, v1  }
0x2a5: {  	vm9 =	vlt.f32 v4, v7;
	v5 =	vadd.s32 v6, v5  }
0x2a6: {  	v8 =	vsel vm9, $0xFFFFFFFF, v1;
	v6 =	vcvt.f32.s32 v7;
	v7 =	vcvt.s32.f32 v5  }
0x2a7: {  	vm10 =	vgt.s32 v5, $0xFFFFFFFF;
	vm13 =	vgt.s32 v5, $0x0;
	v15 =	vadd.s32 $0x1, v5  }
0x2a8: {  	vm5 =	vlt.s32 v5, $0xDF;
	v6 =	vadd.s32 v6, v8;
	v10 =	vsel vm10, $0x3F800000, v2  }
0x2a9: {  	vm15 =	vlt.s32 v15, $0xDF;
	v8 =	vadd.f32 $1.000000000e+00, v7;
	v9 =	vcvt.s32.f32 v6  }
0x2aa: {  	vm11 =	vgt.s32 v6, $0xFFFFFFFF;
	vm12 =	vlt.s32 v6, $0xDF;
	vm14 =	vgt.s32 v6, $0x0  }
0x2ab: {  	v11 =	vsel vm11, $0x3F800000, v2;
	v13 =	vsel vm12, $0x3F800000, v2;
	v14 =	vnsel vm14, $0x0, v6  }
0x2ac: {  	v6 =	vadd.s32 $0x1, v6;
	v8 =	vsub.f32 v8, v3;
	v12 =	vadd.f32 $1.000000000e+00, v9  }
0x2ad: {  	v3 =	vsub.f32 v3, v7;
	v14 =	vmul.u32 $0xE0, v14;
	vm4 =	vlt.s32 v6, $0xDF  }
0x2ae: {  	v7 =	vnsel vm13, $0x0, v5;
	v6 =	vnsel vm4, $0xDF, v6;
	v12 =	vsub.f32 v12, v4  }
0x2af: {  	v4 =	vsub.f32 v4, v9;
	v9 =	vnsel vm15, $0xDF, v15;
	v5 =	vadd.s32 v0, v14  }
0x2b0: {  	v6 =	vmul.u32 $0xE0, v6;
	v15 =	vmul.f32 v11, v10;
	v10 =	vmul.f32 v13, v10  }
0x2b1: {  	v16 =	vadd.s32 v7, v5;
	v14 =	vmul.f32 v12, v8;
	v8 =	vmul.f32 v4, v8  }
0x2b2: {  	v17 =	vsel vm5, $0x3F800000, v2;
	v5 =	vadd.s32 v9, v5;
	v6 =	vadd.s32 v0, v6;
	[tilespmem:$0x6220] =	vst v16  }
0x2b3: {  	[tilespmem:$0x6320] =	vst v5;
	v5 =	vadd.s32 v7, v6;
	v7 =	vmul.f32 v14, v15;
	v8 =	vmul.f32 v10, v8  }
0x2b4: {  	[tilespmem:$0x62A0] =	vst v5;
	v5 =	vadd.s32 v9, v6;
	v6 =	vmul.f32 v12, v3;
	v9 =	vmul.f32 v11, v17  }
0x2b5: {  	v3 =	vmul.f32 v4, v3;
	v4 =	vmul.f32 v13, v17;
	[tilespmem:$0x63A0] =	vst v5  }
0x2b6: {  	[tilespmem:$0x6420] =	vst v7;
	v5 =	vmul.f32 v6, v9  }
0x2b7: {  	[tilespmem:$0x64A0] =	vst v8;
	v3 =	vmul.f32 v4, v3  }
0x2b8: {  	[tilespmem:$0x6520] =	vst v5  }
0x2b9: {  	[tilespmem:$0x65A0] =	vst v3  }
0x2ba: {  	v3 =	vld [tilespmem:s20+$0xB0];
	_ =	sdelay $0x1  }
0x2bb: {  	v4 =	vld [tilespmem:s20+$0x31B0];
	_ =	sdelay $0x2  }
0x2bc: {  	v3 =	vadd.f32 $1.000000000e+00, v3;
	_ =	sdelay $0x1  }
0x2bd: {  	v4 =	vadd.f32 $1.000000000e+00, v4;
	v3 =	vmul.f32 $2.240000000e+02, v3;
	_ =	sdelay $0x1  }
0x2be: {  	v4 =	vmul.f32 $2.240000000e+02, v4;
	v3 =	vadd.f32 $-1.000000000e+00, v3;
	_ =	sdelay $0x1  }
0x2bf: {  	v4 =	vadd.f32 $-1.000000000e+00, v4;
	v3 =	vmul.f32 $5.000000000e-01, v3;
	_ =	sdelay $0x1  }
0x2c0: {  	v4 =	vmul.f32 $5.000000000e-01, v4;
	v5 =	vtrunc.f32 v3  }
0x2c1: {  	v6 =	vcvt.f32.s32 v5;
	vm6 =	vlt.f32 v3, v5  }
0x2c2: {  	v7 =	vtrunc.f32 v4;
	v5 =	vsel vm6, $0xFFFFFFFF, v1  }
0x2c3: {  	vm7 =	vlt.f32 v4, v7;
	v5 =	vadd.s32 v6, v5  }
0x2c4: {  	v8 =	vsel vm7, $0xFFFFFFFF, v1;
	v6 =	vcvt.f32.s32 v7;
	v7 =	vcvt.s32.f32 v5  }
0x2c5: {  	vm8 =	vgt.s32 v5, $0xFFFFFFFF;
	vm11 =	vgt.s32 v5, $0x0;
	v15 =	vadd.s32 $0x1, v5  }
0x2c6: {  	vm15 =	vlt.s32 v5, $0xDF;
	v6 =	vadd.s32 v6, v8;
	v10 =	vsel vm8, $0x3F800000, v2  }
0x2c7: {  	vm13 =	vlt.s32 v15, $0xDF;
	v8 =	vadd.f32 $1.000000000e+00, v7;
	v9 =	vcvt.s32.f32 v6  }
0x2c8: {  	vm9 =	vgt.s32 v6, $0xFFFFFFFF;
	vm10 =	vlt.s32 v6, $0xDF;
	vm12 =	vgt.s32 v6, $0x0  }
0x2c9: {  	v11 =	vsel vm9, $0x3F800000, v2;
	v13 =	vsel vm10, $0x3F800000, v2;
	v14 =	vnsel vm12, $0x0, v6  }
0x2ca: {  	v6 =	vadd.s32 $0x1, v6;
	v8 =	vsub.f32 v8, v3;
	v12 =	vadd.f32 $1.000000000e+00, v9  }
0x2cb: {  	v3 =	vsub.f32 v3, v7;
	v14 =	vmul.u32 $0xE0, v14;
	vm14 =	vlt.s32 v6, $0xDF  }
0x2cc: {  	v7 =	vnsel vm11, $0x0, v5;
	v6 =	vnsel vm14, $0xDF, v6;
	v12 =	vsub.f32 v12, v4  }
0x2cd: {  	v4 =	vsub.f32 v4, v9;
	v9 =	vnsel vm13, $0xDF, v15;
	v5 =	vadd.s32 v0, v14  }
0x2ce: {  	v6 =	vmul.u32 $0xE0, v6;
	v15 =	vmul.f32 v11, v10;
	v10 =	vmul.f32 v13, v10  }
0x2cf: {  	v16 =	vadd.s32 v7, v5;
	v14 =	vmul.f32 v12, v8;
	v8 =	vmul.f32 v4, v8  }
0x2d0: {  	v17 =	vsel vm15, $0x3F800000, v2;
	v5 =	vadd.s32 v9, v5;
	v6 =	vadd.s32 v0, v6;
	[tilespmem:$0x6230] =	vst v16  }
0x2d1: {  	[tilespmem:$0x6330] =	vst v5;
	v5 =	vadd.s32 v7, v6;
	v7 =	vmul.f32 v14, v15;
	v8 =	vmul.f32 v10, v8  }
0x2d2: {  	[tilespmem:$0x62B0] =	vst v5;
	v5 =	vadd.s32 v9, v6;
	v6 =	vmul.f32 v12, v3;
	v9 =	vmul.f32 v11, v17  }
0x2d3: {  	v3 =	vmul.f32 v4, v3;
	v4 =	vmul.f32 v13, v17;
	[tilespmem:$0x63B0] =	vst v5  }
0x2d4: {  	[tilespmem:$0x6430] =	vst v7;
	v5 =	vmul.f32 v6, v9  }
0x2d5: {  	[tilespmem:$0x64B0] =	vst v8;
	v3 =	vmul.f32 v4, v3  }
0x2d6: {  	[tilespmem:$0x6530] =	vst v5  }
0x2d7: {  	s21 =	simm.s32 $0x6200;
	s22 =	simm.s32 $0x6600;
	[tilespmem:$0x65B0] =	vst v3  }
0x2d8: {  	[tilespmem:s22], [sflag:$0x1] =	stream.indirect.gather [hbm4b:s1+s12], $0x80, s21, s12, $0xb8;
	[tilespmem:$0x1AA00] =	vst v63  }
0x2d9: {  	s23 =	simm.s32 $0x6280;
	s24 =	simm.s32 $0x8600  }
0x2da: {  	[tilespmem:s24], [sflag:$0x2] =	stream.indirect.gather [hbm4b:s1+s12], $0x80, s23, s12, $0xb8;
	[tilespmem:$0x1AA00] =	vst v63  }
0x2db: {  	s4 =	simm.s32 $0x6300;
	s8 =	simm.s32 $0xA600  }
0x2dc: {  	[tilespmem:s8], [sflag:$0x3] =	stream.indirect.gather [hbm4b:s1+s12], $0x80, s4, s12, $0xb8;
	[tilespmem:$0x1AA00] =	vst v63  }
0x2dd: {  	s15 =	simm.s32 $0x5;
	s14 =	simm.s32 $0xC600;
	s13 =	simm.s32 $0x6380  }
0x2de: {  	[tilespmem:s14], [sflag:$0x4] =	stream.indirect.gather [hbm4b:s1+s12], $0x80, s13, s12, $0xb8;
	[tilespmem:$0x1AA00] =	vst v63  }
0x2df: {  	_ =	swait.ge [sflag:s15], $0x2000  }
0x2e0: {  	[sflag:s15] =	ssyncset.done $0x0  }
0x2e1: {  	s16 =	simm.s32 $0x6;
	[sflag:s15] =	ssyncadd.s32 $0xFFFFE000  }
0x2e2: {  	_ =	swait.ge [sflag:s16], $0x2000  }
0x2e3: {  	[sflag:s16] =	ssyncset.done $0x0  }
0x2e4: {  	s17 =	simm.s32 $0x7;
	[sflag:s16] =	ssyncadd.s32 $0xFFFFE000  }
0x2e5: {  	s18 =	simm.s32 $0x0;
	_ =	swait.ge [sflag:s17], $0x2000  }
0x2e6: {  	v3 =	vmov s18;
	[sflag:s17] =	ssyncset.done $0x0  }
0x2e7: {  	s19 =	simm.s32 $0x8;
	v3 =	vand.u32 $0xFFFFFFFE, v3;
	[sflag:s17] =	ssyncadd.s32 $0xFFFFE000  }
0x2e8: {  	v3 =	vbroadcast v3, $0x0;
	_ =	swait.ge [sflag:s19], $0x2000  }
0x2e9: {  	[sflag:s19] =	ssyncset.done $0x0  }
0x2ea: {  	s17 =	simm.s32 $0xEA80;
	[sflag:s19] =	ssyncadd.s32 $0xFFFFE000  }
0x2eb: {  	s16 =	simm.s32 $0x10A80;
	v4 =	vld [tilespmem:s17+$0xFFFFFF80]  }
0x2ec: {  	s14 =	simm.s32 $0x12A80;
	v6 =	vld [tilespmem:s16+$0xFFFFFF80]  }
0x2ed: {  	v7 =	vld [tilespmem:s14+$0xFFFFFF80]  }
0x2ee: {  	v21 =	vld.idx.msk [tilespmem:v3+s25+$0x0], $0xffff  }
0x2ef: {  	v22 =	vld.idx.msk [tilespmem:v3+s26+$0x0], $0xffff  }
0x2f0: {  	s20 =	simm.s32 $0x1;
	v24 =	vld.idx.msk [tilespmem:v3+s28+$0x0], $0xffff  }
0x2f1: {  	v8 =	vmov s20;
	s15 =	simm.s32 $0x14A80;
	v23 =	vld.idx.msk [tilespmem:v3+s29+$0x0], $0xffff  }
0x2f2: {  	v3 =	vld [tilespmem:s15+$0xFFFFFF80];
	_ =	sdelay $0x3  }
0x2f3: {  	v5 =	vld.idx.msk [tilespmem:v8+s25+$0x0], $0xffff;
	v9 =	vmul.f32 v4, v21;
	v10 =	vmul.f32 v6, v22  }
0x2f4: {  	v6 =	vld.idx.msk [tilespmem:v8+s26+$0x0], $0xffff;
	v7 =	vmul.f32 v7, v24;
	v11 =	vmul.f32 v3, v23  }
0x2f5: {  	v3 =	vld.idx.msk [tilespmem:v8+s28+$0x0], $0xffff  }
0x2f6: {  	v4 =	vld.idx.msk [tilespmem:v8+s29+$0x0], $0xffff;
	v8 =	vadd.f32 v10, v9;
	v7 =	vadd.f32 v11, v7  }
0x2f7: {  	v9 =	vld [tilespmem:s17+$0x0]  }
0x2f8: {  	v10 =	vld [tilespmem:s16+$0x0];
	v7 =	vadd.f32 v7, v8  }
0x2f9: {  	s13 =	simm.s32 $0x18AF0;
	v11 =	vld [tilespmem:s15+$0x0]  }
0x2fa: {  	v8 =	vld [tilespmem:s14+$0x0];
	[tilespmem:s13+$0xFFFFFF10] =	vst v7  }
0x2fb: {  	v7 =	vld [tilespmem:s17+$0xFFFFFF90]  }
0x2fc: {  	v12 =	vld [tilespmem:s16+$0xFFFFFF90]  }
0x2fd: {  	v13 =	vld [tilespmem:s14+$0xFFFFFF90]  }
0x2fe: {  	v9 =	vmul.f32 v9, v5;
	v10 =	vmul.f32 v10, v6;
	v14 =	vld [tilespmem:s15+$0xFFFFFF90]  }
0x2ff: {  	v11 =	vmul.f32 v11, v4;
	v8 =	vmul.f32 v8, v3;
	_ =	sdelay $0x1  }
0x300: {  	v9 =	vadd.f32 v10, v9;
	v8 =	vadd.f32 v11, v8  }
0x301: {  	v7 =	vmul.f32 v7, v21;
	v10 =	vmul.f32 v12, v22  }
0x302: {  	v11 =	vmul.f32 v14, v23;
	v8 =	vadd.f32 v8, v9;
	v9 =	vmul.f32 v13, v24;
	_ =	sdelay $0x1  }
0x303: {  	v7 =	vadd.f32 v10, v7;
	[tilespmem:s13+$0xFFFFFF90] =	vst v8;
	v8 =	vadd.f32 v11, v9  }
0x304: {  	v9 =	vld [tilespmem:s17+$0x10]  }
0x305: {  	v10 =	vld [tilespmem:s16+$0x10];
	v7 =	vadd.f32 v8, v7  }
0x306: {  	v11 =	vld [tilespmem:s15+$0x10]  }
0x307: {  	v8 =	vld [tilespmem:s14+$0x10];
	[tilespmem:s13+$0xFFFFFF20] =	vst v7  }
0x308: {  	v7 =	vld [tilespmem:s17+$0xFFFFFFA0]  }
0x309: {  	v12 =	vld [tilespmem:s16+$0xFFFFFFA0]  }
0x30a: {  	v13 =	vld [tilespmem:s14+$0xFFFFFFA0]  }
0x30b: {  	v14 =	vld [tilespmem:s15+$0xFFFFFFA0];
	v9 =	vmul.f32 v9, v5;
	v10 =	vmul.f32 v10, v6  }
0x30c: {  	v11 =	vmul.f32 v11, v4;
	v8 =	vmul.f32 v8, v3;
	_ =	sdelay $0x1  }
0x30d: {  	v9 =	vadd.f32 v10, v9;
	v8 =	vadd.f32 v11, v8  }
0x30e: {  	v7 =	vmul.f32 v7, v21;
	v10 =	vmul.f32 v12, v22  }
0x30f: {  	v11 =	vmul.f32 v14, v23;
	v8 =	vadd.f32 v8, v9;
	v9 =	vmul.f32 v13, v24;
	_ =	sdelay $0x1  }
0x310: {  	v7 =	vadd.f32 v10, v7;
	[tilespmem:s13+$0xFFFFFFA0] =	vst v8;
	v8 =	vadd.f32 v11, v9  }
0x311: {  	v9 =	vld [tilespmem:s17+$0x20]  }
0x312: {  	v10 =	vld [tilespmem:s16+$0x20];
	v7 =	vadd.f32 v8, v7  }
0x313: {  	v11 =	vld [tilespmem:s15+$0x20]  }
0x314: {  	v8 =	vld [tilespmem:s14+$0x20];
	[tilespmem:s13+$0xFFFFFF30] =	vst v7  }
0x315: {  	v7 =	vld [tilespmem:s17+$0xFFFFFFB0]  }
0x316: {  	v12 =	vld [tilespmem:s16+$0xFFFFFFB0]  }
0x317: {  	v13 =	vld [tilespmem:s14+$0xFFFFFFB0]  }
0x318: {  	v14 =	vld [tilespmem:s15+$0xFFFFFFB0];
	_ =	sdelay $0x1  }
0x319: {  	v9 =	vmul.f32 v9, v5;
	v10 =	vmul.f32 v10, v6  }
0x31a: {  	v11 =	vmul.f32 v11, v4;
	v8 =	vmul.f32 v8, v3  }
0x31b: {  	v7 =	vmul.f32 v7, v21;
	v12 =	vmul.f32 v12, v22  }
0x31c: {  	v13 =	vmul.f32 v13, v24;
	v14 =	vmul.f32 v14, v23  }
0x31d: {  	v9 =	vadd.f32 v10, v9;
	v8 =	vadd.f32 v11, v8  }
0x31e: {  	v7 =	vadd.f32 v12, v7;
	v10 =	vadd.f32 v14, v13;
	_ =	sdelay $0x1  }
0x31f: {  	s4 =	simm.s32 $0x10B80;
	v8 =	vadd.f32 v8, v9;
	v9 =	vadd.f32 v10, v7  }
0x320: {  	s19 =	simm.s32 $0x12B80;
	v19 =	vld [tilespmem:s4+$0xFFFFFF80]  }
0x321: {  	s21 =	simm.s32 $0x3;
	v20 =	vld [tilespmem:s19+$0xFFFFFF80];
	[tilespmem:s13+$0xFFFFFF40] =	vst v9  }
0x322: {  	v15 =	vmov s21;
	v11 =	vld [tilespmem:s17+$0xFFFFFFC0]  }
0x323: {  	s22 =	simm.s32 $0x2;
	v12 =	vld [tilespmem:s16+$0xFFFFFFC0]  }
0x324: {  	[tilespmem:s13+$0xFFFFFFB0] =	vst v8;
	v8 =	vmov s22;
	v13 =	vld [tilespmem:s14+$0xFFFFFFC0]  }
0x325: {  	s21 =	simm.s32 $0xEB80;
	v8 =	vand.u32 $0xFFFFFFFE, v8;
	v14 =	vld [tilespmem:s15+$0xFFFFFFC0]  }
0x326: {  	v28 =	vld [tilespmem:s21+$0x0];
	v17 =	vbroadcast v8, $0x0  }
0x327: {  	v7 =	vld.idx.msk [tilespmem:v15+s25+$0x0], $0xffff  }
0x328: {  	v10 =	vld.idx.msk [tilespmem:v15+s26+$0x0], $0xffff  }
0x329: {  	v8 =	vld.idx.msk [tilespmem:v15+s28+$0x0], $0xffff;
	v18 =	vmul.f32 v11, v21;
	v12 =	vmul.f32 v12, v22  }
0x32a: {  	v9 =	vld.idx.msk [tilespmem:v15+s29+$0x0], $0xffff;
	v13 =	vmul.f32 v13, v24;
	v14 =	vmul.f32 v14, v23  }
0x32b: {  	v15 =	vld [tilespmem:s21+$0xFFFFFF80]  }
0x32c: {  	v11 =	vld.idx.msk [tilespmem:v17+s25+$0x0], $0xffff;
	v18 =	vadd.f32 v12, v18;
	v13 =	vadd.f32 v14, v13  }
0x32d: {  	v14 =	vld.idx.msk [tilespmem:v17+s26+$0x0], $0xffff  }
0x32e: {  	v12 =	vld.idx.msk [tilespmem:v17+s28+$0x0], $0xffff;
	v18 =	vadd.f32 v13, v18  }
0x32f: {  	s20 =	simm.s32 $0x14B80;
	v13 =	vld.idx.msk [tilespmem:v17+s29+$0x0], $0xffff  }
0x330: {  	v17 =	vld [tilespmem:s20+$0xFFFFFF80];
	[tilespmem:s13+$0xFFFFFF50] =	vst v18  }
0x331: {  	v18 =	vld [tilespmem:s17+$0xFFFFFFD0]  }
0x332: {  	v25 =	vld [tilespmem:s16+$0xFFFFFFD0]  }
0x333: {  	v26 =	vld [tilespmem:s14+$0xFFFFFFD0]  }
0x334: {  	v15 =	vmul.f32 v15, v11;
	v19 =	vmul.f32 v19, v14;
	v27 =	vld [tilespmem:s15+$0xFFFFFFD0]  }
0x335: {  	v29 =	vld [tilespmem:s4+$0x0];
	v20 =	vmul.f32 v20, v12;
	v17 =	vmul.f32 v17, v13  }
0x336: {  	v16 =	vld [tilespmem:s17+$0x30]  }
0x337: {  	v15 =	vadd.f32 v19, v15;
	v19 =	vld [tilespmem:s19+$0x0];
	v17 =	vadd.f32 v17, v20  }
0x338: {  	v20 =	vld [tilespmem:s20+$0x0];
	v18 =	vmul.f32 v18, v21;
	v25 =	vmul.f32 v25, v22  }
0x339: {  	v30 =	vld [tilespmem:s16+$0x30];
	v15 =	vadd.f32 v17, v15;
	v17 =	vmul.f32 v26, v24;
	v26 =	vmul.f32 v27, v23  }
0x33a: {  	s18 =	simm.s32 $0x18BF0;
	v31 =	vld [tilespmem:s15+$0x30]  }
0x33b: {  	v27 =	vld [tilespmem:s14+$0x30];
	[tilespmem:s18+$0xFFFFFF10] =	vst v15;
	v15 =	vadd.f32 v25, v18;
	v17 =	vadd.f32 v26, v17  }
0x33c: {  	v19 =	vmul.f32 v19, v8;
	v18 =	vmul.f32 v28, v7;
	v26 =	vld [tilespmem:s21+$0xFFFFFF90]  }
0x33d: {  	v25 =	vmul.f32 v29, v10;
	v28 =	vld [tilespmem:s4+$0xFFFFFF90];
	v20 =	vmul.f32 v20, v9;
	v15 =	vadd.f32 v17, v15  }
0x33e: {  	v17 =	vld [tilespmem:s19+$0xFFFFFF90]  }
0x33f: {  	v18 =	vadd.f32 v25, v18;
	v25 =	vld [tilespmem:s20+$0xFFFFFF90];
	v19 =	vadd.f32 v20, v19;
	[tilespmem:s13+$0xFFFFFF60] =	vst v15  }
0x340: {  	v29 =	vmul.f32 v31, v4;
	v27 =	vmul.f32 v27, v3;
	v20 =	vld [tilespmem:s17+$0xFFFFFFE0]  }
0x341: {  	v15 =	vmul.f32 v16, v5;
	v16 =	vmul.f32 v30, v6;
	v18 =	vadd.f32 v19, v18;
	v19 =	vld [tilespmem:s16+$0xFFFFFFE0]  }
0x342: {  	v30 =	vld [tilespmem:s14+$0xFFFFFFE0]  }
0x343: {  	v15 =	vadd.f32 v16, v15;
	v16 =	vadd.f32 v29, v27;
	[tilespmem:s18+$0xFFFFFF90] =	vst v18;
	v18 =	vld [tilespmem:s15+$0xFFFFFFE0]  }
0x344: {  	v26 =	vmul.f32 v26, v11;
	v27 =	vmul.f32 v28, v14;
	v28 =	vld [tilespmem:s21+$0x10]  }
0x345: {  	v15 =	vadd.f32 v16, v15;
	v16 =	vmul.f32 v17, v12;
	v17 =	vmul.f32 v25, v13;
	v25 =	vld [tilespmem:s4+$0x10]  }
0x346: {  	v29 =	vld [tilespmem:s19+$0x10]  }
0x347: {  	[tilespmem:s13+$0xFFFFFFC0] =	vst v15;
	v15 =	vadd.f32 v27, v26;
	v16 =	vadd.f32 v17, v16;
	v17 =	vld [tilespmem:s20+$0x10]  }
0x348: {  	v26 =	vld [tilespmem:s17+$0x40]  }
0x349: {  	v20 =	vmul.f32 v20, v21;
	v19 =	vmul.f32 v19, v22;
	v27 =	vld [tilespmem:s16+$0x40];
	v15 =	vadd.f32 v16, v15  }
0x34a: {  	v30 =	vmul.f32 v30, v24;
	v31 =	vld [tilespmem:s15+$0x40];
	v18 =	vmul.f32 v18, v23  }
0x34b: {  	v16 =	vld [tilespmem:s14+$0x40];
	v19 =	vadd.f32 v19, v20;
	v28 =	vmul.f32 v28, v7;
	[tilespmem:s18+$0xFFFFFF20] =	vst v15;
	v15 =	vmul.f32 v25, v10  }
0x34c: {  	v18 =	vadd.f32 v18, v30;
	v25 =	vmul.f32 v29, v8;
	v20 =	vld [tilespmem:s21+$0xFFFFFFA0];
	v17 =	vmul.f32 v17, v9  }
0x34d: {  	v29 =	vld [tilespmem:s4+$0xFFFFFFA0];
	v15 =	vadd.f32 v15, v28  }
0x34e: {  	v18 =	vadd.f32 v18, v19;
	v19 =	vld [tilespmem:s19+$0xFFFFFFA0];
	v17 =	vadd.f32 v17, v25  }
0x34f: {  	v25 =	vmul.f32 v26, v5;
	v26 =	vmul.f32 v27, v6;
	v27 =	vld [tilespmem:s20+$0xFFFFFFA0]  }
0x350: {  	s8 =	simm.s32 $0x10C80;
	v28 =	vmul.f32 v31, v4;
	v16 =	vmul.f32 v16, v3;
	v15 =	vadd.f32 v17, v15  }
0x351: {  	v41 =	vld [tilespmem:s8+$0xFFFFFF80];
	s22 =	simm.s32 $0x12C80  }
0x352: {  	v42 =	vld [tilespmem:s22+$0xFFFFFF80];
	v17 =	vadd.f32 v26, v25;
	v16 =	vadd.f32 v28, v16;
	[tilespmem:s18+$0xFFFFFFA0] =	vst v15  }
0x353: {  	[tilespmem:s13+$0xFFFFFF70] =	vst v18;
	v18 =	vmul.f32 v29, v14;
	v15 =	vmul.f32 v20, v11;
	v20 =	vld [tilespmem:s21+$0x20]  }
0x354: {  	v16 =	vadd.f32 v16, v17;
	v17 =	vmul.f32 v19, v12;
	v19 =	vmul.f32 v27, v13;
	v26 =	vld [tilespmem:s4+$0x20]  }
0x355: {  	v27 =	vld [tilespmem:s19+$0x20]  }
0x356: {  	[tilespmem:s13+$0xFFFFFFD0] =	vst v16;
	v15 =	vadd.f32 v18, v15;
	v16 =	vadd.f32 v19, v17;
	v17 =	vld [tilespmem:s20+$0x20]  }
0x357: {  	v18 =	vld [tilespmem:s17+$0x50]  }
0x358: {  	v19 =	vld [tilespmem:s14+$0x50];
	v15 =	vadd.f32 v16, v15  }
0x359: {  	v16 =	vld [tilespmem:s16+$0x50]  }
0x35a: {  	[tilespmem:s18+$0xFFFFFF30] =	vst v15;
	v15 =	vld [tilespmem:s15+$0x50]  }
0x35b: {  	v20 =	vmul.f32 v20, v7;
	v26 =	vmul.f32 v26, v10;
	v28 =	vld [tilespmem:s21+$0xFFFFFFB0]  }
0x35c: {  	v27 =	vmul.f32 v27, v8;
	v17 =	vmul.f32 v17, v9;
	v31 =	vld [tilespmem:s4+$0xFFFFFFB0]  }
0x35d: {  	v20 =	vadd.f32 v26, v20;
	v26 =	vld [tilespmem:s19+$0xFFFFFFB0]  }
0x35e: {  	s23 =	simm.s32 $0x5;
	v17 =	vadd.f32 v17, v27;
	v27 =	vld [tilespmem:s20+$0xFFFFFFB0]  }
0x35f: {  	v30 =	vld [tilespmem:s17+$0xFFFFFFF0];
	v29 =	vmov s23;
	v18 =	vmul.f32 v18, v5;
	v16 =	vmul.f32 v16, v6  }
0x360: {  	v25 =	vld [tilespmem:s16+$0xFFFFFFF0];
	v19 =	vmul.f32 v19, v3;
	v15 =	vmul.f32 v15, v4  }
0x361: {  	v50 =	vld [tilespmem:s14+$0xFFFFFFF0];
	v20 =	vadd.f32 v17, v20;
	v16 =	vadd.f32 v16, v18  }
0x362: {  	v51 =	vld [tilespmem:s15+$0xFFFFFFF0];
	s23 =	simm.s32 $0x14C80;
	v18 =	vmul.f32 v28, v11;
	v15 =	vadd.f32 v15, v19;
	v19 =	vmul.f32 v31, v14  }
0x363: {  	v57 =	vld [tilespmem:s23+$0xFFFFFF80];
	[tilespmem:s18+$0xFFFFFFB0] =	vst v20;
	v20 =	vmul.f32 v26, v12;
	v26 =	vmul.f32 v27, v13  }
0x364: {  	v17 =	vld.idx.msk [tilespmem:v29+s25+$0x0], $0xffff;
	v15 =	vadd.f32 v15, v16  }
0x365: {  	v28 =	vld [tilespmem:s21+$0x30];
	v16 =	vadd.f32 v19, v18;
	v18 =	vadd.f32 v26, v20  }
0x366: {  	v27 =	vld [tilespmem:s4+$0x30]  }
0x367: {  	v31 =	vld [tilespmem:s19+$0x30];
	[tilespmem:s13+$0xFFFFFFE0] =	vst v15;
	v15 =	vadd.f32 v18, v16  }
0x368: {  	v26 =	vld [tilespmem:s20+$0x30]  }
0x369: {  	v52 =	vld [tilespmem:s17+$0x60];
	[tilespmem:s18+$0xFFFFFF40] =	vst v15  }
0x36a: {  	v19 =	vld [tilespmem:s21+$0xFFFFFFC0]  }
0x36b: {  	v20 =	vld [tilespmem:s4+$0xFFFFFFC0]  }
0x36c: {  	s24 =	simm.s32 $0x4;
	v56 =	vld [tilespmem:s19+$0xFFFFFFC0]  }
0x36d: {  	v15 =	vmov s24;
	v39 =	vld [tilespmem:s20+$0xFFFFFFC0]  }
0x36e: {  	v53 =	vld [tilespmem:s16+$0x60];
	v15 =	vand.u32 $0xFFFFFFFE, v15  }
0x36f: {  	v54 =	vld [tilespmem:s14+$0x60];
	v40 =	vbroadcast v15, $0x0  }
0x370: {  	v55 =	vld [tilespmem:s15+$0x60]  }
0x371: {  	v18 =	vld.idx.msk [tilespmem:v29+s26+$0x0], $0xffff;
	v19 =	vmul.f32 v19, v11;
	v20 =	vmul.f32 v20, v14  }
0x372: {  	v16 =	vld.idx.msk [tilespmem:v29+s28+$0x0], $0xffff;
	v38 =	vmul.f32 v56, v12;
	v39 =	vmul.f32 v39, v13  }
0x373: {  	s3 =	simm.s32 $0xEC80;
	v15 =	vld.idx.msk [tilespmem:v29+s29+$0x0], $0xffff  }
0x374: {  	v29 =	vld [tilespmem:s3+$0xFFFFFF80];
	v43 =	vadd.f32 v20, v19;
	v38 =	vadd.f32 v39, v38  }
0x375: {  	v19 =	vld.idx.msk [tilespmem:v40+s25+$0x0], $0xffff  }
0x376: {  	v30 =	vmul.f32 v30, v21;
	v20 =	vld.idx.msk [tilespmem:v40+s26+$0x0], $0xffff;
	v38 =	vadd.f32 v38, v43  }
0x377: {  	v25 =	vmul.f32 v25, v22;
	v24 =	vmul.f32 v50, v24;
	v21 =	vld.idx.msk [tilespmem:v40+s28+$0x0], $0xffff  }
0x378: {  	v28 =	vmul.f32 v28, v7;
	v27 =	vmul.f32 v27, v10;
	v22 =	vld.idx.msk [tilespmem:v40+s29+$0x0], $0xffff;
	[tilespmem:s18+$0xFFFFFF50] =	vst v38  }
0x379: {  	v31 =	vmul.f32 v31, v8;
	v26 =	vmul.f32 v26, v9;
	v38 =	vld [tilespmem:s21+$0xFFFFFFD0]  }
0x37a: {  	v23 =	vmul.f32 v51, v23;
	v25 =	vadd.f32 v25, v30;
	v27 =	vadd.f32 v27, v28;
	v28 =	vld [tilespmem:s4+$0xFFFFFFD0]  }
0x37b: {  	v30 =	vmul.f32 v52, v5;
	v26 =	vadd.f32 v26, v31;
	v31 =	vmul.f32 v53, v6;
	v58 =	vld [tilespmem:s19+$0xFFFFFFD0]  }
0x37c: {  	v24 =	vadd.f32 v23, v24;
	v23 =	vmul.f32 v29, v19;
	v29 =	vmul.f32 v41, v20;
	v59 =	vld [tilespmem:s20+$0xFFFFFFD0]  }
0x37d: {  	v60 =	vld [tilespmem:s3+$0x0];
	v26 =	vadd.f32 v26, v27;
	v27 =	vmul.f32 v42, v21;
	v32 =	vmul.f32 v57, v22  }
0x37e: {  	v36 =	vmul.f32 v54, v3;
	v37 =	vmul.f32 v55, v4;
	v30 =	vadd.f32 v31, v30;
	v31 =	vld [tilespmem:s8+$0x0]  }
0x37f: {  	v23 =	vadd.f32 v29, v23;
	v27 =	vadd.f32 v32, v27;
	v29 =	vld [tilespmem:s22+$0x0]  }
0x380: {  	v61 =	vld [tilespmem:s23+$0x0];
	[tilespmem:s18+$0xFFFFFFC0] =	vst v26;
	v26 =	vadd.f32 v37, v36;
	v62 =	vmul.f32 v38, v11;
	v28 =	vmul.f32 v28, v14  }
0x381: {  	v27 =	vadd.f32 v27, v23;
	v23 =	vld [tilespmem:s21+$0x40];
	v33 =	vmul.f32 v58, v12;
	v34 =	vmul.f32 v59, v13  }
0x382: {  	v63 =	vadd.f32 v24, v25;
	v35 =	vmul.f32 v60, v17;
	s24 =	simm.s32 $0x18CF0;
	v24 =	vld [tilespmem:s4+$0x40];
	v26 =	vadd.f32 v26, v30  }
0x383: {  	v25 =	vld [tilespmem:s19+$0x40];
	v31 =	vmul.f32 v31, v18;
	[tilespmem:s24+$0xFFFFFF10] =	vst v27;
	v36 =	vadd.f32 v28, v62;
	v33 =	vadd.f32 v34, v33  }
0x384: {  	[tilespmem:s13+$0xFFFFFF80] =	vst v63;
	v27 =	vld [tilespmem:s3+$0xFFFFFF90];
	v30 =	vmul.f32 v29, v16  }
0x385: {  	s31 =	simm.s32 $0x6;
	[tilespmem:s13+$0xFFFFFFF0] =	vst v26;
	v28 =	vld [tilespmem:s8+$0xFFFFFF90];
	v29 =	vadd.f32 v31, v35;
	v31 =	vmul.f32 v61, v15;
	v26 =	vadd.f32 v33, v36  }
.LBB2_5:
0x386: {  	p0 =	slt.u32 s31, $0x3E;
	v32 =	vld [tilespmem:s22+$0xFFFFFF90];
	v23 =	vmul.f32 v23, v7  }
0x387: {  	v33 =	vld [tilespmem:s23+$0xFFFFFF90];
	v30 =	vadd.f32 v31, v30;
	[tilespmem:s18+$0xFFFFFF60] =	vst v26;
	v24 =	vmul.f32 v24, v10  }
0x388: {  	v26 =	vld [tilespmem:s21+$0xFFFFFFE0];
	v25 =	vmul.f32 v25, v8  }
0x389: {  	v29 =	vadd.f32 v30, v29;
	v30 =	vld [tilespmem:s4+$0xFFFFFFE0];
	v23 =	vadd.f32 v24, v23  }
0x38a: {  	v24 =	vld [tilespmem:s19+$0xFFFFFFE0]  }
0x38b: {  	v27 =	vmul.f32 v27, v19;
	v28 =	vmul.f32 v28, v20;
	[tilespmem:s24+$0xFFFFFF90] =	vst v29;
	v29 =	vld [tilespmem:s20+$0xFFFFFFE0]  }
0x38c: {  	v31 =	vmul.f32 v32, v21;
	v32 =	vmul.f32 v33, v22;
	v33 =	vld [tilespmem:s3+$0x10]  }
0x38d: {  	v34 =	vld [tilespmem:s8+$0x10]  }
0x38e: {  	v27 =	vadd.f32 v28, v27;
	v28 =	vadd.f32 v32, v31;
	v31 =	vld [tilespmem:s22+$0x10]  }
0x38f: {  	v26 =	vmul.f32 v26, v11;
	v30 =	vmul.f32 v30, v14;
	v32 =	vld [tilespmem:s23+$0x10]  }
0x390: {  	v24 =	vmul.f32 v24, v12;
	v27 =	vadd.f32 v28, v27;
	v28 =	vmul.f32 v29, v13;
	v29 =	vld [tilespmem:s20+$0x40]  }
0x391: {  	v33 =	vmul.f32 v33, v17;
	v35 =	vld [tilespmem:s17+$0x70];
	s17 =	smov.u32 s21;
	s21 =	smov.u32 s3  }
0x392: {  	v26 =	vadd.f32 v30, v26;
	[tilespmem:s24+$0xFFFFFF20] =	vst v27;
	v27 =	vmul.f32 v34, v18;
	v24 =	vadd.f32 v28, v24;
	v28 =	vld [tilespmem:s16+$0x70];
	s16 =	smov.u32 s4;
	s4 =	smov.u32 s8  }
0x393: {  	v30 =	vld [tilespmem:s3+$0xFFFFFFA0];
	v31 =	vmul.f32 v31, v16  }
0x394: {  	v34 =	vld [tilespmem:s8+$0xFFFFFFA0];
	v27 =	vadd.f32 v27, v33;
	v32 =	vmul.f32 v32, v15;
	v24 =	vadd.f32 v24, v26  }
0x395: {  	v26 =	vld [tilespmem:s22+$0xFFFFFFA0];
	v29 =	vmul.f32 v29, v9  }
0x396: {  	v33 =	vld [tilespmem:s23+$0xFFFFFFA0];
	v31 =	vadd.f32 v32, v31;
	[tilespmem:s18+$0xFFFFFF70] =	vst v24;
	v24 =	vmul.f32 v35, v5;
	v5 =	vmovc v7;
	v7 =	vmov v17  }
0x397: {  	v17 =	vld [tilespmem:s17+$0xFFFFFFF0];
	v25 =	vadd.f32 v29, v25;
	v28 =	vmul.f32 v28, v6;
	v6 =	vmovc v10;
	v10 =	vmov v18  }
0x398: {  	v18 =	vadd.f32 v31, v27;
	v27 =	vld [tilespmem:s16+$0xFFFFFFF0]  }
0x399: {  	v29 =	vld [tilespmem:s19+$0xFFFFFFF0];
	v23 =	vadd.f32 v25, v23;
	v24 =	vadd.f32 v28, v24  }
0x39a: {  	[tilespmem:s24+$0xFFFFFFA0] =	vst v18;
	v18 =	vld [tilespmem:s20+$0xFFFFFFF0]  }
0x39b: {  	v25 =	vmul.f32 v30, v19;
	v28 =	vmul.f32 v34, v20;
	v30 =	vld [tilespmem:s3+$0x20];
	[tilespmem:s18+$0xFFFFFFD0] =	vst v23  }
0x39c: {  	v23 =	vmul.f32 v26, v21;
	v26 =	vmul.f32 v33, v22;
	v31 =	vld [tilespmem:s8+$0x20]  }
0x39d: {  	v25 =	vadd.f32 v28, v25;
	v28 =	vld [tilespmem:s22+$0x20]  }
0x39e: {  	v17 =	vmul.f32 v17, v11;
	v11 =	vmovc v19;
	v23 =	vadd.f32 v26, v23;
	v27 =	vmul.f32 v27, v14;
	v26 =	vld [tilespmem:s23+$0x20]  }
0x39f: {  	v14 =	vmovc v20;
	v19 =	vmul.f32 v29, v12;
	v12 =	vmovc v21;
	v18 =	vmul.f32 v18, v13;
	v29 =	vld [tilespmem:s17+$0x50];
	v13 =	vmov v22  }
0x3a0: {  	v20 =	vadd.f32 v23, v25;
	v21 =	vmul.f32 v30, v7;
	v22 =	vld [tilespmem:s16+$0x50]  }
0x3a1: {  	v17 =	vadd.f32 v27, v17;
	v23 =	vmul.f32 v31, v10;
	v18 =	vadd.f32 v18, v19;
	v19 =	vld [tilespmem:s19+$0x50]  }
0x3a2: {  	[tilespmem:s24+$0xFFFFFF30] =	vst v20;
	v20 =	vmul.f32 v28, v16;
	v25 =	vld [tilespmem:s20+$0x50]  }
0x3a3: {  	s0 =	sadd.s32 $0x1, s31;
	v27 =	vld [tilespmem:s3+$0xFFFFFFB0];
	v21 =	vadd.f32 v23, v21;
	v23 =	vmul.f32 v26, v15;
	v17 =	vadd.f32 v18, v17  }
0x3a4: {  	v26 =	vmov s0;
	v18 =	vld [tilespmem:s8+$0xFFFFFFB0];
	v28 =	vmul.f32 v29, v5  }
0x3a5: {  	v29 =	vld [tilespmem:s22+$0xFFFFFFB0];
	v20 =	vadd.f32 v23, v20;
	[tilespmem:s18+$0xFFFFFF80] =	vst v17;
	v17 =	vmul.f32 v22, v6  }
0x3a6: {  	v22 =	vld [tilespmem:s23+$0xFFFFFFB0];
	v19 =	vmul.f32 v19, v8  }
0x3a7: {  	v20 =	vadd.f32 v20, v21;
	v21 =	vadd.f32 v17, v28;
	v23 =	vmul.f32 v25, v9;
	v25 =	vld [tilespmem:s14+$0x70];
	s14 =	smov.u32 s19;
	s19 =	smov.u32 s22  }
0x3a8: {  	v28 =	vld [tilespmem:s15+$0x70];
	s15 =	smov.u32 s20;
	s20 =	smov.u32 s23  }
0x3a9: {  	v17 =	vld.idx.msk [tilespmem:v26+s25+$0x0], $0xffff;
	[tilespmem:s24+$0xFFFFFFB0] =	vst v20;
	v19 =	vadd.f32 v23, v19  }
0x3aa: {  	v20 =	vmul.f32 v27, v11;
	v18 =	vmul.f32 v18, v14;
	v23 =	vld [tilespmem:s3+$0x30]  }
0x3ab: {  	v27 =	vmul.f32 v29, v12;
	v22 =	vmul.f32 v22, v13;
	v29 =	vld [tilespmem:s8+$0x30];
	v19 =	vadd.f32 v19, v21  }
0x3ac: {  	v21 =	vld [tilespmem:s22+$0x30];
	v25 =	vmul.f32 v25, v3;
	v3 =	vmov v8;
	v8 =	vmov v16  }
0x3ad: {  	v16 =	vadd.f32 v18, v20;
	v18 =	vadd.f32 v22, v27;
	v20 =	vld [tilespmem:s23+$0x30];
	[tilespmem:s18+$0xFFFFFFE0] =	vst v19;
	v19 =	vmul.f32 v28, v4  }
0x3ae: {  	v4 =	vmov v9;
	v9 =	vmov v15;
	v22 =	vld [tilespmem:s17+$0x60]  }
0x3af: {  	v15 =	vadd.f32 v18, v16;
	v16 =	vmul.f32 v23, v7;
	v18 =	vld [tilespmem:s16+$0x60];
	v19 =	vadd.f32 v19, v25  }
0x3b0: {  	v23 =	vmul.f32 v29, v10;
	v25 =	vld [tilespmem:s14+$0x60]  }
0x3b1: {  	[tilespmem:s24+$0xFFFFFF40] =	vst v15;
	v15 =	vmul.f32 v21, v8;
	v21 =	vld [tilespmem:s15+$0x60];
	v19 =	vadd.f32 v19, v24  }
0x3b2: {  	v24 =	vld [tilespmem:s3+$0xFFFFFFC0];
	v16 =	vadd.f32 v23, v16;
	v20 =	vmul.f32 v20, v9  }
0x3b3: {  	v23 =	vld [tilespmem:s8+$0xFFFFFFC0];
	v22 =	vmul.f32 v22, v5;
	[tilespmem:s13+$0x0] =	vst v19;
	s13 =	smov.u32 s18;
	s18 =	smov.u32 s24  }
0x3b4: {  	v19 =	vmov s31;
	v27 =	vld [tilespmem:s22+$0xFFFFFFC0];
	v15 =	vadd.f32 v20, v15;
	v20 =	vmul.f32 v18, v6  }
0x3b5: {  	v18 =	vand.u32 $0xFFFFFFFE, v19;
	v19 =	vld [tilespmem:s23+$0xFFFFFFC0];
	v25 =	vmul.f32 v25, v3  }
0x3b6: {  	v28 =	vbroadcast v18, $0x0;
	v18 =	vld.idx.msk [tilespmem:v26+s26+$0x0], $0xffff;
	v29 =	vadd.f32 v15, v16;
	v21 =	vmul.f32 v21, v4  }
0x3b7: {  	v20 =	vadd.f32 v20, v22;
	v16 =	vld.idx.msk [tilespmem:v26+s28+$0x0], $0xffff  }
0x3b8: {  	s3 =	sadd.s32 $0x100, s3;
	v15 =	vld.idx.msk [tilespmem:v26+s29+$0x0], $0xffff;
	[tilespmem:s24+$0xFFFFFFC0] =	vst v29;
	v21 =	vadd.f32 v21, v25  }
0x3b9: {  	s8 =	sadd.s32 $0x100, s8;
	v22 =	vmul.f32 v24, v11;
	v23 =	vmul.f32 v23, v14;
	v25 =	vld [tilespmem:s3+$0xFFFFFF80]  }
0x3ba: {  	s22 =	sadd.s32 $0x100, s22;
	v26 =	vmul.f32 v27, v12;
	v24 =	vld [tilespmem:s8+$0xFFFFFF80];
	v27 =	vmul.f32 v19, v13;
	v20 =	vadd.f32 v21, v20  }
0x3bb: {  	v29 =	vld [tilespmem:s22+$0xFFFFFF80]  }
0x3bc: {  	v22 =	vadd.f32 v23, v22;
	v19 =	vld.idx.msk [tilespmem:v28+s25+$0x0], $0xffff;
	v23 =	vadd.f32 v27, v26;
	[tilespmem:s13+$0xFFFFFFF0] =	vst v20  }
0x3bd: {  	v20 =	vld.idx.msk [tilespmem:v28+s26+$0x0], $0xffff  }
0x3be: {  	v21 =	vld.idx.msk [tilespmem:v28+s28+$0x0], $0xffff;
	v23 =	vadd.f32 v23, v22  }
0x3bf: {  	s23 =	sadd.s32 $0x100, s23;
	v22 =	vld.idx.msk [tilespmem:v28+s29+$0x0], $0xffff  }
0x3c0: {  	v26 =	vld [tilespmem:s23+$0xFFFFFF80];
	[tilespmem:s24+$0xFFFFFF50] =	vst v23  }
0x3c1: {  	v23 =	vld [tilespmem:s21+$0xFFFFFFD0]  }
0x3c2: {  	v27 =	vld [tilespmem:s4+$0xFFFFFFD0]  }
0x3c3: {  	v28 =	vld [tilespmem:s19+$0xFFFFFFD0]  }
0x3c4: {  	v25 =	vmul.f32 v25, v19;
	v24 =	vmul.f32 v24, v20;
	v30 =	vld [tilespmem:s20+$0xFFFFFFD0]  }
0x3c5: {  	v29 =	vmul.f32 v29, v21;
	v26 =	vmul.f32 v26, v22;
	v31 =	vld [tilespmem:s3+$0x0]  }
0x3c6: {  	v32 =	vld [tilespmem:s8+$0x0]  }
0x3c7: {  	v24 =	vadd.f32 v24, v25;
	v25 =	vadd.f32 v26, v29;
	v26 =	vld [tilespmem:s22+$0x0]  }
0x3c8: {  	v29 =	vmul.f32 v23, v11;
	v27 =	vmul.f32 v27, v14;
	v33 =	vld [tilespmem:s23+$0x0]  }
.Ltmp1:
0x3c9: {  	v28 =	vmul.f32 v28, v12;
	v25 =	vadd.f32 v25, v24;
	v30 =	vmul.f32 v30, v13;
	v23 =	vld [tilespmem:s21+$0x40];
	(pc) =	sbr.rel @p0 .LBB2_5-.Ltmp1, $4  }
0x3ca: {  	s24 =	sadd.s32 $0x100, s24;
	v31 =	vmul.f32 v31, v17;
	v24 =	vld [tilespmem:s4+$0x40]  }
0x3cb: {  	v34 =	vadd.f32 v27, v29;
	[tilespmem:s24+$0xFFFFFF10] =	vst v25;
	v32 =	vmul.f32 v32, v18;
	v35 =	vadd.f32 v30, v28;
	v25 =	vld [tilespmem:s19+$0x40]  }
0x3cc: {  	v27 =	vld [tilespmem:s3+$0xFFFFFF90];
	v30 =	vmul.f32 v26, v16  }
0x3cd: {  	s31 =	sadd.s32 $0x2, s31;
	v28 =	vld [tilespmem:s8+$0xFFFFFF90];
	v29 =	vadd.f32 v32, v31;
	v31 =	vmul.f32 v33, v15;
	v26 =	vadd.f32 v35, v34  }
0x3ce: {  	_ = 	snop  }
0x3cf: {  	v30 =	vadd.f32 v31, v30;
	_ =	sdelay $0x1  }
0x3d0: {  	v29 =	vadd.f32 v30, v29  }
0x3d1: {  	v52 =	vld [tilespmem:s22+$0xFFFFFF90]  }
0x3d2: {  	v32 =	vld [tilespmem:s23+$0xFFFFFF90];
	[tilespmem:s24+$0xFFFFFF90] =	vst v29  }
0x3d3: {  	v29 =	vld [tilespmem:s3+$0x10]  }
0x3d4: {  	v53 =	vld [tilespmem:s8+$0x10]  }
0x3d5: {  	v33 =	vld [tilespmem:s22+$0x10]  }
0x3d6: {  	v27 =	vmul.f32 v27, v19;
	v28 =	vmul.f32 v28, v20;
	v34 =	vld [tilespmem:s23+$0x10]  }
0x3d7: {  	v31 =	vmul.f32 v52, v21;
	v32 =	vmul.f32 v32, v22;
	_ =	sdelay $0x1  }
0x3d8: {  	v27 =	vadd.f32 v28, v27;
	v54 =	vadd.f32 v32, v31  }
0x3d9: {  	v55 =	vmul.f32 v29, v17;
	v56 =	vmul.f32 v53, v18  }
0x3da: {  	v27 =	vadd.f32 v54, v27;
	v57 =	vmul.f32 v33, v16;
	v58 =	vmul.f32 v34, v15;
	_ =	sdelay $0x1  }
0x3db: {  	[tilespmem:s24+$0xFFFFFF20] =	vst v27;
	v28 =	vadd.f32 v56, v55;
	v27 =	vadd.f32 v58, v57  }
0x3dc: {  	v59 =	vld [tilespmem:s3+$0xFFFFFFA0]  }
0x3dd: {  	v60 =	vld [tilespmem:s8+$0xFFFFFFA0];
	v27 =	vadd.f32 v27, v28  }
0x3de: {  	v61 =	vld [tilespmem:s22+$0xFFFFFFA0]  }
0x3df: {  	v62 =	vld [tilespmem:s23+$0xFFFFFFA0];
	[tilespmem:s24+$0xFFFFFFA0] =	vst v27  }
0x3e0: {  	v27 =	vld [tilespmem:s3+$0x20]  }
0x3e1: {  	v37 =	vld [tilespmem:s8+$0x20]  }
0x3e2: {  	v38 =	vld [tilespmem:s22+$0x20]  }
0x3e3: {  	v63 =	vmul.f32 v59, v19;
	v36 =	vmul.f32 v60, v20;
	v39 =	vld [tilespmem:s23+$0x20]  }
0x3e4: {  	v29 =	vmul.f32 v61, v21;
	v30 =	vmul.f32 v62, v22;
	_ =	sdelay $0x1  }
0x3e5: {  	v28 =	vadd.f32 v36, v63;
	v29 =	vadd.f32 v30, v29  }
0x3e6: {  	v27 =	vmul.f32 v27, v17;
	v40 =	vmul.f32 v37, v18  }
0x3e7: {  	v28 =	vadd.f32 v29, v28;
	v41 =	vmul.f32 v38, v16;
	v42 =	vmul.f32 v39, v15;
	_ =	sdelay $0x1  }
0x3e8: {  	[tilespmem:s24+$0xFFFFFF30] =	vst v28;
	v27 =	vadd.f32 v40, v27;
	v28 =	vadd.f32 v42, v41  }
0x3e9: {  	v43 =	vld [tilespmem:s3+$0xFFFFFFB0]  }
0x3ea: {  	v44 =	vld [tilespmem:s8+$0xFFFFFFB0];
	v27 =	vadd.f32 v28, v27  }
0x3eb: {  	v45 =	vld [tilespmem:s22+$0xFFFFFFB0]  }
0x3ec: {  	v46 =	vld [tilespmem:s23+$0xFFFFFFB0];
	[tilespmem:s24+$0xFFFFFFB0] =	vst v27  }
0x3ed: {  	v27 =	vld [tilespmem:s3+$0x30]  }
0x3ee: {  	v48 =	vld [tilespmem:s8+$0x30]  }
0x3ef: {  	v49 =	vld [tilespmem:s22+$0x30]  }
0x3f0: {  	v47 =	vmul.f32 v43, v19;
	v29 =	vmul.f32 v44, v20;
	v50 =	vld [tilespmem:s23+$0x30]  }
0x3f1: {  	v30 =	vmul.f32 v45, v21;
	v32 =	vmul.f32 v46, v22  }
0x3f2: {  	[tilespmem:s18+$0xFFFFFF60] =	vst v26  }
0x3f3: {  	v35 =	vld [tilespmem:s20+$0xFFFFFFE0];
	v28 =	vadd.f32 v29, v47;
	v51 =	vadd.f32 v32, v30  }
0x3f4: {  	v53 =	vld [tilespmem:s21+$0xFFFFFFE0];
	v27 =	vmul.f32 v27, v17;
	v54 =	vmul.f32 v48, v18  }
0x3f5: {  	v55 =	vld [tilespmem:s20+$0x40];
	v52 =	vadd.f32 v51, v28;
	v56 =	vmul.f32 v49, v16;
	v57 =	vmul.f32 v50, v15  }
0x3f6: {  	v62 =	vld [tilespmem:s4+$0xFFFFFFE0]  }
0x3f7: {  	v63 =	vld [tilespmem:s19+$0xFFFFFFE0];
	[tilespmem:s24+$0xFFFFFF40] =	vst v52;
	v27 =	vadd.f32 v54, v27;
	v26 =	vadd.f32 v57, v56  }
0x3f8: {  	v58 =	vld [tilespmem:s3+$0xFFFFFFC0]  }
0x3f9: {  	v23 =	vmul.f32 v23, v7;
	v24 =	vmul.f32 v24, v10;
	v59 =	vld [tilespmem:s8+$0xFFFFFFC0];
	v26 =	vadd.f32 v26, v27  }
0x3fa: {  	v25 =	vmul.f32 v25, v8;
	v30 =	vmul.f32 v55, v9;
	v60 =	vld [tilespmem:s22+$0xFFFFFFC0]  }
0x3fb: {  	v61 =	vld [tilespmem:s23+$0xFFFFFFC0];
	[tilespmem:s24+$0xFFFFFFC0] =	vst v26  }
0x3fc: {  	v23 =	vadd.f32 v24, v23;
	v55 =	vmul.f32 v35, v13;
	v38 =	vadd.f32 v30, v25;
	v39 =	vld [tilespmem:s3+$0x40]  }
0x3fd: {  	v28 =	vmul.f32 v53, v11;
	v54 =	vmul.f32 v63, v12;
	v41 =	vld [tilespmem:s8+$0x40]  }
0x3fe: {  	v23 =	vadd.f32 v38, v23;
	v27 =	vmul.f32 v62, v14;
	v40 =	vmul.f32 v58, v19;
	v44 =	vld [tilespmem:s22+$0x40]  }
0x3ff: {  	v29 =	vmul.f32 v59, v20;
	v42 =	vmul.f32 v60, v21;
	v45 =	vld [tilespmem:s23+$0x40]  }
0x400: {  	[tilespmem:s18+$0xFFFFFFD0] =	vst v23;
	v43 =	vmul.f32 v61, v22;
	v27 =	vadd.f32 v27, v28;
	v58 =	vadd.f32 v55, v54  }
0x401: {  	v50 =	vld [tilespmem:s20+$0x50];
	v46 =	vadd.f32 v29, v40  }
0x402: {  	v47 =	vld [tilespmem:s21+$0x50];
	v24 =	vadd.f32 v43, v42;
	v27 =	vadd.f32 v58, v27  }
0x403: {  	v48 =	vld [tilespmem:s4+$0x50];
	v25 =	vmul.f32 v39, v17;
	v30 =	vmul.f32 v41, v18  }
0x404: {  	v49 =	vld [tilespmem:s19+$0x50];
	v23 =	vadd.f32 v24, v46;
	[tilespmem:s18+$0xFFFFFF70] =	vst v27;
	v51 =	vmul.f32 v44, v16;
	v52 =	vmul.f32 v45, v15  }
0x405: {  	v34 =	vld [tilespmem:s21+$0xFFFFFFF0]  }
0x406: {  	v31 =	vmul.f32 v50, v9;
	v50 =	vld [tilespmem:s4+$0xFFFFFFF0];
	[tilespmem:s24+$0xFFFFFF50] =	vst v23;
	v25 =	vadd.f32 v30, v25;
	v23 =	vadd.f32 v52, v51  }
0x407: {  	v53 =	vld [tilespmem:s3+$0xFFFFFFD0]  }
0x408: {  	v36 =	vld [tilespmem:s8+$0xFFFFFFD0];
	v23 =	vadd.f32 v23, v25  }
0x409: {  	v56 =	vld [tilespmem:s22+$0xFFFFFFD0]  }
0x40a: {  	v26 =	vmul.f32 v47, v7;
	v57 =	vld [tilespmem:s23+$0xFFFFFFD0];
	[tilespmem:s24+$0xFFFFFFD0] =	vst v23  }
0x40b: {  	v29 =	vmul.f32 v48, v10;
	v24 =	vmul.f32 v49, v8;
	v60 =	vld [tilespmem:s3+$0x50]  }
0x40c: {  	v63 =	vld [tilespmem:s8+$0x50]  }
0x40d: {  	v59 =	vadd.f32 v29, v26;
	v24 =	vadd.f32 v31, v24;
	v38 =	vld [tilespmem:s22+$0x50]  }
0x40e: {  	v61 =	vmul.f32 v53, v19;
	v62 =	vmul.f32 v36, v20;
	v39 =	vld [tilespmem:s23+$0x50]  }
0x40f: {  	v30 =	vld [tilespmem:s16+$0x70];
	v23 =	vadd.f32 v24, v59;
	v36 =	vmul.f32 v56, v21;
	v37 =	vmul.f32 v57, v22  }
0x410: {  	v51 =	vld [tilespmem:s19+$0xFFFFFFF0]  }
0x411: {  	v25 =	vld [tilespmem:s17+$0x70];
	[tilespmem:s18+$0xFFFFFFE0] =	vst v23;
	v40 =	vadd.f32 v62, v61;
	v24 =	vadd.f32 v37, v36  }
0x412: {  	v41 =	vld [tilespmem:s21+$0x60];
	v26 =	vmul.f32 v60, v17;
	v31 =	vmul.f32 v63, v18  }
0x413: {  	v42 =	vld [tilespmem:s4+$0x60];
	v23 =	vadd.f32 v24, v40;
	v45 =	vmul.f32 v38, v16;
	v27 =	vmul.f32 v39, v15  }
0x414: {  	v43 =	vld [tilespmem:s19+$0x60]  }
0x415: {  	v44 =	vld [tilespmem:s20+$0x60];
	[tilespmem:s24+$0xFFFFFF60] =	vst v23;
	v26 =	vadd.f32 v31, v26;
	v23 =	vadd.f32 v27, v45  }
0x416: {  	v46 =	vld [tilespmem:s3+$0xFFFFFFE0]  }
0x417: {  	v47 =	vld [tilespmem:s8+$0xFFFFFFE0];
	v23 =	vadd.f32 v23, v26  }
0x418: {  	v48 =	vld [tilespmem:s22+$0xFFFFFFE0]  }
0x419: {  	v49 =	vld [tilespmem:s23+$0xFFFFFFE0];
	v28 =	vmul.f32 v41, v7;
	v29 =	vmul.f32 v42, v10;
	[tilespmem:s24+$0xFFFFFFE0] =	vst v23  }
0x41a: {  	v24 =	vmul.f32 v43, v8;
	v32 =	vmul.f32 v44, v9;
	v53 =	vld [tilespmem:s3+$0x60]  }
0x41b: {  	v56 =	vld [tilespmem:s8+$0x60]  }
0x41c: {  	v52 =	vadd.f32 v29, v28;
	v24 =	vadd.f32 v32, v24;
	v57 =	vld [tilespmem:s22+$0x60]  }
0x41d: {  	v54 =	vmul.f32 v46, v19;
	v55 =	vmul.f32 v47, v20;
	v58 =	vld [tilespmem:s23+$0x60]  }
0x41e: {  	v59 =	vld [tilespmem:s14+$0x70];
	v27 =	vmul.f32 v48, v21;
	v31 =	vmul.f32 v49, v22;
	v23 =	vadd.f32 v24, v52  }
0x41f: {  	v37 =	vld [tilespmem:s20+$0xFFFFFFF0]  }
0x420: {  	v60 =	vld [tilespmem:s15+$0x70];
	v29 =	vadd.f32 v55, v54;
	v27 =	vadd.f32 v31, v27;
	[tilespmem:s18+$0xFFFFFFF0] =	vst v23  }
0x421: {  	v62 =	vld [tilespmem:s21+$0x70];
	v28 =	vmul.f32 v53, v17;
	v63 =	vmul.f32 v56, v18  }
0x422: {  	v38 =	vld [tilespmem:s4+$0x70];
	v61 =	vadd.f32 v27, v29;
	v39 =	vmul.f32 v57, v16;
	v24 =	vmul.f32 v58, v15  }
0x423: {  	v44 =	vld [tilespmem:s19+$0x70]  }
0x424: {  	v47 =	vld [tilespmem:s20+$0x70];
	[tilespmem:s24+$0xFFFFFF70] =	vst v61;
	v28 =	vadd.f32 v63, v28;
	v23 =	vadd.f32 v24, v39  }
0x425: {  	v40 =	vld [tilespmem:s3+$0xFFFFFFF0]  }
0x426: {  	v41 =	vld [tilespmem:s8+$0xFFFFFFF0];
	v23 =	vadd.f32 v23, v28  }
0x427: {  	v6 =	vmul.f32 v30, v6;
	v5 =	vmul.f32 v25, v5;
	v42 =	vld [tilespmem:s22+$0xFFFFFFF0]  }
0x428: {  	v3 =	vmul.f32 v59, v3;
	v45 =	vmul.f32 v34, v11;
	v43 =	vld [tilespmem:s23+$0xFFFFFFF0];
	[tilespmem:s24+$0xFFFFFFF0] =	vst v23  }
0x429: {  	v4 =	vmul.f32 v60, v4;
	v46 =	vmul.f32 v50, v14;
	v23 =	vld [tilespmem:s3+$0x70]  }
0x42a: {  	v5 =	vadd.f32 v6, v5;
	v48 =	vmul.f32 v51, v12;
	v49 =	vmul.f32 v37, v13;
	v50 =	vld [tilespmem:s8+$0x70]  }
0x42b: {  	v3 =	vadd.f32 v4, v3;
	v11 =	vadd.f32 v46, v45;
	v52 =	vmul.f32 v62, v7;
	v51 =	vld [tilespmem:s22+$0x70]  }
0x42c: {  	v12 =	vadd.f32 v49, v48;
	v55 =	vmul.f32 v40, v19;
	v56 =	vmul.f32 v41, v20;
	v54 =	vld [tilespmem:s23+$0x70]  }
0x42d: {  	v3 =	vadd.f32 v3, v5;
	v57 =	vmul.f32 v42, v21;
	v58 =	vmul.f32 v43, v22  }
0x42e: {  	v11 =	vadd.f32 v12, v11;
	v53 =	vmul.f32 v38, v10;
	v59 =	vmul.f32 v44, v8  }
0x42f: {  	v60 =	vmul.f32 v47, v9;
	v12 =	vadd.f32 v56, v55;
	v5 =	vadd.f32 v58, v57  }
0x430: {  	v61 =	vmul.f32 v23, v17;
	v6 =	vmul.f32 v50, v18  }
0x431: {  	[tilespmem:s13+$0x0] =	vst v3;
	v5 =	vadd.f32 v5, v12;
	v62 =	vmul.f32 v51, v16;
	v10 =	vmul.f32 v54, v15  }
0x432: {  	s0 =	sshll.u32 s30, $0xE;
	s30 =	sadd.s32 $0x1, s30;
	[tilespmem:s18+$0xFFFFFF80] =	vst v11;
	v4 =	vadd.f32 v53, v52;
	v8 =	vadd.f32 v60, v59  }
0x433: {  	p0 =	sne.s32 s30, $0x62;
	[tilespmem:s24+$0xFFFFFF80] =	vst v5;
	v6 =	vadd.f32 v6, v61;
	v7 =	vadd.f32 v10, v62  }
.Ltmp2:
0x434: {  	v3 =	vadd.f32 v8, v4;
	s22 =	rddreg [dreg:$0x7];
	(pc) =	sbr.rel @p0 .LBB2_2-.Ltmp2, $4  }
0x435: {  	s0 =	sadd.s32 s22, s0;
	v63 =	vadd.f32 v7, v6  }
0x436: {  	s23 =	rddreg [dreg:$0x2];
	[tilespmem:s18+$0x0] =	vst v3;
	s0 =	sshrl.u32 s0, $0x3  }
0x437: {  	s31 =	simm.s32 $0x16A00;
	s0 =	sadd.s32 s23, s0;
	[tilespmem:s24+$0x0] =	vst v63;
	s24 =	simm.s32 $0x0  }
0x438: {  	[hbm4b:s0+s24] =	stream.linear.scatter [tilespmem:s31], [sflag:$0x9], $0x4000, $0x38;
	[tilespmem:$0x1AA00] =	vst v63  }
0x439: {  	_ =	swait.ge [sflag:s6], $0x4000  }
0x43a: {  	[sflag:s6] =	ssyncset.done $0x0  }
0x43b: {  	s0 =	simm.s32 $0x1;
	[sflag:s6] =	ssyncadd.s32 $0xFFFFC000  }
0x43c: {  	_ =	swait.ge [sflag:s0], $0x2000  }
0x43d: {  	[sflag:s0] =	ssyncset.done $0x0  }
0x43e: {  	s30 =	simm.s32 $0x2;
	[sflag:s0] =	ssyncadd.s32 $0xFFFFE000  }
0x43f: {  	_ =	swait.ge [sflag:s30], $0x2000  }
0x440: {  	[sflag:s30] =	ssyncset.done $0x0  }
0x441: {  	[sflag:s30] =	ssyncadd.s32 $0xFFFFE000  }
0x442: {  	_ =	swait.ge [sflag:s2], $0x2000  }
0x443: {  	[sflag:s2] =	ssyncset.done $0x0  }
0x444: {  	[sflag:s2] =	ssyncadd.s32 $0xFFFFE000  }
0x445: {  	_ =	swait.ge [sflag:s11], $0x2000  }
0x446: {  	s3 =	rddreg [dreg:$0x9]  }
0x447: {  	s31 =	rddreg [dreg:$0x8];
	s3 =	sadd.s32 $0x1, s3  }
0x448: {  	p0 =	sne.s32 s3, s31  }
.Ltmp3:
0x449: {  	_ = 	snop;
	(pc) =	sbr.rel @p0 .LBB2_1-.Ltmp3, $3  }
0x44a: {  	_ =	sdelay $0x1  }
0x44b: {  	[sflag:s11] =	ssyncset.done $0x0  }
0x44c: {  	[sflag:s11] =	ssyncadd.s32 $0xFFFFE000  }
0x44d: {  	_ =	sfence.sel $0x180000  }
0x44e: {  	[bflag:$0x0] =	sbarrier.arrive $0xFFFF  }
0x44f: {  	_ =	strace $0x90000047  }
0x450: {  	s0 =	stileid.u32;
	[bflag:$0x2] =	sbarrier.arrive $0xFFFF  }
0x451: {  	p0 =	sne.s32 s0, $0x0;
	s0 =	rddreg [dreg:$0x3]  }
0x452: {  	s0 =	sadd.s32 @!p0 $0x100000, s0  }
0x453: {  	[sflag:s0] =	ssyncadd.tile.s32 @!p0 $0x1;
	_ =	shalt  }
.Lfunc_end2:
_tile_overlayer_lowered:
.L_overlay_start_2:
0x454: {  	(tag) =	ssettag $0x2  }
0x455: {  	s0 =	rddreg [dreg:$0x0];
	s2 =	stileid.u32  }
0x456: {  	s1 =	rddreg [dreg:$0x1];
	p0 =	sne.s32 s2, $0x0  }
0x457: {  	s3 =	rddreg [dreg:$0x2];
	[bflag:$0x3] =	sbarrier.arrive $0xFFFF;
	s2 =	simm.s32 @!p0 $0x1C0A  }
0x458: {  	[timem:s3], [sflag:s2] =	dma.local @!p0 [hbm:s0], s1  }
0x459: {  	s0 =	simm.s32 @!p0 $0xA  }
0x45a: {  	_ =	swait.ge @!p0 [sflag:s0], s1  }
0x45b: {  	s1 =	ssub.s32 @!p0 $0x0, s1;
	[sflag:s0] =	ssyncset.done @!p0 $0x0  }
0x45c: {  	[sflag:s0] =	ssyncadd.s32 @!p0 s1  }
0x45d: {  	[bflag:$0x3] =	sbarrier.arrive $0xFFFF  }
0x45e: {  	_ =	shalt  }

</sc_bundles>
